<compile_context>
chip_gen: v7x
topology: tpu7x:2x2x1
jax: 0.10.2.dev20260603
libtpu: 0.0.44.dev20260713+nightly
codegen_flags: <defaults>
</compile_context>

<pallas_src>
import functools

import jax
import jax.numpy as jnp
from jax import lax
from jax.experimental import pallas as pl
from jax.experimental.pallas import tpu as pltpu
from jax.experimental.pallas import tpu_sc as plsc

N_ROWS = 16384
BATCH = 256
NW = 32
NBLK = 64
RB = N_ROWS // NBLK
ACC_R = RB + 8
K = 96
L = 16
SPL = 72
NG = BATCH // L


def _scalar(vec):
    lane = lax.broadcasted_iota(jnp.int32, (L,), 0)
    return jnp.sum(jnp.where(lane == 0, vec, 0))


def _body(xt, colsp, rowsp, datap, splits_hbm, out,
          splits_v, cols2, rows2, data2, idx2, G2, accf, sem_g, sem_s):
    c_idx = lax.axis_index("c")
    s_idx = lax.axis_index("s")
    w = s_idx * 2 + c_idx
    lane = lax.broadcasted_iota(jnp.int32, (L,), 0)
    zero16 = jnp.zeros((L,), jnp.float32)

    pltpu.sync_copy(splits_hbm, splits_v)

    for p in range(2):
        blk = p * NW + w
        rowbase = blk * RB
        ts = _scalar(plsc.load_gather(splits_v, [jnp.full((L,), blk, jnp.int32)]))
        te = _scalar(plsc.load_gather(splits_v, [jnp.full((L,), blk + 1, jnp.int32)]))
        lb0 = (ts // 8) * 8
        nc = jnp.maximum((te - lb0 + K - 1) // K, 0)

        @plsc.parallel_loop(0, ACC_R, step=1, unroll=4)
        def _zrow(r):
            for g in range(NG):
                accf[pl.ds(r * BATCH + g * L, L)] = zero16

        def _smalls_start(ci, bank):
            lb = lb0 + ci * K
            pltpu.async_copy(colsp.at[pl.ds(lb, K)], cols2.at[bank], sem_s)
            pltpu.async_copy(rowsp.at[pl.ds(lb, K)], rows2.at[bank], sem_s)
            pltpu.async_copy(datap.at[pl.ds(lb, K)], data2.at[bank], sem_s)

        def _smalls_wait(bank):
            pltpu.make_async_copy(colsp.at[pl.ds(0, K)], cols2.at[bank], sem_s).wait()
            pltpu.make_async_copy(rowsp.at[pl.ds(0, K)], rows2.at[bank], sem_s).wait()
            pltpu.make_async_copy(datap.at[pl.ds(0, K)], data2.at[bank], sem_s).wait()

        def _gather_start(bank):
            pltpu.async_copy(xt.at[cols2.at[bank]], G2.at[bank], sem_g)

        def _gather_wait(bank):
            pltpu.make_async_copy(xt.at[cols2.at[bank]], G2.at[bank], sem_g).wait()

        @pl.when(nc > 0)
        def _prologue():
            lb = lb0
            pltpu.sync_copy(colsp.at[pl.ds(lb, K)], cols2.at[0])
            pltpu.sync_copy(rowsp.at[pl.ds(lb, K)], rows2.at[0])
            pltpu.sync_copy(datap.at[pl.ds(lb, K)], data2.at[0])
            _gather_start(0)

        @pl.when(nc > 1)
        def _prologue2():
            _smalls_start(1, 1)

        def _chunk(ci, carry):
            b2 = lax.rem(ci, 2)
            nb = 1 - b2
            lb = lb0 + ci * K

            for m in range(K // L):
                r16g = rows2[b2, pl.ds(m * L, L)]
                pos16 = (lb + m * L) + lane
                okv = (pos16 >= ts) & (pos16 < te)
                lrg = jnp.where(okv, r16g - rowbase, RB)
                idx2[b2, pl.ds(m * L, L)] = lrg * BATCH

            _gather_wait(b2)

            @pl.when(ci + 1 < nc)
            def _next_gather():
                _smalls_wait(nb)
                _gather_start(nb)

            @plsc.parallel_loop(0, K, step=1, unroll=4)
            def _nz(i):
                sel = jnp.full((L,), i, jnp.int32)
                d16 = plsc.load_gather(data2.at[b2], [sel])
                b16 = plsc.load_gather(idx2.at[b2], [sel]) + lane
                for g in range(NG):
                    sl = pl.ds(g * L, L)
                    plsc.addupdate_scatter(accf, [b16 + (g * L)],
                                           G2[b2, i, sl] * d16)

            @pl.when(ci + 2 < nc)
            def _next_smalls():
                _smalls_start(ci + 2, b2)

            return carry

        lax.fori_loop(0, nc, _chunk, 0)

        pltpu.sync_copy(accf.at[pl.ds(0, RB * BATCH)],
                        out.at[pl.ds(rowbase * BATCH, RB * BATCH)])


_spmm = functools.partial(
    pl.kernel,
    out_type=jax.ShapeDtypeStruct((N_ROWS * BATCH,), jnp.float32),
    mesh=plsc.VectorSubcoreMesh(core_axis_name="c", subcore_axis_name="s"),
    compiler_params=pltpu.CompilerParams(needs_layout_passes=False),
    scratch_types=[
        pltpu.VMEM((SPL,), jnp.int32),
        pltpu.VMEM((2, K), jnp.int32),
        pltpu.VMEM((2, K), jnp.int32),
        pltpu.VMEM((2, K), jnp.float32),
        pltpu.VMEM((2, K), jnp.int32),
        pltpu.VMEM((2, K, BATCH), jnp.float32),
        pltpu.VMEM((ACC_R * BATCH,), jnp.float32),
        pltpu.SemaphoreType.DMA,
        pltpu.SemaphoreType.DMA,
    ],
)(_body)


def kernel(x, data, col_indices, row_ids):
    nnz = data.shape[0]
    x_t = x.T
    npad = (nnz // K + 2) * K
    pad = npad - nnz
    colsp = jnp.concatenate([col_indices, jnp.zeros((pad,), jnp.int32)])
    rowsp = jnp.concatenate([row_ids, jnp.full((pad,), N_ROWS, jnp.int32)])
    datap = jnp.concatenate([data, jnp.zeros((pad,), jnp.float32)])
    bounds = jnp.searchsorted(
        row_ids, jnp.arange(1, NBLK, dtype=jnp.int32) * RB, side="left"
    ).astype(jnp.int32)
    splits = (jnp.zeros((SPL,), jnp.int32)
              .at[1:NBLK].set(bounds).at[NBLK].set(nnz))
    out_t = _spmm(x_t, colsp, rowsp, datap, splits).reshape(N_ROWS, BATCH)
    return out_t.T

# --- scband reference (transcript-rebuilt; emitter-appended) ---
"""Pipeline reference for scband-cu-py-linear-17403207483562 (READ-ONLY COPY).

The authoritative reference and input builder live on the scoring server;
editing this copy changes nothing except your own understanding.
"""

import jax, jax.numpy as jnp
import numpy as np

N_ROWS = 16384
N_COLS = 16384
NNZ = 268435
BATCH = 256

def setup_inputs(seed: int = 0) -> dict:
    key = jax.random.key(seed)
    k1, k2, k3, k4 = jax.random.split(key, 4)
    x = jax.random.normal(k1, (BATCH, N_COLS), dtype=jnp.float32)
    # CSR-equivalent sparse weight: data (values), col_indices, and row_ids
    # (row_ids is the expanded/repeated form of indptr; sorted, as in CSR)
    data = jax.random.normal(k2, (NNZ,), dtype=jnp.float32)
    col_indices = jax.random.randint(k3, (NNZ,), 0, N_COLS, dtype=jnp.int32)
    row_ids = jnp.sort(jax.random.randint(k4, (NNZ,), 0, N_ROWS, dtype=jnp.int32))
    return {"x": x, "data": data, "col_indices": col_indices, "row_ids": row_ids}

def reference(x, data, col_indices, row_ids):
    # Original: result = (W_sparse @ x.T).T  where W is CSR [N_ROWS, N_COLS]
    x_t = x.T  # [N_COLS, BATCH]
    gathered = jnp.take(x_t, col_indices, axis=0)       # [NNZ, BATCH] gather
    contrib = gathered * data[:, None]                   # scale by nonzero values
    result_t = jax.ops.segment_sum(contrib, row_ids, num_segments=N_ROWS)  # [N_ROWS, BATCH]
    return result_t.T  # [BATCH, N_ROWS]

if __name__ == "__main__":
    import jax
    _d = setup_inputs()
    print(jax.jit(kernel)(*tuple(_d.values())))

</pallas_src>

<mosaic_0001>
#map = affine_map<(d0, d1) -> (0, 0)>
#map1 = affine_map<(d0, d1) -> (0)>
module attributes {stable_mosaic.version = 14 : i64} {
  func.func @_body(%arg0: i32, %arg1: i32, %arg2: memref<16384x256xf32, #tpu.memory_space<hbm>>, %arg3: memref<268608xi32, #tpu.memory_space<hbm>>, %arg4: memref<268608xi32, #tpu.memory_space<hbm>>, %arg5: memref<268608xf32, #tpu.memory_space<hbm>>, %arg6: memref<72xi32, #tpu.memory_space<hbm>>, %arg7: memref<4194304xf32, #tpu.memory_space<hbm>>, %arg8: memref<72xi32, #tpu.memory_space<vmem>>, %arg9: memref<2x96xi32, #tpu.memory_space<vmem>>, %arg10: memref<2x96xi32, #tpu.memory_space<vmem>>, %arg11: memref<2x96xf32, #tpu.memory_space<vmem>>, %arg12: memref<2x96xi32, #tpu.memory_space<vmem>>, %arg13: memref<2x96x256xf32, #tpu.memory_space<vmem>>, %arg14: memref<67584xf32, #tpu.memory_space<vmem>>, %arg15: memref<!tpu.dma_semaphore, #tpu.memory_space<semaphore_mem>>, %arg16: memref<!tpu.dma_semaphore, #tpu.memory_space<semaphore_mem>>) attributes {dimension_semantics = [#tpu.dimension_semantics<core_parallel>, #tpu.dimension_semantics<subcore_parallel>], iteration_bounds = array<i64: 2, 16>, scalar_prefetch = 0 : i64, scratch_operands = 9 : i64, tpu.core_type = #tpu.core_type<sc_vector_subcore>, window_params = [{transform_indices = #map}, {transform_indices = #map1}, {transform_indices = #map1}, {transform_indices = #map1}, {transform_indices = #map1}, {transform_indices = #map1}]} {
    %mul3A = arith.constant 2 : i32
    %mul3A_0 = arith.muli %arg1, %mul3A : i32
    %add3A = arith.addi %mul3A_0, %arg0 : i32
    %iota3A = tpu.iota {dimensions = array<i32: 0>} : vector<16xi32>
    %broadcast_in_dim3A = arith.constant 0.000000e+00 : f32
    %broadcast_in_dim3A_1 = vector.broadcast %broadcast_in_dim3A : f32 to vector<16xf32>
    "tpu.region"() ({
      %run_scoped3A = tpu.sem_alloc : memref<!tpu.dma_semaphore, #tpu.memory_space<semaphore_mem>>
      tpu.enqueue_dma source(%arg6 : memref<72xi32, #tpu.memory_space<hbm>>) target(%arg8 : memref<72xi32, #tpu.memory_space<vmem>>) target_semaphore(%run_scoped3A : memref<!tpu.dma_semaphore, #tpu.memory_space<semaphore_mem>>)
      tpu.wait_dma2 semaphore(%run_scoped3A : memref<!tpu.dma_semaphore, #tpu.memory_space<semaphore_mem>>) src(%arg6 : memref<72xi32, #tpu.memory_space<hbm>>) dst(%arg8 : memref<72xi32, #tpu.memory_space<vmem>>)
      tpu.yield
    }) : () -> ()
    %add3A_2 = arith.constant 0 : i32
    %add3A_3 = arith.addi %add3A_2, %add3A : i32
    %mul3A_4 = arith.constant 256 : i32
    %mul3A_5 = arith.muli %add3A_3, %mul3A_4 : i32
    %broadcast_in_dim3A_6 = vector.broadcast %add3A_3 : i32 to vector<16xi32>
    %gather3A = tpu.vector_load_idx %arg8[%broadcast_in_dim3A_6] : memref<72xi32, #tpu.memory_space<vmem>>[vector<16xi32>], vector<16xi32>,
    %iota3A_7 = tpu.iota {dimensions = array<i32: 0>} : vector<16xi32>
    %eq3A = arith.constant 0 : i32
    %eq3A_8 = vector.broadcast %eq3A : i32 to vector<16xi32>
    %eq3A_9 = arith.cmpi eq, %iota3A_7, %eq3A_8 : vector<16xi32>
    %jit3A = arith.constant 0 : i32
    %broadcast_in_dim3A_10 = vector.broadcast %jit3A : i32 to vector<16xi32>
    %select_n3A = arith.select %eq3A_9, %gather3A, %broadcast_in_dim3A_10 : vector<16xi1>, vector<16xi32>
    %reduce_sum3A = arith.constant true
    %reduce_sum3A_11 = vector.broadcast %reduce_sum3A : i1 to vector<16xi1>
    %reduce_sum3A_12 = tpu.scan <sum>, %select_n3A masked %reduce_sum3A_11 : vector<16xi32>, vector<16xi1> -> vector<16xi32>
    %reduce_sum3A_13 = vector.extract %reduce_sum3A_12[15] : i32 from vector<16xi32>
    %add3A_14 = arith.constant 1 : i32
    %add3A_15 = arith.addi %add3A_3, %add3A_14 : i32
    %broadcast_in_dim3A_16 = vector.broadcast %add3A_15 : i32 to vector<16xi32>
    %gather3A_17 = tpu.vector_load_idx %arg8[%broadcast_in_dim3A_16] : memref<72xi32, #tpu.memory_space<vmem>>[vector<16xi32>], vector<16xi32>,
    %iota3A_18 = tpu.iota {dimensions = array<i32: 0>} : vector<16xi32>
    %eq3A_19 = arith.constant 0 : i32
    %eq3A_20 = vector.broadcast %eq3A_19 : i32 to vector<16xi32>
    %eq3A_21 = arith.cmpi eq, %iota3A_18, %eq3A_20 : vector<16xi32>
    %jit3A_22 = arith.constant 0 : i32
    %broadcast_in_dim3A_23 = vector.broadcast %jit3A_22 : i32 to vector<16xi32>
    %select_n3A_24 = arith.select %eq3A_21, %gather3A_17, %broadcast_in_dim3A_23 : vector<16xi1>, vector<16xi32>
    %reduce_sum3A_25 = arith.constant true
    %reduce_sum3A_26 = vector.broadcast %reduce_sum3A_25 : i1 to vector<16xi1>
    %reduce_sum3A_27 = tpu.scan <sum>, %select_n3A_24 masked %reduce_sum3A_26 : vector<16xi32>, vector<16xi1> -> vector<16xi32>
    %reduce_sum3A_28 = vector.extract %reduce_sum3A_27[15] : i32 from vector<16xi32>
    %jit3A_29 = arith.constant 8 : i32
    %div3A = arith.divsi %reduce_sum3A_13, %jit3A_29 : i32
    %sign3A = arith.constant 0 : i32
    %sign3A_30 = arith.cmpi sgt, %reduce_sum3A_13, %sign3A : i32
    %sign3A_31 = arith.extui %sign3A_30 : i1 to i32
    %sign3A_32 = arith.constant 0 : i32
    %sign3A_33 = arith.cmpi slt, %reduce_sum3A_13, %sign3A_32 : i32
    %sign3A_34 = arith.extui %sign3A_33 : i1 to i32
    %sign3A_35 = arith.subi %sign3A_31, %sign3A_34 : i32
    %sign3A_36 = arith.constant 0 : i32
    %sign3A_37 = arith.cmpi sgt, %jit3A_29, %sign3A_36 : i32
    %sign3A_38 = arith.extui %sign3A_37 : i1 to i32
    %sign3A_39 = arith.constant 0 : i32
    %sign3A_40 = arith.cmpi slt, %jit3A_29, %sign3A_39 : i32
    %sign3A_41 = arith.extui %sign3A_40 : i1 to i32
    %sign3A_42 = arith.subi %sign3A_38, %sign3A_41 : i32
    %ne3A = arith.cmpi ne, %sign3A_35, %sign3A_42 : i32
    %rem3A = arith.remsi %reduce_sum3A_13, %jit3A_29 : i32
    %ne3A_43 = arith.constant 0 : i32
    %ne3A_44 = arith.cmpi ne, %rem3A, %ne3A_43 : i32
    %and3A = arith.andi %ne3A, %ne3A_44 : i1
    %sub3A = arith.constant 1 : i32
    %sub3A_45 = arith.subi %div3A, %sub3A : i32
    %select_n3A_46 = arith.select %and3A, %sub3A_45, %div3A : i32
    %mul3A_47 = arith.constant 8 : i32
    %mul3A_48 = arith.muli %select_n3A_46, %mul3A_47 : i32
    %sub3A_49 = arith.subi %reduce_sum3A_28, %mul3A_48 : i32
    %add3A_50 = arith.constant 96 : i32
    %add3A_51 = arith.addi %sub3A_49, %add3A_50 : i32
    %sub3A_52 = arith.constant 1 : i32
    %sub3A_53 = arith.subi %add3A_51, %sub3A_52 : i32
    %jit3A_54 = arith.constant 96 : i32
    %div3A_55 = arith.divsi %sub3A_53, %jit3A_54 : i32
    %sign3A_56 = arith.constant 0 : i32
    %sign3A_57 = arith.cmpi sgt, %sub3A_53, %sign3A_56 : i32
    %sign3A_58 = arith.extui %sign3A_57 : i1 to i32
    %sign3A_59 = arith.constant 0 : i32
    %sign3A_60 = arith.cmpi slt, %sub3A_53, %sign3A_59 : i32
    %sign3A_61 = arith.extui %sign3A_60 : i1 to i32
    %sign3A_62 = arith.subi %sign3A_58, %sign3A_61 : i32
    %sign3A_63 = arith.constant 0 : i32
    %sign3A_64 = arith.cmpi sgt, %jit3A_54, %sign3A_63 : i32
    %sign3A_65 = arith.extui %sign3A_64 : i1 to i32
    %sign3A_66 = arith.constant 0 : i32
    %sign3A_67 = arith.cmpi slt, %jit3A_54, %sign3A_66 : i32
    %sign3A_68 = arith.extui %sign3A_67 : i1 to i32
    %sign3A_69 = arith.subi %sign3A_65, %sign3A_68 : i32
    %ne3A_70 = arith.cmpi ne, %sign3A_62, %sign3A_69 : i32
    %rem3A_71 = arith.remsi %sub3A_53, %jit3A_54 : i32
    %ne3A_72 = arith.constant 0 : i32
    %ne3A_73 = arith.cmpi ne, %rem3A_71, %ne3A_72 : i32
    %and3A_74 = arith.andi %ne3A_70, %ne3A_73 : i1
    %sub3A_75 = arith.constant 1 : i32
    %sub3A_76 = arith.subi %div3A_55, %sub3A_75 : i32
    %select_n3A_77 = arith.select %and3A_74, %sub3A_76, %div3A_55 : i32
    %max3A = arith.constant 0 : i32
    %max3A_78 = arith.maxsi %select_n3A_77, %max3A : i32
    %parallel_loop3A = arith.constant 0 : i32
    %parallel_loop3A_79 = arith.constant 264 : i32
    %parallel_loop3A_80 = arith.constant 1 : i32
    scf.for %parallel_loop3A_213 = %parallel_loop3A to %parallel_loop3A_79 step %parallel_loop3A_80  : i32 {
      %parallel_loop3A_214 = arith.constant 256 : i32
      %parallel_loop3A_215 = arith.muli %parallel_loop3A_213, %parallel_loop3A_214 : i32
      %parallel_loop3A_216 = arith.constant 0 : i32
      %parallel_loop3A_217 = arith.addi %parallel_loop3A_215, %parallel_loop3A_216 : i32
      %parallel_loop3A_218 = arith.index_cast %parallel_loop3A_217 : i32 to index
      %parallel_loop3A_219 = tpu.vector_load %arg14[%parallel_loop3A_218] {strides = array<i32>} : memref<67584xf32, #tpu.memory_space<vmem>>, vector<16xf32>,
      tpu.vector_store %arg14[%parallel_loop3A_218], %broadcast_in_dim3A_1 {strides = array<i32>} : memref<67584xf32, #tpu.memory_space<vmem>>, vector<16xf32>,
      %parallel_loop3A_220 = arith.constant 256 : i32
      %parallel_loop3A_221 = arith.muli %parallel_loop3A_213, %parallel_loop3A_220 : i32
      %parallel_loop3A_222 = arith.constant 16 : i32
      %parallel_loop3A_223 = arith.addi %parallel_loop3A_221, %parallel_loop3A_222 : i32
      %parallel_loop3A_224 = arith.index_cast %parallel_loop3A_223 : i32 to index
      %parallel_loop3A_225 = tpu.vector_load %arg14[%parallel_loop3A_224] {strides = array<i32>} : memref<67584xf32, #tpu.memory_space<vmem>>, vector<16xf32>,
      tpu.vector_store %arg14[%parallel_loop3A_224], %broadcast_in_dim3A_1 {strides = array<i32>} : memref<67584xf32, #tpu.memory_space<vmem>>, vector<16xf32>,
      %parallel_loop3A_226 = arith.constant 256 : i32
      %parallel_loop3A_227 = arith.muli %parallel_loop3A_213, %parallel_loop3A_226 : i32
      %parallel_loop3A_228 = arith.constant 32 : i32
      %parallel_loop3A_229 = arith.addi %parallel_loop3A_227, %parallel_loop3A_228 : i32
      %parallel_loop3A_230 = arith.index_cast %parallel_loop3A_229 : i32 to index
      %parallel_loop3A_231 = tpu.vector_load %arg14[%parallel_loop3A_230] {strides = array<i32>} : memref<67584xf32, #tpu.memory_space<vmem>>, vector<16xf32>,
      tpu.vector_store %arg14[%parallel_loop3A_230], %broadcast_in_dim3A_1 {strides = array<i32>} : memref<67584xf32, #tpu.memory_space<vmem>>, vector<16xf32>,
      %parallel_loop3A_232 = arith.constant 256 : i32
      %parallel_loop3A_233 = arith.muli %parallel_loop3A_213, %parallel_loop3A_232 : i32
      %parallel_loop3A_234 = arith.constant 48 : i32
      %parallel_loop3A_235 = arith.addi %parallel_loop3A_233, %parallel_loop3A_234 : i32
      %parallel_loop3A_236 = arith.index_cast %parallel_loop3A_235 : i32 to index
      %parallel_loop3A_237 = tpu.vector_load %arg14[%parallel_loop3A_236] {strides = array<i32>} : memref<67584xf32, #tpu.memory_space<vmem>>, vector<16xf32>,
      tpu.vector_store %arg14[%parallel_loop3A_236], %broadcast_in_dim3A_1 {strides = array<i32>} : memref<67584xf32, #tpu.memory_space<vmem>>, vector<16xf32>,
      %parallel_loop3A_238 = arith.constant 256 : i32
      %parallel_loop3A_239 = arith.muli %parallel_loop3A_213, %parallel_loop3A_238 : i32
      %parallel_loop3A_240 = arith.constant 64 : i32
      %parallel_loop3A_241 = arith.addi %parallel_loop3A_239, %parallel_loop3A_240 : i32
      %parallel_loop3A_242 = arith.index_cast %parallel_loop3A_241 : i32 to index
      %parallel_loop3A_243 = tpu.vector_load %arg14[%parallel_loop3A_242] {strides = array<i32>} : memref<67584xf32, #tpu.memory_space<vmem>>, vector<16xf32>,
      tpu.vector_store %arg14[%parallel_loop3A_242], %broadcast_in_dim3A_1 {strides = array<i32>} : memref<67584xf32, #tpu.memory_space<vmem>>, vector<16xf32>,
      %parallel_loop3A_244 = arith.constant 256 : i32
      %parallel_loop3A_245 = arith.muli %parallel_loop3A_213, %parallel_loop3A_244 : i32
      %parallel_loop3A_246 = arith.constant 80 : i32
      %parallel_loop3A_247 = arith.addi %parallel_loop3A_245, %parallel_loop3A_246 : i32
      %parallel_loop3A_248 = arith.index_cast %parallel_loop3A_247 : i32 to index
      %parallel_loop3A_249 = tpu.vector_load %arg14[%parallel_loop3A_248] {strides = array<i32>} : memref<67584xf32, #tpu.memory_space<vmem>>, vector<16xf32>,
      tpu.vector_store %arg14[%parallel_loop3A_248], %broadcast_in_dim3A_1 {strides = array<i32>} : memref<67584xf32, #tpu.memory_space<vmem>>, vector<16xf32>,
      %parallel_loop3A_250 = arith.constant 256 : i32
      %parallel_loop3A_251 = arith.muli %parallel_loop3A_213, %parallel_loop3A_250 : i32
      %parallel_loop3A_252 = arith.constant 96 : i32
      %parallel_loop3A_253 = arith.addi %parallel_loop3A_251, %parallel_loop3A_252 : i32
      %parallel_loop3A_254 = arith.index_cast %parallel_loop3A_253 : i32 to index
      %parallel_loop3A_255 = tpu.vector_load %arg14[%parallel_loop3A_254] {strides = array<i32>} : memref<67584xf32, #tpu.memory_space<vmem>>, vector<16xf32>,
      tpu.vector_store %arg14[%parallel_loop3A_254], %broadcast_in_dim3A_1 {strides = array<i32>} : memref<67584xf32, #tpu.memory_space<vmem>>, vector<16xf32>,
      %parallel_loop3A_256 = arith.constant 256 : i32
      %parallel_loop3A_257 = arith.muli %parallel_loop3A_213, %parallel_loop3A_256 : i32
      %parallel_loop3A_258 = arith.constant 112 : i32
      %parallel_loop3A_259 = arith.addi %parallel_loop3A_257, %parallel_loop3A_258 : i32
      %parallel_loop3A_260 = arith.index_cast %parallel_loop3A_259 : i32 to index
      %parallel_loop3A_261 = tpu.vector_load %arg14[%parallel_loop3A_260] {strides = array<i32>} : memref<67584xf32, #tpu.memory_space<vmem>>, vector<16xf32>,
      tpu.vector_store %arg14[%parallel_loop3A_260], %broadcast_in_dim3A_1 {strides = array<i32>} : memref<67584xf32, #tpu.memory_space<vmem>>, vector<16xf32>,
      %parallel_loop3A_262 = arith.constant 256 : i32
      %parallel_loop3A_263 = arith.muli %parallel_loop3A_213, %parallel_loop3A_262 : i32
      %parallel_loop3A_264 = arith.constant 128 : i32
      %parallel_loop3A_265 = arith.addi %parallel_loop3A_263, %parallel_loop3A_264 : i32
      %parallel_loop3A_266 = arith.index_cast %parallel_loop3A_265 : i32 to index
      %parallel_loop3A_267 = tpu.vector_load %arg14[%parallel_loop3A_266] {strides = array<i32>} : memref<67584xf32, #tpu.memory_space<vmem>>, vector<16xf32>,
      tpu.vector_store %arg14[%parallel_loop3A_266], %broadcast_in_dim3A_1 {strides = array<i32>} : memref<67584xf32, #tpu.memory_space<vmem>>, vector<16xf32>,
      %parallel_loop3A_268 = arith.constant 256 : i32
      %parallel_loop3A_269 = arith.muli %parallel_loop3A_213, %parallel_loop3A_268 : i32
      %parallel_loop3A_270 = arith.constant 144 : i32
      %parallel_loop3A_271 = arith.addi %parallel_loop3A_269, %parallel_loop3A_270 : i32
      %parallel_loop3A_272 = arith.index_cast %parallel_loop3A_271 : i32 to index
      %parallel_loop3A_273 = tpu.vector_load %arg14[%parallel_loop3A_272] {strides = array<i32>} : memref<67584xf32, #tpu.memory_space<vmem>>, vector<16xf32>,
      tpu.vector_store %arg14[%parallel_loop3A_272], %broadcast_in_dim3A_1 {strides = array<i32>} : memref<67584xf32, #tpu.memory_space<vmem>>, vector<16xf32>,
      %parallel_loop3A_274 = arith.constant 256 : i32
      %parallel_loop3A_275 = arith.muli %parallel_loop3A_213, %parallel_loop3A_274 : i32
      %parallel_loop3A_276 = arith.constant 160 : i32
      %parallel_loop3A_277 = arith.addi %parallel_loop3A_275, %parallel_loop3A_276 : i32
      %parallel_loop3A_278 = arith.index_cast %parallel_loop3A_277 : i32 to index
      %parallel_loop3A_279 = tpu.vector_load %arg14[%parallel_loop3A_278] {strides = array<i32>} : memref<67584xf32, #tpu.memory_space<vmem>>, vector<16xf32>,
      tpu.vector_store %arg14[%parallel_loop3A_278], %broadcast_in_dim3A_1 {strides = array<i32>} : memref<67584xf32, #tpu.memory_space<vmem>>, vector<16xf32>,
      %parallel_loop3A_280 = arith.constant 256 : i32
      %parallel_loop3A_281 = arith.muli %parallel_loop3A_213, %parallel_loop3A_280 : i32
      %parallel_loop3A_282 = arith.constant 176 : i32
      %parallel_loop3A_283 = arith.addi %parallel_loop3A_281, %parallel_loop3A_282 : i32
      %parallel_loop3A_284 = arith.index_cast %parallel_loop3A_283 : i32 to index
      %parallel_loop3A_285 = tpu.vector_load %arg14[%parallel_loop3A_284] {strides = array<i32>} : memref<67584xf32, #tpu.memory_space<vmem>>, vector<16xf32>,
      tpu.vector_store %arg14[%parallel_loop3A_284], %broadcast_in_dim3A_1 {strides = array<i32>} : memref<67584xf32, #tpu.memory_space<vmem>>, vector<16xf32>,
      %parallel_loop3A_286 = arith.constant 256 : i32
      %parallel_loop3A_287 = arith.muli %parallel_loop3A_213, %parallel_loop3A_286 : i32
      %parallel_loop3A_288 = arith.constant 192 : i32
      %parallel_loop3A_289 = arith.addi %parallel_loop3A_287, %parallel_loop3A_288 : i32
      %parallel_loop3A_290 = arith.index_cast %parallel_loop3A_289 : i32 to index
      %parallel_loop3A_291 = tpu.vector_load %arg14[%parallel_loop3A_290] {strides = array<i32>} : memref<67584xf32, #tpu.memory_space<vmem>>, vector<16xf32>,
      tpu.vector_store %arg14[%parallel_loop3A_290], %broadcast_in_dim3A_1 {strides = array<i32>} : memref<67584xf32, #tpu.memory_space<vmem>>, vector<16xf32>,
      %parallel_loop3A_292 = arith.constant 256 : i32
      %parallel_loop3A_293 = arith.muli %parallel_loop3A_213, %parallel_loop3A_292 : i32
      %parallel_loop3A_294 = arith.constant 208 : i32
      %parallel_loop3A_295 = arith.addi %parallel_loop3A_293, %parallel_loop3A_294 : i32
      %parallel_loop3A_296 = arith.index_cast %parallel_loop3A_295 : i32 to index
      %parallel_loop3A_297 = tpu.vector_load %arg14[%parallel_loop3A_296] {strides = array<i32>} : memref<67584xf32, #tpu.memory_space<vmem>>, vector<16xf32>,
      tpu.vector_store %arg14[%parallel_loop3A_296], %broadcast_in_dim3A_1 {strides = array<i32>} : memref<67584xf32, #tpu.memory_space<vmem>>, vector<16xf32>,
      %parallel_loop3A_298 = arith.constant 256 : i32
      %parallel_loop3A_299 = arith.muli %parallel_loop3A_213, %parallel_loop3A_298 : i32
      %parallel_loop3A_300 = arith.constant 224 : i32
      %parallel_loop3A_301 = arith.addi %parallel_loop3A_299, %parallel_loop3A_300 : i32
      %parallel_loop3A_302 = arith.index_cast %parallel_loop3A_301 : i32 to index
      %parallel_loop3A_303 = tpu.vector_load %arg14[%parallel_loop3A_302] {strides = array<i32>} : memref<67584xf32, #tpu.memory_space<vmem>>, vector<16xf32>,
      tpu.vector_store %arg14[%parallel_loop3A_302], %broadcast_in_dim3A_1 {strides = array<i32>} : memref<67584xf32, #tpu.memory_space<vmem>>, vector<16xf32>,
      %parallel_loop3A_304 = arith.constant 256 : i32
      %parallel_loop3A_305 = arith.muli %parallel_loop3A_213, %parallel_loop3A_304 : i32
      %parallel_loop3A_306 = arith.constant 240 : i32
      %parallel_loop3A_307 = arith.addi %parallel_loop3A_305, %parallel_loop3A_306 : i32
      %parallel_loop3A_308 = arith.index_cast %parallel_loop3A_307 : i32 to index
      %parallel_loop3A_309 = tpu.vector_load %arg14[%parallel_loop3A_308] {strides = array<i32>} : memref<67584xf32, #tpu.memory_space<vmem>>, vector<16xf32>,
      tpu.vector_store %arg14[%parallel_loop3A_308], %broadcast_in_dim3A_1 {strides = array<i32>} : memref<67584xf32, #tpu.memory_space<vmem>>, vector<16xf32>,
    } {sc.loop_unroll_factor = 4 : i64, sc.parallel_access}
    %gt3A = arith.constant 0 : i32
    %gt3A_81 = arith.cmpi sgt, %max3A_78, %gt3A : i32
    %convert_element_type3A = arith.extui %gt3A_81 : i1 to i32
    %cond3A = arith.constant 0 : i32
    %cond3A_82 = arith.cmpi ne, %convert_element_type3A, %cond3A : i32
    scf.if %cond3A_82 {
      %run_scoped3A = arith.constant 0 : i32
      "tpu.region"() ({
        %run_scoped3A_226 = tpu.sem_alloc : memref<!tpu.dma_semaphore, #tpu.memory_space<semaphore_mem>>
        %dma_start3A_227 = arith.constant 0 : i32
        %dma_start3A_228 = tpu.memref_slice %arg9[%run_scoped3A, %dma_start3A_227] : memref<2x96xi32, #tpu.memory_space<vmem>> -> memref<1x96xi32, #tpu.memory_space<vmem>>
        %dma_start3A_229 = tpu.memref_squeeze %dma_start3A_228 : memref<1x96xi32, #tpu.memory_space<vmem>> -> memref<96xi32, #tpu.memory_space<vmem>>
        %dma_start3A_230 = tpu.memref_slice %arg3[%mul3A_48] : memref<268608xi32, #tpu.memory_space<hbm>> -> memref<96xi32, #tpu.memory_space<hbm>>
        %dma_start3A_231 = arith.constant 0 : i32
        %dma_start3A_232 = tpu.memref_slice %arg9[%run_scoped3A, %dma_start3A_231] : memref<2x96xi32, #tpu.memory_space<vmem>> -> memref<1x96xi32, #tpu.memory_space<vmem>>
        %dma_start3A_233 = tpu.memref_squeeze %dma_start3A_232 : memref<1x96xi32, #tpu.memory_space<vmem>> -> memref<96xi32, #tpu.memory_space<vmem>>
        %dma_start3A_234 = tpu.memref_slice %arg3[%mul3A_48] : memref<268608xi32, #tpu.memory_space<hbm>> -> memref<96xi32, #tpu.memory_space<hbm>>
        tpu.enqueue_dma source(%dma_start3A_234 : memref<96xi32, #tpu.memory_space<hbm>>) target(%dma_start3A_233 : memref<96xi32, #tpu.memory_space<vmem>>) target_semaphore(%run_scoped3A_226 : memref<!tpu.dma_semaphore, #tpu.memory_space<semaphore_mem>>)
        %dma_wait3A = arith.constant 0 : i32
        %dma_wait3A_235 = tpu.memref_slice %arg9[%run_scoped3A, %dma_wait3A] : memref<2x96xi32, #tpu.memory_space<vmem>> -> memref<1x96xi32, #tpu.memory_space<vmem>>
        %dma_wait3A_236 = tpu.memref_squeeze %dma_wait3A_235 : memref<1x96xi32, #tpu.memory_space<vmem>> -> memref<96xi32, #tpu.memory_space<vmem>>
        %dma_wait3A_237 = tpu.memref_slice %arg3[%mul3A_48] : memref<268608xi32, #tpu.memory_space<hbm>> -> memref<96xi32, #tpu.memory_space<hbm>>
        %dma_wait3A_238 = arith.constant 0 : i32
        %dma_wait3A_239 = tpu.memref_slice %arg9[%run_scoped3A, %dma_wait3A_238] : memref<2x96xi32, #tpu.memory_space<vmem>> -> memref<1x96xi32, #tpu.memory_space<vmem>>
        %dma_wait3A_240 = tpu.memref_squeeze %dma_wait3A_239 : memref<1x96xi32, #tpu.memory_space<vmem>> -> memref<96xi32, #tpu.memory_space<vmem>>
        %dma_wait3A_241 = tpu.memref_slice %arg3[%mul3A_48] : memref<268608xi32, #tpu.memory_space<hbm>> -> memref<96xi32, #tpu.memory_space<hbm>>
        tpu.wait_dma2 semaphore(%run_scoped3A_226 : memref<!tpu.dma_semaphore, #tpu.memory_space<semaphore_mem>>) src(%dma_wait3A_241 : memref<96xi32, #tpu.memory_space<hbm>>) dst(%dma_wait3A_240 : memref<96xi32, #tpu.memory_space<vmem>>)
        tpu.yield
      }) : () -> ()
      %run_scoped3A_213 = arith.constant 0 : i32
      "tpu.region"() ({
        %run_scoped3A_226 = tpu.sem_alloc : memref<!tpu.dma_semaphore, #tpu.memory_space<semaphore_mem>>
        %dma_start3A_227 = arith.constant 0 : i32
        %dma_start3A_228 = tpu.memref_slice %arg10[%run_scoped3A_213, %dma_start3A_227] : memref<2x96xi32, #tpu.memory_space<vmem>> -> memref<1x96xi32, #tpu.memory_space<vmem>>
        %dma_start3A_229 = tpu.memref_squeeze %dma_start3A_228 : memref<1x96xi32, #tpu.memory_space<vmem>> -> memref<96xi32, #tpu.memory_space<vmem>>
        %dma_start3A_230 = tpu.memref_slice %arg4[%mul3A_48] : memref<268608xi32, #tpu.memory_space<hbm>> -> memref<96xi32, #tpu.memory_space<hbm>>
        %dma_start3A_231 = arith.constant 0 : i32
        %dma_start3A_232 = tpu.memref_slice %arg10[%run_scoped3A_213, %dma_start3A_231] : memref<2x96xi32, #tpu.memory_space<vmem>> -> memref<1x96xi32, #tpu.memory_space<vmem>>
        %dma_start3A_233 = tpu.memref_squeeze %dma_start3A_232 : memref<1x96xi32, #tpu.memory_space<vmem>> -> memref<96xi32, #tpu.memory_space<vmem>>
        %dma_start3A_234 = tpu.memref_slice %arg4[%mul3A_48] : memref<268608xi32, #tpu.memory_space<hbm>> -> memref<96xi32, #tpu.memory_space<hbm>>
        tpu.enqueue_dma source(%dma_start3A_234 : memref<96xi32, #tpu.memory_space<hbm>>) target(%dma_start3A_233 : memref<96xi32, #tpu.memory_space<vmem>>) target_semaphore(%run_scoped3A_226 : memref<!tpu.dma_semaphore, #tpu.memory_space<semaphore_mem>>)
        %dma_wait3A = arith.constant 0 : i32
        %dma_wait3A_235 = tpu.memref_slice %arg10[%run_scoped3A_213, %dma_wait3A] : memref<2x96xi32, #tpu.memory_space<vmem>> -> memref<1x96xi32, #tpu.memory_space<vmem>>
        %dma_wait3A_236 = tpu.memref_squeeze %dma_wait3A_235 : memref<1x96xi32, #tpu.memory_space<vmem>> -> memref<96xi32, #tpu.memory_space<vmem>>
        %dma_wait3A_237 = tpu.memref_slice %arg4[%mul3A_48] : memref<268608xi32, #tpu.memory_space<hbm>> -> memref<96xi32, #tpu.memory_space<hbm>>
        %dma_wait3A_238 = arith.constant 0 : i32
        %dma_wait3A_239 = tpu.memref_slice %arg10[%run_scoped3A_213, %dma_wait3A_238] : memref<2x96xi32, #tpu.memory_space<vmem>> -> memref<1x96xi32, #tpu.memory_space<vmem>>
        %dma_wait3A_240 = tpu.memref_squeeze %dma_wait3A_239 : memref<1x96xi32, #tpu.memory_space<vmem>> -> memref<96xi32, #tpu.memory_space<vmem>>
        %dma_wait3A_241 = tpu.memref_slice %arg4[%mul3A_48] : memref<268608xi32, #tpu.memory_space<hbm>> -> memref<96xi32, #tpu.memory_space<hbm>>
        tpu.wait_dma2 semaphore(%run_scoped3A_226 : memref<!tpu.dma_semaphore, #tpu.memory_space<semaphore_mem>>) src(%dma_wait3A_241 : memref<96xi32, #tpu.memory_space<hbm>>) dst(%dma_wait3A_240 : memref<96xi32, #tpu.memory_space<vmem>>)
        tpu.yield
      }) : () -> ()
      %run_scoped3A_214 = arith.constant 0 : i32
      "tpu.region"() ({
        %run_scoped3A_226 = tpu.sem_alloc : memref<!tpu.dma_semaphore, #tpu.memory_space<semaphore_mem>>
        %dma_start3A_227 = arith.constant 0 : i32
        %dma_start3A_228 = tpu.memref_slice %arg11[%run_scoped3A_214, %dma_start3A_227] : memref<2x96xf32, #tpu.memory_space<vmem>> -> memref<1x96xf32, #tpu.memory_space<vmem>>
        %dma_start3A_229 = tpu.memref_squeeze %dma_start3A_228 : memref<1x96xf32, #tpu.memory_space<vmem>> -> memref<96xf32, #tpu.memory_space<vmem>>
        %dma_start3A_230 = tpu.memref_slice %arg5[%mul3A_48] : memref<268608xf32, #tpu.memory_space<hbm>> -> memref<96xf32, #tpu.memory_space<hbm>>
        %dma_start3A_231 = arith.constant 0 : i32
        %dma_start3A_232 = tpu.memref_slice %arg11[%run_scoped3A_214, %dma_start3A_231] : memref<2x96xf32, #tpu.memory_space<vmem>> -> memref<1x96xf32, #tpu.memory_space<vmem>>
        %dma_start3A_233 = tpu.memref_squeeze %dma_start3A_232 : memref<1x96xf32, #tpu.memory_space<vmem>> -> memref<96xf32, #tpu.memory_space<vmem>>
        %dma_start3A_234 = tpu.memref_slice %arg5[%mul3A_48] : memref<268608xf32, #tpu.memory_space<hbm>> -> memref<96xf32, #tpu.memory_space<hbm>>
        tpu.enqueue_dma source(%dma_start3A_234 : memref<96xf32, #tpu.memory_space<hbm>>) target(%dma_start3A_233 : memref<96xf32, #tpu.memory_space<vmem>>) target_semaphore(%run_scoped3A_226 : memref<!tpu.dma_semaphore, #tpu.memory_space<semaphore_mem>>)
        %dma_wait3A = arith.constant 0 : i32
        %dma_wait3A_235 = tpu.memref_slice %arg11[%run_scoped3A_214, %dma_wait3A] : memref<2x96xf32, #tpu.memory_space<vmem>> -> memref<1x96xf32, #tpu.memory_space<vmem>>
        %dma_wait3A_236 = tpu.memref_squeeze %dma_wait3A_235 : memref<1x96xf32, #tpu.memory_space<vmem>> -> memref<96xf32, #tpu.memory_space<vmem>>
        %dma_wait3A_237 = tpu.memref_slice %arg5[%mul3A_48] : memref<268608xf32, #tpu.memory_space<hbm>> -> memref<96xf32, #tpu.memory_space<hbm>>
        %dma_wait3A_238 = arith.constant 0 : i32
        %dma_wait3A_239 = tpu.memref_slice %arg11[%run_scoped3A_214, %dma_wait3A_238] : memref<2x96xf32, #tpu.memory_space<vmem>> -> memref<1x96xf32, #tpu.memory_space<vmem>>
        %dma_wait3A_240 = tpu.memref_squeeze %dma_wait3A_239 : memref<1x96xf32, #tpu.memory_space<vmem>> -> memref<96xf32, #tpu.memory_space<vmem>>
        %dma_wait3A_241 = tpu.memref_slice %arg5[%mul3A_48] : memref<268608xf32, #tpu.memory_space<hbm>> -> memref<96xf32, #tpu.memory_space<hbm>>
        tpu.wait_dma2 semaphore(%run_scoped3A_226 : memref<!tpu.dma_semaphore, #tpu.memory_space<semaphore_mem>>) src(%dma_wait3A_241 : memref<96xf32, #tpu.memory_space<hbm>>) dst(%dma_wait3A_240 : memref<96xf32, #tpu.memory_space<vmem>>)
        tpu.yield
      }) : () -> ()
      %dma_start3A = arith.constant 0 : i32
      %dma_start3A_215 = arith.constant 0 : i32
      %dma_start3A_216 = arith.constant 0 : i32
      %dma_start3A_217 = arith.constant 0 : i32
      %dma_start3A_218 = tpu.memref_slice %arg13[%dma_start3A_215, %dma_start3A_216, %dma_start3A_217] : memref<2x96x256xf32, #tpu.memory_space<vmem>> -> memref<1x96x256xf32, #tpu.memory_space<vmem>>
      %dma_start3A_219 = tpu.memref_squeeze %dma_start3A_218 : memref<1x96x256xf32, #tpu.memory_space<vmem>> -> memref<96x256xf32, #tpu.memory_space<vmem>>
      %dma_start3A_220 = arith.constant 0 : i32
      %dma_start3A_221 = tpu.memref_slice %arg9[%dma_start3A, %dma_start3A_220] : memref<2x96xi32, #tpu.memory_space<vmem>> -> memref<1x96xi32, #tpu.memory_space<vmem>>
      %dma_start3A_222 = tpu.memref_squeeze %dma_start3A_221 : memref<1x96xi32, #tpu.memory_space<vmem>> -> memref<96xi32, #tpu.memory_space<vmem>>
      %dma_start3A_223 = arith.constant 0 : i32
      %dma_start3A_224 = arith.constant 0 : i32
      %dma_start3A_225 = tpu.memref_slice %arg2[%dma_start3A_223, %dma_start3A_224] : memref<16384x256xf32, #tpu.memory_space<hbm>> -> memref<16384x256xf32, #tpu.memory_space<hbm>>
      tpu.enqueue_indirect_dma source(%dma_start3A_225 : memref<16384x256xf32, #tpu.memory_space<hbm>>) target(%dma_start3A_219 : memref<96x256xf32, #tpu.memory_space<vmem>>) offsets(%dma_start3A_222 : memref<96xi32, #tpu.memory_space<vmem>>) semaphore(%arg15 : memref<!tpu.dma_semaphore, #tpu.memory_space<semaphore_mem>>)
    } else {
    }
    %gt3A_83 = arith.constant 1 : i32
    %gt3A_84 = arith.cmpi sgt, %max3A_78, %gt3A_83 : i32
    %convert_element_type3A_85 = arith.extui %gt3A_84 : i1 to i32
    %cond3A_86 = arith.constant 0 : i32
    %cond3A_87 = arith.cmpi ne, %convert_element_type3A_85, %cond3A_86 : i32
    scf.if %cond3A_87 {
      %add3A_213 = arith.constant 96 : i32
      %add3A_214 = arith.addi %mul3A_48, %add3A_213 : i32
      %dma_start3A = arith.constant 1 : i32
      %dma_start3A_215 = arith.constant 0 : i32
      %dma_start3A_216 = tpu.memref_slice %arg9[%dma_start3A, %dma_start3A_215] : memref<2x96xi32, #tpu.memory_space<vmem>> -> memref<1x96xi32, #tpu.memory_space<vmem>>
      %dma_start3A_217 = tpu.memref_squeeze %dma_start3A_216 : memref<1x96xi32, #tpu.memory_space<vmem>> -> memref<96xi32, #tpu.memory_space<vmem>>
      %dma_start3A_218 = tpu.memref_slice %arg3[%add3A_214] : memref<268608xi32, #tpu.memory_space<hbm>> -> memref<96xi32, #tpu.memory_space<hbm>>
      %dma_start3A_219 = arith.constant 0 : i32
      %dma_start3A_220 = tpu.memref_slice %arg9[%dma_start3A, %dma_start3A_219] : memref<2x96xi32, #tpu.memory_space<vmem>> -> memref<1x96xi32, #tpu.memory_space<vmem>>
      %dma_start3A_221 = tpu.memref_squeeze %dma_start3A_220 : memref<1x96xi32, #tpu.memory_space<vmem>> -> memref<96xi32, #tpu.memory_space<vmem>>
      %dma_start3A_222 = tpu.memref_slice %arg3[%add3A_214] : memref<268608xi32, #tpu.memory_space<hbm>> -> memref<96xi32, #tpu.memory_space<hbm>>
      tpu.enqueue_dma source(%dma_start3A_222 : memref<96xi32, #tpu.memory_space<hbm>>) target(%dma_start3A_221 : memref<96xi32, #tpu.memory_space<vmem>>) target_semaphore(%arg16 : memref<!tpu.dma_semaphore, #tpu.memory_space<semaphore_mem>>)
      %dma_start3A_223 = arith.constant 1 : i32
      %dma_start3A_224 = arith.constant 0 : i32
      %dma_start3A_225 = tpu.memref_slice %arg10[%dma_start3A_223, %dma_start3A_224] : memref<2x96xi32, #tpu.memory_space<vmem>> -> memref<1x96xi32, #tpu.memory_space<vmem>>
      %dma_start3A_226 = tpu.memref_squeeze %dma_start3A_225 : memref<1x96xi32, #tpu.memory_space<vmem>> -> memref<96xi32, #tpu.memory_space<vmem>>
      %dma_start3A_227 = tpu.memref_slice %arg4[%add3A_214] : memref<268608xi32, #tpu.memory_space<hbm>> -> memref<96xi32, #tpu.memory_space<hbm>>
      %dma_start3A_228 = arith.constant 0 : i32
      %dma_start3A_229 = tpu.memref_slice %arg10[%dma_start3A_223, %dma_start3A_228] : memref<2x96xi32, #tpu.memory_space<vmem>> -> memref<1x96xi32, #tpu.memory_space<vmem>>
      %dma_start3A_230 = tpu.memref_squeeze %dma_start3A_229 : memref<1x96xi32, #tpu.memory_space<vmem>> -> memref<96xi32, #tpu.memory_space<vmem>>
      %dma_start3A_231 = tpu.memref_slice %arg4[%add3A_214] : memref<268608xi32, #tpu.memory_space<hbm>> -> memref<96xi32, #tpu.memory_space<hbm>>
      tpu.enqueue_dma source(%dma_start3A_231 : memref<96xi32, #tpu.memory_space<hbm>>) target(%dma_start3A_230 : memref<96xi32, #tpu.memory_space<vmem>>) target_semaphore(%arg16 : memref<!tpu.dma_semaphore, #tpu.memory_space<semaphore_mem>>)
      %dma_start3A_232 = arith.constant 1 : i32
      %dma_start3A_233 = arith.constant 0 : i32
      %dma_start3A_234 = tpu.memref_slice %arg11[%dma_start3A_232, %dma_start3A_233] : memref<2x96xf32, #tpu.memory_space<vmem>> -> memref<1x96xf32, #tpu.memory_space<vmem>>
      %dma_start3A_235 = tpu.memref_squeeze %dma_start3A_234 : memref<1x96xf32, #tpu.memory_space<vmem>> -> memref<96xf32, #tpu.memory_space<vmem>>
      %dma_start3A_236 = tpu.memref_slice %arg5[%add3A_214] : memref<268608xf32, #tpu.memory_space<hbm>> -> memref<96xf32, #tpu.memory_space<hbm>>
      %dma_start3A_237 = arith.constant 0 : i32
      %dma_start3A_238 = tpu.memref_slice %arg11[%dma_start3A_232, %dma_start3A_237] : memref<2x96xf32, #tpu.memory_space<vmem>> -> memref<1x96xf32, #tpu.memory_space<vmem>>
      %dma_start3A_239 = tpu.memref_squeeze %dma_start3A_238 : memref<1x96xf32, #tpu.memory_space<vmem>> -> memref<96xf32, #tpu.memory_space<vmem>>
      %dma_start3A_240 = tpu.memref_slice %arg5[%add3A_214] : memref<268608xf32, #tpu.memory_space<hbm>> -> memref<96xf32, #tpu.memory_space<hbm>>
      tpu.enqueue_dma source(%dma_start3A_240 : memref<96xf32, #tpu.memory_space<hbm>>) target(%dma_start3A_239 : memref<96xf32, #tpu.memory_space<vmem>>) target_semaphore(%arg16 : memref<!tpu.dma_semaphore, #tpu.memory_space<semaphore_mem>>)
    } else {
    }
    %while3A = arith.constant 0 : i32
    %while3A_88 = arith.constant 0 : i32
    %while3A_89 = arith.subi %max3A_78, %while3A_88 : i32
    %while3A_90 = arith.addi %while3A_88, %while3A_89 : i32
    %while3A_91 = arith.constant 1 : i32
    %while3A_92 = arith.divsi %while3A_89, %while3A_91 : i32
    %while3A_93 = arith.muli %while3A_92, %while3A_91 : i32
    %while3A_94 = arith.addi %while3A_88, %while3A_93 : i32
    %while3A_95 = arith.constant 1 : i32
    scf.for %while3A_213 = %while3A_88 to %while3A_94 step %while3A_95  : i32 {
      %rem3A_214 = arith.constant 2 : i32
      %rem3A_215 = arith.remsi %while3A_213, %rem3A_214 : i32
      %sub3A_216 = arith.constant 1 : i32
      %sub3A_217 = arith.subi %sub3A_216, %rem3A_215 : i32
      %mul3A_218 = arith.constant 96 : i32
      %mul3A_219 = arith.muli %while3A_213, %mul3A_218 : i32
      %add3A_220 = arith.addi %mul3A_48, %mul3A_219 : i32
      %get3A = arith.index_cast %rem3A_215 : i32 to index
      %get3A_221 = arith.constant 0 : index
      %get3A_222 = tpu.vector_load %arg10[%get3A, %get3A_221] {strides = array<i32>} : memref<2x96xi32, #tpu.memory_space<vmem>>, vector<16xi32>,
      %add3A_223 = arith.constant 0 : i32
      %add3A_224 = arith.addi %add3A_220, %add3A_223 : i32
      %add3A_225 = vector.broadcast %add3A_224 : i32 to vector<16xi32>
      %add3A_226 = arith.addi %add3A_225, %iota3A : vector<16xi32>
      %ge3A = vector.broadcast %reduce_sum3A_13 : i32 to vector<16xi32>
      %ge3A_227 = arith.cmpi sge, %add3A_226, %ge3A : vector<16xi32>
      %lt3A = vector.broadcast %reduce_sum3A_28 : i32 to vector<16xi32>
      %lt3A_228 = arith.cmpi slt, %add3A_226, %lt3A : vector<16xi32>
      %and3A_229 = arith.andi %ge3A_227, %lt3A_228 : vector<16xi1>
      %sub3A_230 = vector.broadcast %mul3A_5 : i32 to vector<16xi32>
      %sub3A_231 = arith.subi %get3A_222, %sub3A_230 : vector<16xi32>
      %jit3A_232 = arith.constant 256 : i32
      %broadcast_in_dim3A_233 = vector.broadcast %jit3A_232 : i32 to vector<16xi32>
      %select_n3A_234 = arith.select %and3A_229, %sub3A_231, %broadcast_in_dim3A_233 : vector<16xi1>, vector<16xi32>
      %mul3A_235 = arith.constant 256 : i32
      %mul3A_236 = vector.broadcast %mul3A_235 : i32 to vector<16xi32>
      %mul3A_237 = arith.muli %select_n3A_234, %mul3A_236 : vector<16xi32>
      %swap3A = arith.index_cast %rem3A_215 : i32 to index
      %swap3A_238 = arith.constant 0 : index
      %swap3A_239 = tpu.vector_load %arg12[%swap3A, %swap3A_238] {strides = array<i32>} : memref<2x96xi32, #tpu.memory_space<vmem>>, vector<16xi32>,
      tpu.vector_store %arg12[%swap3A, %swap3A_238], %mul3A_237 {strides = array<i32>} : memref<2x96xi32, #tpu.memory_space<vmem>>, vector<16xi32>,
      %get3A_240 = arith.index_cast %rem3A_215 : i32 to index
      %get3A_241 = arith.constant 16 : index
      %get3A_242 = tpu.vector_load %arg10[%get3A_240, %get3A_241] {strides = array<i32>} : memref<2x96xi32, #tpu.memory_space<vmem>>, vector<16xi32>,
      %add3A_243 = arith.constant 16 : i32
      %add3A_244 = arith.addi %add3A_220, %add3A_243 : i32
      %add3A_245 = vector.broadcast %add3A_244 : i32 to vector<16xi32>
      %add3A_246 = arith.addi %add3A_245, %iota3A : vector<16xi32>
      %ge3A_247 = vector.broadcast %reduce_sum3A_13 : i32 to vector<16xi32>
      %ge3A_248 = arith.cmpi sge, %add3A_246, %ge3A_247 : vector<16xi32>
      %lt3A_249 = vector.broadcast %reduce_sum3A_28 : i32 to vector<16xi32>
      %lt3A_250 = arith.cmpi slt, %add3A_246, %lt3A_249 : vector<16xi32>
      %and3A_251 = arith.andi %ge3A_248, %lt3A_250 : vector<16xi1>
      %sub3A_252 = vector.broadcast %mul3A_5 : i32 to vector<16xi32>
      %sub3A_253 = arith.subi %get3A_242, %sub3A_252 : vector<16xi32>
      %jit3A_254 = arith.constant 256 : i32
      %broadcast_in_dim3A_255 = vector.broadcast %jit3A_254 : i32 to vector<16xi32>
      %select_n3A_256 = arith.select %and3A_251, %sub3A_253, %broadcast_in_dim3A_255 : vector<16xi1>, vector<16xi32>
      %mul3A_257 = arith.constant 256 : i32
      %mul3A_258 = vector.broadcast %mul3A_257 : i32 to vector<16xi32>
      %mul3A_259 = arith.muli %select_n3A_256, %mul3A_258 : vector<16xi32>
      %swap3A_260 = arith.index_cast %rem3A_215 : i32 to index
      %swap3A_261 = arith.constant 16 : index
      %swap3A_262 = tpu.vector_load %arg12[%swap3A_260, %swap3A_261] {strides = array<i32>} : memref<2x96xi32, #tpu.memory_space<vmem>>, vector<16xi32>,
      tpu.vector_store %arg12[%swap3A_260, %swap3A_261], %mul3A_259 {strides = array<i32>} : memref<2x96xi32, #tpu.memory_space<vmem>>, vector<16xi32>,
      %get3A_263 = arith.index_cast %rem3A_215 : i32 to index
      %get3A_264 = arith.constant 32 : index
      %get3A_265 = tpu.vector_load %arg10[%get3A_263, %get3A_264] {strides = array<i32>} : memref<2x96xi32, #tpu.memory_space<vmem>>, vector<16xi32>,
      %add3A_266 = arith.constant 32 : i32
      %add3A_267 = arith.addi %add3A_220, %add3A_266 : i32
      %add3A_268 = vector.broadcast %add3A_267 : i32 to vector<16xi32>
      %add3A_269 = arith.addi %add3A_268, %iota3A : vector<16xi32>
      %ge3A_270 = vector.broadcast %reduce_sum3A_13 : i32 to vector<16xi32>
      %ge3A_271 = arith.cmpi sge, %add3A_269, %ge3A_270 : vector<16xi32>
      %lt3A_272 = vector.broadcast %reduce_sum3A_28 : i32 to vector<16xi32>
      %lt3A_273 = arith.cmpi slt, %add3A_269, %lt3A_272 : vector<16xi32>
      %and3A_274 = arith.andi %ge3A_271, %lt3A_273 : vector<16xi1>
      %sub3A_275 = vector.broadcast %mul3A_5 : i32 to vector<16xi32>
      %sub3A_276 = arith.subi %get3A_265, %sub3A_275 : vector<16xi32>
      %jit3A_277 = arith.constant 256 : i32
      %broadcast_in_dim3A_278 = vector.broadcast %jit3A_277 : i32 to vector<16xi32>
      %select_n3A_279 = arith.select %and3A_274, %sub3A_276, %broadcast_in_dim3A_278 : vector<16xi1>, vector<16xi32>
      %mul3A_280 = arith.constant 256 : i32
      %mul3A_281 = vector.broadcast %mul3A_280 : i32 to vector<16xi32>
      %mul3A_282 = arith.muli %select_n3A_279, %mul3A_281 : vector<16xi32>
      %swap3A_283 = arith.index_cast %rem3A_215 : i32 to index
      %swap3A_284 = arith.constant 32 : index
      %swap3A_285 = tpu.vector_load %arg12[%swap3A_283, %swap3A_284] {strides = array<i32>} : memref<2x96xi32, #tpu.memory_space<vmem>>, vector<16xi32>,
      tpu.vector_store %arg12[%swap3A_283, %swap3A_284], %mul3A_282 {strides = array<i32>} : memref<2x96xi32, #tpu.memory_space<vmem>>, vector<16xi32>,
      %get3A_286 = arith.index_cast %rem3A_215 : i32 to index
      %get3A_287 = arith.constant 48 : index
      %get3A_288 = tpu.vector_load %arg10[%get3A_286, %get3A_287] {strides = array<i32>} : memref<2x96xi32, #tpu.memory_space<vmem>>, vector<16xi32>,
      %add3A_289 = arith.constant 48 : i32
      %add3A_290 = arith.addi %add3A_220, %add3A_289 : i32
      %add3A_291 = vector.broadcast %add3A_290 : i32 to vector<16xi32>
      %add3A_292 = arith.addi %add3A_291, %iota3A : vector<16xi32>
      %ge3A_293 = vector.broadcast %reduce_sum3A_13 : i32 to vector<16xi32>
      %ge3A_294 = arith.cmpi sge, %add3A_292, %ge3A_293 : vector<16xi32>
      %lt3A_295 = vector.broadcast %reduce_sum3A_28 : i32 to vector<16xi32>
      %lt3A_296 = arith.cmpi slt, %add3A_292, %lt3A_295 : vector<16xi32>
      %and3A_297 = arith.andi %ge3A_294, %lt3A_296 : vector<16xi1>
      %sub3A_298 = vector.broadcast %mul3A_5 : i32 to vector<16xi32>
      %sub3A_299 = arith.subi %get3A_288, %sub3A_298 : vector<16xi32>
      %jit3A_300 = arith.constant 256 : i32
      %broadcast_in_dim3A_301 = vector.broadcast %jit3A_300 : i32 to vector<16xi32>
      %select_n3A_302 = arith.select %and3A_297, %sub3A_299, %broadcast_in_dim3A_301 : vector<16xi1>, vector<16xi32>
      %mul3A_303 = arith.constant 256 : i32
      %mul3A_304 = vector.broadcast %mul3A_303 : i32 to vector<16xi32>
      %mul3A_305 = arith.muli %select_n3A_302, %mul3A_304 : vector<16xi32>
      %swap3A_306 = arith.index_cast %rem3A_215 : i32 to index
      %swap3A_307 = arith.constant 48 : index
      %swap3A_308 = tpu.vector_load %arg12[%swap3A_306, %swap3A_307] {strides = array<i32>} : memref<2x96xi32, #tpu.memory_space<vmem>>, vector<16xi32>,
      tpu.vector_store %arg12[%swap3A_306, %swap3A_307], %mul3A_305 {strides = array<i32>} : memref<2x96xi32, #tpu.memory_space<vmem>>, vector<16xi32>,
      %get3A_309 = arith.index_cast %rem3A_215 : i32 to index
      %get3A_310 = arith.constant 64 : index
      %get3A_311 = tpu.vector_load %arg10[%get3A_309, %get3A_310] {strides = array<i32>} : memref<2x96xi32, #tpu.memory_space<vmem>>, vector<16xi32>,
      %add3A_312 = arith.constant 64 : i32
      %add3A_313 = arith.addi %add3A_220, %add3A_312 : i32
      %add3A_314 = vector.broadcast %add3A_313 : i32 to vector<16xi32>
      %add3A_315 = arith.addi %add3A_314, %iota3A : vector<16xi32>
      %ge3A_316 = vector.broadcast %reduce_sum3A_13 : i32 to vector<16xi32>
      %ge3A_317 = arith.cmpi sge, %add3A_315, %ge3A_316 : vector<16xi32>
      %lt3A_318 = vector.broadcast %reduce_sum3A_28 : i32 to vector<16xi32>
      %lt3A_319 = arith.cmpi slt, %add3A_315, %lt3A_318 : vector<16xi32>
      %and3A_320 = arith.andi %ge3A_317, %lt3A_319 : vector<16xi1>
      %sub3A_321 = vector.broadcast %mul3A_5 : i32 to vector<16xi32>
      %sub3A_322 = arith.subi %get3A_311, %sub3A_321 : vector<16xi32>
      %jit3A_323 = arith.constant 256 : i32
      %broadcast_in_dim3A_324 = vector.broadcast %jit3A_323 : i32 to vector<16xi32>
      %select_n3A_325 = arith.select %and3A_320, %sub3A_322, %broadcast_in_dim3A_324 : vector<16xi1>, vector<16xi32>
      %mul3A_326 = arith.constant 256 : i32
      %mul3A_327 = vector.broadcast %mul3A_326 : i32 to vector<16xi32>
      %mul3A_328 = arith.muli %select_n3A_325, %mul3A_327 : vector<16xi32>
      %swap3A_329 = arith.index_cast %rem3A_215 : i32 to index
      %swap3A_330 = arith.constant 64 : index
      %swap3A_331 = tpu.vector_load %arg12[%swap3A_329, %swap3A_330] {strides = array<i32>} : memref<2x96xi32, #tpu.memory_space<vmem>>, vector<16xi32>,
      tpu.vector_store %arg12[%swap3A_329, %swap3A_330], %mul3A_328 {strides = array<i32>} : memref<2x96xi32, #tpu.memory_space<vmem>>, vector<16xi32>,
      %get3A_332 = arith.index_cast %rem3A_215 : i32 to index
      %get3A_333 = arith.constant 80 : index
      %get3A_334 = tpu.vector_load %arg10[%get3A_332, %get3A_333] {strides = array<i32>} : memref<2x96xi32, #tpu.memory_space<vmem>>, vector<16xi32>,
      %add3A_335 = arith.constant 80 : i32
      %add3A_336 = arith.addi %add3A_220, %add3A_335 : i32
      %add3A_337 = vector.broadcast %add3A_336 : i32 to vector<16xi32>
      %add3A_338 = arith.addi %add3A_337, %iota3A : vector<16xi32>
      %ge3A_339 = vector.broadcast %reduce_sum3A_13 : i32 to vector<16xi32>
      %ge3A_340 = arith.cmpi sge, %add3A_338, %ge3A_339 : vector<16xi32>
      %lt3A_341 = vector.broadcast %reduce_sum3A_28 : i32 to vector<16xi32>
      %lt3A_342 = arith.cmpi slt, %add3A_338, %lt3A_341 : vector<16xi32>
      %and3A_343 = arith.andi %ge3A_340, %lt3A_342 : vector<16xi1>
      %sub3A_344 = vector.broadcast %mul3A_5 : i32 to vector<16xi32>
      %sub3A_345 = arith.subi %get3A_334, %sub3A_344 : vector<16xi32>
      %jit3A_346 = arith.constant 256 : i32
      %broadcast_in_dim3A_347 = vector.broadcast %jit3A_346 : i32 to vector<16xi32>
      %select_n3A_348 = arith.select %and3A_343, %sub3A_345, %broadcast_in_dim3A_347 : vector<16xi1>, vector<16xi32>
      %mul3A_349 = arith.constant 256 : i32
      %mul3A_350 = vector.broadcast %mul3A_349 : i32 to vector<16xi32>
      %mul3A_351 = arith.muli %select_n3A_348, %mul3A_350 : vector<16xi32>
      %swap3A_352 = arith.index_cast %rem3A_215 : i32 to index
      %swap3A_353 = arith.constant 80 : index
      %swap3A_354 = tpu.vector_load %arg12[%swap3A_352, %swap3A_353] {strides = array<i32>} : memref<2x96xi32, #tpu.memory_space<vmem>>, vector<16xi32>,
      tpu.vector_store %arg12[%swap3A_352, %swap3A_353], %mul3A_351 {strides = array<i32>} : memref<2x96xi32, #tpu.memory_space<vmem>>, vector<16xi32>,
      %dma_wait3A = arith.constant 0 : i32
      %dma_wait3A_355 = arith.constant 0 : i32
      %dma_wait3A_356 = tpu.memref_slice %arg13[%rem3A_215, %dma_wait3A, %dma_wait3A_355] : memref<2x96x256xf32, #tpu.memory_space<vmem>> -> memref<1x96x256xf32, #tpu.memory_space<vmem>>
      %dma_wait3A_357 = tpu.memref_squeeze %dma_wait3A_356 : memref<1x96x256xf32, #tpu.memory_space<vmem>> -> memref<96x256xf32, #tpu.memory_space<vmem>>
      %dma_wait3A_358 = arith.constant 0 : i32
      %dma_wait3A_359 = tpu.memref_slice %arg9[%rem3A_215, %dma_wait3A_358] : memref<2x96xi32, #tpu.memory_space<vmem>> -> memref<1x96xi32, #tpu.memory_space<vmem>>
      %dma_wait3A_360 = tpu.memref_squeeze %dma_wait3A_359 : memref<1x96xi32, #tpu.memory_space<vmem>> -> memref<96xi32, #tpu.memory_space<vmem>>
      %dma_wait3A_361 = arith.constant 0 : i32
      %dma_wait3A_362 = arith.constant 0 : i32
      %dma_wait3A_363 = tpu.memref_slice %arg2[%dma_wait3A_361, %dma_wait3A_362] : memref<16384x256xf32, #tpu.memory_space<hbm>> -> memref<16384x256xf32, #tpu.memory_space<hbm>>
      tpu.wait_indirect_dma semaphore(%arg15 : memref<!tpu.dma_semaphore, #tpu.memory_space<semaphore_mem>>) src(%dma_wait3A_363 : memref<16384x256xf32, #tpu.memory_space<hbm>>) dst(%dma_wait3A_357 : memref<96x256xf32, #tpu.memory_space<vmem>>)
      %add3A_364 = arith.constant 1 : i32
      %add3A_365 = arith.addi %while3A_213, %add3A_364 : i32
      %lt3A_366 = arith.cmpi slt, %add3A_365, %max3A_78 : i32
      %convert_element_type3A_367 = arith.extui %lt3A_366 : i1 to i32
      %cond3A_368 = arith.constant 0 : i32
      %cond3A_369 = arith.cmpi ne, %convert_element_type3A_367, %cond3A_368 : i32
      scf.if %cond3A_369 {
        %dma_wait3A_379 = arith.constant 0 : i32
        %dma_wait3A_380 = tpu.memref_slice %arg9[%sub3A_217, %dma_wait3A_379] : memref<2x96xi32, #tpu.memory_space<vmem>> -> memref<1x96xi32, #tpu.memory_space<vmem>>
        %dma_wait3A_381 = tpu.memref_squeeze %dma_wait3A_380 : memref<1x96xi32, #tpu.memory_space<vmem>> -> memref<96xi32, #tpu.memory_space<vmem>>
        %dma_wait3A_382 = arith.constant 0 : i32
        %dma_wait3A_383 = tpu.memref_slice %arg3[%dma_wait3A_382] : memref<268608xi32, #tpu.memory_space<hbm>> -> memref<96xi32, #tpu.memory_space<hbm>>
        %dma_wait3A_384 = arith.constant 0 : i32
        %dma_wait3A_385 = tpu.memref_slice %arg9[%sub3A_217, %dma_wait3A_384] : memref<2x96xi32, #tpu.memory_space<vmem>> -> memref<1x96xi32, #tpu.memory_space<vmem>>
        %dma_wait3A_386 = tpu.memref_squeeze %dma_wait3A_385 : memref<1x96xi32, #tpu.memory_space<vmem>> -> memref<96xi32, #tpu.memory_space<vmem>>
        %dma_wait3A_387 = arith.constant 0 : i32
        %dma_wait3A_388 = tpu.memref_slice %arg3[%dma_wait3A_387] : memref<268608xi32, #tpu.memory_space<hbm>> -> memref<96xi32, #tpu.memory_space<hbm>>
        tpu.wait_dma2 semaphore(%arg16 : memref<!tpu.dma_semaphore, #tpu.memory_space<semaphore_mem>>) src(%dma_wait3A_388 : memref<96xi32, #tpu.memory_space<hbm>>) dst(%dma_wait3A_386 : memref<96xi32, #tpu.memory_space<vmem>>)
        %dma_wait3A_389 = arith.constant 0 : i32
        %dma_wait3A_390 = tpu.memref_slice %arg10[%sub3A_217, %dma_wait3A_389] : memref<2x96xi32, #tpu.memory_space<vmem>> -> memref<1x96xi32, #tpu.memory_space<vmem>>
        %dma_wait3A_391 = tpu.memref_squeeze %dma_wait3A_390 : memref<1x96xi32, #tpu.memory_space<vmem>> -> memref<96xi32, #tpu.memory_space<vmem>>
        %dma_wait3A_392 = arith.constant 0 : i32
        %dma_wait3A_393 = tpu.memref_slice %arg4[%dma_wait3A_392] : memref<268608xi32, #tpu.memory_space<hbm>> -> memref<96xi32, #tpu.memory_space<hbm>>
        %dma_wait3A_394 = arith.constant 0 : i32
        %dma_wait3A_395 = tpu.memref_slice %arg10[%sub3A_217, %dma_wait3A_394] : memref<2x96xi32, #tpu.memory_space<vmem>> -> memref<1x96xi32, #tpu.memory_space<vmem>>
        %dma_wait3A_396 = tpu.memref_squeeze %dma_wait3A_395 : memref<1x96xi32, #tpu.memory_space<vmem>> -> memref<96xi32, #tpu.memory_space<vmem>>
        %dma_wait3A_397 = arith.constant 0 : i32
        %dma_wait3A_398 = tpu.memref_slice %arg4[%dma_wait3A_397] : memref<268608xi32, #tpu.memory_space<hbm>> -> memref<96xi32, #tpu.memory_space<hbm>>
        tpu.wait_dma2 semaphore(%arg16 : memref<!tpu.dma_semaphore, #tpu.memory_space<semaphore_mem>>) src(%dma_wait3A_398 : memref<96xi32, #tpu.memory_space<hbm>>) dst(%dma_wait3A_396 : memref<96xi32, #tpu.memory_space<vmem>>)
        %dma_wait3A_399 = arith.constant 0 : i32
        %dma_wait3A_400 = tpu.memref_slice %arg11[%sub3A_217, %dma_wait3A_399] : memref<2x96xf32, #tpu.memory_space<vmem>> -> memref<1x96xf32, #tpu.memory_space<vmem>>
        %dma_wait3A_401 = tpu.memref_squeeze %dma_wait3A_400 : memref<1x96xf32, #tpu.memory_space<vmem>> -> memref<96xf32, #tpu.memory_space<vmem>>
        %dma_wait3A_402 = arith.constant 0 : i32
        %dma_wait3A_403 = tpu.memref_slice %arg5[%dma_wait3A_402] : memref<268608xf32, #tpu.memory_space<hbm>> -> memref<96xf32, #tpu.memory_space<hbm>>
        %dma_wait3A_404 = arith.constant 0 : i32
        %dma_wait3A_405 = tpu.memref_slice %arg11[%sub3A_217, %dma_wait3A_404] : memref<2x96xf32, #tpu.memory_space<vmem>> -> memref<1x96xf32, #tpu.memory_space<vmem>>
        %dma_wait3A_406 = tpu.memref_squeeze %dma_wait3A_405 : memref<1x96xf32, #tpu.memory_space<vmem>> -> memref<96xf32, #tpu.memory_space<vmem>>
        %dma_wait3A_407 = arith.constant 0 : i32
        %dma_wait3A_408 = tpu.memref_slice %arg5[%dma_wait3A_407] : memref<268608xf32, #tpu.memory_space<hbm>> -> memref<96xf32, #tpu.memory_space<hbm>>
        tpu.wait_dma2 semaphore(%arg16 : memref<!tpu.dma_semaphore, #tpu.memory_space<semaphore_mem>>) src(%dma_wait3A_408 : memref<96xf32, #tpu.memory_space<hbm>>) dst(%dma_wait3A_406 : memref<96xf32, #tpu.memory_space<vmem>>)
        %dma_start3A = arith.constant 0 : i32
        %dma_start3A_409 = arith.constant 0 : i32
        %dma_start3A_410 = tpu.memref_slice %arg13[%sub3A_217, %dma_start3A, %dma_start3A_409] : memref<2x96x256xf32, #tpu.memory_space<vmem>> -> memref<1x96x256xf32, #tpu.memory_space<vmem>>
        %dma_start3A_411 = tpu.memref_squeeze %dma_start3A_410 : memref<1x96x256xf32, #tpu.memory_space<vmem>> -> memref<96x256xf32, #tpu.memory_space<vmem>>
        %dma_start3A_412 = arith.constant 0 : i32
        %dma_start3A_413 = tpu.memref_slice %arg9[%sub3A_217, %dma_start3A_412] : memref<2x96xi32, #tpu.memory_space<vmem>> -> memref<1x96xi32, #tpu.memory_space<vmem>>
        %dma_start3A_414 = tpu.memref_squeeze %dma_start3A_413 : memref<1x96xi32, #tpu.memory_space<vmem>> -> memref<96xi32, #tpu.memory_space<vmem>>
        %dma_start3A_415 = arith.constant 0 : i32
        %dma_start3A_416 = arith.constant 0 : i32
        %dma_start3A_417 = tpu.memref_slice %arg2[%dma_start3A_415, %dma_start3A_416] : memref<16384x256xf32, #tpu.memory_space<hbm>> -> memref<16384x256xf32, #tpu.memory_space<hbm>>
        tpu.enqueue_indirect_dma source(%dma_start3A_417 : memref<16384x256xf32, #tpu.memory_space<hbm>>) target(%dma_start3A_411 : memref<96x256xf32, #tpu.memory_space<vmem>>) offsets(%dma_start3A_414 : memref<96xi32, #tpu.memory_space<vmem>>) semaphore(%arg15 : memref<!tpu.dma_semaphore, #tpu.memory_space<semaphore_mem>>)
      } else {
      }
      %parallel_loop3A_370 = arith.constant 0 : i32
      %parallel_loop3A_371 = arith.constant 96 : i32
      %parallel_loop3A_372 = arith.constant 1 : i32
      scf.for %parallel_loop3A_379 = %parallel_loop3A_370 to %parallel_loop3A_371 step %parallel_loop3A_372  : i32 {
        %parallel_loop3A_380 = vector.broadcast %parallel_loop3A_379 : i32 to vector<16xi32>
        %parallel_loop3A_381 = arith.constant 0 : i32
        %parallel_loop3A_382 = tpu.memref_slice %arg11[%rem3A_215, %parallel_loop3A_381] : memref<2x96xf32, #tpu.memory_space<vmem>> -> memref<1x96xf32, #tpu.memory_space<vmem>>
        %parallel_loop3A_383 = tpu.memref_squeeze %parallel_loop3A_382 : memref<1x96xf32, #tpu.memory_space<vmem>> -> memref<96xf32, #tpu.memory_space<vmem>>
        %parallel_loop3A_384 = tpu.vector_load_idx %parallel_loop3A_383[%parallel_loop3A_380] : memref<96xf32, #tpu.memory_space<vmem>>[vector<16xi32>], vector<16xf32>,
        %parallel_loop3A_385 = arith.constant 0 : i32
        %parallel_loop3A_386 = tpu.memref_slice %arg12[%rem3A_215, %parallel_loop3A_385] : memref<2x96xi32, #tpu.memory_space<vmem>> -> memref<1x96xi32, #tpu.memory_space<vmem>>
        %parallel_loop3A_387 = tpu.memref_squeeze %parallel_loop3A_386 : memref<1x96xi32, #tpu.memory_space<vmem>> -> memref<96xi32, #tpu.memory_space<vmem>>
        %parallel_loop3A_388 = tpu.vector_load_idx %parallel_loop3A_387[%parallel_loop3A_380] : memref<96xi32, #tpu.memory_space<vmem>>[vector<16xi32>], vector<16xi32>,
        %parallel_loop3A_389 = arith.addi %parallel_loop3A_388, %iota3A : vector<16xi32>
        %parallel_loop3A_390 = arith.constant 0 : i32
        %parallel_loop3A_391 = vector.broadcast %parallel_loop3A_390 : i32 to vector<16xi32>
        %parallel_loop3A_392 = arith.addi %parallel_loop3A_389, %parallel_loop3A_391 : vector<16xi32>
        %parallel_loop3A_393 = arith.index_cast %rem3A_215 : i32 to index
        %parallel_loop3A_394 = arith.index_cast %parallel_loop3A_379 : i32 to index
        %parallel_loop3A_395 = arith.constant 0 : index
        %parallel_loop3A_396 = tpu.vector_load %arg13[%parallel_loop3A_393, %parallel_loop3A_394, %parallel_loop3A_395] {strides = array<i32>} : memref<2x96x256xf32, #tpu.memory_space<vmem>>, vector<16xf32>,
        %parallel_loop3A_397 = arith.mulf %parallel_loop3A_396, %parallel_loop3A_384 : vector<16xf32>
        tpu.vector_store_idx %arg14[%parallel_loop3A_392], %parallel_loop3A_397 {add = true} : memref<67584xf32, #tpu.memory_space<vmem>>[vector<16xi32>], vector<16xf32>,
        %parallel_loop3A_398 = arith.constant 16 : i32
        %parallel_loop3A_399 = vector.broadcast %parallel_loop3A_398 : i32 to vector<16xi32>
        %parallel_loop3A_400 = arith.addi %parallel_loop3A_389, %parallel_loop3A_399 : vector<16xi32>
        %parallel_loop3A_401 = arith.index_cast %rem3A_215 : i32 to index
        %parallel_loop3A_402 = arith.index_cast %parallel_loop3A_379 : i32 to index
        %parallel_loop3A_403 = arith.constant 16 : index
        %parallel_loop3A_404 = tpu.vector_load %arg13[%parallel_loop3A_401, %parallel_loop3A_402, %parallel_loop3A_403] {strides = array<i32>} : memref<2x96x256xf32, #tpu.memory_space<vmem>>, vector<16xf32>,
        %parallel_loop3A_405 = arith.mulf %parallel_loop3A_404, %parallel_loop3A_384 : vector<16xf32>
        tpu.vector_store_idx %arg14[%parallel_loop3A_400], %parallel_loop3A_405 {add = true} : memref<67584xf32, #tpu.memory_space<vmem>>[vector<16xi32>], vector<16xf32>,
        %parallel_loop3A_406 = arith.constant 32 : i32
        %parallel_loop3A_407 = vector.broadcast %parallel_loop3A_406 : i32 to vector<16xi32>
        %parallel_loop3A_408 = arith.addi %parallel_loop3A_389, %parallel_loop3A_407 : vector<16xi32>
        %parallel_loop3A_409 = arith.index_cast %rem3A_215 : i32 to index
        %parallel_loop3A_410 = arith.index_cast %parallel_loop3A_379 : i32 to index
        %parallel_loop3A_411 = arith.constant 32 : index
        %parallel_loop3A_412 = tpu.vector_load %arg13[%parallel_loop3A_409, %parallel_loop3A_410, %parallel_loop3A_411] {strides = array<i32>} : memref<2x96x256xf32, #tpu.memory_space<vmem>>, vector<16xf32>,
        %parallel_loop3A_413 = arith.mulf %parallel_loop3A_412, %parallel_loop3A_384 : vector<16xf32>
        tpu.vector_store_idx %arg14[%parallel_loop3A_408], %parallel_loop3A_413 {add = true} : memref<67584xf32, #tpu.memory_space<vmem>>[vector<16xi32>], vector<16xf32>,
        %parallel_loop3A_414 = arith.constant 48 : i32
        %parallel_loop3A_415 = vector.broadcast %parallel_loop3A_414 : i32 to vector<16xi32>
        %parallel_loop3A_416 = arith.addi %parallel_loop3A_389, %parallel_loop3A_415 : vector<16xi32>
        %parallel_loop3A_417 = arith.index_cast %rem3A_215 : i32 to index
        %parallel_loop3A_418 = arith.index_cast %parallel_loop3A_379 : i32 to index
        %parallel_loop3A_419 = arith.constant 48 : index
        %parallel_loop3A_420 = tpu.vector_load %arg13[%parallel_loop3A_417, %parallel_loop3A_418, %parallel_loop3A_419] {strides = array<i32>} : memref<2x96x256xf32, #tpu.memory_space<vmem>>, vector<16xf32>,
        %parallel_loop3A_421 = arith.mulf %parallel_loop3A_420, %parallel_loop3A_384 : vector<16xf32>
        tpu.vector_store_idx %arg14[%parallel_loop3A_416], %parallel_loop3A_421 {add = true} : memref<67584xf32, #tpu.memory_space<vmem>>[vector<16xi32>], vector<16xf32>,
        %parallel_loop3A_422 = arith.constant 64 : i32
        %parallel_loop3A_423 = vector.broadcast %parallel_loop3A_422 : i32 to vector<16xi32>
        %parallel_loop3A_424 = arith.addi %parallel_loop3A_389, %parallel_loop3A_423 : vector<16xi32>
        %parallel_loop3A_425 = arith.index_cast %rem3A_215 : i32 to index
        %parallel_loop3A_426 = arith.index_cast %parallel_loop3A_379 : i32 to index
        %parallel_loop3A_427 = arith.constant 64 : index
        %parallel_loop3A_428 = tpu.vector_load %arg13[%parallel_loop3A_425, %parallel_loop3A_426, %parallel_loop3A_427] {strides = array<i32>} : memref<2x96x256xf32, #tpu.memory_space<vmem>>, vector<16xf32>,
        %parallel_loop3A_429 = arith.mulf %parallel_loop3A_428, %parallel_loop3A_384 : vector<16xf32>
        tpu.vector_store_idx %arg14[%parallel_loop3A_424], %parallel_loop3A_429 {add = true} : memref<67584xf32, #tpu.memory_space<vmem>>[vector<16xi32>], vector<16xf32>,
        %parallel_loop3A_430 = arith.constant 80 : i32
        %parallel_loop3A_431 = vector.broadcast %parallel_loop3A_430 : i32 to vector<16xi32>
        %parallel_loop3A_432 = arith.addi %parallel_loop3A_389, %parallel_loop3A_431 : vector<16xi32>
        %parallel_loop3A_433 = arith.index_cast %rem3A_215 : i32 to index
        %parallel_loop3A_434 = arith.index_cast %parallel_loop3A_379 : i32 to index
        %parallel_loop3A_435 = arith.constant 80 : index
        %parallel_loop3A_436 = tpu.vector_load %arg13[%parallel_loop3A_433, %parallel_loop3A_434, %parallel_loop3A_435] {strides = array<i32>} : memref<2x96x256xf32, #tpu.memory_space<vmem>>, vector<16xf32>,
        %parallel_loop3A_437 = arith.mulf %parallel_loop3A_436, %parallel_loop3A_384 : vector<16xf32>
        tpu.vector_store_idx %arg14[%parallel_loop3A_432], %parallel_loop3A_437 {add = true} : memref<67584xf32, #tpu.memory_space<vmem>>[vector<16xi32>], vector<16xf32>,
        %parallel_loop3A_438 = arith.constant 96 : i32
        %parallel_loop3A_439 = vector.broadcast %parallel_loop3A_438 : i32 to vector<16xi32>
        %parallel_loop3A_440 = arith.addi %parallel_loop3A_389, %parallel_loop3A_439 : vector<16xi32>
        %parallel_loop3A_441 = arith.index_cast %rem3A_215 : i32 to index
        %parallel_loop3A_442 = arith.index_cast %parallel_loop3A_379 : i32 to index
        %parallel_loop3A_443 = arith.constant 96 : index
        %parallel_loop3A_444 = tpu.vector_load %arg13[%parallel_loop3A_441, %parallel_loop3A_442, %parallel_loop3A_443] {strides = array<i32>} : memref<2x96x256xf32, #tpu.memory_space<vmem>>, vector<16xf32>,
        %parallel_loop3A_445 = arith.mulf %parallel_loop3A_444, %parallel_loop3A_384 : vector<16xf32>
        tpu.vector_store_idx %arg14[%parallel_loop3A_440], %parallel_loop3A_445 {add = true} : memref<67584xf32, #tpu.memory_space<vmem>>[vector<16xi32>], vector<16xf32>,
        %parallel_loop3A_446 = arith.constant 112 : i32
        %parallel_loop3A_447 = vector.broadcast %parallel_loop3A_446 : i32 to vector<16xi32>
        %parallel_loop3A_448 = arith.addi %parallel_loop3A_389, %parallel_loop3A_447 : vector<16xi32>
        %parallel_loop3A_449 = arith.index_cast %rem3A_215 : i32 to index
        %parallel_loop3A_450 = arith.index_cast %parallel_loop3A_379 : i32 to index
        %parallel_loop3A_451 = arith.constant 112 : index
        %parallel_loop3A_452 = tpu.vector_load %arg13[%parallel_loop3A_449, %parallel_loop3A_450, %parallel_loop3A_451] {strides = array<i32>} : memref<2x96x256xf32, #tpu.memory_space<vmem>>, vector<16xf32>,
        %parallel_loop3A_453 = arith.mulf %parallel_loop3A_452, %parallel_loop3A_384 : vector<16xf32>
        tpu.vector_store_idx %arg14[%parallel_loop3A_448], %parallel_loop3A_453 {add = true} : memref<67584xf32, #tpu.memory_space<vmem>>[vector<16xi32>], vector<16xf32>,
        %parallel_loop3A_454 = arith.constant 128 : i32
        %parallel_loop3A_455 = vector.broadcast %parallel_loop3A_454 : i32 to vector<16xi32>
        %parallel_loop3A_456 = arith.addi %parallel_loop3A_389, %parallel_loop3A_455 : vector<16xi32>
        %parallel_loop3A_457 = arith.index_cast %rem3A_215 : i32 to index
        %parallel_loop3A_458 = arith.index_cast %parallel_loop3A_379 : i32 to index
        %parallel_loop3A_459 = arith.constant 128 : index
        %parallel_loop3A_460 = tpu.vector_load %arg13[%parallel_loop3A_457, %parallel_loop3A_458, %parallel_loop3A_459] {strides = array<i32>} : memref<2x96x256xf32, #tpu.memory_space<vmem>>, vector<16xf32>,
        %parallel_loop3A_461 = arith.mulf %parallel_loop3A_460, %parallel_loop3A_384 : vector<16xf32>
        tpu.vector_store_idx %arg14[%parallel_loop3A_456], %parallel_loop3A_461 {add = true} : memref<67584xf32, #tpu.memory_space<vmem>>[vector<16xi32>], vector<16xf32>,
        %parallel_loop3A_462 = arith.constant 144 : i32
        %parallel_loop3A_463 = vector.broadcast %parallel_loop3A_462 : i32 to vector<16xi32>
        %parallel_loop3A_464 = arith.addi %parallel_loop3A_389, %parallel_loop3A_463 : vector<16xi32>
        %parallel_loop3A_465 = arith.index_cast %rem3A_215 : i32 to index
        %parallel_loop3A_466 = arith.index_cast %parallel_loop3A_379 : i32 to index
        %parallel_loop3A_467 = arith.constant 144 : index
        %parallel_loop3A_468 = tpu.vector_load %arg13[%parallel_loop3A_465, %parallel_loop3A_466, %parallel_loop3A_467] {strides = array<i32>} : memref<2x96x256xf32, #tpu.memory_space<vmem>>, vector<16xf32>,
        %parallel_loop3A_469 = arith.mulf %parallel_loop3A_468, %parallel_loop3A_384 : vector<16xf32>
        tpu.vector_store_idx %arg14[%parallel_loop3A_464], %parallel_loop3A_469 {add = true} : memref<67584xf32, #tpu.memory_space<vmem>>[vector<16xi32>], vector<16xf32>,
        %parallel_loop3A_470 = arith.constant 160 : i32
        %parallel_loop3A_471 = vector.broadcast %parallel_loop3A_470 : i32 to vector<16xi32>
        %parallel_loop3A_472 = arith.addi %parallel_loop3A_389, %parallel_loop3A_471 : vector<16xi32>
        %parallel_loop3A_473 = arith.index_cast %rem3A_215 : i32 to index
        %parallel_loop3A_474 = arith.index_cast %parallel_loop3A_379 : i32 to index
        %parallel_loop3A_475 = arith.constant 160 : index
        %parallel_loop3A_476 = tpu.vector_load %arg13[%parallel_loop3A_473, %parallel_loop3A_474, %parallel_loop3A_475] {strides = array<i32>} : memref<2x96x256xf32, #tpu.memory_space<vmem>>, vector<16xf32>,
        %parallel_loop3A_477 = arith.mulf %parallel_loop3A_476, %parallel_loop3A_384 : vector<16xf32>
        tpu.vector_store_idx %arg14[%parallel_loop3A_472], %parallel_loop3A_477 {add = true} : memref<67584xf32, #tpu.memory_space<vmem>>[vector<16xi32>], vector<16xf32>,
        %parallel_loop3A_478 = arith.constant 176 : i32
        %parallel_loop3A_479 = vector.broadcast %parallel_loop3A_478 : i32 to vector<16xi32>
        %parallel_loop3A_480 = arith.addi %parallel_loop3A_389, %parallel_loop3A_479 : vector<16xi32>
        %parallel_loop3A_481 = arith.index_cast %rem3A_215 : i32 to index
        %parallel_loop3A_482 = arith.index_cast %parallel_loop3A_379 : i32 to index
        %parallel_loop3A_483 = arith.constant 176 : index
        %parallel_loop3A_484 = tpu.vector_load %arg13[%parallel_loop3A_481, %parallel_loop3A_482, %parallel_loop3A_483] {strides = array<i32>} : memref<2x96x256xf32, #tpu.memory_space<vmem>>, vector<16xf32>,
        %parallel_loop3A_485 = arith.mulf %parallel_loop3A_484, %parallel_loop3A_384 : vector<16xf32>
        tpu.vector_store_idx %arg14[%parallel_loop3A_480], %parallel_loop3A_485 {add = true} : memref<67584xf32, #tpu.memory_space<vmem>>[vector<16xi32>], vector<16xf32>,
        %parallel_loop3A_486 = arith.constant 192 : i32
        %parallel_loop3A_487 = vector.broadcast %parallel_loop3A_486 : i32 to vector<16xi32>
        %parallel_loop3A_488 = arith.addi %parallel_loop3A_389, %parallel_loop3A_487 : vector<16xi32>
        %parallel_loop3A_489 = arith.index_cast %rem3A_215 : i32 to index
        %parallel_loop3A_490 = arith.index_cast %parallel_loop3A_379 : i32 to index
        %parallel_loop3A_491 = arith.constant 192 : index
        %parallel_loop3A_492 = tpu.vector_load %arg13[%parallel_loop3A_489, %parallel_loop3A_490, %parallel_loop3A_491] {strides = array<i32>} : memref<2x96x256xf32, #tpu.memory_space<vmem>>, vector<16xf32>,
        %parallel_loop3A_493 = arith.mulf %parallel_loop3A_492, %parallel_loop3A_384 : vector<16xf32>
        tpu.vector_store_idx %arg14[%parallel_loop3A_488], %parallel_loop3A_493 {add = true} : memref<67584xf32, #tpu.memory_space<vmem>>[vector<16xi32>], vector<16xf32>,
        %parallel_loop3A_494 = arith.constant 208 : i32
        %parallel_loop3A_495 = vector.broadcast %parallel_loop3A_494 : i32 to vector<16xi32>
        %parallel_loop3A_496 = arith.addi %parallel_loop3A_389, %parallel_loop3A_495 : vector<16xi32>
        %parallel_loop3A_497 = arith.index_cast %rem3A_215 : i32 to index
        %parallel_loop3A_498 = arith.index_cast %parallel_loop3A_379 : i32 to index
        %parallel_loop3A_499 = arith.constant 208 : index
        %parallel_loop3A_500 = tpu.vector_load %arg13[%parallel_loop3A_497, %parallel_loop3A_498, %parallel_loop3A_499] {strides = array<i32>} : memref<2x96x256xf32, #tpu.memory_space<vmem>>, vector<16xf32>,
        %parallel_loop3A_501 = arith.mulf %parallel_loop3A_500, %parallel_loop3A_384 : vector<16xf32>
        tpu.vector_store_idx %arg14[%parallel_loop3A_496], %parallel_loop3A_501 {add = true} : memref<67584xf32, #tpu.memory_space<vmem>>[vector<16xi32>], vector<16xf32>,
        %parallel_loop3A_502 = arith.constant 224 : i32
        %parallel_loop3A_503 = vector.broadcast %parallel_loop3A_502 : i32 to vector<16xi32>
        %parallel_loop3A_504 = arith.addi %parallel_loop3A_389, %parallel_loop3A_503 : vector<16xi32>
        %parallel_loop3A_505 = arith.index_cast %rem3A_215 : i32 to index
        %parallel_loop3A_506 = arith.index_cast %parallel_loop3A_379 : i32 to index
        %parallel_loop3A_507 = arith.constant 224 : index
        %parallel_loop3A_508 = tpu.vector_load %arg13[%parallel_loop3A_505, %parallel_loop3A_506, %parallel_loop3A_507] {strides = array<i32>} : memref<2x96x256xf32, #tpu.memory_space<vmem>>, vector<16xf32>,
        %parallel_loop3A_509 = arith.mulf %parallel_loop3A_508, %parallel_loop3A_384 : vector<16xf32>
        tpu.vector_store_idx %arg14[%parallel_loop3A_504], %parallel_loop3A_509 {add = true} : memref<67584xf32, #tpu.memory_space<vmem>>[vector<16xi32>], vector<16xf32>,
        %parallel_loop3A_510 = arith.constant 240 : i32
        %parallel_loop3A_511 = vector.broadcast %parallel_loop3A_510 : i32 to vector<16xi32>
        %parallel_loop3A_512 = arith.addi %parallel_loop3A_389, %parallel_loop3A_511 : vector<16xi32>
        %parallel_loop3A_513 = arith.index_cast %rem3A_215 : i32 to index
        %parallel_loop3A_514 = arith.index_cast %parallel_loop3A_379 : i32 to index
        %parallel_loop3A_515 = arith.constant 240 : index
        %parallel_loop3A_516 = tpu.vector_load %arg13[%parallel_loop3A_513, %parallel_loop3A_514, %parallel_loop3A_515] {strides = array<i32>} : memref<2x96x256xf32, #tpu.memory_space<vmem>>, vector<16xf32>,
        %parallel_loop3A_517 = arith.mulf %parallel_loop3A_516, %parallel_loop3A_384 : vector<16xf32>
        tpu.vector_store_idx %arg14[%parallel_loop3A_512], %parallel_loop3A_517 {add = true} : memref<67584xf32, #tpu.memory_space<vmem>>[vector<16xi32>], vector<16xf32>,
      } {sc.loop_unroll_factor = 4 : i64, sc.parallel_access}
      %add3A_373 = arith.constant 2 : i32
      %add3A_374 = arith.addi %while3A_213, %add3A_373 : i32
      %lt3A_375 = arith.cmpi slt, %add3A_374, %max3A_78 : i32
      %convert_element_type3A_376 = arith.extui %lt3A_375 : i1 to i32
      %cond3A_377 = arith.constant 0 : i32
      %cond3A_378 = arith.cmpi ne, %convert_element_type3A_376, %cond3A_377 : i32
      scf.if %cond3A_378 {
        %add3A_379 = arith.constant 2 : i32
        %add3A_380 = arith.addi %while3A_213, %add3A_379 : i32
        %mul3A_381 = arith.constant 96 : i32
        %mul3A_382 = arith.muli %add3A_380, %mul3A_381 : i32
        %add3A_383 = arith.addi %mul3A_48, %mul3A_382 : i32
        %dma_start3A = arith.constant 0 : i32
        %dma_start3A_384 = tpu.memref_slice %arg9[%rem3A_215, %dma_start3A] : memref<2x96xi32, #tpu.memory_space<vmem>> -> memref<1x96xi32, #tpu.memory_space<vmem>>
        %dma_start3A_385 = tpu.memref_squeeze %dma_start3A_384 : memref<1x96xi32, #tpu.memory_space<vmem>> -> memref<96xi32, #tpu.memory_space<vmem>>
        %dma_start3A_386 = tpu.memref_slice %arg3[%add3A_383] : memref<268608xi32, #tpu.memory_space<hbm>> -> memref<96xi32, #tpu.memory_space<hbm>>
        %dma_start3A_387 = arith.constant 0 : i32
        %dma_start3A_388 = tpu.memref_slice %arg9[%rem3A_215, %dma_start3A_387] : memref<2x96xi32, #tpu.memory_space<vmem>> -> memref<1x96xi32, #tpu.memory_space<vmem>>
        %dma_start3A_389 = tpu.memref_squeeze %dma_start3A_388 : memref<1x96xi32, #tpu.memory_space<vmem>> -> memref<96xi32, #tpu.memory_space<vmem>>
        %dma_start3A_390 = tpu.memref_slice %arg3[%add3A_383] : memref<268608xi32, #tpu.memory_space<hbm>> -> memref<96xi32, #tpu.memory_space<hbm>>
        tpu.enqueue_dma source(%dma_start3A_390 : memref<96xi32, #tpu.memory_space<hbm>>) target(%dma_start3A_389 : memref<96xi32, #tpu.memory_space<vmem>>) target_semaphore(%arg16 : memref<!tpu.dma_semaphore, #tpu.memory_space<semaphore_mem>>)
        %dma_start3A_391 = arith.constant 0 : i32
        %dma_start3A_392 = tpu.memref_slice %arg10[%rem3A_215, %dma_start3A_391] : memref<2x96xi32, #tpu.memory_space<vmem>> -> memref<1x96xi32, #tpu.memory_space<vmem>>
        %dma_start3A_393 = tpu.memref_squeeze %dma_start3A_392 : memref<1x96xi32, #tpu.memory_space<vmem>> -> memref<96xi32, #tpu.memory_space<vmem>>
        %dma_start3A_394 = tpu.memref_slice %arg4[%add3A_383] : memref<268608xi32, #tpu.memory_space<hbm>> -> memref<96xi32, #tpu.memory_space<hbm>>
        %dma_start3A_395 = arith.constant 0 : i32
        %dma_start3A_396 = tpu.memref_slice %arg10[%rem3A_215, %dma_start3A_395] : memref<2x96xi32, #tpu.memory_space<vmem>> -> memref<1x96xi32, #tpu.memory_space<vmem>>
        %dma_start3A_397 = tpu.memref_squeeze %dma_start3A_396 : memref<1x96xi32, #tpu.memory_space<vmem>> -> memref<96xi32, #tpu.memory_space<vmem>>
        %dma_start3A_398 = tpu.memref_slice %arg4[%add3A_383] : memref<268608xi32, #tpu.memory_space<hbm>> -> memref<96xi32, #tpu.memory_space<hbm>>
        tpu.enqueue_dma source(%dma_start3A_398 : memref<96xi32, #tpu.memory_space<hbm>>) target(%dma_start3A_397 : memref<96xi32, #tpu.memory_space<vmem>>) target_semaphore(%arg16 : memref<!tpu.dma_semaphore, #tpu.memory_space<semaphore_mem>>)
        %dma_start3A_399 = arith.constant 0 : i32
        %dma_start3A_400 = tpu.memref_slice %arg11[%rem3A_215, %dma_start3A_399] : memref<2x96xf32, #tpu.memory_space<vmem>> -> memref<1x96xf32, #tpu.memory_space<vmem>>
        %dma_start3A_401 = tpu.memref_squeeze %dma_start3A_400 : memref<1x96xf32, #tpu.memory_space<vmem>> -> memref<96xf32, #tpu.memory_space<vmem>>
        %dma_start3A_402 = tpu.memref_slice %arg5[%add3A_383] : memref<268608xf32, #tpu.memory_space<hbm>> -> memref<96xf32, #tpu.memory_space<hbm>>
        %dma_start3A_403 = arith.constant 0 : i32
        %dma_start3A_404 = tpu.memref_slice %arg11[%rem3A_215, %dma_start3A_403] : memref<2x96xf32, #tpu.memory_space<vmem>> -> memref<1x96xf32, #tpu.memory_space<vmem>>
        %dma_start3A_405 = tpu.memref_squeeze %dma_start3A_404 : memref<1x96xf32, #tpu.memory_space<vmem>> -> memref<96xf32, #tpu.memory_space<vmem>>
        %dma_start3A_406 = tpu.memref_slice %arg5[%add3A_383] : memref<268608xf32, #tpu.memory_space<hbm>> -> memref<96xf32, #tpu.memory_space<hbm>>
        tpu.enqueue_dma source(%dma_start3A_406 : memref<96xf32, #tpu.memory_space<hbm>>) target(%dma_start3A_405 : memref<96xf32, #tpu.memory_space<vmem>>) target_semaphore(%arg16 : memref<!tpu.dma_semaphore, #tpu.memory_space<semaphore_mem>>)
      } else {
      }
    }
    %while3A_96 = arith.constant 1 : i32
    scf.for %while3A_213 = %while3A_94 to %while3A_90 step %while3A_96  : i32 {
      %rem3A_214 = arith.constant 2 : i32
      %rem3A_215 = arith.remsi %while3A_213, %rem3A_214 : i32
      %sub3A_216 = arith.constant 1 : i32
      %sub3A_217 = arith.subi %sub3A_216, %rem3A_215 : i32
      %mul3A_218 = arith.constant 96 : i32
      %mul3A_219 = arith.muli %while3A_213, %mul3A_218 : i32
      %add3A_220 = arith.addi %mul3A_48, %mul3A_219 : i32
      %get3A = arith.index_cast %rem3A_215 : i32 to index
      %get3A_221 = arith.constant 0 : index
      %get3A_222 = tpu.vector_load %arg10[%get3A, %get3A_221] {strides = array<i32>} : memref<2x96xi32, #tpu.memory_space<vmem>>, vector<16xi32>,
      %add3A_223 = arith.constant 0 : i32
      %add3A_224 = arith.addi %add3A_220, %add3A_223 : i32
      %add3A_225 = vector.broadcast %add3A_224 : i32 to vector<16xi32>
      %add3A_226 = arith.addi %add3A_225, %iota3A : vector<16xi32>
      %ge3A = vector.broadcast %reduce_sum3A_13 : i32 to vector<16xi32>
      %ge3A_227 = arith.cmpi sge, %add3A_226, %ge3A : vector<16xi32>
      %lt3A = vector.broadcast %reduce_sum3A_28 : i32 to vector<16xi32>
      %lt3A_228 = arith.cmpi slt, %add3A_226, %lt3A : vector<16xi32>
      %and3A_229 = arith.andi %ge3A_227, %lt3A_228 : vector<16xi1>
      %sub3A_230 = vector.broadcast %mul3A_5 : i32 to vector<16xi32>
      %sub3A_231 = arith.subi %get3A_222, %sub3A_230 : vector<16xi32>
      %jit3A_232 = arith.constant 256 : i32
      %broadcast_in_dim3A_233 = vector.broadcast %jit3A_232 : i32 to vector<16xi32>
      %select_n3A_234 = arith.select %and3A_229, %sub3A_231, %broadcast_in_dim3A_233 : vector<16xi1>, vector<16xi32>
      %mul3A_235 = arith.constant 256 : i32
      %mul3A_236 = vector.broadcast %mul3A_235 : i32 to vector<16xi32>
      %mul3A_237 = arith.muli %select_n3A_234, %mul3A_236 : vector<16xi32>
      %swap3A = arith.index_cast %rem3A_215 : i32 to index
      %swap3A_238 = arith.constant 0 : index
      %swap3A_239 = tpu.vector_load %arg12[%swap3A, %swap3A_238] {strides = array<i32>} : memref<2x96xi32, #tpu.memory_space<vmem>>, vector<16xi32>,
      tpu.vector_store %arg12[%swap3A, %swap3A_238], %mul3A_237 {strides = array<i32>} : memref<2x96xi32, #tpu.memory_space<vmem>>, vector<16xi32>,
      %get3A_240 = arith.index_cast %rem3A_215 : i32 to index
      %get3A_241 = arith.constant 16 : index
      %get3A_242 = tpu.vector_load %arg10[%get3A_240, %get3A_241] {strides = array<i32>} : memref<2x96xi32, #tpu.memory_space<vmem>>, vector<16xi32>,
      %add3A_243 = arith.constant 16 : i32
      %add3A_244 = arith.addi %add3A_220, %add3A_243 : i32
      %add3A_245 = vector.broadcast %add3A_244 : i32 to vector<16xi32>
      %add3A_246 = arith.addi %add3A_245, %iota3A : vector<16xi32>
      %ge3A_247 = vector.broadcast %reduce_sum3A_13 : i32 to vector<16xi32>
      %ge3A_248 = arith.cmpi sge, %add3A_246, %ge3A_247 : vector<16xi32>
      %lt3A_249 = vector.broadcast %reduce_sum3A_28 : i32 to vector<16xi32>
      %lt3A_250 = arith.cmpi slt, %add3A_246, %lt3A_249 : vector<16xi32>
      %and3A_251 = arith.andi %ge3A_248, %lt3A_250 : vector<16xi1>
      %sub3A_252 = vector.broadcast %mul3A_5 : i32 to vector<16xi32>
      %sub3A_253 = arith.subi %get3A_242, %sub3A_252 : vector<16xi32>
      %jit3A_254 = arith.constant 256 : i32
      %broadcast_in_dim3A_255 = vector.broadcast %jit3A_254 : i32 to vector<16xi32>
      %select_n3A_256 = arith.select %and3A_251, %sub3A_253, %broadcast_in_dim3A_255 : vector<16xi1>, vector<16xi32>
      %mul3A_257 = arith.constant 256 : i32
      %mul3A_258 = vector.broadcast %mul3A_257 : i32 to vector<16xi32>
      %mul3A_259 = arith.muli %select_n3A_256, %mul3A_258 : vector<16xi32>
      %swap3A_260 = arith.index_cast %rem3A_215 : i32 to index
      %swap3A_261 = arith.constant 16 : index
      %swap3A_262 = tpu.vector_load %arg12[%swap3A_260, %swap3A_261] {strides = array<i32>} : memref<2x96xi32, #tpu.memory_space<vmem>>, vector<16xi32>,
      tpu.vector_store %arg12[%swap3A_260, %swap3A_261], %mul3A_259 {strides = array<i32>} : memref<2x96xi32, #tpu.memory_space<vmem>>, vector<16xi32>,
      %get3A_263 = arith.index_cast %rem3A_215 : i32 to index
      %get3A_264 = arith.constant 32 : index
      %get3A_265 = tpu.vector_load %arg10[%get3A_263, %get3A_264] {strides = array<i32>} : memref<2x96xi32, #tpu.memory_space<vmem>>, vector<16xi32>,
      %add3A_266 = arith.constant 32 : i32
      %add3A_267 = arith.addi %add3A_220, %add3A_266 : i32
      %add3A_268 = vector.broadcast %add3A_267 : i32 to vector<16xi32>
      %add3A_269 = arith.addi %add3A_268, %iota3A : vector<16xi32>
      %ge3A_270 = vector.broadcast %reduce_sum3A_13 : i32 to vector<16xi32>
      %ge3A_271 = arith.cmpi sge, %add3A_269, %ge3A_270 : vector<16xi32>
      %lt3A_272 = vector.broadcast %reduce_sum3A_28 : i32 to vector<16xi32>
      %lt3A_273 = arith.cmpi slt, %add3A_269, %lt3A_272 : vector<16xi32>
      %and3A_274 = arith.andi %ge3A_271, %lt3A_273 : vector<16xi1>
      %sub3A_275 = vector.broadcast %mul3A_5 : i32 to vector<16xi32>
      %sub3A_276 = arith.subi %get3A_265, %sub3A_275 : vector<16xi32>
      %jit3A_277 = arith.constant 256 : i32
      %broadcast_in_dim3A_278 = vector.broadcast %jit3A_277 : i32 to vector<16xi32>
      %select_n3A_279 = arith.select %and3A_274, %sub3A_276, %broadcast_in_dim3A_278 : vector<16xi1>, vector<16xi32>
      %mul3A_280 = arith.constant 256 : i32
      %mul3A_281 = vector.broadcast %mul3A_280 : i32 to vector<16xi32>
      %mul3A_282 = arith.muli %select_n3A_279, %mul3A_281 : vector<16xi32>
      %swap3A_283 = arith.index_cast %rem3A_215 : i32 to index
      %swap3A_284 = arith.constant 32 : index
      %swap3A_285 = tpu.vector_load %arg12[%swap3A_283, %swap3A_284] {strides = array<i32>} : memref<2x96xi32, #tpu.memory_space<vmem>>, vector<16xi32>,
      tpu.vector_store %arg12[%swap3A_283, %swap3A_284], %mul3A_282 {strides = array<i32>} : memref<2x96xi32, #tpu.memory_space<vmem>>, vector<16xi32>,
      %get3A_286 = arith.index_cast %rem3A_215 : i32 to index
      %get3A_287 = arith.constant 48 : index
      %get3A_288 = tpu.vector_load %arg10[%get3A_286, %get3A_287] {strides = array<i32>} : memref<2x96xi32, #tpu.memory_space<vmem>>, vector<16xi32>,
      %add3A_289 = arith.constant 48 : i32
      %add3A_290 = arith.addi %add3A_220, %add3A_289 : i32
      %add3A_291 = vector.broadcast %add3A_290 : i32 to vector<16xi32>
      %add3A_292 = arith.addi %add3A_291, %iota3A : vector<16xi32>
      %ge3A_293 = vector.broadcast %reduce_sum3A_13 : i32 to vector<16xi32>
      %ge3A_294 = arith.cmpi sge, %add3A_292, %ge3A_293 : vector<16xi32>
      %lt3A_295 = vector.broadcast %reduce_sum3A_28 : i32 to vector<16xi32>
      %lt3A_296 = arith.cmpi slt, %add3A_292, %lt3A_295 : vector<16xi32>
      %and3A_297 = arith.andi %ge3A_294, %lt3A_296 : vector<16xi1>
      %sub3A_298 = vector.broadcast %mul3A_5 : i32 to vector<16xi32>
      %sub3A_299 = arith.subi %get3A_288, %sub3A_298 : vector<16xi32>
      %jit3A_300 = arith.constant 256 : i32
      %broadcast_in_dim3A_301 = vector.broadcast %jit3A_300 : i32 to vector<16xi32>
      %select_n3A_302 = arith.select %and3A_297, %sub3A_299, %broadcast_in_dim3A_301 : vector<16xi1>, vector<16xi32>
      %mul3A_303 = arith.constant 256 : i32
      %mul3A_304 = vector.broadcast %mul3A_303 : i32 to vector<16xi32>
      %mul3A_305 = arith.muli %select_n3A_302, %mul3A_304 : vector<16xi32>
      %swap3A_306 = arith.index_cast %rem3A_215 : i32 to index
      %swap3A_307 = arith.constant 48 : index
      %swap3A_308 = tpu.vector_load %arg12[%swap3A_306, %swap3A_307] {strides = array<i32>} : memref<2x96xi32, #tpu.memory_space<vmem>>, vector<16xi32>,
      tpu.vector_store %arg12[%swap3A_306, %swap3A_307], %mul3A_305 {strides = array<i32>} : memref<2x96xi32, #tpu.memory_space<vmem>>, vector<16xi32>,
      %get3A_309 = arith.index_cast %rem3A_215 : i32 to index
      %get3A_310 = arith.constant 64 : index
      %get3A_311 = tpu.vector_load %arg10[%get3A_309, %get3A_310] {strides = array<i32>} : memref<2x96xi32, #tpu.memory_space<vmem>>, vector<16xi32>,
      %add3A_312 = arith.constant 64 : i32
      %add3A_313 = arith.addi %add3A_220, %add3A_312 : i32
      %add3A_314 = vector.broadcast %add3A_313 : i32 to vector<16xi32>
      %add3A_315 = arith.addi %add3A_314, %iota3A : vector<16xi32>
      %ge3A_316 = vector.broadcast %reduce_sum3A_13 : i32 to vector<16xi32>
      %ge3A_317 = arith.cmpi sge, %add3A_315, %ge3A_316 : vector<16xi32>
      %lt3A_318 = vector.broadcast %reduce_sum3A_28 : i32 to vector<16xi32>
      %lt3A_319 = arith.cmpi slt, %add3A_315, %lt3A_318 : vector<16xi32>
      %and3A_320 = arith.andi %ge3A_317, %lt3A_319 : vector<16xi1>
      %sub3A_321 = vector.broadcast %mul3A_5 : i32 to vector<16xi32>
      %sub3A_322 = arith.subi %get3A_311, %sub3A_321 : vector<16xi32>
      %jit3A_323 = arith.constant 256 : i32
      %broadcast_in_dim3A_324 = vector.broadcast %jit3A_323 : i32 to vector<16xi32>
      %select_n3A_325 = arith.select %and3A_320, %sub3A_322, %broadcast_in_dim3A_324 : vector<16xi1>, vector<16xi32>
      %mul3A_326 = arith.constant 256 : i32
      %mul3A_327 = vector.broadcast %mul3A_326 : i32 to vector<16xi32>
      %mul3A_328 = arith.muli %select_n3A_325, %mul3A_327 : vector<16xi32>
      %swap3A_329 = arith.index_cast %rem3A_215 : i32 to index
      %swap3A_330 = arith.constant 64 : index
      %swap3A_331 = tpu.vector_load %arg12[%swap3A_329, %swap3A_330] {strides = array<i32>} : memref<2x96xi32, #tpu.memory_space<vmem>>, vector<16xi32>,
      tpu.vector_store %arg12[%swap3A_329, %swap3A_330], %mul3A_328 {strides = array<i32>} : memref<2x96xi32, #tpu.memory_space<vmem>>, vector<16xi32>,
      %get3A_332 = arith.index_cast %rem3A_215 : i32 to index
      %get3A_333 = arith.constant 80 : index
      %get3A_334 = tpu.vector_load %arg10[%get3A_332, %get3A_333] {strides = array<i32>} : memref<2x96xi32, #tpu.memory_space<vmem>>, vector<16xi32>,
      %add3A_335 = arith.constant 80 : i32
      %add3A_336 = arith.addi %add3A_220, %add3A_335 : i32
      %add3A_337 = vector.broadcast %add3A_336 : i32 to vector<16xi32>
      %add3A_338 = arith.addi %add3A_337, %iota3A : vector<16xi32>
      %ge3A_339 = vector.broadcast %reduce_sum3A_13 : i32 to vector<16xi32>
      %ge3A_340 = arith.cmpi sge, %add3A_338, %ge3A_339 : vector<16xi32>
      %lt3A_341 = vector.broadcast %reduce_sum3A_28 : i32 to vector<16xi32>
      %lt3A_342 = arith.cmpi slt, %add3A_338, %lt3A_341 : vector<16xi32>
      %and3A_343 = arith.andi %ge3A_340, %lt3A_342 : vector<16xi1>
      %sub3A_344 = vector.broadcast %mul3A_5 : i32 to vector<16xi32>
      %sub3A_345 = arith.subi %get3A_334, %sub3A_344 : vector<16xi32>
      %jit3A_346 = arith.constant 256 : i32
      %broadcast_in_dim3A_347 = vector.broadcast %jit3A_346 : i32 to vector<16xi32>
      %select_n3A_348 = arith.select %and3A_343, %sub3A_345, %broadcast_in_dim3A_347 : vector<16xi1>, vector<16xi32>
      %mul3A_349 = arith.constant 256 : i32
      %mul3A_350 = vector.broadcast %mul3A_349 : i32 to vector<16xi32>
      %mul3A_351 = arith.muli %select_n3A_348, %mul3A_350 : vector<16xi32>
      %swap3A_352 = arith.index_cast %rem3A_215 : i32 to index
      %swap3A_353 = arith.constant 80 : index
      %swap3A_354 = tpu.vector_load %arg12[%swap3A_352, %swap3A_353] {strides = array<i32>} : memref<2x96xi32, #tpu.memory_space<vmem>>, vector<16xi32>,
      tpu.vector_store %arg12[%swap3A_352, %swap3A_353], %mul3A_351 {strides = array<i32>} : memref<2x96xi32, #tpu.memory_space<vmem>>, vector<16xi32>,
      %dma_wait3A = arith.constant 0 : i32
      %dma_wait3A_355 = arith.constant 0 : i32
      %dma_wait3A_356 = tpu.memref_slice %arg13[%rem3A_215, %dma_wait3A, %dma_wait3A_355] : memref<2x96x256xf32, #tpu.memory_space<vmem>> -> memref<1x96x256xf32, #tpu.memory_space<vmem>>
      %dma_wait3A_357 = tpu.memref_squeeze %dma_wait3A_356 : memref<1x96x256xf32, #tpu.memory_space<vmem>> -> memref<96x256xf32, #tpu.memory_space<vmem>>
      %dma_wait3A_358 = arith.constant 0 : i32
      %dma_wait3A_359 = tpu.memref_slice %arg9[%rem3A_215, %dma_wait3A_358] : memref<2x96xi32, #tpu.memory_space<vmem>> -> memref<1x96xi32, #tpu.memory_space<vmem>>
      %dma_wait3A_360 = tpu.memref_squeeze %dma_wait3A_359 : memref<1x96xi32, #tpu.memory_space<vmem>> -> memref<96xi32, #tpu.memory_space<vmem>>
      %dma_wait3A_361 = arith.constant 0 : i32
      %dma_wait3A_362 = arith.constant 0 : i32
      %dma_wait3A_363 = tpu.memref_slice %arg2[%dma_wait3A_361, %dma_wait3A_362] : memref<16384x256xf32, #tpu.memory_space<hbm>> -> memref<16384x256xf32, #tpu.memory_space<hbm>>
      tpu.wait_indirect_dma semaphore(%arg15 : memref<!tpu.dma_semaphore, #tpu.memory_space<semaphore_mem>>) src(%dma_wait3A_363 : memref<16384x256xf32, #tpu.memory_space<hbm>>) dst(%dma_wait3A_357 : memref<96x256xf32, #tpu.memory_space<vmem>>)
      %add3A_364 = arith.constant 1 : i32
      %add3A_365 = arith.addi %while3A_213, %add3A_364 : i32
      %lt3A_366 = arith.cmpi slt, %add3A_365, %max3A_78 : i32
      %convert_element_type3A_367 = arith.extui %lt3A_366 : i1 to i32
      %cond3A_368 = arith.constant 0 : i32
      %cond3A_369 = arith.cmpi ne, %convert_element_type3A_367, %cond3A_368 : i32
      scf.if %cond3A_369 {
        %dma_wait3A_379 = arith.constant 0 : i32
        %dma_wait3A_380 = tpu.memref_slice %arg9[%sub3A_217, %dma_wait3A_379] : memref<2x96xi32, #tpu.memory_space<vmem>> -> memref<1x96xi32, #tpu.memory_space<vmem>>
        %dma_wait3A_381 = tpu.memref_squeeze %dma_wait3A_380 : memref<1x96xi32, #tpu.memory_space<vmem>> -> memref<96xi32, #tpu.memory_space<vmem>>
        %dma_wait3A_382 = arith.constant 0 : i32
        %dma_wait3A_383 = tpu.memref_slice %arg3[%dma_wait3A_382] : memref<268608xi32, #tpu.memory_space<hbm>> -> memref<96xi32, #tpu.memory_space<hbm>>
        %dma_wait3A_384 = arith.constant 0 : i32
        %dma_wait3A_385 = tpu.memref_slice %arg9[%sub3A_217, %dma_wait3A_384] : memref<2x96xi32, #tpu.memory_space<vmem>> -> memref<1x96xi32, #tpu.memory_space<vmem>>
        %dma_wait3A_386 = tpu.memref_squeeze %dma_wait3A_385 : memref<1x96xi32, #tpu.memory_space<vmem>> -> memref<96xi32, #tpu.memory_space<vmem>>
        %dma_wait3A_387 = arith.constant 0 : i32
        %dma_wait3A_388 = tpu.memref_slice %arg3[%dma_wait3A_387] : memref<268608xi32, #tpu.memory_space<hbm>> -> memref<96xi32, #tpu.memory_space<hbm>>
        tpu.wait_dma2 semaphore(%arg16 : memref<!tpu.dma_semaphore, #tpu.memory_space<semaphore_mem>>) src(%dma_wait3A_388 : memref<96xi32, #tpu.memory_space<hbm>>) dst(%dma_wait3A_386 : memref<96xi32, #tpu.memory_space<vmem>>)
        %dma_wait3A_389 = arith.constant 0 : i32
        %dma_wait3A_390 = tpu.memref_slice %arg10[%sub3A_217, %dma_wait3A_389] : memref<2x96xi32, #tpu.memory_space<vmem>> -> memref<1x96xi32, #tpu.memory_space<vmem>>
        %dma_wait3A_391 = tpu.memref_squeeze %dma_wait3A_390 : memref<1x96xi32, #tpu.memory_space<vmem>> -> memref<96xi32, #tpu.memory_space<vmem>>
        %dma_wait3A_392 = arith.constant 0 : i32
        %dma_wait3A_393 = tpu.memref_slice %arg4[%dma_wait3A_392] : memref<268608xi32, #tpu.memory_space<hbm>> -> memref<96xi32, #tpu.memory_space<hbm>>
        %dma_wait3A_394 = arith.constant 0 : i32
        %dma_wait3A_395 = tpu.memref_slice %arg10[%sub3A_217, %dma_wait3A_394] : memref<2x96xi32, #tpu.memory_space<vmem>> -> memref<1x96xi32, #tpu.memory_space<vmem>>
        %dma_wait3A_396 = tpu.memref_squeeze %dma_wait3A_395 : memref<1x96xi32, #tpu.memory_space<vmem>> -> memref<96xi32, #tpu.memory_space<vmem>>
        %dma_wait3A_397 = arith.constant 0 : i32
        %dma_wait3A_398 = tpu.memref_slice %arg4[%dma_wait3A_397] : memref<268608xi32, #tpu.memory_space<hbm>> -> memref<96xi32, #tpu.memory_space<hbm>>
        tpu.wait_dma2 semaphore(%arg16 : memref<!tpu.dma_semaphore, #tpu.memory_space<semaphore_mem>>) src(%dma_wait3A_398 : memref<96xi32, #tpu.memory_space<hbm>>) dst(%dma_wait3A_396 : memref<96xi32, #tpu.memory_space<vmem>>)
        %dma_wait3A_399 = arith.constant 0 : i32
        %dma_wait3A_400 = tpu.memref_slice %arg11[%sub3A_217, %dma_wait3A_399] : memref<2x96xf32, #tpu.memory_space<vmem>> -> memref<1x96xf32, #tpu.memory_space<vmem>>
        %dma_wait3A_401 = tpu.memref_squeeze %dma_wait3A_400 : memref<1x96xf32, #tpu.memory_space<vmem>> -> memref<96xf32, #tpu.memory_space<vmem>>
        %dma_wait3A_402 = arith.constant 0 : i32
        %dma_wait3A_403 = tpu.memref_slice %arg5[%dma_wait3A_402] : memref<268608xf32, #tpu.memory_space<hbm>> -> memref<96xf32, #tpu.memory_space<hbm>>
        %dma_wait3A_404 = arith.constant 0 : i32
        %dma_wait3A_405 = tpu.memref_slice %arg11[%sub3A_217, %dma_wait3A_404] : memref<2x96xf32, #tpu.memory_space<vmem>> -> memref<1x96xf32, #tpu.memory_space<vmem>>
        %dma_wait3A_406 = tpu.memref_squeeze %dma_wait3A_405 : memref<1x96xf32, #tpu.memory_space<vmem>> -> memref<96xf32, #tpu.memory_space<vmem>>
        %dma_wait3A_407 = arith.constant 0 : i32
        %dma_wait3A_408 = tpu.memref_slice %arg5[%dma_wait3A_407] : memref<268608xf32, #tpu.memory_space<hbm>> -> memref<96xf32, #tpu.memory_space<hbm>>
        tpu.wait_dma2 semaphore(%arg16 : memref<!tpu.dma_semaphore, #tpu.memory_space<semaphore_mem>>) src(%dma_wait3A_408 : memref<96xf32, #tpu.memory_space<hbm>>) dst(%dma_wait3A_406 : memref<96xf32, #tpu.memory_space<vmem>>)
        %dma_start3A = arith.constant 0 : i32
        %dma_start3A_409 = arith.constant 0 : i32
        %dma_start3A_410 = tpu.memref_slice %arg13[%sub3A_217, %dma_start3A, %dma_start3A_409] : memref<2x96x256xf32, #tpu.memory_space<vmem>> -> memref<1x96x256xf32, #tpu.memory_space<vmem>>
        %dma_start3A_411 = tpu.memref_squeeze %dma_start3A_410 : memref<1x96x256xf32, #tpu.memory_space<vmem>> -> memref<96x256xf32, #tpu.memory_space<vmem>>
        %dma_start3A_412 = arith.constant 0 : i32
        %dma_start3A_413 = tpu.memref_slice %arg9[%sub3A_217, %dma_start3A_412] : memref<2x96xi32, #tpu.memory_space<vmem>> -> memref<1x96xi32, #tpu.memory_space<vmem>>
        %dma_start3A_414 = tpu.memref_squeeze %dma_start3A_413 : memref<1x96xi32, #tpu.memory_space<vmem>> -> memref<96xi32, #tpu.memory_space<vmem>>
        %dma_start3A_415 = arith.constant 0 : i32
        %dma_start3A_416 = arith.constant 0 : i32
        %dma_start3A_417 = tpu.memref_slice %arg2[%dma_start3A_415, %dma_start3A_416] : memref<16384x256xf32, #tpu.memory_space<hbm>> -> memref<16384x256xf32, #tpu.memory_space<hbm>>
        tpu.enqueue_indirect_dma source(%dma_start3A_417 : memref<16384x256xf32, #tpu.memory_space<hbm>>) target(%dma_start3A_411 : memref<96x256xf32, #tpu.memory_space<vmem>>) offsets(%dma_start3A_414 : memref<96xi32, #tpu.memory_space<vmem>>) semaphore(%arg15 : memref<!tpu.dma_semaphore, #tpu.memory_space<semaphore_mem>>)
      } else {
      }
      %parallel_loop3A_370 = arith.constant 0 : i32
      %parallel_loop3A_371 = arith.constant 96 : i32
      %parallel_loop3A_372 = arith.constant 1 : i32
      scf.for %parallel_loop3A_379 = %parallel_loop3A_370 to %parallel_loop3A_371 step %parallel_loop3A_372  : i32 {
        %parallel_loop3A_380 = vector.broadcast %parallel_loop3A_379 : i32 to vector<16xi32>
        %parallel_loop3A_381 = arith.constant 0 : i32
        %parallel_loop3A_382 = tpu.memref_slice %arg11[%rem3A_215, %parallel_loop3A_381] : memref<2x96xf32, #tpu.memory_space<vmem>> -> memref<1x96xf32, #tpu.memory_space<vmem>>
        %parallel_loop3A_383 = tpu.memref_squeeze %parallel_loop3A_382 : memref<1x96xf32, #tpu.memory_space<vmem>> -> memref<96xf32, #tpu.memory_space<vmem>>
        %parallel_loop3A_384 = tpu.vector_load_idx %parallel_loop3A_383[%parallel_loop3A_380] : memref<96xf32, #tpu.memory_space<vmem>>[vector<16xi32>], vector<16xf32>,
        %parallel_loop3A_385 = arith.constant 0 : i32
        %parallel_loop3A_386 = tpu.memref_slice %arg12[%rem3A_215, %parallel_loop3A_385] : memref<2x96xi32, #tpu.memory_space<vmem>> -> memref<1x96xi32, #tpu.memory_space<vmem>>
        %parallel_loop3A_387 = tpu.memref_squeeze %parallel_loop3A_386 : memref<1x96xi32, #tpu.memory_space<vmem>> -> memref<96xi32, #tpu.memory_space<vmem>>
        %parallel_loop3A_388 = tpu.vector_load_idx %parallel_loop3A_387[%parallel_loop3A_380] : memref<96xi32, #tpu.memory_space<vmem>>[vector<16xi32>], vector<16xi32>,
        %parallel_loop3A_389 = arith.addi %parallel_loop3A_388, %iota3A : vector<16xi32>
        %parallel_loop3A_390 = arith.constant 0 : i32
        %parallel_loop3A_391 = vector.broadcast %parallel_loop3A_390 : i32 to vector<16xi32>
        %parallel_loop3A_392 = arith.addi %parallel_loop3A_389, %parallel_loop3A_391 : vector<16xi32>
        %parallel_loop3A_393 = arith.index_cast %rem3A_215 : i32 to index
        %parallel_loop3A_394 = arith.index_cast %parallel_loop3A_379 : i32 to index
        %parallel_loop3A_395 = arith.constant 0 : index
        %parallel_loop3A_396 = tpu.vector_load %arg13[%parallel_loop3A_393, %parallel_loop3A_394, %parallel_loop3A_395] {strides = array<i32>} : memref<2x96x256xf32, #tpu.memory_space<vmem>>, vector<16xf32>,
        %parallel_loop3A_397 = arith.mulf %parallel_loop3A_396, %parallel_loop3A_384 : vector<16xf32>
        tpu.vector_store_idx %arg14[%parallel_loop3A_392], %parallel_loop3A_397 {add = true} : memref<67584xf32, #tpu.memory_space<vmem>>[vector<16xi32>], vector<16xf32>,
        %parallel_loop3A_398 = arith.constant 16 : i32
        %parallel_loop3A_399 = vector.broadcast %parallel_loop3A_398 : i32 to vector<16xi32>
        %parallel_loop3A_400 = arith.addi %parallel_loop3A_389, %parallel_loop3A_399 : vector<16xi32>
        %parallel_loop3A_401 = arith.index_cast %rem3A_215 : i32 to index
        %parallel_loop3A_402 = arith.index_cast %parallel_loop3A_379 : i32 to index
        %parallel_loop3A_403 = arith.constant 16 : index
        %parallel_loop3A_404 = tpu.vector_load %arg13[%parallel_loop3A_401, %parallel_loop3A_402, %parallel_loop3A_403] {strides = array<i32>} : memref<2x96x256xf32, #tpu.memory_space<vmem>>, vector<16xf32>,
        %parallel_loop3A_405 = arith.mulf %parallel_loop3A_404, %parallel_loop3A_384 : vector<16xf32>
        tpu.vector_store_idx %arg14[%parallel_loop3A_400], %parallel_loop3A_405 {add = true} : memref<67584xf32, #tpu.memory_space<vmem>>[vector<16xi32>], vector<16xf32>,
        %parallel_loop3A_406 = arith.constant 32 : i32
        %parallel_loop3A_407 = vector.broadcast %parallel_loop3A_406 : i32 to vector<16xi32>
        %parallel_loop3A_408 = arith.addi %parallel_loop3A_389, %parallel_loop3A_407 : vector<16xi32>
        %parallel_loop3A_409 = arith.index_cast %rem3A_215 : i32 to index
        %parallel_loop3A_410 = arith.index_cast %parallel_loop3A_379 : i32 to index
        %parallel_loop3A_411 = arith.constant 32 : index
        %parallel_loop3A_412 = tpu.vector_load %arg13[%parallel_loop3A_409, %parallel_loop3A_410, %parallel_loop3A_411] {strides = array<i32>} : memref<2x96x256xf32, #tpu.memory_space<vmem>>, vector<16xf32>,
        %parallel_loop3A_413 = arith.mulf %parallel_loop3A_412, %parallel_loop3A_384 : vector<16xf32>
        tpu.vector_store_idx %arg14[%parallel_loop3A_408], %parallel_loop3A_413 {add = true} : memref<67584xf32, #tpu.memory_space<vmem>>[vector<16xi32>], vector<16xf32>,
        %parallel_loop3A_414 = arith.constant 48 : i32
        %parallel_loop3A_415 = vector.broadcast %parallel_loop3A_414 : i32 to vector<16xi32>
        %parallel_loop3A_416 = arith.addi %parallel_loop3A_389, %parallel_loop3A_415 : vector<16xi32>
        %parallel_loop3A_417 = arith.index_cast %rem3A_215 : i32 to index
        %parallel_loop3A_418 = arith.index_cast %parallel_loop3A_379 : i32 to index
        %parallel_loop3A_419 = arith.constant 48 : index
        %parallel_loop3A_420 = tpu.vector_load %arg13[%parallel_loop3A_417, %parallel_loop3A_418, %parallel_loop3A_419] {strides = array<i32>} : memref<2x96x256xf32, #tpu.memory_space<vmem>>, vector<16xf32>,
        %parallel_loop3A_421 = arith.mulf %parallel_loop3A_420, %parallel_loop3A_384 : vector<16xf32>
        tpu.vector_store_idx %arg14[%parallel_loop3A_416], %parallel_loop3A_421 {add = true} : memref<67584xf32, #tpu.memory_space<vmem>>[vector<16xi32>], vector<16xf32>,
        %parallel_loop3A_422 = arith.constant 64 : i32
        %parallel_loop3A_423 = vector.broadcast %parallel_loop3A_422 : i32 to vector<16xi32>
        %parallel_loop3A_424 = arith.addi %parallel_loop3A_389, %parallel_loop3A_423 : vector<16xi32>
        %parallel_loop3A_425 = arith.index_cast %rem3A_215 : i32 to index
        %parallel_loop3A_426 = arith.index_cast %parallel_loop3A_379 : i32 to index
        %parallel_loop3A_427 = arith.constant 64 : index
        %parallel_loop3A_428 = tpu.vector_load %arg13[%parallel_loop3A_425, %parallel_loop3A_426, %parallel_loop3A_427] {strides = array<i32>} : memref<2x96x256xf32, #tpu.memory_space<vmem>>, vector<16xf32>,
        %parallel_loop3A_429 = arith.mulf %parallel_loop3A_428, %parallel_loop3A_384 : vector<16xf32>
        tpu.vector_store_idx %arg14[%parallel_loop3A_424], %parallel_loop3A_429 {add = true} : memref<67584xf32, #tpu.memory_space<vmem>>[vector<16xi32>], vector<16xf32>,
        %parallel_loop3A_430 = arith.constant 80 : i32
        %parallel_loop3A_431 = vector.broadcast %parallel_loop3A_430 : i32 to vector<16xi32>
        %parallel_loop3A_432 = arith.addi %parallel_loop3A_389, %parallel_loop3A_431 : vector<16xi32>
        %parallel_loop3A_433 = arith.index_cast %rem3A_215 : i32 to index
        %parallel_loop3A_434 = arith.index_cast %parallel_loop3A_379 : i32 to index
        %parallel_loop3A_435 = arith.constant 80 : index
        %parallel_loop3A_436 = tpu.vector_load %arg13[%parallel_loop3A_433, %parallel_loop3A_434, %parallel_loop3A_435] {strides = array<i32>} : memref<2x96x256xf32, #tpu.memory_space<vmem>>, vector<16xf32>,
        %parallel_loop3A_437 = arith.mulf %parallel_loop3A_436, %parallel_loop3A_384 : vector<16xf32>
        tpu.vector_store_idx %arg14[%parallel_loop3A_432], %parallel_loop3A_437 {add = true} : memref<67584xf32, #tpu.memory_space<vmem>>[vector<16xi32>], vector<16xf32>,
        %parallel_loop3A_438 = arith.constant 96 : i32
        %parallel_loop3A_439 = vector.broadcast %parallel_loop3A_438 : i32 to vector<16xi32>
        %parallel_loop3A_440 = arith.addi %parallel_loop3A_389, %parallel_loop3A_439 : vector<16xi32>
        %parallel_loop3A_441 = arith.index_cast %rem3A_215 : i32 to index
        %parallel_loop3A_442 = arith.index_cast %parallel_loop3A_379 : i32 to index
        %parallel_loop3A_443 = arith.constant 96 : index
        %parallel_loop3A_444 = tpu.vector_load %arg13[%parallel_loop3A_441, %parallel_loop3A_442, %parallel_loop3A_443] {strides = array<i32>} : memref<2x96x256xf32, #tpu.memory_space<vmem>>, vector<16xf32>,
        %parallel_loop3A_445 = arith.mulf %parallel_loop3A_444, %parallel_loop3A_384 : vector<16xf32>
        tpu.vector_store_idx %arg14[%parallel_loop3A_440], %parallel_loop3A_445 {add = true} : memref<67584xf32, #tpu.memory_space<vmem>>[vector<16xi32>], vector<16xf32>,
        %parallel_loop3A_446 = arith.constant 112 : i32
        %parallel_loop3A_447 = vector.broadcast %parallel_loop3A_446 : i32 to vector<16xi32>
        %parallel_loop3A_448 = arith.addi %parallel_loop3A_389, %parallel_loop3A_447 : vector<16xi32>
        %parallel_loop3A_449 = arith.index_cast %rem3A_215 : i32 to index
        %parallel_loop3A_450 = arith.index_cast %parallel_loop3A_379 : i32 to index
        %parallel_loop3A_451 = arith.constant 112 : index
        %parallel_loop3A_452 = tpu.vector_load %arg13[%parallel_loop3A_449, %parallel_loop3A_450, %parallel_loop3A_451] {strides = array<i32>} : memref<2x96x256xf32, #tpu.memory_space<vmem>>, vector<16xf32>,
        %parallel_loop3A_453 = arith.mulf %parallel_loop3A_452, %parallel_loop3A_384 : vector<16xf32>
        tpu.vector_store_idx %arg14[%parallel_loop3A_448], %parallel_loop3A_453 {add = true} : memref<67584xf32, #tpu.memory_space<vmem>>[vector<16xi32>], vector<16xf32>,
        %parallel_loop3A_454 = arith.constant 128 : i32
        %parallel_loop3A_455 = vector.broadcast %parallel_loop3A_454 : i32 to vector<16xi32>
        %parallel_loop3A_456 = arith.addi %parallel_loop3A_389, %parallel_loop3A_455 : vector<16xi32>
        %parallel_loop3A_457 = arith.index_cast %rem3A_215 : i32 to index
        %parallel_loop3A_458 = arith.index_cast %parallel_loop3A_379 : i32 to index
        %parallel_loop3A_459 = arith.constant 128 : index
        %parallel_loop3A_460 = tpu.vector_load %arg13[%parallel_loop3A_457, %parallel_loop3A_458, %parallel_loop3A_459] {strides = array<i32>} : memref<2x96x256xf32, #tpu.memory_space<vmem>>, vector<16xf32>,
        %parallel_loop3A_461 = arith.mulf %parallel_loop3A_460, %parallel_loop3A_384 : vector<16xf32>
        tpu.vector_store_idx %arg14[%parallel_loop3A_456], %parallel_loop3A_461 {add = true} : memref<67584xf32, #tpu.memory_space<vmem>>[vector<16xi32>], vector<16xf32>,
        %parallel_loop3A_462 = arith.constant 144 : i32
        %parallel_loop3A_463 = vector.broadcast %parallel_loop3A_462 : i32 to vector<16xi32>
        %parallel_loop3A_464 = arith.addi %parallel_loop3A_389, %parallel_loop3A_463 : vector<16xi32>
        %parallel_loop3A_465 = arith.index_cast %rem3A_215 : i32 to index
        %parallel_loop3A_466 = arith.index_cast %parallel_loop3A_379 : i32 to index
        %parallel_loop3A_467 = arith.constant 144 : index
        %parallel_loop3A_468 = tpu.vector_load %arg13[%parallel_loop3A_465, %parallel_loop3A_466, %parallel_loop3A_467] {strides = array<i32>} : memref<2x96x256xf32, #tpu.memory_space<vmem>>, vector<16xf32>,
        %parallel_loop3A_469 = arith.mulf %parallel_loop3A_468, %parallel_loop3A_384 : vector<16xf32>
        tpu.vector_store_idx %arg14[%parallel_loop3A_464], %parallel_loop3A_469 {add = true} : memref<67584xf32, #tpu.memory_space<vmem>>[vector<16xi32>], vector<16xf32>,
        %parallel_loop3A_470 = arith.constant 160 : i32
        %parallel_loop3A_471 = vector.broadcast %parallel_loop3A_470 : i32 to vector<16xi32>
        %parallel_loop3A_472 = arith.addi %parallel_loop3A_389, %parallel_loop3A_471 : vector<16xi32>
        %parallel_loop3A_473 = arith.index_cast %rem3A_215 : i32 to index
        %parallel_loop3A_474 = arith.index_cast %parallel_loop3A_379 : i32 to index
        %parallel_loop3A_475 = arith.constant 160 : index
        %parallel_loop3A_476 = tpu.vector_load %arg13[%parallel_loop3A_473, %parallel_loop3A_474, %parallel_loop3A_475] {strides = array<i32>} : memref<2x96x256xf32, #tpu.memory_space<vmem>>, vector<16xf32>,
        %parallel_loop3A_477 = arith.mulf %parallel_loop3A_476, %parallel_loop3A_384 : vector<16xf32>
        tpu.vector_store_idx %arg14[%parallel_loop3A_472], %parallel_loop3A_477 {add = true} : memref<67584xf32, #tpu.memory_space<vmem>>[vector<16xi32>], vector<16xf32>,
        %parallel_loop3A_478 = arith.constant 176 : i32
        %parallel_loop3A_479 = vector.broadcast %parallel_loop3A_478 : i32 to vector<16xi32>
        %parallel_loop3A_480 = arith.addi %parallel_loop3A_389, %parallel_loop3A_479 : vector<16xi32>
        %parallel_loop3A_481 = arith.index_cast %rem3A_215 : i32 to index
        %parallel_loop3A_482 = arith.index_cast %parallel_loop3A_379 : i32 to index
        %parallel_loop3A_483 = arith.constant 176 : index
        %parallel_loop3A_484 = tpu.vector_load %arg13[%parallel_loop3A_481, %parallel_loop3A_482, %parallel_loop3A_483] {strides = array<i32>} : memref<2x96x256xf32, #tpu.memory_space<vmem>>, vector<16xf32>,
        %parallel_loop3A_485 = arith.mulf %parallel_loop3A_484, %parallel_loop3A_384 : vector<16xf32>
        tpu.vector_store_idx %arg14[%parallel_loop3A_480], %parallel_loop3A_485 {add = true} : memref<67584xf32, #tpu.memory_space<vmem>>[vector<16xi32>], vector<16xf32>,
        %parallel_loop3A_486 = arith.constant 192 : i32
        %parallel_loop3A_487 = vector.broadcast %parallel_loop3A_486 : i32 to vector<16xi32>
        %parallel_loop3A_488 = arith.addi %parallel_loop3A_389, %parallel_loop3A_487 : vector<16xi32>
        %parallel_loop3A_489 = arith.index_cast %rem3A_215 : i32 to index
        %parallel_loop3A_490 = arith.index_cast %parallel_loop3A_379 : i32 to index
        %parallel_loop3A_491 = arith.constant 192 : index
        %parallel_loop3A_492 = tpu.vector_load %arg13[%parallel_loop3A_489, %parallel_loop3A_490, %parallel_loop3A_491] {strides = array<i32>} : memref<2x96x256xf32, #tpu.memory_space<vmem>>, vector<16xf32>,
        %parallel_loop3A_493 = arith.mulf %parallel_loop3A_492, %parallel_loop3A_384 : vector<16xf32>
        tpu.vector_store_idx %arg14[%parallel_loop3A_488], %parallel_loop3A_493 {add = true} : memref<67584xf32, #tpu.memory_space<vmem>>[vector<16xi32>], vector<16xf32>,
        %parallel_loop3A_494 = arith.constant 208 : i32
        %parallel_loop3A_495 = vector.broadcast %parallel_loop3A_494 : i32 to vector<16xi32>
        %parallel_loop3A_496 = arith.addi %parallel_loop3A_389, %parallel_loop3A_495 : vector<16xi32>
        %parallel_loop3A_497 = arith.index_cast %rem3A_215 : i32 to index
        %parallel_loop3A_498 = arith.index_cast %parallel_loop3A_379 : i32 to index
        %parallel_loop3A_499 = arith.constant 208 : index
        %parallel_loop3A_500 = tpu.vector_load %arg13[%parallel_loop3A_497, %parallel_loop3A_498, %parallel_loop3A_499] {strides = array<i32>} : memref<2x96x256xf32, #tpu.memory_space<vmem>>, vector<16xf32>,
        %parallel_loop3A_501 = arith.mulf %parallel_loop3A_500, %parallel_loop3A_384 : vector<16xf32>
        tpu.vector_store_idx %arg14[%parallel_loop3A_496], %parallel_loop3A_501 {add = true} : memref<67584xf32, #tpu.memory_space<vmem>>[vector<16xi32>], vector<16xf32>,
        %parallel_loop3A_502 = arith.constant 224 : i32
        %parallel_loop3A_503 = vector.broadcast %parallel_loop3A_502 : i32 to vector<16xi32>
        %parallel_loop3A_504 = arith.addi %parallel_loop3A_389, %parallel_loop3A_503 : vector<16xi32>
        %parallel_loop3A_505 = arith.index_cast %rem3A_215 : i32 to index
        %parallel_loop3A_506 = arith.index_cast %parallel_loop3A_379 : i32 to index
        %parallel_loop3A_507 = arith.constant 224 : index
        %parallel_loop3A_508 = tpu.vector_load %arg13[%parallel_loop3A_505, %parallel_loop3A_506, %parallel_loop3A_507] {strides = array<i32>} : memref<2x96x256xf32, #tpu.memory_space<vmem>>, vector<16xf32>,
        %parallel_loop3A_509 = arith.mulf %parallel_loop3A_508, %parallel_loop3A_384 : vector<16xf32>
        tpu.vector_store_idx %arg14[%parallel_loop3A_504], %parallel_loop3A_509 {add = true} : memref<67584xf32, #tpu.memory_space<vmem>>[vector<16xi32>], vector<16xf32>,
        %parallel_loop3A_510 = arith.constant 240 : i32
        %parallel_loop3A_511 = vector.broadcast %parallel_loop3A_510 : i32 to vector<16xi32>
        %parallel_loop3A_512 = arith.addi %parallel_loop3A_389, %parallel_loop3A_511 : vector<16xi32>
        %parallel_loop3A_513 = arith.index_cast %rem3A_215 : i32 to index
        %parallel_loop3A_514 = arith.index_cast %parallel_loop3A_379 : i32 to index
        %parallel_loop3A_515 = arith.constant 240 : index
        %parallel_loop3A_516 = tpu.vector_load %arg13[%parallel_loop3A_513, %parallel_loop3A_514, %parallel_loop3A_515] {strides = array<i32>} : memref<2x96x256xf32, #tpu.memory_space<vmem>>, vector<16xf32>,
        %parallel_loop3A_517 = arith.mulf %parallel_loop3A_516, %parallel_loop3A_384 : vector<16xf32>
        tpu.vector_store_idx %arg14[%parallel_loop3A_512], %parallel_loop3A_517 {add = true} : memref<67584xf32, #tpu.memory_space<vmem>>[vector<16xi32>], vector<16xf32>,
      } {sc.loop_unroll_factor = 4 : i64, sc.parallel_access}
      %add3A_373 = arith.constant 2 : i32
      %add3A_374 = arith.addi %while3A_213, %add3A_373 : i32
      %lt3A_375 = arith.cmpi slt, %add3A_374, %max3A_78 : i32
      %convert_element_type3A_376 = arith.extui %lt3A_375 : i1 to i32
      %cond3A_377 = arith.constant 0 : i32
      %cond3A_378 = arith.cmpi ne, %convert_element_type3A_376, %cond3A_377 : i32
      scf.if %cond3A_378 {
        %add3A_379 = arith.constant 2 : i32
        %add3A_380 = arith.addi %while3A_213, %add3A_379 : i32
        %mul3A_381 = arith.constant 96 : i32
        %mul3A_382 = arith.muli %add3A_380, %mul3A_381 : i32
        %add3A_383 = arith.addi %mul3A_48, %mul3A_382 : i32
        %dma_start3A = arith.constant 0 : i32
        %dma_start3A_384 = tpu.memref_slice %arg9[%rem3A_215, %dma_start3A] : memref<2x96xi32, #tpu.memory_space<vmem>> -> memref<1x96xi32, #tpu.memory_space<vmem>>
        %dma_start3A_385 = tpu.memref_squeeze %dma_start3A_384 : memref<1x96xi32, #tpu.memory_space<vmem>> -> memref<96xi32, #tpu.memory_space<vmem>>
        %dma_start3A_386 = tpu.memref_slice %arg3[%add3A_383] : memref<268608xi32, #tpu.memory_space<hbm>> -> memref<96xi32, #tpu.memory_space<hbm>>
        %dma_start3A_387 = arith.constant 0 : i32
        %dma_start3A_388 = tpu.memref_slice %arg9[%rem3A_215, %dma_start3A_387] : memref<2x96xi32, #tpu.memory_space<vmem>> -> memref<1x96xi32, #tpu.memory_space<vmem>>
        %dma_start3A_389 = tpu.memref_squeeze %dma_start3A_388 : memref<1x96xi32, #tpu.memory_space<vmem>> -> memref<96xi32, #tpu.memory_space<vmem>>
        %dma_start3A_390 = tpu.memref_slice %arg3[%add3A_383] : memref<268608xi32, #tpu.memory_space<hbm>> -> memref<96xi32, #tpu.memory_space<hbm>>
        tpu.enqueue_dma source(%dma_start3A_390 : memref<96xi32, #tpu.memory_space<hbm>>) target(%dma_start3A_389 : memref<96xi32, #tpu.memory_space<vmem>>) target_semaphore(%arg16 : memref<!tpu.dma_semaphore, #tpu.memory_space<semaphore_mem>>)
        %dma_start3A_391 = arith.constant 0 : i32
        %dma_start3A_392 = tpu.memref_slice %arg10[%rem3A_215, %dma_start3A_391] : memref<2x96xi32, #tpu.memory_space<vmem>> -> memref<1x96xi32, #tpu.memory_space<vmem>>
        %dma_start3A_393 = tpu.memref_squeeze %dma_start3A_392 : memref<1x96xi32, #tpu.memory_space<vmem>> -> memref<96xi32, #tpu.memory_space<vmem>>
        %dma_start3A_394 = tpu.memref_slice %arg4[%add3A_383] : memref<268608xi32, #tpu.memory_space<hbm>> -> memref<96xi32, #tpu.memory_space<hbm>>
        %dma_start3A_395 = arith.constant 0 : i32
        %dma_start3A_396 = tpu.memref_slice %arg10[%rem3A_215, %dma_start3A_395] : memref<2x96xi32, #tpu.memory_space<vmem>> -> memref<1x96xi32, #tpu.memory_space<vmem>>
        %dma_start3A_397 = tpu.memref_squeeze %dma_start3A_396 : memref<1x96xi32, #tpu.memory_space<vmem>> -> memref<96xi32, #tpu.memory_space<vmem>>
        %dma_start3A_398 = tpu.memref_slice %arg4[%add3A_383] : memref<268608xi32, #tpu.memory_space<hbm>> -> memref<96xi32, #tpu.memory_space<hbm>>
        tpu.enqueue_dma source(%dma_start3A_398 : memref<96xi32, #tpu.memory_space<hbm>>) target(%dma_start3A_397 : memref<96xi32, #tpu.memory_space<vmem>>) target_semaphore(%arg16 : memref<!tpu.dma_semaphore, #tpu.memory_space<semaphore_mem>>)
        %dma_start3A_399 = arith.constant 0 : i32
        %dma_start3A_400 = tpu.memref_slice %arg11[%rem3A_215, %dma_start3A_399] : memref<2x96xf32, #tpu.memory_space<vmem>> -> memref<1x96xf32, #tpu.memory_space<vmem>>
        %dma_start3A_401 = tpu.memref_squeeze %dma_start3A_400 : memref<1x96xf32, #tpu.memory_space<vmem>> -> memref<96xf32, #tpu.memory_space<vmem>>
        %dma_start3A_402 = tpu.memref_slice %arg5[%add3A_383] : memref<268608xf32, #tpu.memory_space<hbm>> -> memref<96xf32, #tpu.memory_space<hbm>>
        %dma_start3A_403 = arith.constant 0 : i32
        %dma_start3A_404 = tpu.memref_slice %arg11[%rem3A_215, %dma_start3A_403] : memref<2x96xf32, #tpu.memory_space<vmem>> -> memref<1x96xf32, #tpu.memory_space<vmem>>
        %dma_start3A_405 = tpu.memref_squeeze %dma_start3A_404 : memref<1x96xf32, #tpu.memory_space<vmem>> -> memref<96xf32, #tpu.memory_space<vmem>>
        %dma_start3A_406 = tpu.memref_slice %arg5[%add3A_383] : memref<268608xf32, #tpu.memory_space<hbm>> -> memref<96xf32, #tpu.memory_space<hbm>>
        tpu.enqueue_dma source(%dma_start3A_406 : memref<96xf32, #tpu.memory_space<hbm>>) target(%dma_start3A_405 : memref<96xf32, #tpu.memory_space<vmem>>) target_semaphore(%arg16 : memref<!tpu.dma_semaphore, #tpu.memory_space<semaphore_mem>>)
      } else {
      }
    }
    %mul3A_97 = arith.constant 256 : i32
    %mul3A_98 = arith.muli %mul3A_5, %mul3A_97 : i32
    "tpu.region"() ({
      %run_scoped3A = tpu.sem_alloc : memref<!tpu.dma_semaphore, #tpu.memory_space<semaphore_mem>>
      %dma_start3A = arith.constant 0 : i32
      %dma_start3A_213 = tpu.memref_slice %arg14[%dma_start3A] : memref<67584xf32, #tpu.memory_space<vmem>> -> memref<65536xf32, #tpu.memory_space<vmem>>
      %dma_start3A_214 = tpu.memref_slice %arg7[%mul3A_98] : memref<4194304xf32, #tpu.memory_space<hbm>> -> memref<65536xf32, #tpu.memory_space<hbm>>
      %dma_start3A_215 = tpu.memref_slice %arg7[%mul3A_98] : memref<4194304xf32, #tpu.memory_space<hbm>> -> memref<65536xf32, #tpu.memory_space<hbm>>
      %dma_start3A_216 = arith.constant 0 : i32
      %dma_start3A_217 = tpu.memref_slice %arg14[%dma_start3A_216] : memref<67584xf32, #tpu.memory_space<vmem>> -> memref<65536xf32, #tpu.memory_space<vmem>>
      tpu.enqueue_dma source(%dma_start3A_217 : memref<65536xf32, #tpu.memory_space<vmem>>) target(%dma_start3A_215 : memref<65536xf32, #tpu.memory_space<hbm>>) target_semaphore(%run_scoped3A : memref<!tpu.dma_semaphore, #tpu.memory_space<semaphore_mem>>)
      %dma_wait3A = arith.constant 0 : i32
      %dma_wait3A_218 = tpu.memref_slice %arg14[%dma_wait3A] : memref<67584xf32, #tpu.memory_space<vmem>> -> memref<65536xf32, #tpu.memory_space<vmem>>
      %dma_wait3A_219 = tpu.memref_slice %arg7[%mul3A_98] : memref<4194304xf32, #tpu.memory_space<hbm>> -> memref<65536xf32, #tpu.memory_space<hbm>>
      %dma_wait3A_220 = tpu.memref_slice %arg7[%mul3A_98] : memref<4194304xf32, #tpu.memory_space<hbm>> -> memref<65536xf32, #tpu.memory_space<hbm>>
      %dma_wait3A_221 = arith.constant 0 : i32
      %dma_wait3A_222 = tpu.memref_slice %arg14[%dma_wait3A_221] : memref<67584xf32, #tpu.memory_space<vmem>> -> memref<65536xf32, #tpu.memory_space<vmem>>
      tpu.wait_dma2 semaphore(%run_scoped3A : memref<!tpu.dma_semaphore, #tpu.memory_space<semaphore_mem>>) src(%dma_wait3A_222 : memref<65536xf32, #tpu.memory_space<vmem>>) dst(%dma_wait3A_220 : memref<65536xf32, #tpu.memory_space<hbm>>)
      tpu.yield
    }) : () -> ()
    %add3A_99 = arith.constant 32 : i32
    %add3A_100 = arith.addi %add3A_99, %add3A : i32
    %mul3A_101 = arith.constant 256 : i32
    %mul3A_102 = arith.muli %add3A_100, %mul3A_101 : i32
    %broadcast_in_dim3A_103 = vector.broadcast %add3A_100 : i32 to vector<16xi32>
    %gather3A_104 = tpu.vector_load_idx %arg8[%broadcast_in_dim3A_103] : memref<72xi32, #tpu.memory_space<vmem>>[vector<16xi32>], vector<16xi32>,
    %iota3A_105 = tpu.iota {dimensions = array<i32: 0>} : vector<16xi32>
    %eq3A_106 = arith.constant 0 : i32
    %eq3A_107 = vector.broadcast %eq3A_106 : i32 to vector<16xi32>
    %eq3A_108 = arith.cmpi eq, %iota3A_105, %eq3A_107 : vector<16xi32>
    %jit3A_109 = arith.constant 0 : i32
    %broadcast_in_dim3A_110 = vector.broadcast %jit3A_109 : i32 to vector<16xi32>
    %select_n3A_111 = arith.select %eq3A_108, %gather3A_104, %broadcast_in_dim3A_110 : vector<16xi1>, vector<16xi32>
    %reduce_sum3A_112 = arith.constant true
    %reduce_sum3A_113 = vector.broadcast %reduce_sum3A_112 : i1 to vector<16xi1>
    %reduce_sum3A_114 = tpu.scan <sum>, %select_n3A_111 masked %reduce_sum3A_113 : vector<16xi32>, vector<16xi1> -> vector<16xi32>
    %reduce_sum3A_115 = vector.extract %reduce_sum3A_114[15] : i32 from vector<16xi32>
    %add3A_116 = arith.constant 1 : i32
    %add3A_117 = arith.addi %add3A_100, %add3A_116 : i32
    %broadcast_in_dim3A_118 = vector.broadcast %add3A_117 : i32 to vector<16xi32>
    %gather3A_119 = tpu.vector_load_idx %arg8[%broadcast_in_dim3A_118] : memref<72xi32, #tpu.memory_space<vmem>>[vector<16xi32>], vector<16xi32>,
    %iota3A_120 = tpu.iota {dimensions = array<i32: 0>} : vector<16xi32>
    %eq3A_121 = arith.constant 0 : i32
    %eq3A_122 = vector.broadcast %eq3A_121 : i32 to vector<16xi32>
    %eq3A_123 = arith.cmpi eq, %iota3A_120, %eq3A_122 : vector<16xi32>
    %jit3A_124 = arith.constant 0 : i32
    %broadcast_in_dim3A_125 = vector.broadcast %jit3A_124 : i32 to vector<16xi32>
    %select_n3A_126 = arith.select %eq3A_123, %gather3A_119, %broadcast_in_dim3A_125 : vector<16xi1>, vector<16xi32>
    %reduce_sum3A_127 = arith.constant true
    %reduce_sum3A_128 = vector.broadcast %reduce_sum3A_127 : i1 to vector<16xi1>
    %reduce_sum3A_129 = tpu.scan <sum>, %select_n3A_126 masked %reduce_sum3A_128 : vector<16xi32>, vector<16xi1> -> vector<16xi32>
    %reduce_sum3A_130 = vector.extract %reduce_sum3A_129[15] : i32 from vector<16xi32>
    %jit3A_131 = arith.constant 8 : i32
    %div3A_132 = arith.divsi %reduce_sum3A_115, %jit3A_131 : i32
    %sign3A_133 = arith.constant 0 : i32
    %sign3A_134 = arith.cmpi sgt, %reduce_sum3A_115, %sign3A_133 : i32
    %sign3A_135 = arith.extui %sign3A_134 : i1 to i32
    %sign3A_136 = arith.constant 0 : i32
    %sign3A_137 = arith.cmpi slt, %reduce_sum3A_115, %sign3A_136 : i32
    %sign3A_138 = arith.extui %sign3A_137 : i1 to i32
    %sign3A_139 = arith.subi %sign3A_135, %sign3A_138 : i32
    %sign3A_140 = arith.constant 0 : i32
    %sign3A_141 = arith.cmpi sgt, %jit3A_131, %sign3A_140 : i32
    %sign3A_142 = arith.extui %sign3A_141 : i1 to i32
    %sign3A_143 = arith.constant 0 : i32
    %sign3A_144 = arith.cmpi slt, %jit3A_131, %sign3A_143 : i32
    %sign3A_145 = arith.extui %sign3A_144 : i1 to i32
    %sign3A_146 = arith.subi %sign3A_142, %sign3A_145 : i32
    %ne3A_147 = arith.cmpi ne, %sign3A_139, %sign3A_146 : i32
    %rem3A_148 = arith.remsi %reduce_sum3A_115, %jit3A_131 : i32
    %ne3A_149 = arith.constant 0 : i32
    %ne3A_150 = arith.cmpi ne, %rem3A_148, %ne3A_149 : i32
    %and3A_151 = arith.andi %ne3A_147, %ne3A_150 : i1
    %sub3A_152 = arith.constant 1 : i32
    %sub3A_153 = arith.subi %div3A_132, %sub3A_152 : i32
    %select_n3A_154 = arith.select %and3A_151, %sub3A_153, %div3A_132 : i32
    %mul3A_155 = arith.constant 8 : i32
    %mul3A_156 = arith.muli %select_n3A_154, %mul3A_155 : i32
    %sub3A_157 = arith.subi %reduce_sum3A_130, %mul3A_156 : i32
    %add3A_158 = arith.constant 96 : i32
    %add3A_159 = arith.addi %sub3A_157, %add3A_158 : i32
    %sub3A_160 = arith.constant 1 : i32
    %sub3A_161 = arith.subi %add3A_159, %sub3A_160 : i32
    %jit3A_162 = arith.constant 96 : i32
    %div3A_163 = arith.divsi %sub3A_161, %jit3A_162 : i32
    %sign3A_164 = arith.constant 0 : i32
    %sign3A_165 = arith.cmpi sgt, %sub3A_161, %sign3A_164 : i32
    %sign3A_166 = arith.extui %sign3A_165 : i1 to i32
    %sign3A_167 = arith.constant 0 : i32
    %sign3A_168 = arith.cmpi slt, %sub3A_161, %sign3A_167 : i32
    %sign3A_169 = arith.extui %sign3A_168 : i1 to i32
    %sign3A_170 = arith.subi %sign3A_166, %sign3A_169 : i32
    %sign3A_171 = arith.constant 0 : i32
    %sign3A_172 = arith.cmpi sgt, %jit3A_162, %sign3A_171 : i32
    %sign3A_173 = arith.extui %sign3A_172 : i1 to i32
    %sign3A_174 = arith.constant 0 : i32
    %sign3A_175 = arith.cmpi slt, %jit3A_162, %sign3A_174 : i32
    %sign3A_176 = arith.extui %sign3A_175 : i1 to i32
    %sign3A_177 = arith.subi %sign3A_173, %sign3A_176 : i32
    %ne3A_178 = arith.cmpi ne, %sign3A_170, %sign3A_177 : i32
    %rem3A_179 = arith.remsi %sub3A_161, %jit3A_162 : i32
    %ne3A_180 = arith.constant 0 : i32
    %ne3A_181 = arith.cmpi ne, %rem3A_179, %ne3A_180 : i32
    %and3A_182 = arith.andi %ne3A_178, %ne3A_181 : i1
    %sub3A_183 = arith.constant 1 : i32
    %sub3A_184 = arith.subi %div3A_163, %sub3A_183 : i32
    %select_n3A_185 = arith.select %and3A_182, %sub3A_184, %div3A_163 : i32
    %max3A_186 = arith.constant 0 : i32
    %max3A_187 = arith.maxsi %select_n3A_185, %max3A_186 : i32
    %parallel_loop3A_188 = arith.constant 0 : i32
    %parallel_loop3A_189 = arith.constant 264 : i32
    %parallel_loop3A_190 = arith.constant 1 : i32
    scf.for %parallel_loop3A_213 = %parallel_loop3A_188 to %parallel_loop3A_189 step %parallel_loop3A_190  : i32 {
      %parallel_loop3A_214 = arith.constant 256 : i32
      %parallel_loop3A_215 = arith.muli %parallel_loop3A_213, %parallel_loop3A_214 : i32
      %parallel_loop3A_216 = arith.constant 0 : i32
      %parallel_loop3A_217 = arith.addi %parallel_loop3A_215, %parallel_loop3A_216 : i32
      %parallel_loop3A_218 = arith.index_cast %parallel_loop3A_217 : i32 to index
      %parallel_loop3A_219 = tpu.vector_load %arg14[%parallel_loop3A_218] {strides = array<i32>} : memref<67584xf32, #tpu.memory_space<vmem>>, vector<16xf32>,
      tpu.vector_store %arg14[%parallel_loop3A_218], %broadcast_in_dim3A_1 {strides = array<i32>} : memref<67584xf32, #tpu.memory_space<vmem>>, vector<16xf32>,
      %parallel_loop3A_220 = arith.constant 256 : i32
      %parallel_loop3A_221 = arith.muli %parallel_loop3A_213, %parallel_loop3A_220 : i32
      %parallel_loop3A_222 = arith.constant 16 : i32
      %parallel_loop3A_223 = arith.addi %parallel_loop3A_221, %parallel_loop3A_222 : i32
      %parallel_loop3A_224 = arith.index_cast %parallel_loop3A_223 : i32 to index
      %parallel_loop3A_225 = tpu.vector_load %arg14[%parallel_loop3A_224] {strides = array<i32>} : memref<67584xf32, #tpu.memory_space<vmem>>, vector<16xf32>,
      tpu.vector_store %arg14[%parallel_loop3A_224], %broadcast_in_dim3A_1 {strides = array<i32>} : memref<67584xf32, #tpu.memory_space<vmem>>, vector<16xf32>,
      %parallel_loop3A_226 = arith.constant 256 : i32
      %parallel_loop3A_227 = arith.muli %parallel_loop3A_213, %parallel_loop3A_226 : i32
      %parallel_loop3A_228 = arith.constant 32 : i32
      %parallel_loop3A_229 = arith.addi %parallel_loop3A_227, %parallel_loop3A_228 : i32
      %parallel_loop3A_230 = arith.index_cast %parallel_loop3A_229 : i32 to index
      %parallel_loop3A_231 = tpu.vector_load %arg14[%parallel_loop3A_230] {strides = array<i32>} : memref<67584xf32, #tpu.memory_space<vmem>>, vector<16xf32>,
      tpu.vector_store %arg14[%parallel_loop3A_230], %broadcast_in_dim3A_1 {strides = array<i32>} : memref<67584xf32, #tpu.memory_space<vmem>>, vector<16xf32>,
      %parallel_loop3A_232 = arith.constant 256 : i32
      %parallel_loop3A_233 = arith.muli %parallel_loop3A_213, %parallel_loop3A_232 : i32
      %parallel_loop3A_234 = arith.constant 48 : i32
      %parallel_loop3A_235 = arith.addi %parallel_loop3A_233, %parallel_loop3A_234 : i32
      %parallel_loop3A_236 = arith.index_cast %parallel_loop3A_235 : i32 to index
      %parallel_loop3A_237 = tpu.vector_load %arg14[%parallel_loop3A_236] {strides = array<i32>} : memref<67584xf32, #tpu.memory_space<vmem>>, vector<16xf32>,
      tpu.vector_store %arg14[%parallel_loop3A_236], %broadcast_in_dim3A_1 {strides = array<i32>} : memref<67584xf32, #tpu.memory_space<vmem>>, vector<16xf32>,
      %parallel_loop3A_238 = arith.constant 256 : i32
      %parallel_loop3A_239 = arith.muli %parallel_loop3A_213, %parallel_loop3A_238 : i32
      %parallel_loop3A_240 = arith.constant 64 : i32
      %parallel_loop3A_241 = arith.addi %parallel_loop3A_239, %parallel_loop3A_240 : i32
      %parallel_loop3A_242 = arith.index_cast %parallel_loop3A_241 : i32 to index
      %parallel_loop3A_243 = tpu.vector_load %arg14[%parallel_loop3A_242] {strides = array<i32>} : memref<67584xf32, #tpu.memory_space<vmem>>, vector<16xf32>,
      tpu.vector_store %arg14[%parallel_loop3A_242], %broadcast_in_dim3A_1 {strides = array<i32>} : memref<67584xf32, #tpu.memory_space<vmem>>, vector<16xf32>,
      %parallel_loop3A_244 = arith.constant 256 : i32
      %parallel_loop3A_245 = arith.muli %parallel_loop3A_213, %parallel_loop3A_244 : i32
      %parallel_loop3A_246 = arith.constant 80 : i32
      %parallel_loop3A_247 = arith.addi %parallel_loop3A_245, %parallel_loop3A_246 : i32
      %parallel_loop3A_248 = arith.index_cast %parallel_loop3A_247 : i32 to index
      %parallel_loop3A_249 = tpu.vector_load %arg14[%parallel_loop3A_248] {strides = array<i32>} : memref<67584xf32, #tpu.memory_space<vmem>>, vector<16xf32>,
      tpu.vector_store %arg14[%parallel_loop3A_248], %broadcast_in_dim3A_1 {strides = array<i32>} : memref<67584xf32, #tpu.memory_space<vmem>>, vector<16xf32>,
      %parallel_loop3A_250 = arith.constant 256 : i32
      %parallel_loop3A_251 = arith.muli %parallel_loop3A_213, %parallel_loop3A_250 : i32
      %parallel_loop3A_252 = arith.constant 96 : i32
      %parallel_loop3A_253 = arith.addi %parallel_loop3A_251, %parallel_loop3A_252 : i32
      %parallel_loop3A_254 = arith.index_cast %parallel_loop3A_253 : i32 to index
      %parallel_loop3A_255 = tpu.vector_load %arg14[%parallel_loop3A_254] {strides = array<i32>} : memref<67584xf32, #tpu.memory_space<vmem>>, vector<16xf32>,
      tpu.vector_store %arg14[%parallel_loop3A_254], %broadcast_in_dim3A_1 {strides = array<i32>} : memref<67584xf32, #tpu.memory_space<vmem>>, vector<16xf32>,
      %parallel_loop3A_256 = arith.constant 256 : i32
      %parallel_loop3A_257 = arith.muli %parallel_loop3A_213, %parallel_loop3A_256 : i32
      %parallel_loop3A_258 = arith.constant 112 : i32
      %parallel_loop3A_259 = arith.addi %parallel_loop3A_257, %parallel_loop3A_258 : i32
      %parallel_loop3A_260 = arith.index_cast %parallel_loop3A_259 : i32 to index
      %parallel_loop3A_261 = tpu.vector_load %arg14[%parallel_loop3A_260] {strides = array<i32>} : memref<67584xf32, #tpu.memory_space<vmem>>, vector<16xf32>,
      tpu.vector_store %arg14[%parallel_loop3A_260], %broadcast_in_dim3A_1 {strides = array<i32>} : memref<67584xf32, #tpu.memory_space<vmem>>, vector<16xf32>,
      %parallel_loop3A_262 = arith.constant 256 : i32
      %parallel_loop3A_263 = arith.muli %parallel_loop3A_213, %parallel_loop3A_262 : i32
      %parallel_loop3A_264 = arith.constant 128 : i32
      %parallel_loop3A_265 = arith.addi %parallel_loop3A_263, %parallel_loop3A_264 : i32
      %parallel_loop3A_266 = arith.index_cast %parallel_loop3A_265 : i32 to index
      %parallel_loop3A_267 = tpu.vector_load %arg14[%parallel_loop3A_266] {strides = array<i32>} : memref<67584xf32, #tpu.memory_space<vmem>>, vector<16xf32>,
      tpu.vector_store %arg14[%parallel_loop3A_266], %broadcast_in_dim3A_1 {strides = array<i32>} : memref<67584xf32, #tpu.memory_space<vmem>>, vector<16xf32>,
      %parallel_loop3A_268 = arith.constant 256 : i32
      %parallel_loop3A_269 = arith.muli %parallel_loop3A_213, %parallel_loop3A_268 : i32
      %parallel_loop3A_270 = arith.constant 144 : i32
      %parallel_loop3A_271 = arith.addi %parallel_loop3A_269, %parallel_loop3A_270 : i32
      %parallel_loop3A_272 = arith.index_cast %parallel_loop3A_271 : i32 to index
      %parallel_loop3A_273 = tpu.vector_load %arg14[%parallel_loop3A_272] {strides = array<i32>} : memref<67584xf32, #tpu.memory_space<vmem>>, vector<16xf32>,
      tpu.vector_store %arg14[%parallel_loop3A_272], %broadcast_in_dim3A_1 {strides = array<i32>} : memref<67584xf32, #tpu.memory_space<vmem>>, vector<16xf32>,
      %parallel_loop3A_274 = arith.constant 256 : i32
      %parallel_loop3A_275 = arith.muli %parallel_loop3A_213, %parallel_loop3A_274 : i32
      %parallel_loop3A_276 = arith.constant 160 : i32
      %parallel_loop3A_277 = arith.addi %parallel_loop3A_275, %parallel_loop3A_276 : i32
      %parallel_loop3A_278 = arith.index_cast %parallel_loop3A_277 : i32 to index
      %parallel_loop3A_279 = tpu.vector_load %arg14[%parallel_loop3A_278] {strides = array<i32>} : memref<67584xf32, #tpu.memory_space<vmem>>, vector<16xf32>,
      tpu.vector_store %arg14[%parallel_loop3A_278], %broadcast_in_dim3A_1 {strides = array<i32>} : memref<67584xf32, #tpu.memory_space<vmem>>, vector<16xf32>,
      %parallel_loop3A_280 = arith.constant 256 : i32
      %parallel_loop3A_281 = arith.muli %parallel_loop3A_213, %parallel_loop3A_280 : i32
      %parallel_loop3A_282 = arith.constant 176 : i32
      %parallel_loop3A_283 = arith.addi %parallel_loop3A_281, %parallel_loop3A_282 : i32
      %parallel_loop3A_284 = arith.index_cast %parallel_loop3A_283 : i32 to index
      %parallel_loop3A_285 = tpu.vector_load %arg14[%parallel_loop3A_284] {strides = array<i32>} : memref<67584xf32, #tpu.memory_space<vmem>>, vector<16xf32>,
      tpu.vector_store %arg14[%parallel_loop3A_284], %broadcast_in_dim3A_1 {strides = array<i32>} : memref<67584xf32, #tpu.memory_space<vmem>>, vector<16xf32>,
      %parallel_loop3A_286 = arith.constant 256 : i32
      %parallel_loop3A_287 = arith.muli %parallel_loop3A_213, %parallel_loop3A_286 : i32
      %parallel_loop3A_288 = arith.constant 192 : i32
      %parallel_loop3A_289 = arith.addi %parallel_loop3A_287, %parallel_loop3A_288 : i32
      %parallel_loop3A_290 = arith.index_cast %parallel_loop3A_289 : i32 to index
      %parallel_loop3A_291 = tpu.vector_load %arg14[%parallel_loop3A_290] {strides = array<i32>} : memref<67584xf32, #tpu.memory_space<vmem>>, vector<16xf32>,
      tpu.vector_store %arg14[%parallel_loop3A_290], %broadcast_in_dim3A_1 {strides = array<i32>} : memref<67584xf32, #tpu.memory_space<vmem>>, vector<16xf32>,
      %parallel_loop3A_292 = arith.constant 256 : i32
      %parallel_loop3A_293 = arith.muli %parallel_loop3A_213, %parallel_loop3A_292 : i32
      %parallel_loop3A_294 = arith.constant 208 : i32
      %parallel_loop3A_295 = arith.addi %parallel_loop3A_293, %parallel_loop3A_294 : i32
      %parallel_loop3A_296 = arith.index_cast %parallel_loop3A_295 : i32 to index
      %parallel_loop3A_297 = tpu.vector_load %arg14[%parallel_loop3A_296] {strides = array<i32>} : memref<67584xf32, #tpu.memory_space<vmem>>, vector<16xf32>,
      tpu.vector_store %arg14[%parallel_loop3A_296], %broadcast_in_dim3A_1 {strides = array<i32>} : memref<67584xf32, #tpu.memory_space<vmem>>, vector<16xf32>,
      %parallel_loop3A_298 = arith.constant 256 : i32
      %parallel_loop3A_299 = arith.muli %parallel_loop3A_213, %parallel_loop3A_298 : i32
      %parallel_loop3A_300 = arith.constant 224 : i32
      %parallel_loop3A_301 = arith.addi %parallel_loop3A_299, %parallel_loop3A_300 : i32
      %parallel_loop3A_302 = arith.index_cast %parallel_loop3A_301 : i32 to index
      %parallel_loop3A_303 = tpu.vector_load %arg14[%parallel_loop3A_302] {strides = array<i32>} : memref<67584xf32, #tpu.memory_space<vmem>>, vector<16xf32>,
      tpu.vector_store %arg14[%parallel_loop3A_302], %broadcast_in_dim3A_1 {strides = array<i32>} : memref<67584xf32, #tpu.memory_space<vmem>>, vector<16xf32>,
      %parallel_loop3A_304 = arith.constant 256 : i32
      %parallel_loop3A_305 = arith.muli %parallel_loop3A_213, %parallel_loop3A_304 : i32
      %parallel_loop3A_306 = arith.constant 240 : i32
      %parallel_loop3A_307 = arith.addi %parallel_loop3A_305, %parallel_loop3A_306 : i32
      %parallel_loop3A_308 = arith.index_cast %parallel_loop3A_307 : i32 to index
      %parallel_loop3A_309 = tpu.vector_load %arg14[%parallel_loop3A_308] {strides = array<i32>} : memref<67584xf32, #tpu.memory_space<vmem>>, vector<16xf32>,
      tpu.vector_store %arg14[%parallel_loop3A_308], %broadcast_in_dim3A_1 {strides = array<i32>} : memref<67584xf32, #tpu.memory_space<vmem>>, vector<16xf32>,
    } {sc.loop_unroll_factor = 4 : i64, sc.parallel_access}
    %gt3A_191 = arith.constant 0 : i32
    %gt3A_192 = arith.cmpi sgt, %max3A_187, %gt3A_191 : i32
    %convert_element_type3A_193 = arith.extui %gt3A_192 : i1 to i32
    %cond3A_194 = arith.constant 0 : i32
    %cond3A_195 = arith.cmpi ne, %convert_element_type3A_193, %cond3A_194 : i32
    scf.if %cond3A_195 {
      %run_scoped3A = arith.constant 0 : i32
      "tpu.region"() ({
        %run_scoped3A_226 = tpu.sem_alloc : memref<!tpu.dma_semaphore, #tpu.memory_space<semaphore_mem>>
        %dma_start3A_227 = arith.constant 0 : i32
        %dma_start3A_228 = tpu.memref_slice %arg9[%run_scoped3A, %dma_start3A_227] : memref<2x96xi32, #tpu.memory_space<vmem>> -> memref<1x96xi32, #tpu.memory_space<vmem>>
        %dma_start3A_229 = tpu.memref_squeeze %dma_start3A_228 : memref<1x96xi32, #tpu.memory_space<vmem>> -> memref<96xi32, #tpu.memory_space<vmem>>
        %dma_start3A_230 = tpu.memref_slice %arg3[%mul3A_156] : memref<268608xi32, #tpu.memory_space<hbm>> -> memref<96xi32, #tpu.memory_space<hbm>>
        %dma_start3A_231 = arith.constant 0 : i32
        %dma_start3A_232 = tpu.memref_slice %arg9[%run_scoped3A, %dma_start3A_231] : memref<2x96xi32, #tpu.memory_space<vmem>> -> memref<1x96xi32, #tpu.memory_space<vmem>>
        %dma_start3A_233 = tpu.memref_squeeze %dma_start3A_232 : memref<1x96xi32, #tpu.memory_space<vmem>> -> memref<96xi32, #tpu.memory_space<vmem>>
        %dma_start3A_234 = tpu.memref_slice %arg3[%mul3A_156] : memref<268608xi32, #tpu.memory_space<hbm>> -> memref<96xi32, #tpu.memory_space<hbm>>
        tpu.enqueue_dma source(%dma_start3A_234 : memref<96xi32, #tpu.memory_space<hbm>>) target(%dma_start3A_233 : memref<96xi32, #tpu.memory_space<vmem>>) target_semaphore(%run_scoped3A_226 : memref<!tpu.dma_semaphore, #tpu.memory_space<semaphore_mem>>)
        %dma_wait3A = arith.constant 0 : i32
        %dma_wait3A_235 = tpu.memref_slice %arg9[%run_scoped3A, %dma_wait3A] : memref<2x96xi32, #tpu.memory_space<vmem>> -> memref<1x96xi32, #tpu.memory_space<vmem>>
        %dma_wait3A_236 = tpu.memref_squeeze %dma_wait3A_235 : memref<1x96xi32, #tpu.memory_space<vmem>> -> memref<96xi32, #tpu.memory_space<vmem>>
        %dma_wait3A_237 = tpu.memref_slice %arg3[%mul3A_156] : memref<268608xi32, #tpu.memory_space<hbm>> -> memref<96xi32, #tpu.memory_space<hbm>>
        %dma_wait3A_238 = arith.constant 0 : i32
        %dma_wait3A_239 = tpu.memref_slice %arg9[%run_scoped3A, %dma_wait3A_238] : memref<2x96xi32, #tpu.memory_space<vmem>> -> memref<1x96xi32, #tpu.memory_space<vmem>>
        %dma_wait3A_240 = tpu.memref_squeeze %dma_wait3A_239 : memref<1x96xi32, #tpu.memory_space<vmem>> -> memref<96xi32, #tpu.memory_space<vmem>>
        %dma_wait3A_241 = tpu.memref_slice %arg3[%mul3A_156] : memref<268608xi32, #tpu.memory_space<hbm>> -> memref<96xi32, #tpu.memory_space<hbm>>
        tpu.wait_dma2 semaphore(%run_scoped3A_226 : memref<!tpu.dma_semaphore, #tpu.memory_space<semaphore_mem>>) src(%dma_wait3A_241 : memref<96xi32, #tpu.memory_space<hbm>>) dst(%dma_wait3A_240 : memref<96xi32, #tpu.memory_space<vmem>>)
        tpu.yield
      }) : () -> ()
      %run_scoped3A_213 = arith.constant 0 : i32
      "tpu.region"() ({
        %run_scoped3A_226 = tpu.sem_alloc : memref<!tpu.dma_semaphore, #tpu.memory_space<semaphore_mem>>
        %dma_start3A_227 = arith.constant 0 : i32
        %dma_start3A_228 = tpu.memref_slice %arg10[%run_scoped3A_213, %dma_start3A_227] : memref<2x96xi32, #tpu.memory_space<vmem>> -> memref<1x96xi32, #tpu.memory_space<vmem>>
        %dma_start3A_229 = tpu.memref_squeeze %dma_start3A_228 : memref<1x96xi32, #tpu.memory_space<vmem>> -> memref<96xi32, #tpu.memory_space<vmem>>
        %dma_start3A_230 = tpu.memref_slice %arg4[%mul3A_156] : memref<268608xi32, #tpu.memory_space<hbm>> -> memref<96xi32, #tpu.memory_space<hbm>>
        %dma_start3A_231 = arith.constant 0 : i32
        %dma_start3A_232 = tpu.memref_slice %arg10[%run_scoped3A_213, %dma_start3A_231] : memref<2x96xi32, #tpu.memory_space<vmem>> -> memref<1x96xi32, #tpu.memory_space<vmem>>
        %dma_start3A_233 = tpu.memref_squeeze %dma_start3A_232 : memref<1x96xi32, #tpu.memory_space<vmem>> -> memref<96xi32, #tpu.memory_space<vmem>>
        %dma_start3A_234 = tpu.memref_slice %arg4[%mul3A_156] : memref<268608xi32, #tpu.memory_space<hbm>> -> memref<96xi32, #tpu.memory_space<hbm>>
        tpu.enqueue_dma source(%dma_start3A_234 : memref<96xi32, #tpu.memory_space<hbm>>) target(%dma_start3A_233 : memref<96xi32, #tpu.memory_space<vmem>>) target_semaphore(%run_scoped3A_226 : memref<!tpu.dma_semaphore, #tpu.memory_space<semaphore_mem>>)
        %dma_wait3A = arith.constant 0 : i32
        %dma_wait3A_235 = tpu.memref_slice %arg10[%run_scoped3A_213, %dma_wait3A] : memref<2x96xi32, #tpu.memory_space<vmem>> -> memref<1x96xi32, #tpu.memory_space<vmem>>
        %dma_wait3A_236 = tpu.memref_squeeze %dma_wait3A_235 : memref<1x96xi32, #tpu.memory_space<vmem>> -> memref<96xi32, #tpu.memory_space<vmem>>
        %dma_wait3A_237 = tpu.memref_slice %arg4[%mul3A_156] : memref<268608xi32, #tpu.memory_space<hbm>> -> memref<96xi32, #tpu.memory_space<hbm>>
        %dma_wait3A_238 = arith.constant 0 : i32
        %dma_wait3A_239 = tpu.memref_slice %arg10[%run_scoped3A_213, %dma_wait3A_238] : memref<2x96xi32, #tpu.memory_space<vmem>> -> memref<1x96xi32, #tpu.memory_space<vmem>>
        %dma_wait3A_240 = tpu.memref_squeeze %dma_wait3A_239 : memref<1x96xi32, #tpu.memory_space<vmem>> -> memref<96xi32, #tpu.memory_space<vmem>>
        %dma_wait3A_241 = tpu.memref_slice %arg4[%mul3A_156] : memref<268608xi32, #tpu.memory_space<hbm>> -> memref<96xi32, #tpu.memory_space<hbm>>
        tpu.wait_dma2 semaphore(%run_scoped3A_226 : memref<!tpu.dma_semaphore, #tpu.memory_space<semaphore_mem>>) src(%dma_wait3A_241 : memref<96xi32, #tpu.memory_space<hbm>>) dst(%dma_wait3A_240 : memref<96xi32, #tpu.memory_space<vmem>>)
        tpu.yield
      }) : () -> ()
      %run_scoped3A_214 = arith.constant 0 : i32
      "tpu.region"() ({
        %run_scoped3A_226 = tpu.sem_alloc : memref<!tpu.dma_semaphore, #tpu.memory_space<semaphore_mem>>
        %dma_start3A_227 = arith.constant 0 : i32
        %dma_start3A_228 = tpu.memref_slice %arg11[%run_scoped3A_214, %dma_start3A_227] : memref<2x96xf32, #tpu.memory_space<vmem>> -> memref<1x96xf32, #tpu.memory_space<vmem>>
        %dma_start3A_229 = tpu.memref_squeeze %dma_start3A_228 : memref<1x96xf32, #tpu.memory_space<vmem>> -> memref<96xf32, #tpu.memory_space<vmem>>
        %dma_start3A_230 = tpu.memref_slice %arg5[%mul3A_156] : memref<268608xf32, #tpu.memory_space<hbm>> -> memref<96xf32, #tpu.memory_space<hbm>>
        %dma_start3A_231 = arith.constant 0 : i32
        %dma_start3A_232 = tpu.memref_slice %arg11[%run_scoped3A_214, %dma_start3A_231] : memref<2x96xf32, #tpu.memory_space<vmem>> -> memref<1x96xf32, #tpu.memory_space<vmem>>
        %dma_start3A_233 = tpu.memref_squeeze %dma_start3A_232 : memref<1x96xf32, #tpu.memory_space<vmem>> -> memref<96xf32, #tpu.memory_space<vmem>>
        %dma_start3A_234 = tpu.memref_slice %arg5[%mul3A_156] : memref<268608xf32, #tpu.memory_space<hbm>> -> memref<96xf32, #tpu.memory_space<hbm>>
        tpu.enqueue_dma source(%dma_start3A_234 : memref<96xf32, #tpu.memory_space<hbm>>) target(%dma_start3A_233 : memref<96xf32, #tpu.memory_space<vmem>>) target_semaphore(%run_scoped3A_226 : memref<!tpu.dma_semaphore, #tpu.memory_space<semaphore_mem>>)
        %dma_wait3A = arith.constant 0 : i32
        %dma_wait3A_235 = tpu.memref_slice %arg11[%run_scoped3A_214, %dma_wait3A] : memref<2x96xf32, #tpu.memory_space<vmem>> -> memref<1x96xf32, #tpu.memory_space<vmem>>
        %dma_wait3A_236 = tpu.memref_squeeze %dma_wait3A_235 : memref<1x96xf32, #tpu.memory_space<vmem>> -> memref<96xf32, #tpu.memory_space<vmem>>
        %dma_wait3A_237 = tpu.memref_slice %arg5[%mul3A_156] : memref<268608xf32, #tpu.memory_space<hbm>> -> memref<96xf32, #tpu.memory_space<hbm>>
        %dma_wait3A_238 = arith.constant 0 : i32
        %dma_wait3A_239 = tpu.memref_slice %arg11[%run_scoped3A_214, %dma_wait3A_238] : memref<2x96xf32, #tpu.memory_space<vmem>> -> memref<1x96xf32, #tpu.memory_space<vmem>>
        %dma_wait3A_240 = tpu.memref_squeeze %dma_wait3A_239 : memref<1x96xf32, #tpu.memory_space<vmem>> -> memref<96xf32, #tpu.memory_space<vmem>>
        %dma_wait3A_241 = tpu.memref_slice %arg5[%mul3A_156] : memref<268608xf32, #tpu.memory_space<hbm>> -> memref<96xf32, #tpu.memory_space<hbm>>
        tpu.wait_dma2 semaphore(%run_scoped3A_226 : memref<!tpu.dma_semaphore, #tpu.memory_space<semaphore_mem>>) src(%dma_wait3A_241 : memref<96xf32, #tpu.memory_space<hbm>>) dst(%dma_wait3A_240 : memref<96xf32, #tpu.memory_space<vmem>>)
        tpu.yield
      }) : () -> ()
      %dma_start3A = arith.constant 0 : i32
      %dma_start3A_215 = arith.constant 0 : i32
      %dma_start3A_216 = arith.constant 0 : i32
      %dma_start3A_217 = arith.constant 0 : i32
      %dma_start3A_218 = tpu.memref_slice %arg13[%dma_start3A_215, %dma_start3A_216, %dma_start3A_217] : memref<2x96x256xf32, #tpu.memory_space<vmem>> -> memref<1x96x256xf32, #tpu.memory_space<vmem>>
      %dma_start3A_219 = tpu.memref_squeeze %dma_start3A_218 : memref<1x96x256xf32, #tpu.memory_space<vmem>> -> memref<96x256xf32, #tpu.memory_space<vmem>>
      %dma_start3A_220 = arith.constant 0 : i32
      %dma_start3A_221 = tpu.memref_slice %arg9[%dma_start3A, %dma_start3A_220] : memref<2x96xi32, #tpu.memory_space<vmem>> -> memref<1x96xi32, #tpu.memory_space<vmem>>
      %dma_start3A_222 = tpu.memref_squeeze %dma_start3A_221 : memref<1x96xi32, #tpu.memory_space<vmem>> -> memref<96xi32, #tpu.memory_space<vmem>>
      %dma_start3A_223 = arith.constant 0 : i32
      %dma_start3A_224 = arith.constant 0 : i32
      %dma_start3A_225 = tpu.memref_slice %arg2[%dma_start3A_223, %dma_start3A_224] : memref<16384x256xf32, #tpu.memory_space<hbm>> -> memref<16384x256xf32, #tpu.memory_space<hbm>>
      tpu.enqueue_indirect_dma source(%dma_start3A_225 : memref<16384x256xf32, #tpu.memory_space<hbm>>) target(%dma_start3A_219 : memref<96x256xf32, #tpu.memory_space<vmem>>) offsets(%dma_start3A_222 : memref<96xi32, #tpu.memory_space<vmem>>) semaphore(%arg15 : memref<!tpu.dma_semaphore, #tpu.memory_space<semaphore_mem>>)
    } else {
    }
    %gt3A_196 = arith.constant 1 : i32
    %gt3A_197 = arith.cmpi sgt, %max3A_187, %gt3A_196 : i32
    %convert_element_type3A_198 = arith.extui %gt3A_197 : i1 to i32
    %cond3A_199 = arith.constant 0 : i32
    %cond3A_200 = arith.cmpi ne, %convert_element_type3A_198, %cond3A_199 : i32
    scf.if %cond3A_200 {
      %add3A_213 = arith.constant 96 : i32
      %add3A_214 = arith.addi %mul3A_156, %add3A_213 : i32
      %dma_start3A = arith.constant 1 : i32
      %dma_start3A_215 = arith.constant 0 : i32
      %dma_start3A_216 = tpu.memref_slice %arg9[%dma_start3A, %dma_start3A_215] : memref<2x96xi32, #tpu.memory_space<vmem>> -> memref<1x96xi32, #tpu.memory_space<vmem>>
      %dma_start3A_217 = tpu.memref_squeeze %dma_start3A_216 : memref<1x96xi32, #tpu.memory_space<vmem>> -> memref<96xi32, #tpu.memory_space<vmem>>
      %dma_start3A_218 = tpu.memref_slice %arg3[%add3A_214] : memref<268608xi32, #tpu.memory_space<hbm>> -> memref<96xi32, #tpu.memory_space<hbm>>
      %dma_start3A_219 = arith.constant 0 : i32
      %dma_start3A_220 = tpu.memref_slice %arg9[%dma_start3A, %dma_start3A_219] : memref<2x96xi32, #tpu.memory_space<vmem>> -> memref<1x96xi32, #tpu.memory_space<vmem>>
      %dma_start3A_221 = tpu.memref_squeeze %dma_start3A_220 : memref<1x96xi32, #tpu.memory_space<vmem>> -> memref<96xi32, #tpu.memory_space<vmem>>
      %dma_start3A_222 = tpu.memref_slice %arg3[%add3A_214] : memref<268608xi32, #tpu.memory_space<hbm>> -> memref<96xi32, #tpu.memory_space<hbm>>
      tpu.enqueue_dma source(%dma_start3A_222 : memref<96xi32, #tpu.memory_space<hbm>>) target(%dma_start3A_221 : memref<96xi32, #tpu.memory_space<vmem>>) target_semaphore(%arg16 : memref<!tpu.dma_semaphore, #tpu.memory_space<semaphore_mem>>)
      %dma_start3A_223 = arith.constant 1 : i32
      %dma_start3A_224 = arith.constant 0 : i32
      %dma_start3A_225 = tpu.memref_slice %arg10[%dma_start3A_223, %dma_start3A_224] : memref<2x96xi32, #tpu.memory_space<vmem>> -> memref<1x96xi32, #tpu.memory_space<vmem>>
      %dma_start3A_226 = tpu.memref_squeeze %dma_start3A_225 : memref<1x96xi32, #tpu.memory_space<vmem>> -> memref<96xi32, #tpu.memory_space<vmem>>
      %dma_start3A_227 = tpu.memref_slice %arg4[%add3A_214] : memref<268608xi32, #tpu.memory_space<hbm>> -> memref<96xi32, #tpu.memory_space<hbm>>
      %dma_start3A_228 = arith.constant 0 : i32
      %dma_start3A_229 = tpu.memref_slice %arg10[%dma_start3A_223, %dma_start3A_228] : memref<2x96xi32, #tpu.memory_space<vmem>> -> memref<1x96xi32, #tpu.memory_space<vmem>>
      %dma_start3A_230 = tpu.memref_squeeze %dma_start3A_229 : memref<1x96xi32, #tpu.memory_space<vmem>> -> memref<96xi32, #tpu.memory_space<vmem>>
      %dma_start3A_231 = tpu.memref_slice %arg4[%add3A_214] : memref<268608xi32, #tpu.memory_space<hbm>> -> memref<96xi32, #tpu.memory_space<hbm>>
      tpu.enqueue_dma source(%dma_start3A_231 : memref<96xi32, #tpu.memory_space<hbm>>) target(%dma_start3A_230 : memref<96xi32, #tpu.memory_space<vmem>>) target_semaphore(%arg16 : memref<!tpu.dma_semaphore, #tpu.memory_space<semaphore_mem>>)
      %dma_start3A_232 = arith.constant 1 : i32
      %dma_start3A_233 = arith.constant 0 : i32
      %dma_start3A_234 = tpu.memref_slice %arg11[%dma_start3A_232, %dma_start3A_233] : memref<2x96xf32, #tpu.memory_space<vmem>> -> memref<1x96xf32, #tpu.memory_space<vmem>>
      %dma_start3A_235 = tpu.memref_squeeze %dma_start3A_234 : memref<1x96xf32, #tpu.memory_space<vmem>> -> memref<96xf32, #tpu.memory_space<vmem>>
      %dma_start3A_236 = tpu.memref_slice %arg5[%add3A_214] : memref<268608xf32, #tpu.memory_space<hbm>> -> memref<96xf32, #tpu.memory_space<hbm>>
      %dma_start3A_237 = arith.constant 0 : i32
      %dma_start3A_238 = tpu.memref_slice %arg11[%dma_start3A_232, %dma_start3A_237] : memref<2x96xf32, #tpu.memory_space<vmem>> -> memref<1x96xf32, #tpu.memory_space<vmem>>
      %dma_start3A_239 = tpu.memref_squeeze %dma_start3A_238 : memref<1x96xf32, #tpu.memory_space<vmem>> -> memref<96xf32, #tpu.memory_space<vmem>>
      %dma_start3A_240 = tpu.memref_slice %arg5[%add3A_214] : memref<268608xf32, #tpu.memory_space<hbm>> -> memref<96xf32, #tpu.memory_space<hbm>>
      tpu.enqueue_dma source(%dma_start3A_240 : memref<96xf32, #tpu.memory_space<hbm>>) target(%dma_start3A_239 : memref<96xf32, #tpu.memory_space<vmem>>) target_semaphore(%arg16 : memref<!tpu.dma_semaphore, #tpu.memory_space<semaphore_mem>>)
    } else {
    }
    %while3A_201 = arith.constant 0 : i32
    %while3A_202 = arith.constant 0 : i32
    %while3A_203 = arith.subi %max3A_187, %while3A_202 : i32
    %while3A_204 = arith.addi %while3A_202, %while3A_203 : i32
    %while3A_205 = arith.constant 1 : i32
    %while3A_206 = arith.divsi %while3A_203, %while3A_205 : i32
    %while3A_207 = arith.muli %while3A_206, %while3A_205 : i32
    %while3A_208 = arith.addi %while3A_202, %while3A_207 : i32
    %while3A_209 = arith.constant 1 : i32
    scf.for %while3A_213 = %while3A_202 to %while3A_208 step %while3A_209  : i32 {
      %rem3A_214 = arith.constant 2 : i32
      %rem3A_215 = arith.remsi %while3A_213, %rem3A_214 : i32
      %sub3A_216 = arith.constant 1 : i32
      %sub3A_217 = arith.subi %sub3A_216, %rem3A_215 : i32
      %mul3A_218 = arith.constant 96 : i32
      %mul3A_219 = arith.muli %while3A_213, %mul3A_218 : i32
      %add3A_220 = arith.addi %mul3A_156, %mul3A_219 : i32
      %get3A = arith.index_cast %rem3A_215 : i32 to index
      %get3A_221 = arith.constant 0 : index
      %get3A_222 = tpu.vector_load %arg10[%get3A, %get3A_221] {strides = array<i32>} : memref<2x96xi32, #tpu.memory_space<vmem>>, vector<16xi32>,
      %add3A_223 = arith.constant 0 : i32
      %add3A_224 = arith.addi %add3A_220, %add3A_223 : i32
      %add3A_225 = vector.broadcast %add3A_224 : i32 to vector<16xi32>
      %add3A_226 = arith.addi %add3A_225, %iota3A : vector<16xi32>
      %ge3A = vector.broadcast %reduce_sum3A_115 : i32 to vector<16xi32>
      %ge3A_227 = arith.cmpi sge, %add3A_226, %ge3A : vector<16xi32>
      %lt3A = vector.broadcast %reduce_sum3A_130 : i32 to vector<16xi32>
      %lt3A_228 = arith.cmpi slt, %add3A_226, %lt3A : vector<16xi32>
      %and3A_229 = arith.andi %ge3A_227, %lt3A_228 : vector<16xi1>
      %sub3A_230 = vector.broadcast %mul3A_102 : i32 to vector<16xi32>
      %sub3A_231 = arith.subi %get3A_222, %sub3A_230 : vector<16xi32>
      %jit3A_232 = arith.constant 256 : i32
      %broadcast_in_dim3A_233 = vector.broadcast %jit3A_232 : i32 to vector<16xi32>
      %select_n3A_234 = arith.select %and3A_229, %sub3A_231, %broadcast_in_dim3A_233 : vector<16xi1>, vector<16xi32>
      %mul3A_235 = arith.constant 256 : i32
      %mul3A_236 = vector.broadcast %mul3A_235 : i32 to vector<16xi32>
      %mul3A_237 = arith.muli %select_n3A_234, %mul3A_236 : vector<16xi32>
      %swap3A = arith.index_cast %rem3A_215 : i32 to index
      %swap3A_238 = arith.constant 0 : index
      %swap3A_239 = tpu.vector_load %arg12[%swap3A, %swap3A_238] {strides = array<i32>} : memref<2x96xi32, #tpu.memory_space<vmem>>, vector<16xi32>,
      tpu.vector_store %arg12[%swap3A, %swap3A_238], %mul3A_237 {strides = array<i32>} : memref<2x96xi32, #tpu.memory_space<vmem>>, vector<16xi32>,
      %get3A_240 = arith.index_cast %rem3A_215 : i32 to index
      %get3A_241 = arith.constant 16 : index
      %get3A_242 = tpu.vector_load %arg10[%get3A_240, %get3A_241] {strides = array<i32>} : memref<2x96xi32, #tpu.memory_space<vmem>>, vector<16xi32>,
      %add3A_243 = arith.constant 16 : i32
      %add3A_244 = arith.addi %add3A_220, %add3A_243 : i32
      %add3A_245 = vector.broadcast %add3A_244 : i32 to vector<16xi32>
      %add3A_246 = arith.addi %add3A_245, %iota3A : vector<16xi32>
      %ge3A_247 = vector.broadcast %reduce_sum3A_115 : i32 to vector<16xi32>
      %ge3A_248 = arith.cmpi sge, %add3A_246, %ge3A_247 : vector<16xi32>
      %lt3A_249 = vector.broadcast %reduce_sum3A_130 : i32 to vector<16xi32>
      %lt3A_250 = arith.cmpi slt, %add3A_246, %lt3A_249 : vector<16xi32>
      %and3A_251 = arith.andi %ge3A_248, %lt3A_250 : vector<16xi1>
      %sub3A_252 = vector.broadcast %mul3A_102 : i32 to vector<16xi32>
      %sub3A_253 = arith.subi %get3A_242, %sub3A_252 : vector<16xi32>
      %jit3A_254 = arith.constant 256 : i32
      %broadcast_in_dim3A_255 = vector.broadcast %jit3A_254 : i32 to vector<16xi32>
      %select_n3A_256 = arith.select %and3A_251, %sub3A_253, %broadcast_in_dim3A_255 : vector<16xi1>, vector<16xi32>
      %mul3A_257 = arith.constant 256 : i32
      %mul3A_258 = vector.broadcast %mul3A_257 : i32 to vector<16xi32>
      %mul3A_259 = arith.muli %select_n3A_256, %mul3A_258 : vector<16xi32>
      %swap3A_260 = arith.index_cast %rem3A_215 : i32 to index
      %swap3A_261 = arith.constant 16 : index
      %swap3A_262 = tpu.vector_load %arg12[%swap3A_260, %swap3A_261] {strides = array<i32>} : memref<2x96xi32, #tpu.memory_space<vmem>>, vector<16xi32>,
      tpu.vector_store %arg12[%swap3A_260, %swap3A_261], %mul3A_259 {strides = array<i32>} : memref<2x96xi32, #tpu.memory_space<vmem>>, vector<16xi32>,
      %get3A_263 = arith.index_cast %rem3A_215 : i32 to index
      %get3A_264 = arith.constant 32 : index
      %get3A_265 = tpu.vector_load %arg10[%get3A_263, %get3A_264] {strides = array<i32>} : memref<2x96xi32, #tpu.memory_space<vmem>>, vector<16xi32>,
      %add3A_266 = arith.constant 32 : i32
      %add3A_267 = arith.addi %add3A_220, %add3A_266 : i32
      %add3A_268 = vector.broadcast %add3A_267 : i32 to vector<16xi32>
      %add3A_269 = arith.addi %add3A_268, %iota3A : vector<16xi32>
      %ge3A_270 = vector.broadcast %reduce_sum3A_115 : i32 to vector<16xi32>
      %ge3A_271 = arith.cmpi sge, %add3A_269, %ge3A_270 : vector<16xi32>
      %lt3A_272 = vector.broadcast %reduce_sum3A_130 : i32 to vector<16xi32>
      %lt3A_273 = arith.cmpi slt, %add3A_269, %lt3A_272 : vector<16xi32>
      %and3A_274 = arith.andi %ge3A_271, %lt3A_273 : vector<16xi1>
      %sub3A_275 = vector.broadcast %mul3A_102 : i32 to vector<16xi32>
      %sub3A_276 = arith.subi %get3A_265, %sub3A_275 : vector<16xi32>
      %jit3A_277 = arith.constant 256 : i32
      %broadcast_in_dim3A_278 = vector.broadcast %jit3A_277 : i32 to vector<16xi32>
      %select_n3A_279 = arith.select %and3A_274, %sub3A_276, %broadcast_in_dim3A_278 : vector<16xi1>, vector<16xi32>
      %mul3A_280 = arith.constant 256 : i32
      %mul3A_281 = vector.broadcast %mul3A_280 : i32 to vector<16xi32>
      %mul3A_282 = arith.muli %select_n3A_279, %mul3A_281 : vector<16xi32>
      %swap3A_283 = arith.index_cast %rem3A_215 : i32 to index
      %swap3A_284 = arith.constant 32 : index
      %swap3A_285 = tpu.vector_load %arg12[%swap3A_283, %swap3A_284] {strides = array<i32>} : memref<2x96xi32, #tpu.memory_space<vmem>>, vector<16xi32>,
      tpu.vector_store %arg12[%swap3A_283, %swap3A_284], %mul3A_282 {strides = array<i32>} : memref<2x96xi32, #tpu.memory_space<vmem>>, vector<16xi32>,
      %get3A_286 = arith.index_cast %rem3A_215 : i32 to index
      %get3A_287 = arith.constant 48 : index
      %get3A_288 = tpu.vector_load %arg10[%get3A_286, %get3A_287] {strides = array<i32>} : memref<2x96xi32, #tpu.memory_space<vmem>>, vector<16xi32>,
      %add3A_289 = arith.constant 48 : i32
      %add3A_290 = arith.addi %add3A_220, %add3A_289 : i32
      %add3A_291 = vector.broadcast %add3A_290 : i32 to vector<16xi32>
      %add3A_292 = arith.addi %add3A_291, %iota3A : vector<16xi32>
      %ge3A_293 = vector.broadcast %reduce_sum3A_115 : i32 to vector<16xi32>
      %ge3A_294 = arith.cmpi sge, %add3A_292, %ge3A_293 : vector<16xi32>
      %lt3A_295 = vector.broadcast %reduce_sum3A_130 : i32 to vector<16xi32>
      %lt3A_296 = arith.cmpi slt, %add3A_292, %lt3A_295 : vector<16xi32>
      %and3A_297 = arith.andi %ge3A_294, %lt3A_296 : vector<16xi1>
      %sub3A_298 = vector.broadcast %mul3A_102 : i32 to vector<16xi32>
      %sub3A_299 = arith.subi %get3A_288, %sub3A_298 : vector<16xi32>
      %jit3A_300 = arith.constant 256 : i32
      %broadcast_in_dim3A_301 = vector.broadcast %jit3A_300 : i32 to vector<16xi32>
      %select_n3A_302 = arith.select %and3A_297, %sub3A_299, %broadcast_in_dim3A_301 : vector<16xi1>, vector<16xi32>
      %mul3A_303 = arith.constant 256 : i32
      %mul3A_304 = vector.broadcast %mul3A_303 : i32 to vector<16xi32>
      %mul3A_305 = arith.muli %select_n3A_302, %mul3A_304 : vector<16xi32>
      %swap3A_306 = arith.index_cast %rem3A_215 : i32 to index
      %swap3A_307 = arith.constant 48 : index
      %swap3A_308 = tpu.vector_load %arg12[%swap3A_306, %swap3A_307] {strides = array<i32>} : memref<2x96xi32, #tpu.memory_space<vmem>>, vector<16xi32>,
      tpu.vector_store %arg12[%swap3A_306, %swap3A_307], %mul3A_305 {strides = array<i32>} : memref<2x96xi32, #tpu.memory_space<vmem>>, vector<16xi32>,
      %get3A_309 = arith.index_cast %rem3A_215 : i32 to index
      %get3A_310 = arith.constant 64 : index
      %get3A_311 = tpu.vector_load %arg10[%get3A_309, %get3A_310] {strides = array<i32>} : memref<2x96xi32, #tpu.memory_space<vmem>>, vector<16xi32>,
      %add3A_312 = arith.constant 64 : i32
      %add3A_313 = arith.addi %add3A_220, %add3A_312 : i32
      %add3A_314 = vector.broadcast %add3A_313 : i32 to vector<16xi32>
      %add3A_315 = arith.addi %add3A_314, %iota3A : vector<16xi32>
      %ge3A_316 = vector.broadcast %reduce_sum3A_115 : i32 to vector<16xi32>
      %ge3A_317 = arith.cmpi sge, %add3A_315, %ge3A_316 : vector<16xi32>
      %lt3A_318 = vector.broadcast %reduce_sum3A_130 : i32 to vector<16xi32>
      %lt3A_319 = arith.cmpi slt, %add3A_315, %lt3A_318 : vector<16xi32>
      %and3A_320 = arith.andi %ge3A_317, %lt3A_319 : vector<16xi1>
      %sub3A_321 = vector.broadcast %mul3A_102 : i32 to vector<16xi32>
      %sub3A_322 = arith.subi %get3A_311, %sub3A_321 : vector<16xi32>
      %jit3A_323 = arith.constant 256 : i32
      %broadcast_in_dim3A_324 = vector.broadcast %jit3A_323 : i32 to vector<16xi32>
      %select_n3A_325 = arith.select %and3A_320, %sub3A_322, %broadcast_in_dim3A_324 : vector<16xi1>, vector<16xi32>
      %mul3A_326 = arith.constant 256 : i32
      %mul3A_327 = vector.broadcast %mul3A_326 : i32 to vector<16xi32>
      %mul3A_328 = arith.muli %select_n3A_325, %mul3A_327 : vector<16xi32>
      %swap3A_329 = arith.index_cast %rem3A_215 : i32 to index
      %swap3A_330 = arith.constant 64 : index
      %swap3A_331 = tpu.vector_load %arg12[%swap3A_329, %swap3A_330] {strides = array<i32>} : memref<2x96xi32, #tpu.memory_space<vmem>>, vector<16xi32>,
      tpu.vector_store %arg12[%swap3A_329, %swap3A_330], %mul3A_328 {strides = array<i32>} : memref<2x96xi32, #tpu.memory_space<vmem>>, vector<16xi32>,
      %get3A_332 = arith.index_cast %rem3A_215 : i32 to index
      %get3A_333 = arith.constant 80 : index
      %get3A_334 = tpu.vector_load %arg10[%get3A_332, %get3A_333] {strides = array<i32>} : memref<2x96xi32, #tpu.memory_space<vmem>>, vector<16xi32>,
      %add3A_335 = arith.constant 80 : i32
      %add3A_336 = arith.addi %add3A_220, %add3A_335 : i32
      %add3A_337 = vector.broadcast %add3A_336 : i32 to vector<16xi32>
      %add3A_338 = arith.addi %add3A_337, %iota3A : vector<16xi32>
      %ge3A_339 = vector.broadcast %reduce_sum3A_115 : i32 to vector<16xi32>
      %ge3A_340 = arith.cmpi sge, %add3A_338, %ge3A_339 : vector<16xi32>
      %lt3A_341 = vector.broadcast %reduce_sum3A_130 : i32 to vector<16xi32>
      %lt3A_342 = arith.cmpi slt, %add3A_338, %lt3A_341 : vector<16xi32>
      %and3A_343 = arith.andi %ge3A_340, %lt3A_342 : vector<16xi1>
      %sub3A_344 = vector.broadcast %mul3A_102 : i32 to vector<16xi32>
      %sub3A_345 = arith.subi %get3A_334, %sub3A_344 : vector<16xi32>
      %jit3A_346 = arith.constant 256 : i32
      %broadcast_in_dim3A_347 = vector.broadcast %jit3A_346 : i32 to vector<16xi32>
      %select_n3A_348 = arith.select %and3A_343, %sub3A_345, %broadcast_in_dim3A_347 : vector<16xi1>, vector<16xi32>
      %mul3A_349 = arith.constant 256 : i32
      %mul3A_350 = vector.broadcast %mul3A_349 : i32 to vector<16xi32>
      %mul3A_351 = arith.muli %select_n3A_348, %mul3A_350 : vector<16xi32>
      %swap3A_352 = arith.index_cast %rem3A_215 : i32 to index
      %swap3A_353 = arith.constant 80 : index
      %swap3A_354 = tpu.vector_load %arg12[%swap3A_352, %swap3A_353] {strides = array<i32>} : memref<2x96xi32, #tpu.memory_space<vmem>>, vector<16xi32>,
      tpu.vector_store %arg12[%swap3A_352, %swap3A_353], %mul3A_351 {strides = array<i32>} : memref<2x96xi32, #tpu.memory_space<vmem>>, vector<16xi32>,
      %dma_wait3A = arith.constant 0 : i32
      %dma_wait3A_355 = arith.constant 0 : i32
      %dma_wait3A_356 = tpu.memref_slice %arg13[%rem3A_215, %dma_wait3A, %dma_wait3A_355] : memref<2x96x256xf32, #tpu.memory_space<vmem>> -> memref<1x96x256xf32, #tpu.memory_space<vmem>>
      %dma_wait3A_357 = tpu.memref_squeeze %dma_wait3A_356 : memref<1x96x256xf32, #tpu.memory_space<vmem>> -> memref<96x256xf32, #tpu.memory_space<vmem>>
      %dma_wait3A_358 = arith.constant 0 : i32
      %dma_wait3A_359 = tpu.memref_slice %arg9[%rem3A_215, %dma_wait3A_358] : memref<2x96xi32, #tpu.memory_space<vmem>> -> memref<1x96xi32, #tpu.memory_space<vmem>>
      %dma_wait3A_360 = tpu.memref_squeeze %dma_wait3A_359 : memref<1x96xi32, #tpu.memory_space<vmem>> -> memref<96xi32, #tpu.memory_space<vmem>>
      %dma_wait3A_361 = arith.constant 0 : i32
      %dma_wait3A_362 = arith.constant 0 : i32
      %dma_wait3A_363 = tpu.memref_slice %arg2[%dma_wait3A_361, %dma_wait3A_362] : memref<16384x256xf32, #tpu.memory_space<hbm>> -> memref<16384x256xf32, #tpu.memory_space<hbm>>
      tpu.wait_indirect_dma semaphore(%arg15 : memref<!tpu.dma_semaphore, #tpu.memory_space<semaphore_mem>>) src(%dma_wait3A_363 : memref<16384x256xf32, #tpu.memory_space<hbm>>) dst(%dma_wait3A_357 : memref<96x256xf32, #tpu.memory_space<vmem>>)
      %add3A_364 = arith.constant 1 : i32
      %add3A_365 = arith.addi %while3A_213, %add3A_364 : i32
      %lt3A_366 = arith.cmpi slt, %add3A_365, %max3A_187 : i32
      %convert_element_type3A_367 = arith.extui %lt3A_366 : i1 to i32
      %cond3A_368 = arith.constant 0 : i32
      %cond3A_369 = arith.cmpi ne, %convert_element_type3A_367, %cond3A_368 : i32
      scf.if %cond3A_369 {
        %dma_wait3A_379 = arith.constant 0 : i32
        %dma_wait3A_380 = tpu.memref_slice %arg9[%sub3A_217, %dma_wait3A_379] : memref<2x96xi32, #tpu.memory_space<vmem>> -> memref<1x96xi32, #tpu.memory_space<vmem>>
        %dma_wait3A_381 = tpu.memref_squeeze %dma_wait3A_380 : memref<1x96xi32, #tpu.memory_space<vmem>> -> memref<96xi32, #tpu.memory_space<vmem>>
        %dma_wait3A_382 = arith.constant 0 : i32
        %dma_wait3A_383 = tpu.memref_slice %arg3[%dma_wait3A_382] : memref<268608xi32, #tpu.memory_space<hbm>> -> memref<96xi32, #tpu.memory_space<hbm>>
        %dma_wait3A_384 = arith.constant 0 : i32
        %dma_wait3A_385 = tpu.memref_slice %arg9[%sub3A_217, %dma_wait3A_384] : memref<2x96xi32, #tpu.memory_space<vmem>> -> memref<1x96xi32, #tpu.memory_space<vmem>>
        %dma_wait3A_386 = tpu.memref_squeeze %dma_wait3A_385 : memref<1x96xi32, #tpu.memory_space<vmem>> -> memref<96xi32, #tpu.memory_space<vmem>>
        %dma_wait3A_387 = arith.constant 0 : i32
        %dma_wait3A_388 = tpu.memref_slice %arg3[%dma_wait3A_387] : memref<268608xi32, #tpu.memory_space<hbm>> -> memref<96xi32, #tpu.memory_space<hbm>>
        tpu.wait_dma2 semaphore(%arg16 : memref<!tpu.dma_semaphore, #tpu.memory_space<semaphore_mem>>) src(%dma_wait3A_388 : memref<96xi32, #tpu.memory_space<hbm>>) dst(%dma_wait3A_386 : memref<96xi32, #tpu.memory_space<vmem>>)
        %dma_wait3A_389 = arith.constant 0 : i32
        %dma_wait3A_390 = tpu.memref_slice %arg10[%sub3A_217, %dma_wait3A_389] : memref<2x96xi32, #tpu.memory_space<vmem>> -> memref<1x96xi32, #tpu.memory_space<vmem>>
        %dma_wait3A_391 = tpu.memref_squeeze %dma_wait3A_390 : memref<1x96xi32, #tpu.memory_space<vmem>> -> memref<96xi32, #tpu.memory_space<vmem>>
        %dma_wait3A_392 = arith.constant 0 : i32
        %dma_wait3A_393 = tpu.memref_slice %arg4[%dma_wait3A_392] : memref<268608xi32, #tpu.memory_space<hbm>> -> memref<96xi32, #tpu.memory_space<hbm>>
        %dma_wait3A_394 = arith.constant 0 : i32
        %dma_wait3A_395 = tpu.memref_slice %arg10[%sub3A_217, %dma_wait3A_394] : memref<2x96xi32, #tpu.memory_space<vmem>> -> memref<1x96xi32, #tpu.memory_space<vmem>>
        %dma_wait3A_396 = tpu.memref_squeeze %dma_wait3A_395 : memref<1x96xi32, #tpu.memory_space<vmem>> -> memref<96xi32, #tpu.memory_space<vmem>>
        %dma_wait3A_397 = arith.constant 0 : i32
        %dma_wait3A_398 = tpu.memref_slice %arg4[%dma_wait3A_397] : memref<268608xi32, #tpu.memory_space<hbm>> -> memref<96xi32, #tpu.memory_space<hbm>>
        tpu.wait_dma2 semaphore(%arg16 : memref<!tpu.dma_semaphore, #tpu.memory_space<semaphore_mem>>) src(%dma_wait3A_398 : memref<96xi32, #tpu.memory_space<hbm>>) dst(%dma_wait3A_396 : memref<96xi32, #tpu.memory_space<vmem>>)
        %dma_wait3A_399 = arith.constant 0 : i32
        %dma_wait3A_400 = tpu.memref_slice %arg11[%sub3A_217, %dma_wait3A_399] : memref<2x96xf32, #tpu.memory_space<vmem>> -> memref<1x96xf32, #tpu.memory_space<vmem>>
        %dma_wait3A_401 = tpu.memref_squeeze %dma_wait3A_400 : memref<1x96xf32, #tpu.memory_space<vmem>> -> memref<96xf32, #tpu.memory_space<vmem>>
        %dma_wait3A_402 = arith.constant 0 : i32
        %dma_wait3A_403 = tpu.memref_slice %arg5[%dma_wait3A_402] : memref<268608xf32, #tpu.memory_space<hbm>> -> memref<96xf32, #tpu.memory_space<hbm>>
        %dma_wait3A_404 = arith.constant 0 : i32
        %dma_wait3A_405 = tpu.memref_slice %arg11[%sub3A_217, %dma_wait3A_404] : memref<2x96xf32, #tpu.memory_space<vmem>> -> memref<1x96xf32, #tpu.memory_space<vmem>>
        %dma_wait3A_406 = tpu.memref_squeeze %dma_wait3A_405 : memref<1x96xf32, #tpu.memory_space<vmem>> -> memref<96xf32, #tpu.memory_space<vmem>>
        %dma_wait3A_407 = arith.constant 0 : i32
        %dma_wait3A_408 = tpu.memref_slice %arg5[%dma_wait3A_407] : memref<268608xf32, #tpu.memory_space<hbm>> -> memref<96xf32, #tpu.memory_space<hbm>>
        tpu.wait_dma2 semaphore(%arg16 : memref<!tpu.dma_semaphore, #tpu.memory_space<semaphore_mem>>) src(%dma_wait3A_408 : memref<96xf32, #tpu.memory_space<hbm>>) dst(%dma_wait3A_406 : memref<96xf32, #tpu.memory_space<vmem>>)
        %dma_start3A = arith.constant 0 : i32
        %dma_start3A_409 = arith.constant 0 : i32
        %dma_start3A_410 = tpu.memref_slice %arg13[%sub3A_217, %dma_start3A, %dma_start3A_409] : memref<2x96x256xf32, #tpu.memory_space<vmem>> -> memref<1x96x256xf32, #tpu.memory_space<vmem>>
        %dma_start3A_411 = tpu.memref_squeeze %dma_start3A_410 : memref<1x96x256xf32, #tpu.memory_space<vmem>> -> memref<96x256xf32, #tpu.memory_space<vmem>>
        %dma_start3A_412 = arith.constant 0 : i32
        %dma_start3A_413 = tpu.memref_slice %arg9[%sub3A_217, %dma_start3A_412] : memref<2x96xi32, #tpu.memory_space<vmem>> -> memref<1x96xi32, #tpu.memory_space<vmem>>
        %dma_start3A_414 = tpu.memref_squeeze %dma_start3A_413 : memref<1x96xi32, #tpu.memory_space<vmem>> -> memref<96xi32, #tpu.memory_space<vmem>>
        %dma_start3A_415 = arith.constant 0 : i32
        %dma_start3A_416 = arith.constant 0 : i32
        %dma_start3A_417 = tpu.memref_slice %arg2[%dma_start3A_415, %dma_start3A_416] : memref<16384x256xf32, #tpu.memory_space<hbm>> -> memref<16384x256xf32, #tpu.memory_space<hbm>>
        tpu.enqueue_indirect_dma source(%dma_start3A_417 : memref<16384x256xf32, #tpu.memory_space<hbm>>) target(%dma_start3A_411 : memref<96x256xf32, #tpu.memory_space<vmem>>) offsets(%dma_start3A_414 : memref<96xi32, #tpu.memory_space<vmem>>) semaphore(%arg15 : memref<!tpu.dma_semaphore, #tpu.memory_space<semaphore_mem>>)
      } else {
      }
      %parallel_loop3A_370 = arith.constant 0 : i32
      %parallel_loop3A_371 = arith.constant 96 : i32
      %parallel_loop3A_372 = arith.constant 1 : i32
      scf.for %parallel_loop3A_379 = %parallel_loop3A_370 to %parallel_loop3A_371 step %parallel_loop3A_372  : i32 {
        %parallel_loop3A_380 = vector.broadcast %parallel_loop3A_379 : i32 to vector<16xi32>
        %parallel_loop3A_381 = arith.constant 0 : i32
        %parallel_loop3A_382 = tpu.memref_slice %arg11[%rem3A_215, %parallel_loop3A_381] : memref<2x96xf32, #tpu.memory_space<vmem>> -> memref<1x96xf32, #tpu.memory_space<vmem>>
        %parallel_loop3A_383 = tpu.memref_squeeze %parallel_loop3A_382 : memref<1x96xf32, #tpu.memory_space<vmem>> -> memref<96xf32, #tpu.memory_space<vmem>>
        %parallel_loop3A_384 = tpu.vector_load_idx %parallel_loop3A_383[%parallel_loop3A_380] : memref<96xf32, #tpu.memory_space<vmem>>[vector<16xi32>], vector<16xf32>,
        %parallel_loop3A_385 = arith.constant 0 : i32
        %parallel_loop3A_386 = tpu.memref_slice %arg12[%rem3A_215, %parallel_loop3A_385] : memref<2x96xi32, #tpu.memory_space<vmem>> -> memref<1x96xi32, #tpu.memory_space<vmem>>
        %parallel_loop3A_387 = tpu.memref_squeeze %parallel_loop3A_386 : memref<1x96xi32, #tpu.memory_space<vmem>> -> memref<96xi32, #tpu.memory_space<vmem>>
        %parallel_loop3A_388 = tpu.vector_load_idx %parallel_loop3A_387[%parallel_loop3A_380] : memref<96xi32, #tpu.memory_space<vmem>>[vector<16xi32>], vector<16xi32>,
        %parallel_loop3A_389 = arith.addi %parallel_loop3A_388, %iota3A : vector<16xi32>
        %parallel_loop3A_390 = arith.constant 0 : i32
        %parallel_loop3A_391 = vector.broadcast %parallel_loop3A_390 : i32 to vector<16xi32>
        %parallel_loop3A_392 = arith.addi %parallel_loop3A_389, %parallel_loop3A_391 : vector<16xi32>
        %parallel_loop3A_393 = arith.index_cast %rem3A_215 : i32 to index
        %parallel_loop3A_394 = arith.index_cast %parallel_loop3A_379 : i32 to index
        %parallel_loop3A_395 = arith.constant 0 : index
        %parallel_loop3A_396 = tpu.vector_load %arg13[%parallel_loop3A_393, %parallel_loop3A_394, %parallel_loop3A_395] {strides = array<i32>} : memref<2x96x256xf32, #tpu.memory_space<vmem>>, vector<16xf32>,
        %parallel_loop3A_397 = arith.mulf %parallel_loop3A_396, %parallel_loop3A_384 : vector<16xf32>
        tpu.vector_store_idx %arg14[%parallel_loop3A_392], %parallel_loop3A_397 {add = true} : memref<67584xf32, #tpu.memory_space<vmem>>[vector<16xi32>], vector<16xf32>,
        %parallel_loop3A_398 = arith.constant 16 : i32
        %parallel_loop3A_399 = vector.broadcast %parallel_loop3A_398 : i32 to vector<16xi32>
        %parallel_loop3A_400 = arith.addi %parallel_loop3A_389, %parallel_loop3A_399 : vector<16xi32>
        %parallel_loop3A_401 = arith.index_cast %rem3A_215 : i32 to index
        %parallel_loop3A_402 = arith.index_cast %parallel_loop3A_379 : i32 to index
        %parallel_loop3A_403 = arith.constant 16 : index
        %parallel_loop3A_404 = tpu.vector_load %arg13[%parallel_loop3A_401, %parallel_loop3A_402, %parallel_loop3A_403] {strides = array<i32>} : memref<2x96x256xf32, #tpu.memory_space<vmem>>, vector<16xf32>,
        %parallel_loop3A_405 = arith.mulf %parallel_loop3A_404, %parallel_loop3A_384 : vector<16xf32>
        tpu.vector_store_idx %arg14[%parallel_loop3A_400], %parallel_loop3A_405 {add = true} : memref<67584xf32, #tpu.memory_space<vmem>>[vector<16xi32>], vector<16xf32>,
        %parallel_loop3A_406 = arith.constant 32 : i32
        %parallel_loop3A_407 = vector.broadcast %parallel_loop3A_406 : i32 to vector<16xi32>
        %parallel_loop3A_408 = arith.addi %parallel_loop3A_389, %parallel_loop3A_407 : vector<16xi32>
        %parallel_loop3A_409 = arith.index_cast %rem3A_215 : i32 to index
        %parallel_loop3A_410 = arith.index_cast %parallel_loop3A_379 : i32 to index
        %parallel_loop3A_411 = arith.constant 32 : index
        %parallel_loop3A_412 = tpu.vector_load %arg13[%parallel_loop3A_409, %parallel_loop3A_410, %parallel_loop3A_411] {strides = array<i32>} : memref<2x96x256xf32, #tpu.memory_space<vmem>>, vector<16xf32>,
        %parallel_loop3A_413 = arith.mulf %parallel_loop3A_412, %parallel_loop3A_384 : vector<16xf32>
        tpu.vector_store_idx %arg14[%parallel_loop3A_408], %parallel_loop3A_413 {add = true} : memref<67584xf32, #tpu.memory_space<vmem>>[vector<16xi32>], vector<16xf32>,
        %parallel_loop3A_414 = arith.constant 48 : i32
        %parallel_loop3A_415 = vector.broadcast %parallel_loop3A_414 : i32 to vector<16xi32>
        %parallel_loop3A_416 = arith.addi %parallel_loop3A_389, %parallel_loop3A_415 : vector<16xi32>
        %parallel_loop3A_417 = arith.index_cast %rem3A_215 : i32 to index
        %parallel_loop3A_418 = arith.index_cast %parallel_loop3A_379 : i32 to index
        %parallel_loop3A_419 = arith.constant 48 : index
        %parallel_loop3A_420 = tpu.vector_load %arg13[%parallel_loop3A_417, %parallel_loop3A_418, %parallel_loop3A_419] {strides = array<i32>} : memref<2x96x256xf32, #tpu.memory_space<vmem>>, vector<16xf32>,
        %parallel_loop3A_421 = arith.mulf %parallel_loop3A_420, %parallel_loop3A_384 : vector<16xf32>
        tpu.vector_store_idx %arg14[%parallel_loop3A_416], %parallel_loop3A_421 {add = true} : memref<67584xf32, #tpu.memory_space<vmem>>[vector<16xi32>], vector<16xf32>,
        %parallel_loop3A_422 = arith.constant 64 : i32
        %parallel_loop3A_423 = vector.broadcast %parallel_loop3A_422 : i32 to vector<16xi32>
        %parallel_loop3A_424 = arith.addi %parallel_loop3A_389, %parallel_loop3A_423 : vector<16xi32>
        %parallel_loop3A_425 = arith.index_cast %rem3A_215 : i32 to index
        %parallel_loop3A_426 = arith.index_cast %parallel_loop3A_379 : i32 to index
        %parallel_loop3A_427 = arith.constant 64 : index
        %parallel_loop3A_428 = tpu.vector_load %arg13[%parallel_loop3A_425, %parallel_loop3A_426, %parallel_loop3A_427] {strides = array<i32>} : memref<2x96x256xf32, #tpu.memory_space<vmem>>, vector<16xf32>,
        %parallel_loop3A_429 = arith.mulf %parallel_loop3A_428, %parallel_loop3A_384 : vector<16xf32>
        tpu.vector_store_idx %arg14[%parallel_loop3A_424], %parallel_loop3A_429 {add = true} : memref<67584xf32, #tpu.memory_space<vmem>>[vector<16xi32>], vector<16xf32>,
        %parallel_loop3A_430 = arith.constant 80 : i32
        %parallel_loop3A_431 = vector.broadcast %parallel_loop3A_430 : i32 to vector<16xi32>
        %parallel_loop3A_432 = arith.addi %parallel_loop3A_389, %parallel_loop3A_431 : vector<16xi32>
        %parallel_loop3A_433 = arith.index_cast %rem3A_215 : i32 to index
        %parallel_loop3A_434 = arith.index_cast %parallel_loop3A_379 : i32 to index
        %parallel_loop3A_435 = arith.constant 80 : index
        %parallel_loop3A_436 = tpu.vector_load %arg13[%parallel_loop3A_433, %parallel_loop3A_434, %parallel_loop3A_435] {strides = array<i32>} : memref<2x96x256xf32, #tpu.memory_space<vmem>>, vector<16xf32>,
        %parallel_loop3A_437 = arith.mulf %parallel_loop3A_436, %parallel_loop3A_384 : vector<16xf32>
        tpu.vector_store_idx %arg14[%parallel_loop3A_432], %parallel_loop3A_437 {add = true} : memref<67584xf32, #tpu.memory_space<vmem>>[vector<16xi32>], vector<16xf32>,
        %parallel_loop3A_438 = arith.constant 96 : i32
        %parallel_loop3A_439 = vector.broadcast %parallel_loop3A_438 : i32 to vector<16xi32>
        %parallel_loop3A_440 = arith.addi %parallel_loop3A_389, %parallel_loop3A_439 : vector<16xi32>
        %parallel_loop3A_441 = arith.index_cast %rem3A_215 : i32 to index
        %parallel_loop3A_442 = arith.index_cast %parallel_loop3A_379 : i32 to index
        %parallel_loop3A_443 = arith.constant 96 : index
        %parallel_loop3A_444 = tpu.vector_load %arg13[%parallel_loop3A_441, %parallel_loop3A_442, %parallel_loop3A_443] {strides = array<i32>} : memref<2x96x256xf32, #tpu.memory_space<vmem>>, vector<16xf32>,
        %parallel_loop3A_445 = arith.mulf %parallel_loop3A_444, %parallel_loop3A_384 : vector<16xf32>
        tpu.vector_store_idx %arg14[%parallel_loop3A_440], %parallel_loop3A_445 {add = true} : memref<67584xf32, #tpu.memory_space<vmem>>[vector<16xi32>], vector<16xf32>,
        %parallel_loop3A_446 = arith.constant 112 : i32
        %parallel_loop3A_447 = vector.broadcast %parallel_loop3A_446 : i32 to vector<16xi32>
        %parallel_loop3A_448 = arith.addi %parallel_loop3A_389, %parallel_loop3A_447 : vector<16xi32>
        %parallel_loop3A_449 = arith.index_cast %rem3A_215 : i32 to index
        %parallel_loop3A_450 = arith.index_cast %parallel_loop3A_379 : i32 to index
        %parallel_loop3A_451 = arith.constant 112 : index
        %parallel_loop3A_452 = tpu.vector_load %arg13[%parallel_loop3A_449, %parallel_loop3A_450, %parallel_loop3A_451] {strides = array<i32>} : memref<2x96x256xf32, #tpu.memory_space<vmem>>, vector<16xf32>,
        %parallel_loop3A_453 = arith.mulf %parallel_loop3A_452, %parallel_loop3A_384 : vector<16xf32>
        tpu.vector_store_idx %arg14[%parallel_loop3A_448], %parallel_loop3A_453 {add = true} : memref<67584xf32, #tpu.memory_space<vmem>>[vector<16xi32>], vector<16xf32>,
        %parallel_loop3A_454 = arith.constant 128 : i32
        %parallel_loop3A_455 = vector.broadcast %parallel_loop3A_454 : i32 to vector<16xi32>
        %parallel_loop3A_456 = arith.addi %parallel_loop3A_389, %parallel_loop3A_455 : vector<16xi32>
        %parallel_loop3A_457 = arith.index_cast %rem3A_215 : i32 to index
        %parallel_loop3A_458 = arith.index_cast %parallel_loop3A_379 : i32 to index
        %parallel_loop3A_459 = arith.constant 128 : index
        %parallel_loop3A_460 = tpu.vector_load %arg13[%parallel_loop3A_457, %parallel_loop3A_458, %parallel_loop3A_459] {strides = array<i32>} : memref<2x96x256xf32, #tpu.memory_space<vmem>>, vector<16xf32>,
        %parallel_loop3A_461 = arith.mulf %parallel_loop3A_460, %parallel_loop3A_384 : vector<16xf32>
        tpu.vector_store_idx %arg14[%parallel_loop3A_456], %parallel_loop3A_461 {add = true} : memref<67584xf32, #tpu.memory_space<vmem>>[vector<16xi32>], vector<16xf32>,
        %parallel_loop3A_462 = arith.constant 144 : i32
        %parallel_loop3A_463 = vector.broadcast %parallel_loop3A_462 : i32 to vector<16xi32>
        %parallel_loop3A_464 = arith.addi %parallel_loop3A_389, %parallel_loop3A_463 : vector<16xi32>
        %parallel_loop3A_465 = arith.index_cast %rem3A_215 : i32 to index
        %parallel_loop3A_466 = arith.index_cast %parallel_loop3A_379 : i32 to index
        %parallel_loop3A_467 = arith.constant 144 : index
        %parallel_loop3A_468 = tpu.vector_load %arg13[%parallel_loop3A_465, %parallel_loop3A_466, %parallel_loop3A_467] {strides = array<i32>} : memref<2x96x256xf32, #tpu.memory_space<vmem>>, vector<16xf32>,
        %parallel_loop3A_469 = arith.mulf %parallel_loop3A_468, %parallel_loop3A_384 : vector<16xf32>
        tpu.vector_store_idx %arg14[%parallel_loop3A_464], %parallel_loop3A_469 {add = true} : memref<67584xf32, #tpu.memory_space<vmem>>[vector<16xi32>], vector<16xf32>,
        %parallel_loop3A_470 = arith.constant 160 : i32
        %parallel_loop3A_471 = vector.broadcast %parallel_loop3A_470 : i32 to vector<16xi32>
        %parallel_loop3A_472 = arith.addi %parallel_loop3A_389, %parallel_loop3A_471 : vector<16xi32>
        %parallel_loop3A_473 = arith.index_cast %rem3A_215 : i32 to index
        %parallel_loop3A_474 = arith.index_cast %parallel_loop3A_379 : i32 to index
        %parallel_loop3A_475 = arith.constant 160 : index
        %parallel_loop3A_476 = tpu.vector_load %arg13[%parallel_loop3A_473, %parallel_loop3A_474, %parallel_loop3A_475] {strides = array<i32>} : memref<2x96x256xf32, #tpu.memory_space<vmem>>, vector<16xf32>,
        %parallel_loop3A_477 = arith.mulf %parallel_loop3A_476, %parallel_loop3A_384 : vector<16xf32>
        tpu.vector_store_idx %arg14[%parallel_loop3A_472], %parallel_loop3A_477 {add = true} : memref<67584xf32, #tpu.memory_space<vmem>>[vector<16xi32>], vector<16xf32>,
        %parallel_loop3A_478 = arith.constant 176 : i32
        %parallel_loop3A_479 = vector.broadcast %parallel_loop3A_478 : i32 to vector<16xi32>
        %parallel_loop3A_480 = arith.addi %parallel_loop3A_389, %parallel_loop3A_479 : vector<16xi32>
        %parallel_loop3A_481 = arith.index_cast %rem3A_215 : i32 to index
        %parallel_loop3A_482 = arith.index_cast %parallel_loop3A_379 : i32 to index
        %parallel_loop3A_483 = arith.constant 176 : index
        %parallel_loop3A_484 = tpu.vector_load %arg13[%parallel_loop3A_481, %parallel_loop3A_482, %parallel_loop3A_483] {strides = array<i32>} : memref<2x96x256xf32, #tpu.memory_space<vmem>>, vector<16xf32>,
        %parallel_loop3A_485 = arith.mulf %parallel_loop3A_484, %parallel_loop3A_384 : vector<16xf32>
        tpu.vector_store_idx %arg14[%parallel_loop3A_480], %parallel_loop3A_485 {add = true} : memref<67584xf32, #tpu.memory_space<vmem>>[vector<16xi32>], vector<16xf32>,
        %parallel_loop3A_486 = arith.constant 192 : i32
        %parallel_loop3A_487 = vector.broadcast %parallel_loop3A_486 : i32 to vector<16xi32>
        %parallel_loop3A_488 = arith.addi %parallel_loop3A_389, %parallel_loop3A_487 : vector<16xi32>
        %parallel_loop3A_489 = arith.index_cast %rem3A_215 : i32 to index
        %parallel_loop3A_490 = arith.index_cast %parallel_loop3A_379 : i32 to index
        %parallel_loop3A_491 = arith.constant 192 : index
        %parallel_loop3A_492 = tpu.vector_load %arg13[%parallel_loop3A_489, %parallel_loop3A_490, %parallel_loop3A_491] {strides = array<i32>} : memref<2x96x256xf32, #tpu.memory_space<vmem>>, vector<16xf32>,
        %parallel_loop3A_493 = arith.mulf %parallel_loop3A_492, %parallel_loop3A_384 : vector<16xf32>
        tpu.vector_store_idx %arg14[%parallel_loop3A_488], %parallel_loop3A_493 {add = true} : memref<67584xf32, #tpu.memory_space<vmem>>[vector<16xi32>], vector<16xf32>,
        %parallel_loop3A_494 = arith.constant 208 : i32
        %parallel_loop3A_495 = vector.broadcast %parallel_loop3A_494 : i32 to vector<16xi32>
        %parallel_loop3A_496 = arith.addi %parallel_loop3A_389, %parallel_loop3A_495 : vector<16xi32>
        %parallel_loop3A_497 = arith.index_cast %rem3A_215 : i32 to index
        %parallel_loop3A_498 = arith.index_cast %parallel_loop3A_379 : i32 to index
        %parallel_loop3A_499 = arith.constant 208 : index
        %parallel_loop3A_500 = tpu.vector_load %arg13[%parallel_loop3A_497, %parallel_loop3A_498, %parallel_loop3A_499] {strides = array<i32>} : memref<2x96x256xf32, #tpu.memory_space<vmem>>, vector<16xf32>,
        %parallel_loop3A_501 = arith.mulf %parallel_loop3A_500, %parallel_loop3A_384 : vector<16xf32>
        tpu.vector_store_idx %arg14[%parallel_loop3A_496], %parallel_loop3A_501 {add = true} : memref<67584xf32, #tpu.memory_space<vmem>>[vector<16xi32>], vector<16xf32>,
        %parallel_loop3A_502 = arith.constant 224 : i32
        %parallel_loop3A_503 = vector.broadcast %parallel_loop3A_502 : i32 to vector<16xi32>
        %parallel_loop3A_504 = arith.addi %parallel_loop3A_389, %parallel_loop3A_503 : vector<16xi32>
        %parallel_loop3A_505 = arith.index_cast %rem3A_215 : i32 to index
        %parallel_loop3A_506 = arith.index_cast %parallel_loop3A_379 : i32 to index
        %parallel_loop3A_507 = arith.constant 224 : index
        %parallel_loop3A_508 = tpu.vector_load %arg13[%parallel_loop3A_505, %parallel_loop3A_506, %parallel_loop3A_507] {strides = array<i32>} : memref<2x96x256xf32, #tpu.memory_space<vmem>>, vector<16xf32>,
        %parallel_loop3A_509 = arith.mulf %parallel_loop3A_508, %parallel_loop3A_384 : vector<16xf32>
        tpu.vector_store_idx %arg14[%parallel_loop3A_504], %parallel_loop3A_509 {add = true} : memref<67584xf32, #tpu.memory_space<vmem>>[vector<16xi32>], vector<16xf32>,
        %parallel_loop3A_510 = arith.constant 240 : i32
        %parallel_loop3A_511 = vector.broadcast %parallel_loop3A_510 : i32 to vector<16xi32>
        %parallel_loop3A_512 = arith.addi %parallel_loop3A_389, %parallel_loop3A_511 : vector<16xi32>
        %parallel_loop3A_513 = arith.index_cast %rem3A_215 : i32 to index
        %parallel_loop3A_514 = arith.index_cast %parallel_loop3A_379 : i32 to index
        %parallel_loop3A_515 = arith.constant 240 : index
        %parallel_loop3A_516 = tpu.vector_load %arg13[%parallel_loop3A_513, %parallel_loop3A_514, %parallel_loop3A_515] {strides = array<i32>} : memref<2x96x256xf32, #tpu.memory_space<vmem>>, vector<16xf32>,
        %parallel_loop3A_517 = arith.mulf %parallel_loop3A_516, %parallel_loop3A_384 : vector<16xf32>
        tpu.vector_store_idx %arg14[%parallel_loop3A_512], %parallel_loop3A_517 {add = true} : memref<67584xf32, #tpu.memory_space<vmem>>[vector<16xi32>], vector<16xf32>,
      } {sc.loop_unroll_factor = 4 : i64, sc.parallel_access}
      %add3A_373 = arith.constant 2 : i32
      %add3A_374 = arith.addi %while3A_213, %add3A_373 : i32
      %lt3A_375 = arith.cmpi slt, %add3A_374, %max3A_187 : i32
      %convert_element_type3A_376 = arith.extui %lt3A_375 : i1 to i32
      %cond3A_377 = arith.constant 0 : i32
      %cond3A_378 = arith.cmpi ne, %convert_element_type3A_376, %cond3A_377 : i32
      scf.if %cond3A_378 {
        %add3A_379 = arith.constant 2 : i32
        %add3A_380 = arith.addi %while3A_213, %add3A_379 : i32
        %mul3A_381 = arith.constant 96 : i32
        %mul3A_382 = arith.muli %add3A_380, %mul3A_381 : i32
        %add3A_383 = arith.addi %mul3A_156, %mul3A_382 : i32
        %dma_start3A = arith.constant 0 : i32
        %dma_start3A_384 = tpu.memref_slice %arg9[%rem3A_215, %dma_start3A] : memref<2x96xi32, #tpu.memory_space<vmem>> -> memref<1x96xi32, #tpu.memory_space<vmem>>
        %dma_start3A_385 = tpu.memref_squeeze %dma_start3A_384 : memref<1x96xi32, #tpu.memory_space<vmem>> -> memref<96xi32, #tpu.memory_space<vmem>>
        %dma_start3A_386 = tpu.memref_slice %arg3[%add3A_383] : memref<268608xi32, #tpu.memory_space<hbm>> -> memref<96xi32, #tpu.memory_space<hbm>>
        %dma_start3A_387 = arith.constant 0 : i32
        %dma_start3A_388 = tpu.memref_slice %arg9[%rem3A_215, %dma_start3A_387] : memref<2x96xi32, #tpu.memory_space<vmem>> -> memref<1x96xi32, #tpu.memory_space<vmem>>
        %dma_start3A_389 = tpu.memref_squeeze %dma_start3A_388 : memref<1x96xi32, #tpu.memory_space<vmem>> -> memref<96xi32, #tpu.memory_space<vmem>>
        %dma_start3A_390 = tpu.memref_slice %arg3[%add3A_383] : memref<268608xi32, #tpu.memory_space<hbm>> -> memref<96xi32, #tpu.memory_space<hbm>>
        tpu.enqueue_dma source(%dma_start3A_390 : memref<96xi32, #tpu.memory_space<hbm>>) target(%dma_start3A_389 : memref<96xi32, #tpu.memory_space<vmem>>) target_semaphore(%arg16 : memref<!tpu.dma_semaphore, #tpu.memory_space<semaphore_mem>>)
        %dma_start3A_391 = arith.constant 0 : i32
        %dma_start3A_392 = tpu.memref_slice %arg10[%rem3A_215, %dma_start3A_391] : memref<2x96xi32, #tpu.memory_space<vmem>> -> memref<1x96xi32, #tpu.memory_space<vmem>>
        %dma_start3A_393 = tpu.memref_squeeze %dma_start3A_392 : memref<1x96xi32, #tpu.memory_space<vmem>> -> memref<96xi32, #tpu.memory_space<vmem>>
        %dma_start3A_394 = tpu.memref_slice %arg4[%add3A_383] : memref<268608xi32, #tpu.memory_space<hbm>> -> memref<96xi32, #tpu.memory_space<hbm>>
        %dma_start3A_395 = arith.constant 0 : i32
        %dma_start3A_396 = tpu.memref_slice %arg10[%rem3A_215, %dma_start3A_395] : memref<2x96xi32, #tpu.memory_space<vmem>> -> memref<1x96xi32, #tpu.memory_space<vmem>>
        %dma_start3A_397 = tpu.memref_squeeze %dma_start3A_396 : memref<1x96xi32, #tpu.memory_space<vmem>> -> memref<96xi32, #tpu.memory_space<vmem>>
        %dma_start3A_398 = tpu.memref_slice %arg4[%add3A_383] : memref<268608xi32, #tpu.memory_space<hbm>> -> memref<96xi32, #tpu.memory_space<hbm>>
        tpu.enqueue_dma source(%dma_start3A_398 : memref<96xi32, #tpu.memory_space<hbm>>) target(%dma_start3A_397 : memref<96xi32, #tpu.memory_space<vmem>>) target_semaphore(%arg16 : memref<!tpu.dma_semaphore, #tpu.memory_space<semaphore_mem>>)
        %dma_start3A_399 = arith.constant 0 : i32
        %dma_start3A_400 = tpu.memref_slice %arg11[%rem3A_215, %dma_start3A_399] : memref<2x96xf32, #tpu.memory_space<vmem>> -> memref<1x96xf32, #tpu.memory_space<vmem>>
        %dma_start3A_401 = tpu.memref_squeeze %dma_start3A_400 : memref<1x96xf32, #tpu.memory_space<vmem>> -> memref<96xf32, #tpu.memory_space<vmem>>
        %dma_start3A_402 = tpu.memref_slice %arg5[%add3A_383] : memref<268608xf32, #tpu.memory_space<hbm>> -> memref<96xf32, #tpu.memory_space<hbm>>
        %dma_start3A_403 = arith.constant 0 : i32
        %dma_start3A_404 = tpu.memref_slice %arg11[%rem3A_215, %dma_start3A_403] : memref<2x96xf32, #tpu.memory_space<vmem>> -> memref<1x96xf32, #tpu.memory_space<vmem>>
        %dma_start3A_405 = tpu.memref_squeeze %dma_start3A_404 : memref<1x96xf32, #tpu.memory_space<vmem>> -> memref<96xf32, #tpu.memory_space<vmem>>
        %dma_start3A_406 = tpu.memref_slice %arg5[%add3A_383] : memref<268608xf32, #tpu.memory_space<hbm>> -> memref<96xf32, #tpu.memory_space<hbm>>
        tpu.enqueue_dma source(%dma_start3A_406 : memref<96xf32, #tpu.memory_space<hbm>>) target(%dma_start3A_405 : memref<96xf32, #tpu.memory_space<vmem>>) target_semaphore(%arg16 : memref<!tpu.dma_semaphore, #tpu.memory_space<semaphore_mem>>)
      } else {
      }
    }
    %while3A_210 = arith.constant 1 : i32
    scf.for %while3A_213 = %while3A_208 to %while3A_204 step %while3A_210  : i32 {
      %rem3A_214 = arith.constant 2 : i32
      %rem3A_215 = arith.remsi %while3A_213, %rem3A_214 : i32
      %sub3A_216 = arith.constant 1 : i32
      %sub3A_217 = arith.subi %sub3A_216, %rem3A_215 : i32
      %mul3A_218 = arith.constant 96 : i32
      %mul3A_219 = arith.muli %while3A_213, %mul3A_218 : i32
      %add3A_220 = arith.addi %mul3A_156, %mul3A_219 : i32
      %get3A = arith.index_cast %rem3A_215 : i32 to index
      %get3A_221 = arith.constant 0 : index
      %get3A_222 = tpu.vector_load %arg10[%get3A, %get3A_221] {strides = array<i32>} : memref<2x96xi32, #tpu.memory_space<vmem>>, vector<16xi32>,
      %add3A_223 = arith.constant 0 : i32
      %add3A_224 = arith.addi %add3A_220, %add3A_223 : i32
      %add3A_225 = vector.broadcast %add3A_224 : i32 to vector<16xi32>
      %add3A_226 = arith.addi %add3A_225, %iota3A : vector<16xi32>
      %ge3A = vector.broadcast %reduce_sum3A_115 : i32 to vector<16xi32>
      %ge3A_227 = arith.cmpi sge, %add3A_226, %ge3A : vector<16xi32>
      %lt3A = vector.broadcast %reduce_sum3A_130 : i32 to vector<16xi32>
      %lt3A_228 = arith.cmpi slt, %add3A_226, %lt3A : vector<16xi32>
      %and3A_229 = arith.andi %ge3A_227, %lt3A_228 : vector<16xi1>
      %sub3A_230 = vector.broadcast %mul3A_102 : i32 to vector<16xi32>
      %sub3A_231 = arith.subi %get3A_222, %sub3A_230 : vector<16xi32>
      %jit3A_232 = arith.constant 256 : i32
      %broadcast_in_dim3A_233 = vector.broadcast %jit3A_232 : i32 to vector<16xi32>
      %select_n3A_234 = arith.select %and3A_229, %sub3A_231, %broadcast_in_dim3A_233 : vector<16xi1>, vector<16xi32>
      %mul3A_235 = arith.constant 256 : i32
      %mul3A_236 = vector.broadcast %mul3A_235 : i32 to vector<16xi32>
      %mul3A_237 = arith.muli %select_n3A_234, %mul3A_236 : vector<16xi32>
      %swap3A = arith.index_cast %rem3A_215 : i32 to index
      %swap3A_238 = arith.constant 0 : index
      %swap3A_239 = tpu.vector_load %arg12[%swap3A, %swap3A_238] {strides = array<i32>} : memref<2x96xi32, #tpu.memory_space<vmem>>, vector<16xi32>,
      tpu.vector_store %arg12[%swap3A, %swap3A_238], %mul3A_237 {strides = array<i32>} : memref<2x96xi32, #tpu.memory_space<vmem>>, vector<16xi32>,
      %get3A_240 = arith.index_cast %rem3A_215 : i32 to index
      %get3A_241 = arith.constant 16 : index
      %get3A_242 = tpu.vector_load %arg10[%get3A_240, %get3A_241] {strides = array<i32>} : memref<2x96xi32, #tpu.memory_space<vmem>>, vector<16xi32>,
      %add3A_243 = arith.constant 16 : i32
      %add3A_244 = arith.addi %add3A_220, %add3A_243 : i32
      %add3A_245 = vector.broadcast %add3A_244 : i32 to vector<16xi32>
      %add3A_246 = arith.addi %add3A_245, %iota3A : vector<16xi32>
      %ge3A_247 = vector.broadcast %reduce_sum3A_115 : i32 to vector<16xi32>
      %ge3A_248 = arith.cmpi sge, %add3A_246, %ge3A_247 : vector<16xi32>
      %lt3A_249 = vector.broadcast %reduce_sum3A_130 : i32 to vector<16xi32>
      %lt3A_250 = arith.cmpi slt, %add3A_246, %lt3A_249 : vector<16xi32>
      %and3A_251 = arith.andi %ge3A_248, %lt3A_250 : vector<16xi1>
      %sub3A_252 = vector.broadcast %mul3A_102 : i32 to vector<16xi32>
      %sub3A_253 = arith.subi %get3A_242, %sub3A_252 : vector<16xi32>
      %jit3A_254 = arith.constant 256 : i32
      %broadcast_in_dim3A_255 = vector.broadcast %jit3A_254 : i32 to vector<16xi32>
      %select_n3A_256 = arith.select %and3A_251, %sub3A_253, %broadcast_in_dim3A_255 : vector<16xi1>, vector<16xi32>
      %mul3A_257 = arith.constant 256 : i32
      %mul3A_258 = vector.broadcast %mul3A_257 : i32 to vector<16xi32>
      %mul3A_259 = arith.muli %select_n3A_256, %mul3A_258 : vector<16xi32>
      %swap3A_260 = arith.index_cast %rem3A_215 : i32 to index
      %swap3A_261 = arith.constant 16 : index
      %swap3A_262 = tpu.vector_load %arg12[%swap3A_260, %swap3A_261] {strides = array<i32>} : memref<2x96xi32, #tpu.memory_space<vmem>>, vector<16xi32>,
      tpu.vector_store %arg12[%swap3A_260, %swap3A_261], %mul3A_259 {strides = array<i32>} : memref<2x96xi32, #tpu.memory_space<vmem>>, vector<16xi32>,
      %get3A_263 = arith.index_cast %rem3A_215 : i32 to index
      %get3A_264 = arith.constant 32 : index
      %get3A_265 = tpu.vector_load %arg10[%get3A_263, %get3A_264] {strides = array<i32>} : memref<2x96xi32, #tpu.memory_space<vmem>>, vector<16xi32>,
      %add3A_266 = arith.constant 32 : i32
      %add3A_267 = arith.addi %add3A_220, %add3A_266 : i32
      %add3A_268 = vector.broadcast %add3A_267 : i32 to vector<16xi32>
      %add3A_269 = arith.addi %add3A_268, %iota3A : vector<16xi32>
      %ge3A_270 = vector.broadcast %reduce_sum3A_115 : i32 to vector<16xi32>
      %ge3A_271 = arith.cmpi sge, %add3A_269, %ge3A_270 : vector<16xi32>
      %lt3A_272 = vector.broadcast %reduce_sum3A_130 : i32 to vector<16xi32>
      %lt3A_273 = arith.cmpi slt, %add3A_269, %lt3A_272 : vector<16xi32>
      %and3A_274 = arith.andi %ge3A_271, %lt3A_273 : vector<16xi1>
      %sub3A_275 = vector.broadcast %mul3A_102 : i32 to vector<16xi32>
      %sub3A_276 = arith.subi %get3A_265, %sub3A_275 : vector<16xi32>
      %jit3A_277 = arith.constant 256 : i32
      %broadcast_in_dim3A_278 = vector.broadcast %jit3A_277 : i32 to vector<16xi32>
      %select_n3A_279 = arith.select %and3A_274, %sub3A_276, %broadcast_in_dim3A_278 : vector<16xi1>, vector<16xi32>
      %mul3A_280 = arith.constant 256 : i32
      %mul3A_281 = vector.broadcast %mul3A_280 : i32 to vector<16xi32>
      %mul3A_282 = arith.muli %select_n3A_279, %mul3A_281 : vector<16xi32>
      %swap3A_283 = arith.index_cast %rem3A_215 : i32 to index
      %swap3A_284 = arith.constant 32 : index
      %swap3A_285 = tpu.vector_load %arg12[%swap3A_283, %swap3A_284] {strides = array<i32>} : memref<2x96xi32, #tpu.memory_space<vmem>>, vector<16xi32>,
      tpu.vector_store %arg12[%swap3A_283, %swap3A_284], %mul3A_282 {strides = array<i32>} : memref<2x96xi32, #tpu.memory_space<vmem>>, vector<16xi32>,
      %get3A_286 = arith.index_cast %rem3A_215 : i32 to index
      %get3A_287 = arith.constant 48 : index
      %get3A_288 = tpu.vector_load %arg10[%get3A_286, %get3A_287] {strides = array<i32>} : memref<2x96xi32, #tpu.memory_space<vmem>>, vector<16xi32>,
      %add3A_289 = arith.constant 48 : i32
      %add3A_290 = arith.addi %add3A_220, %add3A_289 : i32
      %add3A_291 = vector.broadcast %add3A_290 : i32 to vector<16xi32>
      %add3A_292 = arith.addi %add3A_291, %iota3A : vector<16xi32>
      %ge3A_293 = vector.broadcast %reduce_sum3A_115 : i32 to vector<16xi32>
      %ge3A_294 = arith.cmpi sge, %add3A_292, %ge3A_293 : vector<16xi32>
      %lt3A_295 = vector.broadcast %reduce_sum3A_130 : i32 to vector<16xi32>
      %lt3A_296 = arith.cmpi slt, %add3A_292, %lt3A_295 : vector<16xi32>
      %and3A_297 = arith.andi %ge3A_294, %lt3A_296 : vector<16xi1>
      %sub3A_298 = vector.broadcast %mul3A_102 : i32 to vector<16xi32>
      %sub3A_299 = arith.subi %get3A_288, %sub3A_298 : vector<16xi32>
      %jit3A_300 = arith.constant 256 : i32
      %broadcast_in_dim3A_301 = vector.broadcast %jit3A_300 : i32 to vector<16xi32>
      %select_n3A_302 = arith.select %and3A_297, %sub3A_299, %broadcast_in_dim3A_301 : vector<16xi1>, vector<16xi32>
      %mul3A_303 = arith.constant 256 : i32
      %mul3A_304 = vector.broadcast %mul3A_303 : i32 to vector<16xi32>
      %mul3A_305 = arith.muli %select_n3A_302, %mul3A_304 : vector<16xi32>
      %swap3A_306 = arith.index_cast %rem3A_215 : i32 to index
      %swap3A_307 = arith.constant 48 : index
      %swap3A_308 = tpu.vector_load %arg12[%swap3A_306, %swap3A_307] {strides = array<i32>} : memref<2x96xi32, #tpu.memory_space<vmem>>, vector<16xi32>,
      tpu.vector_store %arg12[%swap3A_306, %swap3A_307], %mul3A_305 {strides = array<i32>} : memref<2x96xi32, #tpu.memory_space<vmem>>, vector<16xi32>,
      %get3A_309 = arith.index_cast %rem3A_215 : i32 to index
      %get3A_310 = arith.constant 64 : index
      %get3A_311 = tpu.vector_load %arg10[%get3A_309, %get3A_310] {strides = array<i32>} : memref<2x96xi32, #tpu.memory_space<vmem>>, vector<16xi32>,
      %add3A_312 = arith.constant 64 : i32
      %add3A_313 = arith.addi %add3A_220, %add3A_312 : i32
      %add3A_314 = vector.broadcast %add3A_313 : i32 to vector<16xi32>
      %add3A_315 = arith.addi %add3A_314, %iota3A : vector<16xi32>
      %ge3A_316 = vector.broadcast %reduce_sum3A_115 : i32 to vector<16xi32>
      %ge3A_317 = arith.cmpi sge, %add3A_315, %ge3A_316 : vector<16xi32>
      %lt3A_318 = vector.broadcast %reduce_sum3A_130 : i32 to vector<16xi32>
      %lt3A_319 = arith.cmpi slt, %add3A_315, %lt3A_318 : vector<16xi32>
      %and3A_320 = arith.andi %ge3A_317, %lt3A_319 : vector<16xi1>
      %sub3A_321 = vector.broadcast %mul3A_102 : i32 to vector<16xi32>
      %sub3A_322 = arith.subi %get3A_311, %sub3A_321 : vector<16xi32>
      %jit3A_323 = arith.constant 256 : i32
      %broadcast_in_dim3A_324 = vector.broadcast %jit3A_323 : i32 to vector<16xi32>
      %select_n3A_325 = arith.select %and3A_320, %sub3A_322, %broadcast_in_dim3A_324 : vector<16xi1>, vector<16xi32>
      %mul3A_326 = arith.constant 256 : i32
      %mul3A_327 = vector.broadcast %mul3A_326 : i32 to vector<16xi32>
      %mul3A_328 = arith.muli %select_n3A_325, %mul3A_327 : vector<16xi32>
      %swap3A_329 = arith.index_cast %rem3A_215 : i32 to index
      %swap3A_330 = arith.constant 64 : index
      %swap3A_331 = tpu.vector_load %arg12[%swap3A_329, %swap3A_330] {strides = array<i32>} : memref<2x96xi32, #tpu.memory_space<vmem>>, vector<16xi32>,
      tpu.vector_store %arg12[%swap3A_329, %swap3A_330], %mul3A_328 {strides = array<i32>} : memref<2x96xi32, #tpu.memory_space<vmem>>, vector<16xi32>,
      %get3A_332 = arith.index_cast %rem3A_215 : i32 to index
      %get3A_333 = arith.constant 80 : index
      %get3A_334 = tpu.vector_load %arg10[%get3A_332, %get3A_333] {strides = array<i32>} : memref<2x96xi32, #tpu.memory_space<vmem>>, vector<16xi32>,
      %add3A_335 = arith.constant 80 : i32
      %add3A_336 = arith.addi %add3A_220, %add3A_335 : i32
      %add3A_337 = vector.broadcast %add3A_336 : i32 to vector<16xi32>
      %add3A_338 = arith.addi %add3A_337, %iota3A : vector<16xi32>
      %ge3A_339 = vector.broadcast %reduce_sum3A_115 : i32 to vector<16xi32>
      %ge3A_340 = arith.cmpi sge, %add3A_338, %ge3A_339 : vector<16xi32>
      %lt3A_341 = vector.broadcast %reduce_sum3A_130 : i32 to vector<16xi32>
      %lt3A_342 = arith.cmpi slt, %add3A_338, %lt3A_341 : vector<16xi32>
      %and3A_343 = arith.andi %ge3A_340, %lt3A_342 : vector<16xi1>
      %sub3A_344 = vector.broadcast %mul3A_102 : i32 to vector<16xi32>
      %sub3A_345 = arith.subi %get3A_334, %sub3A_344 : vector<16xi32>
      %jit3A_346 = arith.constant 256 : i32
      %broadcast_in_dim3A_347 = vector.broadcast %jit3A_346 : i32 to vector<16xi32>
      %select_n3A_348 = arith.select %and3A_343, %sub3A_345, %broadcast_in_dim3A_347 : vector<16xi1>, vector<16xi32>
      %mul3A_349 = arith.constant 256 : i32
      %mul3A_350 = vector.broadcast %mul3A_349 : i32 to vector<16xi32>
      %mul3A_351 = arith.muli %select_n3A_348, %mul3A_350 : vector<16xi32>
      %swap3A_352 = arith.index_cast %rem3A_215 : i32 to index
      %swap3A_353 = arith.constant 80 : index
      %swap3A_354 = tpu.vector_load %arg12[%swap3A_352, %swap3A_353] {strides = array<i32>} : memref<2x96xi32, #tpu.memory_space<vmem>>, vector<16xi32>,
      tpu.vector_store %arg12[%swap3A_352, %swap3A_353], %mul3A_351 {strides = array<i32>} : memref<2x96xi32, #tpu.memory_space<vmem>>, vector<16xi32>,
      %dma_wait3A = arith.constant 0 : i32
      %dma_wait3A_355 = arith.constant 0 : i32
      %dma_wait3A_356 = tpu.memref_slice %arg13[%rem3A_215, %dma_wait3A, %dma_wait3A_355] : memref<2x96x256xf32, #tpu.memory_space<vmem>> -> memref<1x96x256xf32, #tpu.memory_space<vmem>>
      %dma_wait3A_357 = tpu.memref_squeeze %dma_wait3A_356 : memref<1x96x256xf32, #tpu.memory_space<vmem>> -> memref<96x256xf32, #tpu.memory_space<vmem>>
      %dma_wait3A_358 = arith.constant 0 : i32
      %dma_wait3A_359 = tpu.memref_slice %arg9[%rem3A_215, %dma_wait3A_358] : memref<2x96xi32, #tpu.memory_space<vmem>> -> memref<1x96xi32, #tpu.memory_space<vmem>>
      %dma_wait3A_360 = tpu.memref_squeeze %dma_wait3A_359 : memref<1x96xi32, #tpu.memory_space<vmem>> -> memref<96xi32, #tpu.memory_space<vmem>>
      %dma_wait3A_361 = arith.constant 0 : i32
      %dma_wait3A_362 = arith.constant 0 : i32
      %dma_wait3A_363 = tpu.memref_slice %arg2[%dma_wait3A_361, %dma_wait3A_362] : memref<16384x256xf32, #tpu.memory_space<hbm>> -> memref<16384x256xf32, #tpu.memory_space<hbm>>
      tpu.wait_indirect_dma semaphore(%arg15 : memref<!tpu.dma_semaphore, #tpu.memory_space<semaphore_mem>>) src(%dma_wait3A_363 : memref<16384x256xf32, #tpu.memory_space<hbm>>) dst(%dma_wait3A_357 : memref<96x256xf32, #tpu.memory_space<vmem>>)
      %add3A_364 = arith.constant 1 : i32
      %add3A_365 = arith.addi %while3A_213, %add3A_364 : i32
      %lt3A_366 = arith.cmpi slt, %add3A_365, %max3A_187 : i32
      %convert_element_type3A_367 = arith.extui %lt3A_366 : i1 to i32
      %cond3A_368 = arith.constant 0 : i32
      %cond3A_369 = arith.cmpi ne, %convert_element_type3A_367, %cond3A_368 : i32
      scf.if %cond3A_369 {
        %dma_wait3A_379 = arith.constant 0 : i32
        %dma_wait3A_380 = tpu.memref_slice %arg9[%sub3A_217, %dma_wait3A_379] : memref<2x96xi32, #tpu.memory_space<vmem>> -> memref<1x96xi32, #tpu.memory_space<vmem>>
        %dma_wait3A_381 = tpu.memref_squeeze %dma_wait3A_380 : memref<1x96xi32, #tpu.memory_space<vmem>> -> memref<96xi32, #tpu.memory_space<vmem>>
        %dma_wait3A_382 = arith.constant 0 : i32
        %dma_wait3A_383 = tpu.memref_slice %arg3[%dma_wait3A_382] : memref<268608xi32, #tpu.memory_space<hbm>> -> memref<96xi32, #tpu.memory_space<hbm>>
        %dma_wait3A_384 = arith.constant 0 : i32
        %dma_wait3A_385 = tpu.memref_slice %arg9[%sub3A_217, %dma_wait3A_384] : memref<2x96xi32, #tpu.memory_space<vmem>> -> memref<1x96xi32, #tpu.memory_space<vmem>>
        %dma_wait3A_386 = tpu.memref_squeeze %dma_wait3A_385 : memref<1x96xi32, #tpu.memory_space<vmem>> -> memref<96xi32, #tpu.memory_space<vmem>>
        %dma_wait3A_387 = arith.constant 0 : i32
        %dma_wait3A_388 = tpu.memref_slice %arg3[%dma_wait3A_387] : memref<268608xi32, #tpu.memory_space<hbm>> -> memref<96xi32, #tpu.memory_space<hbm>>
        tpu.wait_dma2 semaphore(%arg16 : memref<!tpu.dma_semaphore, #tpu.memory_space<semaphore_mem>>) src(%dma_wait3A_388 : memref<96xi32, #tpu.memory_space<hbm>>) dst(%dma_wait3A_386 : memref<96xi32, #tpu.memory_space<vmem>>)
        %dma_wait3A_389 = arith.constant 0 : i32
        %dma_wait3A_390 = tpu.memref_slice %arg10[%sub3A_217, %dma_wait3A_389] : memref<2x96xi32, #tpu.memory_space<vmem>> -> memref<1x96xi32, #tpu.memory_space<vmem>>
        %dma_wait3A_391 = tpu.memref_squeeze %dma_wait3A_390 : memref<1x96xi32, #tpu.memory_space<vmem>> -> memref<96xi32, #tpu.memory_space<vmem>>
        %dma_wait3A_392 = arith.constant 0 : i32
        %dma_wait3A_393 = tpu.memref_slice %arg4[%dma_wait3A_392] : memref<268608xi32, #tpu.memory_space<hbm>> -> memref<96xi32, #tpu.memory_space<hbm>>
        %dma_wait3A_394 = arith.constant 0 : i32
        %dma_wait3A_395 = tpu.memref_slice %arg10[%sub3A_217, %dma_wait3A_394] : memref<2x96xi32, #tpu.memory_space<vmem>> -> memref<1x96xi32, #tpu.memory_space<vmem>>
        %dma_wait3A_396 = tpu.memref_squeeze %dma_wait3A_395 : memref<1x96xi32, #tpu.memory_space<vmem>> -> memref<96xi32, #tpu.memory_space<vmem>>
        %dma_wait3A_397 = arith.constant 0 : i32
        %dma_wait3A_398 = tpu.memref_slice %arg4[%dma_wait3A_397] : memref<268608xi32, #tpu.memory_space<hbm>> -> memref<96xi32, #tpu.memory_space<hbm>>
        tpu.wait_dma2 semaphore(%arg16 : memref<!tpu.dma_semaphore, #tpu.memory_space<semaphore_mem>>) src(%dma_wait3A_398 : memref<96xi32, #tpu.memory_space<hbm>>) dst(%dma_wait3A_396 : memref<96xi32, #tpu.memory_space<vmem>>)
        %dma_wait3A_399 = arith.constant 0 : i32
        %dma_wait3A_400 = tpu.memref_slice %arg11[%sub3A_217, %dma_wait3A_399] : memref<2x96xf32, #tpu.memory_space<vmem>> -> memref<1x96xf32, #tpu.memory_space<vmem>>
        %dma_wait3A_401 = tpu.memref_squeeze %dma_wait3A_400 : memref<1x96xf32, #tpu.memory_space<vmem>> -> memref<96xf32, #tpu.memory_space<vmem>>
        %dma_wait3A_402 = arith.constant 0 : i32
        %dma_wait3A_403 = tpu.memref_slice %arg5[%dma_wait3A_402] : memref<268608xf32, #tpu.memory_space<hbm>> -> memref<96xf32, #tpu.memory_space<hbm>>
        %dma_wait3A_404 = arith.constant 0 : i32
        %dma_wait3A_405 = tpu.memref_slice %arg11[%sub3A_217, %dma_wait3A_404] : memref<2x96xf32, #tpu.memory_space<vmem>> -> memref<1x96xf32, #tpu.memory_space<vmem>>
        %dma_wait3A_406 = tpu.memref_squeeze %dma_wait3A_405 : memref<1x96xf32, #tpu.memory_space<vmem>> -> memref<96xf32, #tpu.memory_space<vmem>>
        %dma_wait3A_407 = arith.constant 0 : i32
        %dma_wait3A_408 = tpu.memref_slice %arg5[%dma_wait3A_407] : memref<268608xf32, #tpu.memory_space<hbm>> -> memref<96xf32, #tpu.memory_space<hbm>>
        tpu.wait_dma2 semaphore(%arg16 : memref<!tpu.dma_semaphore, #tpu.memory_space<semaphore_mem>>) src(%dma_wait3A_408 : memref<96xf32, #tpu.memory_space<hbm>>) dst(%dma_wait3A_406 : memref<96xf32, #tpu.memory_space<vmem>>)
        %dma_start3A = arith.constant 0 : i32
        %dma_start3A_409 = arith.constant 0 : i32
        %dma_start3A_410 = tpu.memref_slice %arg13[%sub3A_217, %dma_start3A, %dma_start3A_409] : memref<2x96x256xf32, #tpu.memory_space<vmem>> -> memref<1x96x256xf32, #tpu.memory_space<vmem>>
        %dma_start3A_411 = tpu.memref_squeeze %dma_start3A_410 : memref<1x96x256xf32, #tpu.memory_space<vmem>> -> memref<96x256xf32, #tpu.memory_space<vmem>>
        %dma_start3A_412 = arith.constant 0 : i32
        %dma_start3A_413 = tpu.memref_slice %arg9[%sub3A_217, %dma_start3A_412] : memref<2x96xi32, #tpu.memory_space<vmem>> -> memref<1x96xi32, #tpu.memory_space<vmem>>
        %dma_start3A_414 = tpu.memref_squeeze %dma_start3A_413 : memref<1x96xi32, #tpu.memory_space<vmem>> -> memref<96xi32, #tpu.memory_space<vmem>>
        %dma_start3A_415 = arith.constant 0 : i32
        %dma_start3A_416 = arith.constant 0 : i32
        %dma_start3A_417 = tpu.memref_slice %arg2[%dma_start3A_415, %dma_start3A_416] : memref<16384x256xf32, #tpu.memory_space<hbm>> -> memref<16384x256xf32, #tpu.memory_space<hbm>>
        tpu.enqueue_indirect_dma source(%dma_start3A_417 : memref<16384x256xf32, #tpu.memory_space<hbm>>) target(%dma_start3A_411 : memref<96x256xf32, #tpu.memory_space<vmem>>) offsets(%dma_start3A_414 : memref<96xi32, #tpu.memory_space<vmem>>) semaphore(%arg15 : memref<!tpu.dma_semaphore, #tpu.memory_space<semaphore_mem>>)
      } else {
      }
      %parallel_loop3A_370 = arith.constant 0 : i32
      %parallel_loop3A_371 = arith.constant 96 : i32
      %parallel_loop3A_372 = arith.constant 1 : i32
      scf.for %parallel_loop3A_379 = %parallel_loop3A_370 to %parallel_loop3A_371 step %parallel_loop3A_372  : i32 {
        %parallel_loop3A_380 = vector.broadcast %parallel_loop3A_379 : i32 to vector<16xi32>
        %parallel_loop3A_381 = arith.constant 0 : i32
        %parallel_loop3A_382 = tpu.memref_slice %arg11[%rem3A_215, %parallel_loop3A_381] : memref<2x96xf32, #tpu.memory_space<vmem>> -> memref<1x96xf32, #tpu.memory_space<vmem>>
        %parallel_loop3A_383 = tpu.memref_squeeze %parallel_loop3A_382 : memref<1x96xf32, #tpu.memory_space<vmem>> -> memref<96xf32, #tpu.memory_space<vmem>>
        %parallel_loop3A_384 = tpu.vector_load_idx %parallel_loop3A_383[%parallel_loop3A_380] : memref<96xf32, #tpu.memory_space<vmem>>[vector<16xi32>], vector<16xf32>,
        %parallel_loop3A_385 = arith.constant 0 : i32
        %parallel_loop3A_386 = tpu.memref_slice %arg12[%rem3A_215, %parallel_loop3A_385] : memref<2x96xi32, #tpu.memory_space<vmem>> -> memref<1x96xi32, #tpu.memory_space<vmem>>
        %parallel_loop3A_387 = tpu.memref_squeeze %parallel_loop3A_386 : memref<1x96xi32, #tpu.memory_space<vmem>> -> memref<96xi32, #tpu.memory_space<vmem>>
        %parallel_loop3A_388 = tpu.vector_load_idx %parallel_loop3A_387[%parallel_loop3A_380] : memref<96xi32, #tpu.memory_space<vmem>>[vector<16xi32>], vector<16xi32>,
        %parallel_loop3A_389 = arith.addi %parallel_loop3A_388, %iota3A : vector<16xi32>
        %parallel_loop3A_390 = arith.constant 0 : i32
        %parallel_loop3A_391 = vector.broadcast %parallel_loop3A_390 : i32 to vector<16xi32>
        %parallel_loop3A_392 = arith.addi %parallel_loop3A_389, %parallel_loop3A_391 : vector<16xi32>
        %parallel_loop3A_393 = arith.index_cast %rem3A_215 : i32 to index
        %parallel_loop3A_394 = arith.index_cast %parallel_loop3A_379 : i32 to index
        %parallel_loop3A_395 = arith.constant 0 : index
        %parallel_loop3A_396 = tpu.vector_load %arg13[%parallel_loop3A_393, %parallel_loop3A_394, %parallel_loop3A_395] {strides = array<i32>} : memref<2x96x256xf32, #tpu.memory_space<vmem>>, vector<16xf32>,
        %parallel_loop3A_397 = arith.mulf %parallel_loop3A_396, %parallel_loop3A_384 : vector<16xf32>
        tpu.vector_store_idx %arg14[%parallel_loop3A_392], %parallel_loop3A_397 {add = true} : memref<67584xf32, #tpu.memory_space<vmem>>[vector<16xi32>], vector<16xf32>,
        %parallel_loop3A_398 = arith.constant 16 : i32
        %parallel_loop3A_399 = vector.broadcast %parallel_loop3A_398 : i32 to vector<16xi32>
        %parallel_loop3A_400 = arith.addi %parallel_loop3A_389, %parallel_loop3A_399 : vector<16xi32>
        %parallel_loop3A_401 = arith.index_cast %rem3A_215 : i32 to index
        %parallel_loop3A_402 = arith.index_cast %parallel_loop3A_379 : i32 to index
        %parallel_loop3A_403 = arith.constant 16 : index
        %parallel_loop3A_404 = tpu.vector_load %arg13[%parallel_loop3A_401, %parallel_loop3A_402, %parallel_loop3A_403] {strides = array<i32>} : memref<2x96x256xf32, #tpu.memory_space<vmem>>, vector<16xf32>,
        %parallel_loop3A_405 = arith.mulf %parallel_loop3A_404, %parallel_loop3A_384 : vector<16xf32>
        tpu.vector_store_idx %arg14[%parallel_loop3A_400], %parallel_loop3A_405 {add = true} : memref<67584xf32, #tpu.memory_space<vmem>>[vector<16xi32>], vector<16xf32>,
        %parallel_loop3A_406 = arith.constant 32 : i32
        %parallel_loop3A_407 = vector.broadcast %parallel_loop3A_406 : i32 to vector<16xi32>
        %parallel_loop3A_408 = arith.addi %parallel_loop3A_389, %parallel_loop3A_407 : vector<16xi32>
        %parallel_loop3A_409 = arith.index_cast %rem3A_215 : i32 to index
        %parallel_loop3A_410 = arith.index_cast %parallel_loop3A_379 : i32 to index
        %parallel_loop3A_411 = arith.constant 32 : index
        %parallel_loop3A_412 = tpu.vector_load %arg13[%parallel_loop3A_409, %parallel_loop3A_410, %parallel_loop3A_411] {strides = array<i32>} : memref<2x96x256xf32, #tpu.memory_space<vmem>>, vector<16xf32>,
        %parallel_loop3A_413 = arith.mulf %parallel_loop3A_412, %parallel_loop3A_384 : vector<16xf32>
        tpu.vector_store_idx %arg14[%parallel_loop3A_408], %parallel_loop3A_413 {add = true} : memref<67584xf32, #tpu.memory_space<vmem>>[vector<16xi32>], vector<16xf32>,
        %parallel_loop3A_414 = arith.constant 48 : i32
        %parallel_loop3A_415 = vector.broadcast %parallel_loop3A_414 : i32 to vector<16xi32>
        %parallel_loop3A_416 = arith.addi %parallel_loop3A_389, %parallel_loop3A_415 : vector<16xi32>
        %parallel_loop3A_417 = arith.index_cast %rem3A_215 : i32 to index
        %parallel_loop3A_418 = arith.index_cast %parallel_loop3A_379 : i32 to index
        %parallel_loop3A_419 = arith.constant 48 : index
        %parallel_loop3A_420 = tpu.vector_load %arg13[%parallel_loop3A_417, %parallel_loop3A_418, %parallel_loop3A_419] {strides = array<i32>} : memref<2x96x256xf32, #tpu.memory_space<vmem>>, vector<16xf32>,
        %parallel_loop3A_421 = arith.mulf %parallel_loop3A_420, %parallel_loop3A_384 : vector<16xf32>
        tpu.vector_store_idx %arg14[%parallel_loop3A_416], %parallel_loop3A_421 {add = true} : memref<67584xf32, #tpu.memory_space<vmem>>[vector<16xi32>], vector<16xf32>,
        %parallel_loop3A_422 = arith.constant 64 : i32
        %parallel_loop3A_423 = vector.broadcast %parallel_loop3A_422 : i32 to vector<16xi32>
        %parallel_loop3A_424 = arith.addi %parallel_loop3A_389, %parallel_loop3A_423 : vector<16xi32>
        %parallel_loop3A_425 = arith.index_cast %rem3A_215 : i32 to index
        %parallel_loop3A_426 = arith.index_cast %parallel_loop3A_379 : i32 to index
        %parallel_loop3A_427 = arith.constant 64 : index
        %parallel_loop3A_428 = tpu.vector_load %arg13[%parallel_loop3A_425, %parallel_loop3A_426, %parallel_loop3A_427] {strides = array<i32>} : memref<2x96x256xf32, #tpu.memory_space<vmem>>, vector<16xf32>,
        %parallel_loop3A_429 = arith.mulf %parallel_loop3A_428, %parallel_loop3A_384 : vector<16xf32>
        tpu.vector_store_idx %arg14[%parallel_loop3A_424], %parallel_loop3A_429 {add = true} : memref<67584xf32, #tpu.memory_space<vmem>>[vector<16xi32>], vector<16xf32>,
        %parallel_loop3A_430 = arith.constant 80 : i32
        %parallel_loop3A_431 = vector.broadcast %parallel_loop3A_430 : i32 to vector<16xi32>
        %parallel_loop3A_432 = arith.addi %parallel_loop3A_389, %parallel_loop3A_431 : vector<16xi32>
        %parallel_loop3A_433 = arith.index_cast %rem3A_215 : i32 to index
        %parallel_loop3A_434 = arith.index_cast %parallel_loop3A_379 : i32 to index
        %parallel_loop3A_435 = arith.constant 80 : index
        %parallel_loop3A_436 = tpu.vector_load %arg13[%parallel_loop3A_433, %parallel_loop3A_434, %parallel_loop3A_435] {strides = array<i32>} : memref<2x96x256xf32, #tpu.memory_space<vmem>>, vector<16xf32>,
        %parallel_loop3A_437 = arith.mulf %parallel_loop3A_436, %parallel_loop3A_384 : vector<16xf32>
        tpu.vector_store_idx %arg14[%parallel_loop3A_432], %parallel_loop3A_437 {add = true} : memref<67584xf32, #tpu.memory_space<vmem>>[vector<16xi32>], vector<16xf32>,
        %parallel_loop3A_438 = arith.constant 96 : i32
        %parallel_loop3A_439 = vector.broadcast %parallel_loop3A_438 : i32 to vector<16xi32>
        %parallel_loop3A_440 = arith.addi %parallel_loop3A_389, %parallel_loop3A_439 : vector<16xi32>
        %parallel_loop3A_441 = arith.index_cast %rem3A_215 : i32 to index
        %parallel_loop3A_442 = arith.index_cast %parallel_loop3A_379 : i32 to index
        %parallel_loop3A_443 = arith.constant 96 : index
        %parallel_loop3A_444 = tpu.vector_load %arg13[%parallel_loop3A_441, %parallel_loop3A_442, %parallel_loop3A_443] {strides = array<i32>} : memref<2x96x256xf32, #tpu.memory_space<vmem>>, vector<16xf32>,
        %parallel_loop3A_445 = arith.mulf %parallel_loop3A_444, %parallel_loop3A_384 : vector<16xf32>
        tpu.vector_store_idx %arg14[%parallel_loop3A_440], %parallel_loop3A_445 {add = true} : memref<67584xf32, #tpu.memory_space<vmem>>[vector<16xi32>], vector<16xf32>,
        %parallel_loop3A_446 = arith.constant 112 : i32
        %parallel_loop3A_447 = vector.broadcast %parallel_loop3A_446 : i32 to vector<16xi32>
        %parallel_loop3A_448 = arith.addi %parallel_loop3A_389, %parallel_loop3A_447 : vector<16xi32>
        %parallel_loop3A_449 = arith.index_cast %rem3A_215 : i32 to index
        %parallel_loop3A_450 = arith.index_cast %parallel_loop3A_379 : i32 to index
        %parallel_loop3A_451 = arith.constant 112 : index
        %parallel_loop3A_452 = tpu.vector_load %arg13[%parallel_loop3A_449, %parallel_loop3A_450, %parallel_loop3A_451] {strides = array<i32>} : memref<2x96x256xf32, #tpu.memory_space<vmem>>, vector<16xf32>,
        %parallel_loop3A_453 = arith.mulf %parallel_loop3A_452, %parallel_loop3A_384 : vector<16xf32>
        tpu.vector_store_idx %arg14[%parallel_loop3A_448], %parallel_loop3A_453 {add = true} : memref<67584xf32, #tpu.memory_space<vmem>>[vector<16xi32>], vector<16xf32>,
        %parallel_loop3A_454 = arith.constant 128 : i32
        %parallel_loop3A_455 = vector.broadcast %parallel_loop3A_454 : i32 to vector<16xi32>
        %parallel_loop3A_456 = arith.addi %parallel_loop3A_389, %parallel_loop3A_455 : vector<16xi32>
        %parallel_loop3A_457 = arith.index_cast %rem3A_215 : i32 to index
        %parallel_loop3A_458 = arith.index_cast %parallel_loop3A_379 : i32 to index
        %parallel_loop3A_459 = arith.constant 128 : index
        %parallel_loop3A_460 = tpu.vector_load %arg13[%parallel_loop3A_457, %parallel_loop3A_458, %parallel_loop3A_459] {strides = array<i32>} : memref<2x96x256xf32, #tpu.memory_space<vmem>>, vector<16xf32>,
        %parallel_loop3A_461 = arith.mulf %parallel_loop3A_460, %parallel_loop3A_384 : vector<16xf32>
        tpu.vector_store_idx %arg14[%parallel_loop3A_456], %parallel_loop3A_461 {add = true} : memref<67584xf32, #tpu.memory_space<vmem>>[vector<16xi32>], vector<16xf32>,
        %parallel_loop3A_462 = arith.constant 144 : i32
        %parallel_loop3A_463 = vector.broadcast %parallel_loop3A_462 : i32 to vector<16xi32>
        %parallel_loop3A_464 = arith.addi %parallel_loop3A_389, %parallel_loop3A_463 : vector<16xi32>
        %parallel_loop3A_465 = arith.index_cast %rem3A_215 : i32 to index
        %parallel_loop3A_466 = arith.index_cast %parallel_loop3A_379 : i32 to index
        %parallel_loop3A_467 = arith.constant 144 : index
        %parallel_loop3A_468 = tpu.vector_load %arg13[%parallel_loop3A_465, %parallel_loop3A_466, %parallel_loop3A_467] {strides = array<i32>} : memref<2x96x256xf32, #tpu.memory_space<vmem>>, vector<16xf32>,
        %parallel_loop3A_469 = arith.mulf %parallel_loop3A_468, %parallel_loop3A_384 : vector<16xf32>
        tpu.vector_store_idx %arg14[%parallel_loop3A_464], %parallel_loop3A_469 {add = true} : memref<67584xf32, #tpu.memory_space<vmem>>[vector<16xi32>], vector<16xf32>,
        %parallel_loop3A_470 = arith.constant 160 : i32
        %parallel_loop3A_471 = vector.broadcast %parallel_loop3A_470 : i32 to vector<16xi32>
        %parallel_loop3A_472 = arith.addi %parallel_loop3A_389, %parallel_loop3A_471 : vector<16xi32>
        %parallel_loop3A_473 = arith.index_cast %rem3A_215 : i32 to index
        %parallel_loop3A_474 = arith.index_cast %parallel_loop3A_379 : i32 to index
        %parallel_loop3A_475 = arith.constant 160 : index
        %parallel_loop3A_476 = tpu.vector_load %arg13[%parallel_loop3A_473, %parallel_loop3A_474, %parallel_loop3A_475] {strides = array<i32>} : memref<2x96x256xf32, #tpu.memory_space<vmem>>, vector<16xf32>,
        %parallel_loop3A_477 = arith.mulf %parallel_loop3A_476, %parallel_loop3A_384 : vector<16xf32>
        tpu.vector_store_idx %arg14[%parallel_loop3A_472], %parallel_loop3A_477 {add = true} : memref<67584xf32, #tpu.memory_space<vmem>>[vector<16xi32>], vector<16xf32>,
        %parallel_loop3A_478 = arith.constant 176 : i32
        %parallel_loop3A_479 = vector.broadcast %parallel_loop3A_478 : i32 to vector<16xi32>
        %parallel_loop3A_480 = arith.addi %parallel_loop3A_389, %parallel_loop3A_479 : vector<16xi32>
        %parallel_loop3A_481 = arith.index_cast %rem3A_215 : i32 to index
        %parallel_loop3A_482 = arith.index_cast %parallel_loop3A_379 : i32 to index
        %parallel_loop3A_483 = arith.constant 176 : index
        %parallel_loop3A_484 = tpu.vector_load %arg13[%parallel_loop3A_481, %parallel_loop3A_482, %parallel_loop3A_483] {strides = array<i32>} : memref<2x96x256xf32, #tpu.memory_space<vmem>>, vector<16xf32>,
        %parallel_loop3A_485 = arith.mulf %parallel_loop3A_484, %parallel_loop3A_384 : vector<16xf32>
        tpu.vector_store_idx %arg14[%parallel_loop3A_480], %parallel_loop3A_485 {add = true} : memref<67584xf32, #tpu.memory_space<vmem>>[vector<16xi32>], vector<16xf32>,
        %parallel_loop3A_486 = arith.constant 192 : i32
        %parallel_loop3A_487 = vector.broadcast %parallel_loop3A_486 : i32 to vector<16xi32>
        %parallel_loop3A_488 = arith.addi %parallel_loop3A_389, %parallel_loop3A_487 : vector<16xi32>
        %parallel_loop3A_489 = arith.index_cast %rem3A_215 : i32 to index
        %parallel_loop3A_490 = arith.index_cast %parallel_loop3A_379 : i32 to index
        %parallel_loop3A_491 = arith.constant 192 : index
        %parallel_loop3A_492 = tpu.vector_load %arg13[%parallel_loop3A_489, %parallel_loop3A_490, %parallel_loop3A_491] {strides = array<i32>} : memref<2x96x256xf32, #tpu.memory_space<vmem>>, vector<16xf32>,
        %parallel_loop3A_493 = arith.mulf %parallel_loop3A_492, %parallel_loop3A_384 : vector<16xf32>
        tpu.vector_store_idx %arg14[%parallel_loop3A_488], %parallel_loop3A_493 {add = true} : memref<67584xf32, #tpu.memory_space<vmem>>[vector<16xi32>], vector<16xf32>,
        %parallel_loop3A_494 = arith.constant 208 : i32
        %parallel_loop3A_495 = vector.broadcast %parallel_loop3A_494 : i32 to vector<16xi32>
        %parallel_loop3A_496 = arith.addi %parallel_loop3A_389, %parallel_loop3A_495 : vector<16xi32>
        %parallel_loop3A_497 = arith.index_cast %rem3A_215 : i32 to index
        %parallel_loop3A_498 = arith.index_cast %parallel_loop3A_379 : i32 to index
        %parallel_loop3A_499 = arith.constant 208 : index
        %parallel_loop3A_500 = tpu.vector_load %arg13[%parallel_loop3A_497, %parallel_loop3A_498, %parallel_loop3A_499] {strides = array<i32>} : memref<2x96x256xf32, #tpu.memory_space<vmem>>, vector<16xf32>,
        %parallel_loop3A_501 = arith.mulf %parallel_loop3A_500, %parallel_loop3A_384 : vector<16xf32>
        tpu.vector_store_idx %arg14[%parallel_loop3A_496], %parallel_loop3A_501 {add = true} : memref<67584xf32, #tpu.memory_space<vmem>>[vector<16xi32>], vector<16xf32>,
        %parallel_loop3A_502 = arith.constant 224 : i32
        %parallel_loop3A_503 = vector.broadcast %parallel_loop3A_502 : i32 to vector<16xi32>
        %parallel_loop3A_504 = arith.addi %parallel_loop3A_389, %parallel_loop3A_503 : vector<16xi32>
        %parallel_loop3A_505 = arith.index_cast %rem3A_215 : i32 to index
        %parallel_loop3A_506 = arith.index_cast %parallel_loop3A_379 : i32 to index
        %parallel_loop3A_507 = arith.constant 224 : index
        %parallel_loop3A_508 = tpu.vector_load %arg13[%parallel_loop3A_505, %parallel_loop3A_506, %parallel_loop3A_507] {strides = array<i32>} : memref<2x96x256xf32, #tpu.memory_space<vmem>>, vector<16xf32>,
        %parallel_loop3A_509 = arith.mulf %parallel_loop3A_508, %parallel_loop3A_384 : vector<16xf32>
        tpu.vector_store_idx %arg14[%parallel_loop3A_504], %parallel_loop3A_509 {add = true} : memref<67584xf32, #tpu.memory_space<vmem>>[vector<16xi32>], vector<16xf32>,
        %parallel_loop3A_510 = arith.constant 240 : i32
        %parallel_loop3A_511 = vector.broadcast %parallel_loop3A_510 : i32 to vector<16xi32>
        %parallel_loop3A_512 = arith.addi %parallel_loop3A_389, %parallel_loop3A_511 : vector<16xi32>
        %parallel_loop3A_513 = arith.index_cast %rem3A_215 : i32 to index
        %parallel_loop3A_514 = arith.index_cast %parallel_loop3A_379 : i32 to index
        %parallel_loop3A_515 = arith.constant 240 : index
        %parallel_loop3A_516 = tpu.vector_load %arg13[%parallel_loop3A_513, %parallel_loop3A_514, %parallel_loop3A_515] {strides = array<i32>} : memref<2x96x256xf32, #tpu.memory_space<vmem>>, vector<16xf32>,
        %parallel_loop3A_517 = arith.mulf %parallel_loop3A_516, %parallel_loop3A_384 : vector<16xf32>
        tpu.vector_store_idx %arg14[%parallel_loop3A_512], %parallel_loop3A_517 {add = true} : memref<67584xf32, #tpu.memory_space<vmem>>[vector<16xi32>], vector<16xf32>,
      } {sc.loop_unroll_factor = 4 : i64, sc.parallel_access}
      %add3A_373 = arith.constant 2 : i32
      %add3A_374 = arith.addi %while3A_213, %add3A_373 : i32
      %lt3A_375 = arith.cmpi slt, %add3A_374, %max3A_187 : i32
      %convert_element_type3A_376 = arith.extui %lt3A_375 : i1 to i32
      %cond3A_377 = arith.constant 0 : i32
      %cond3A_378 = arith.cmpi ne, %convert_element_type3A_376, %cond3A_377 : i32
      scf.if %cond3A_378 {
        %add3A_379 = arith.constant 2 : i32
        %add3A_380 = arith.addi %while3A_213, %add3A_379 : i32
        %mul3A_381 = arith.constant 96 : i32
        %mul3A_382 = arith.muli %add3A_380, %mul3A_381 : i32
        %add3A_383 = arith.addi %mul3A_156, %mul3A_382 : i32
        %dma_start3A = arith.constant 0 : i32
        %dma_start3A_384 = tpu.memref_slice %arg9[%rem3A_215, %dma_start3A] : memref<2x96xi32, #tpu.memory_space<vmem>> -> memref<1x96xi32, #tpu.memory_space<vmem>>
        %dma_start3A_385 = tpu.memref_squeeze %dma_start3A_384 : memref<1x96xi32, #tpu.memory_space<vmem>> -> memref<96xi32, #tpu.memory_space<vmem>>
        %dma_start3A_386 = tpu.memref_slice %arg3[%add3A_383] : memref<268608xi32, #tpu.memory_space<hbm>> -> memref<96xi32, #tpu.memory_space<hbm>>
        %dma_start3A_387 = arith.constant 0 : i32
        %dma_start3A_388 = tpu.memref_slice %arg9[%rem3A_215, %dma_start3A_387] : memref<2x96xi32, #tpu.memory_space<vmem>> -> memref<1x96xi32, #tpu.memory_space<vmem>>
        %dma_start3A_389 = tpu.memref_squeeze %dma_start3A_388 : memref<1x96xi32, #tpu.memory_space<vmem>> -> memref<96xi32, #tpu.memory_space<vmem>>
        %dma_start3A_390 = tpu.memref_slice %arg3[%add3A_383] : memref<268608xi32, #tpu.memory_space<hbm>> -> memref<96xi32, #tpu.memory_space<hbm>>
        tpu.enqueue_dma source(%dma_start3A_390 : memref<96xi32, #tpu.memory_space<hbm>>) target(%dma_start3A_389 : memref<96xi32, #tpu.memory_space<vmem>>) target_semaphore(%arg16 : memref<!tpu.dma_semaphore, #tpu.memory_space<semaphore_mem>>)
        %dma_start3A_391 = arith.constant 0 : i32
        %dma_start3A_392 = tpu.memref_slice %arg10[%rem3A_215, %dma_start3A_391] : memref<2x96xi32, #tpu.memory_space<vmem>> -> memref<1x96xi32, #tpu.memory_space<vmem>>
        %dma_start3A_393 = tpu.memref_squeeze %dma_start3A_392 : memref<1x96xi32, #tpu.memory_space<vmem>> -> memref<96xi32, #tpu.memory_space<vmem>>
        %dma_start3A_394 = tpu.memref_slice %arg4[%add3A_383] : memref<268608xi32, #tpu.memory_space<hbm>> -> memref<96xi32, #tpu.memory_space<hbm>>
        %dma_start3A_395 = arith.constant 0 : i32
        %dma_start3A_396 = tpu.memref_slice %arg10[%rem3A_215, %dma_start3A_395] : memref<2x96xi32, #tpu.memory_space<vmem>> -> memref<1x96xi32, #tpu.memory_space<vmem>>
        %dma_start3A_397 = tpu.memref_squeeze %dma_start3A_396 : memref<1x96xi32, #tpu.memory_space<vmem>> -> memref<96xi32, #tpu.memory_space<vmem>>
        %dma_start3A_398 = tpu.memref_slice %arg4[%add3A_383] : memref<268608xi32, #tpu.memory_space<hbm>> -> memref<96xi32, #tpu.memory_space<hbm>>
        tpu.enqueue_dma source(%dma_start3A_398 : memref<96xi32, #tpu.memory_space<hbm>>) target(%dma_start3A_397 : memref<96xi32, #tpu.memory_space<vmem>>) target_semaphore(%arg16 : memref<!tpu.dma_semaphore, #tpu.memory_space<semaphore_mem>>)
        %dma_start3A_399 = arith.constant 0 : i32
        %dma_start3A_400 = tpu.memref_slice %arg11[%rem3A_215, %dma_start3A_399] : memref<2x96xf32, #tpu.memory_space<vmem>> -> memref<1x96xf32, #tpu.memory_space<vmem>>
        %dma_start3A_401 = tpu.memref_squeeze %dma_start3A_400 : memref<1x96xf32, #tpu.memory_space<vmem>> -> memref<96xf32, #tpu.memory_space<vmem>>
        %dma_start3A_402 = tpu.memref_slice %arg5[%add3A_383] : memref<268608xf32, #tpu.memory_space<hbm>> -> memref<96xf32, #tpu.memory_space<hbm>>
        %dma_start3A_403 = arith.constant 0 : i32
        %dma_start3A_404 = tpu.memref_slice %arg11[%rem3A_215, %dma_start3A_403] : memref<2x96xf32, #tpu.memory_space<vmem>> -> memref<1x96xf32, #tpu.memory_space<vmem>>
        %dma_start3A_405 = tpu.memref_squeeze %dma_start3A_404 : memref<1x96xf32, #tpu.memory_space<vmem>> -> memref<96xf32, #tpu.memory_space<vmem>>
        %dma_start3A_406 = tpu.memref_slice %arg5[%add3A_383] : memref<268608xf32, #tpu.memory_space<hbm>> -> memref<96xf32, #tpu.memory_space<hbm>>
        tpu.enqueue_dma source(%dma_start3A_406 : memref<96xf32, #tpu.memory_space<hbm>>) target(%dma_start3A_405 : memref<96xf32, #tpu.memory_space<vmem>>) target_semaphore(%arg16 : memref<!tpu.dma_semaphore, #tpu.memory_space<semaphore_mem>>)
      } else {
      }
    }
    %mul3A_211 = arith.constant 256 : i32
    %mul3A_212 = arith.muli %mul3A_102, %mul3A_211 : i32
    "tpu.region"() ({
      %run_scoped3A = tpu.sem_alloc : memref<!tpu.dma_semaphore, #tpu.memory_space<semaphore_mem>>
      %dma_start3A = arith.constant 0 : i32
      %dma_start3A_213 = tpu.memref_slice %arg14[%dma_start3A] : memref<67584xf32, #tpu.memory_space<vmem>> -> memref<65536xf32, #tpu.memory_space<vmem>>
      %dma_start3A_214 = tpu.memref_slice %arg7[%mul3A_212] : memref<4194304xf32, #tpu.memory_space<hbm>> -> memref<65536xf32, #tpu.memory_space<hbm>>
      %dma_start3A_215 = tpu.memref_slice %arg7[%mul3A_212] : memref<4194304xf32, #tpu.memory_space<hbm>> -> memref<65536xf32, #tpu.memory_space<hbm>>
      %dma_start3A_216 = arith.constant 0 : i32
      %dma_start3A_217 = tpu.memref_slice %arg14[%dma_start3A_216] : memref<67584xf32, #tpu.memory_space<vmem>> -> memref<65536xf32, #tpu.memory_space<vmem>>
      tpu.enqueue_dma source(%dma_start3A_217 : memref<65536xf32, #tpu.memory_space<vmem>>) target(%dma_start3A_215 : memref<65536xf32, #tpu.memory_space<hbm>>) target_semaphore(%run_scoped3A : memref<!tpu.dma_semaphore, #tpu.memory_space<semaphore_mem>>)
      %dma_wait3A = arith.constant 0 : i32
      %dma_wait3A_218 = tpu.memref_slice %arg14[%dma_wait3A] : memref<67584xf32, #tpu.memory_space<vmem>> -> memref<65536xf32, #tpu.memory_space<vmem>>
      %dma_wait3A_219 = tpu.memref_slice %arg7[%mul3A_212] : memref<4194304xf32, #tpu.memory_space<hbm>> -> memref<65536xf32, #tpu.memory_space<hbm>>
      %dma_wait3A_220 = tpu.memref_slice %arg7[%mul3A_212] : memref<4194304xf32, #tpu.memory_space<hbm>> -> memref<65536xf32, #tpu.memory_space<hbm>>
      %dma_wait3A_221 = arith.constant 0 : i32
      %dma_wait3A_222 = tpu.memref_slice %arg14[%dma_wait3A_221] : memref<67584xf32, #tpu.memory_space<vmem>> -> memref<65536xf32, #tpu.memory_space<vmem>>
      tpu.wait_dma2 semaphore(%run_scoped3A : memref<!tpu.dma_semaphore, #tpu.memory_space<semaphore_mem>>) src(%dma_wait3A_222 : memref<65536xf32, #tpu.memory_space<vmem>>) dst(%dma_wait3A_220 : memref<65536xf32, #tpu.memory_space<hbm>>)
      tpu.yield
    }) : () -> ()
    return
  }
}

</mosaic_0001>

<sc_bundles>
// kernel: kernel.3.cloned.1.call-start
scs
__scs_entry_jumppad:
0x0: {  	(pc) =	sbr.rel $0x88, $3  }
0x1: {  	(tag) =	ssettag $0x0;
	lr =	simm.s32 $0x1  }
0x2: {  	[smem:$0x3F9D] =	sst lr;
	_ =	strace $0xD0000000  }
0x3: {  	_ = 	snop  }
0x4: {  	_ = 	snop  }
0x5: {  	_ = 	snop  }
0x6: {  	_ = 	snop  }
0x7: {  	_ = 	snop  }
__scs_overlays_trampoline_lowered:
0x8: {  	[smem:$0x3FAC] =	sst s0  }
0x9: {  	[smem:$0x3FAD] =	sst s1  }
0xa: {  	[smem:$0x3FAE] =	sst s2  }
0xb: {  	[smem:$0x3FAF] =	sst s3  }
0xc: {  	[smem:$0x3FB0] =	sst s4  }
0xd: {  	[smem:$0x3FB1] =	sst s5  }
0xe: {  	[smem:$0x3FB2] =	sst s6  }
0xf: {  	[smem:$0x3FB3] =	sst s7  }
0x10: {  	[smem:$0x3FB4] =	sst s8  }
0x11: {  	[smem:$0x3FB5] =	sst s9;
	s0 =	simm.s32 @!p0 $0x0  }
0x12: {  	s1 =	sld [smem:$0x3F9B];
	s0 =	simm.s32 @p0 $0x1  }
0x13: {  	[smem:$0x3FB6] =	sst s0;
	s0 =	simm.s32 @!p1 $0x0  }
0x14: {  	s2 =	sld [smem:$0x3F9A];
	s0 =	simm.s32 @p1 $0x1  }
0x15: {  	[smem:$0x3FB7] =	sst s0;
	s0 =	simm.s32 @!p2 $0x0  }
0x16: {  	s3 =	sld [smem:$0x3FDB];
	s0 =	simm.s32 @p2 $0x1  }
0x17: {  	s4 =	simm.s32 $0x1BF5;
	[smem:$0x3FB9] =	sst s0  }
0x18: {  	s0 =	sld [smem:$0x3F9C];
	_ =	swait.ge [sflag:s4], $0x0  }
0x19: {  	s7 =	sld [smem:$0x3F9D]  }
0x1a: {  	s8 =	sadd.s32 $0xFFFFE003, lr  }
0x1b: {  	s9 =	sadd.s32 $0xFFFFFEF7, lr;
	s5 =	simm.s32 $0xFFFFFFFF;
	p2 =	slt.u32 s8, $0xFFFFF086  }
0x1c: {  	p1 =	slt.u32 s9, $0xF7A;
	s5 =	simm.s32 @!p2 $0x0  }
0x1d: {  	s5 =	simm.s32 @p1 $0x1;
	p0 =	seq.s32 s7, s2  }
0x1e: {  	s7 =	smul.u32 @!p0 $0xF7A, s2;
	p2 =	seq.s32 @!p0 s5, $0x0  }
0x1f: {  	s9 =	smul.u32 $0xF7A, s1;
	s8 =	simm.s32 @!p0 $0x1BF5;
	p2 =	por !p2, p0  }
0x20: {  	[sflag:s8] =	ssyncset.s32 @!p0 $0xFFFFF086;
	s6 =	sadd.s32 @!p0 s3, s7;
	s7 =	simm.s32 @!p0 $0x108  }
0x21: {  	s3 =	sadd.s32 s3, s9;
	s6 =	sadd.s32 @!p0 $0x88, s6;
	s7 =	simm.s32 @p2 $0x1082  }
0x22: {  	[simem:s7], [sflag:s8] =	dma.local @!p0 [hbm:s6], $0xF7A  }
0x23: {  	s9 =	sor.u32 $0xD0000000, s2;
	s6 =	simm.s32 $0x108;
	_ =	swait.ge @!p0 [sflag:s8], $0x0  }
0x24: {  	s3 =	sadd.s32 $0x88, s3;
	s6 =	simm.s32 @!p1 $0x1082;
	[sflag:s4] =	ssyncset.s32 $0xFFFFF086  }
0x25: {  	[simem:s6], [sflag:s4] =	dma.local [hbm:s3], $0xF7A  }
0x26: {  	[smem:$0x3F9D] =	sst s1;
	(tag) =	ssettag s2;
	_ =	strace s9  }
0x27: {  	s1 =	sld [smem:$0x3FAD]  }
0x28: {  	s2 =	sld [smem:$0x3FAE]  }
0x29: {  	s4 =	sld [smem:$0x3FB0]  }
0x2a: {  	p0 =	seq.s32 s5, $0x0;
	s5 =	sld [smem:$0x3FB1]  }
0x2b: {  	s6 =	sld [smem:$0x3FB2]  }
0x2c: {  	s7 =	sld [smem:$0x3FB3]  }
0x2d: {  	s3 =	simm.s32 $0x108;
	s8 =	sld [smem:$0x3FB4]  }
0x2e: {  	s3 =	simm.s32 @!p0 $0x1082;
	s9 =	sld [smem:$0x3FB5]  }
0x2f: {  	lr =	sadd.s32 s0, s3;
	s0 =	sld [smem:$0x3FAC]  }
0x30: {  	s3 =	sld [smem:$0x3FAF]  }
0x31: {  	[smem:$0x3FB8] =	sst s10  }
0x32: {  	s10 =	sld [smem:$0x3FB6];
	_ =	sdelay $0x3  }
0x33: {  	p0 =	seq.s32 s10, $0x1;
	s10 =	sld [smem:$0x3FB8];
	_ =	sdelay $0x3  }
0x34: {  	[smem:$0x3FB8] =	sst s10  }
0x35: {  	s10 =	sld [smem:$0x3FB7];
	_ =	sdelay $0x3  }
0x36: {  	p1 =	seq.s32 s10, $0x1;
	s10 =	sld [smem:$0x3FB8];
	_ =	sdelay $0x3  }
0x37: {  	[smem:$0x3FB8] =	sst s10  }
0x38: {  	s10 =	sld [smem:$0x3FB9]  }
0x39: {  	_ = 	snop;
	(pc) =	sbr.ind lr, $3  }
0x3a: {  	_ = 	snop  }
0x3b: {  	_ = 	snop  }
0x3c: {  	p2 =	seq.s32 s10, $0x1;
	s10 =	sld [smem:$0x3FB8]  }
0x3d: {  	_ =	shalt  }
0x3e: {  	_ =	shalt  }
0x3f: {  	_ =	shalt  }
0x40: {  	_ =	shalt  }
0x41: {  	_ =	shalt  }
0x42: {  	_ =	shalt  }
0x43: {  	_ =	shalt  }
0x44: {  	_ =	shalt  }
0x45: {  	_ =	shalt  }
0x46: {  	_ =	shalt  }
0x47: {  	_ =	shalt  }
0x48: {  	_ =	shalt  }
0x49: {  	_ =	shalt  }
0x4a: {  	_ =	shalt  }
0x4b: {  	_ =	shalt  }
0x4c: {  	_ =	shalt  }
0x4d: {  	_ =	shalt  }
0x4e: {  	_ =	shalt  }
0x4f: {  	_ =	shalt  }
0x50: {  	_ =	shalt  }
0x51: {  	_ =	shalt  }
0x52: {  	_ =	shalt  }
0x53: {  	_ =	shalt  }
0x54: {  	_ =	shalt  }
0x55: {  	_ =	shalt  }
0x56: {  	_ =	shalt  }
0x57: {  	_ =	shalt  }
0x58: {  	_ =	shalt  }
0x59: {  	_ =	shalt  }
0x5a: {  	_ =	shalt  }
0x5b: {  	_ =	shalt  }
0x5c: {  	_ =	shalt  }
0x5d: {  	_ =	shalt  }
0x5e: {  	_ =	shalt  }
0x5f: {  	_ =	shalt  }
0x60: {  	_ =	shalt  }
0x61: {  	_ =	shalt  }
0x62: {  	_ =	shalt  }
0x63: {  	_ =	shalt  }
0x64: {  	_ =	shalt  }
0x65: {  	_ =	shalt  }
0x66: {  	_ =	shalt  }
0x67: {  	_ =	shalt  }
0x68: {  	_ =	shalt  }
0x69: {  	_ =	shalt  }
0x6a: {  	_ =	shalt  }
0x6b: {  	_ =	shalt  }
0x6c: {  	_ =	shalt  }
0x6d: {  	_ =	shalt  }
0x6e: {  	_ =	shalt  }
0x6f: {  	_ =	shalt  }
0x70: {  	_ =	shalt  }
0x71: {  	_ =	shalt  }
0x72: {  	_ =	shalt  }
0x73: {  	_ =	shalt  }
0x74: {  	_ =	shalt  }
0x75: {  	_ =	shalt  }
0x76: {  	_ =	shalt  }
0x77: {  	_ =	shalt  }
0x78: {  	_ =	shalt  }
0x79: {  	_ =	shalt  }
0x7a: {  	_ =	shalt  }
0x7b: {  	_ =	shalt  }
0x7c: {  	_ =	shalt  }
0x7d: {  	_ =	shalt  }
0x7e: {  	_ =	shalt  }
0x7f: {  	_ =	shalt  }
0x80: {  	_ =	shalt  }
0x81: {  	_ =	shalt  }
0x82: {  	_ =	shalt  }
0x83: {  	_ =	shalt  }
0x84: {  	_ =	shalt  }
0x85: {  	_ =	shalt  }
0x86: {  	_ =	shalt  }
0x87: {  	_ =	shalt  }
.Lfunc_end0:
.L_simem_size_0:
called_computation_lowered:
.L_overlay_start_0:
0x88: {  	s2 =	sld [smem:$0x3FD9]  }
0x89: {  	s3 =	sld [smem:$0x3FFE];
	_ =	sdelay $0x1  }
0x8a: {  	s1 =	srdreg.scid  }
0x8b: {  	s0 =	sand.u32 $0x1, s1  }
0x8c: {  	s17 =	sshll.u32 s0, $0xA;
	s2 =	sadd.s32 s3, s2  }
0x8d: {  	s2 =	sadd.s32 s2, s17  }
0x8e: {  	[smem:$0x3FC4] =	sst s2  }
0x8f: {  	_ = 	snop  }
0x90: {  	s2 =	sld [smem:$0x3FD0];
	(tm) =	ssettm $0x1  }
0x91: {  	s18 =	sld [smem:$0x3FFB];
	_ =	sdelay $0x3  }
0x92: {  	_ =	strace s18  }
0x93: {  	s3 =	sld [smem:$0x3FFC];
	_ =	sdelay $0x3  }
0x94: {  	_ =	strace s3  }
0x95: {  	s3 =	sld [smem:$0x3FFD];
	_ =	sdelay $0x3  }
0x96: {  	_ =	strace s3  }
0x97: {  	_ =	strace $0x8FFFFFFF  }
0x98: {  	s19 =	sld [smem:$0x3FDB];
	_ =	sdelay $0x1  }
0x99: {  	s4 =	simm.s32 $_scs_section_size  }
0x9a: {  	s5 =	simm.s32 $_size__tile_overlayer_lowered;
	s6 =	simm.s32 $_tile_overlayer_lowered  }
0x9b: {  	s22 =	simm.s32 $0x1BFF;
	s21 =	sshll.u32 s6, $0x1;
	s3 =	sadd.s32 s4, s19  }
0x9c: {  	s7 =	simm.s32 $0x0;
	s20 =	sshll.u32 s5, $0x1;
	s5 =	sadd.s32 s21, s3  }
0x9d: {  	[timem:s7], [sflag:s22] =	dma.local [hbm:s5], s20  }
0x9e: {  	_ =	swait.ge [sflag:s22], s20  }
0x9f: {  	s4 =	ssub.s32 $0x0, s20;
	[sflag:s22] =	ssyncset.done $0x0  }
0xa0: {  	[sflag:s22] =	ssyncadd.s32 s4;
	_ =	sdelay $0x1  }
0xa1: {  	s23 =	simm.s32 $0x1B8B  }
0xa2: {  	_ =	swait.ge [sflag:s23], $0x1  }
0xa3: {  	[sflag:s23] =	ssyncset.done $0x0  }
0xa4: {  	s25 =	simm.s32 $0x1B8E;
	s24 =	sld [smem:$0x3FFE];
	[sflag:s23] =	ssyncadd.s32 $0xFFFFFFFF  }
0xa5: {  	s26 =	simm.s32 $execute0_lowered;
	[smem:$0x3FD2] =	sst s25  }
0xa6: {  	s5 =	sshll.u32 s26, $0x1;
	_ =	strace $0x80000046;
	[dreg:$0x1] =	wrdreg $0xFFFFFFFF  }
0xa7: {  	s28 =	simm.s32 $_size_execute0_lowered;
	s3 =	sadd.s32 s3, s5;
	[dreg:$0x0] =	wrdreg $0x0  }
0xa8: {  	s5 =	sshll.u32 s28, $0x1;
	[dreg:$0x2] =	wrdreg s3  }
0xa9: {  	[dreg:$0x3] =	wrdreg s5  }
0xaa: {  	[dreg:$0x4] =	wrdreg $0xC0  }
0xab: {  	_ =	task [dreg:s7], $0x5FFFF  }
0xac: {  	[dreg:$0x1] =	wrdreg $0xFFFFFFFF  }
0xad: {  	[dreg:$0x0] =	wrdreg $0x60  }
0xae: {  	[dreg:$0x2] =	wrdreg s2  }
0xaf: {  	[dreg:$0x3] =	wrdreg s24  }
0xb0: {  	[dreg:$0x4] =	wrdreg $0x9  }
0xb1: {  	_ =	task.clear_ibuf [dreg:s7], $0x5FFFF;
	_ =	strace $0x90000046  }
0xb2: {  	s29 =	simm.s32 $0x9;
	_ =	strace $0x80000048  }
0xb3: {  	_ =	swait.ge [sflag:s29], $0x1  }
0xb4: {  	[sflag:s29] =	ssyncadd.s32 $0xFFFFFFFF  }
0xb5: {  	_ =	strace $0x90000048  }
0xb6: {  	_ =	sfence  }
0xb7: {  	s30 =	sld [smem:$0x0];
	_ =	sdelay $0x2  }
0xb8: {  	s31 =	sshll.u32 s1, $0xD;
	s1 =	sshrl.u32 s1, $0x2  }
0xb9: {  	s3 =	sand.u32 $0x4000, s31;
	s1 =	sadd.s32 s1, s30  }
0xba: {  	s0 =	sor.u32 s3, s0;
	s1 =	sshll.u32 s1, $0x11  }
0xbb: {  	s0 =	sor.u32 s1, s0  }
0xbc: {  	s0 =	sadd.s32 $0x8F2B, s0  }
0xbd: {  	[sflag:s0] =	ssyncadd.remote.s32 $0x1  }
0xbe: {  	_ =	sfence.sel $0xFFFF  }
0xbf: {  	[dreg:$0x0] =	wrdreg $0xFFFFFFFF;
	(pc) =	sbr.abs _section_cstart, $3  }
0xc0: {  	[dreg:$0x1] =	wrdreg $0xFFFFFFFF  }
0xc1: {  	_ =	task.clear_ibuf [dreg:s7], $0x2FFFF;
	_ =	strace $0x9FFFFFFF  }
0xc2: {  	(tm) =	ssettm $0x7FFFFFFF  }
0xc3: {  	_ =	shalt  }
tec
execute0_lowered:
.L_overlay_start_1:
0x0: {  	(tag) =	ssettag $0x1  }
0x1: {  	s1 =	rddreg [dreg:$0x0]  }
0x2: {  	s0 =	rddreg [dreg:$0x1];
	s2 =	simm.s32 $0x0  }
0x3: {  	s3 =	srdreg.scid;
	s7 =	stileid.u32;
	s13 =	simm.s32 $0xC480  }
0x4: {  	v6 =	vimm.f32 $0.0e+00;
	v7 =	vlaneseq.u32;
	s30 =	simm.s32 $0x2;
	s31 =	simm.s32 $0x0;
	[smem:$0x7FF] =	sst s2  }
0x5: {  	vm0 =	vmmov $0x1;
	vm1 =	vmmov $0xffff;
	s4 =	sadd.s32 $0xE00, s0;
	s5 =	sadd.s32 $0x9200, s0;
	s6 =	sadd.s32 $0x11600, s0;
	v8 =	vand.u32 $0x7, v7  }
0x6: {  	s3 =	sand.u32 $0x1, s3;
	s8 =	sshll.u32 s7, $0x1;
	s24 =	sadd.s32 $0x19A00, s0;
	v9 =	vshrl.u32 v7, $0x3;
	v10 =	vor.u32 $0x8, v7;
	v11 =	vor.u32 $0x10, v7  }
0x7: {  	s0 =	sadd.s32 $0x19C00, s0;
	v12 =	vor.u32 $0x20, v7;
	v13 =	vor.u32 $0x30, v7;
	v14 =	vor.u32 $0x40, v7;
	_ =	strace $0x80000047;
	s9 =	ssub.s32 $0x2, s3  }
0x8: {  	v15 =	vor.u32 $0x50, v7;
	v16 =	vor.u32 $0x60, v7;
	v17 =	vor.u32 $0x70, v7;
	[dreg:$0x3] =	wrdreg s24;
	s3 =	sor.u32 s3, s8;
	s25 =	sshrl.u32 s9, $0x1  }
.Ltmp0:
0x9: {  	v18 =	vor.u32 $0x80, v7;
	v19 =	vor.u32 $0x90, v7;
	v20 =	vor.u32 $0xA0, v7;
	s10 =	sadd.s32 $0x1, s3;
	s11 =	sshll.u32 s3, $0x8;
	(pc) =	sbr.rel .LBB2_1-.Ltmp0, $4  }
0xa: {  	v21 =	vor.u32 $0xB0, v7;
	v22 =	vor.u32 $0xC0, v7;
	v0 =	vmov s3;
	s26 =	sor.u32 $0x20, s3;
	s12 =	sadd.s32 $0x21, s3;
	s3 =	sshll.u32 s3, $0xD  }
0xb: {  	v23 =	vor.u32 $0xD0, v7;
	v24 =	vor.u32 $0xE0, v7;
	v1 =	vmov s10;
	s28 =	sshll.u32 s26, $0x8;
	s10 =	sshll.u32 s26, $0xD;
	s29 =	ssub.s32 s9, s25  }
0xc: {  	v25 =	vor.u32 $0xF0, v7;
	v2 =	vmov s11;
	v4 =	vmov s12;
	s3 =	sadd.s32 s0, s3;
	s11 =	simm.s32 $0x3;
	s12 =	simm.s32 $0x1  }
0xd: {  	v9 =	vmul.u32 $0x8, v9;
	v3 =	vmov s26;
	[dreg:$0x4] =	wrdreg s3;
	v5 =	vmov s28;
	s9 =	sadd.s32 s0, s10;
	s10 =	smax.u32 s29, $0x1  }
.LBB2_19:
0xe: {  	s31 =	sadd.s32 $0x1, s31  }
0xf: {  	p0 =	sne.s32 s31, s10  }
.Ltmp1:
0x10: {  	_ = 	snop;
	(pc) =	sbr.rel @!p0 .LBB2_20-.Ltmp1, $4  }
0x11: {  	[hbm4b:s9+s2] =	stream.linear.scatter [tilespmem:s13], [sflag:$0x3], $0x10000, $0x38;
	[tilespmem:$0x1CC80] =	vst v63  }
0x12: {  	_ =	swait.ge [sflag:s11], $0x10000  }
0x13: {  	[sflag:s11] =	ssyncset.done $0x0  }
0x14: {  	[sflag:s11] =	ssyncadd.s32 $0xFFFF0000  }
.LBB2_1:
0x15: {  	s0 =	rddreg [dreg:$0x3]  }
0x16: {  	[tilespmem:s2], [sflag:$0x3] =	stream.linear.gather [hbm4b:s0+s2], $0x80, $0x38;
	[tilespmem:$0x1CC80] =	vst v63  }
0x17: {  	_ =	swait.ge [sflag:s11], $0x80  }
0x18: {  	[sflag:s11] =	ssyncset.done $0x0  }
0x19: {  	[sflag:s11] =	ssyncadd.s32 $0xFFFFFF80  }
0x1a: {  	s14 =	simm.s32 $0xC680;
	v27 =	vld.idx.msk [tilespmem:v0+s2+$0x0], $0xffff  }
0x1b: {  	v26 =	vld.idx.msk [tilespmem:v1+s2+$0x0], $0xffff;
	[tilespmem:s14+$0xFFFFFE00] =	vst v6  }
0x1c: {  	[tilespmem:s14+$0x1F0] =	vst v6  }
0x1d: {  	[tilespmem:s14+$0x1E0] =	vst v6  }
0x1e: {  	[tilespmem:s14+$0x1D0] =	vst v6  }
0x1f: {  	[tilespmem:s14+$0x1C0] =	vst v6  }
0x20: {  	[tilespmem:s14+$0x1B0] =	vst v6  }
0x21: {  	[tilespmem:s14+$0x1A0] =	vst v6  }
0x22: {  	[tilespmem:s14+$0x190] =	vst v6  }
0x23: {  	[tilespmem:s14+$0x180] =	vst v6  }
0x24: {  	[tilespmem:s14+$0x170] =	vst v6  }
0x25: {  	[tilespmem:s14+$0x160] =	vst v6  }
0x26: {  	[tilespmem:s14+$0x150] =	vst v6  }
0x27: {  	[tilespmem:s14+$0x140] =	vst v6  }
0x28: {  	[tilespmem:s14+$0x130] =	vst v6  }
0x29: {  	[tilespmem:s14+$0x120] =	vst v6  }
0x2a: {  	[tilespmem:s14+$0x110] =	vst v6  }
0x2b: {  	[tilespmem:s14+$0x100] =	vst v6  }
0x2c: {  	[tilespmem:s14+$0xF0] =	vst v6  }
0x2d: {  	[tilespmem:s14+$0xE0] =	vst v6  }
0x2e: {  	[tilespmem:s14+$0xD0] =	vst v6  }
0x2f: {  	[tilespmem:s14+$0xC0] =	vst v6  }
0x30: {  	[tilespmem:s14+$0xB0] =	vst v6  }
0x31: {  	[tilespmem:s14+$0xA0] =	vst v6  }
0x32: {  	[tilespmem:s14+$0x90] =	vst v6  }
0x33: {  	[tilespmem:s14+$0x80] =	vst v6  }
0x34: {  	[tilespmem:s14+$0x70] =	vst v6  }
0x35: {  	[tilespmem:s14+$0x60] =	vst v6  }
0x36: {  	[tilespmem:s14+$0x50] =	vst v6  }
0x37: {  	[tilespmem:s14+$0x40] =	vst v6  }
0x38: {  	[tilespmem:s14+$0x30] =	vst v6  }
0x39: {  	[tilespmem:s14+$0x20] =	vst v6  }
0x3a: {  	[tilespmem:s14+$0x10] =	vst v6  }
0x3b: {  	[tilespmem:s14+$0x0] =	vst v6  }
0x3c: {  	[tilespmem:s14+$0xFFFFFFF0] =	vst v6  }
0x3d: {  	[tilespmem:s14+$0xFFFFFFE0] =	vst v6  }
0x3e: {  	[tilespmem:s14+$0xFFFFFFD0] =	vst v6  }
0x3f: {  	[tilespmem:s14+$0xFFFFFFC0] =	vst v6  }
0x40: {  	[tilespmem:s14+$0xFFFFFFB0] =	vst v6  }
0x41: {  	[tilespmem:s14+$0xFFFFFFA0] =	vst v6  }
0x42: {  	[tilespmem:s14+$0xFFFFFF90] =	vst v6  }
0x43: {  	[tilespmem:s14+$0xFFFFFF80] =	vst v6  }
0x44: {  	[tilespmem:s14+$0xFFFFFF70] =	vst v6  }
0x45: {  	[tilespmem:s14+$0xFFFFFF60] =	vst v6  }
0x46: {  	[tilespmem:s14+$0xFFFFFF50] =	vst v6  }
0x47: {  	[tilespmem:s14+$0xFFFFFF40] =	vst v6  }
0x48: {  	[tilespmem:s14+$0xFFFFFF30] =	vst v6  }
0x49: {  	[tilespmem:s14+$0xFFFFFF20] =	vst v6  }
0x4a: {  	[tilespmem:s14+$0xFFFFFF10] =	vst v6  }
0x4b: {  	[tilespmem:s14+$0xFFFFFF00] =	vst v6  }
0x4c: {  	[tilespmem:s14+$0xFFFFFEF0] =	vst v6  }
0x4d: {  	[tilespmem:s14+$0xFFFFFEE0] =	vst v6  }
0x4e: {  	[tilespmem:s14+$0xFFFFFED0] =	vst v6  }
0x4f: {  	[tilespmem:s14+$0xFFFFFEC0] =	vst v6  }
0x50: {  	[tilespmem:s14+$0xFFFFFEB0] =	vst v6  }
0x51: {  	[tilespmem:s14+$0xFFFFFEA0] =	vst v6  }
0x52: {  	[tilespmem:s14+$0xFFFFFE90] =	vst v6  }
0x53: {  	[tilespmem:s14+$0xFFFFFE80] =	vst v6  }
0x54: {  	[tilespmem:s14+$0xFFFFFE70] =	vst v6  }
0x55: {  	[tilespmem:s14+$0xFFFFFE60] =	vst v6  }
0x56: {  	[tilespmem:s14+$0xFFFFFE50] =	vst v6  }
0x57: {  	[tilespmem:s14+$0xFFFFFE40] =	vst v6  }
0x58: {  	[tilespmem:s14+$0xFFFFFE30] =	vst v6  }
0x59: {  	s0 =	simm.s32 $0x0;
	[tilespmem:s14+$0xFFFFFE20] =	vst v6  }
.LBB2_2:
0x5a: {  	s0 =	sadd.s32 $0x4, s0;
	[tilespmem:s14+$0xFFFFFE10] =	vst v6;
	s14 =	sadd.s32 $0x400, s14  }
0x5b: {  	[tilespmem:s14+$0xFFFFFE00] =	vst v6;
	p0 =	slt.u32 s0, $0x104  }
0x5c: {  	[tilespmem:s14+$0x1F0] =	vst v6  }
0x5d: {  	[tilespmem:s14+$0x1E0] =	vst v6  }
0x5e: {  	[tilespmem:s14+$0x1D0] =	vst v6  }
0x5f: {  	[tilespmem:s14+$0x1C0] =	vst v6  }
0x60: {  	[tilespmem:s14+$0x1B0] =	vst v6  }
0x61: {  	[tilespmem:s14+$0x1A0] =	vst v6  }
0x62: {  	[tilespmem:s14+$0x190] =	vst v6  }
0x63: {  	[tilespmem:s14+$0x180] =	vst v6  }
0x64: {  	[tilespmem:s14+$0x170] =	vst v6  }
0x65: {  	[tilespmem:s14+$0x160] =	vst v6  }
0x66: {  	[tilespmem:s14+$0x150] =	vst v6  }
0x67: {  	[tilespmem:s14+$0x140] =	vst v6  }
0x68: {  	[tilespmem:s14+$0x130] =	vst v6  }
0x69: {  	[tilespmem:s14+$0x120] =	vst v6  }
0x6a: {  	[tilespmem:s14+$0x110] =	vst v6  }
0x6b: {  	[tilespmem:s14+$0x100] =	vst v6  }
0x6c: {  	[tilespmem:s14+$0xF0] =	vst v6  }
0x6d: {  	[tilespmem:s14+$0xE0] =	vst v6  }
0x6e: {  	[tilespmem:s14+$0xD0] =	vst v6  }
0x6f: {  	[tilespmem:s14+$0xC0] =	vst v6  }
0x70: {  	[tilespmem:s14+$0xB0] =	vst v6  }
0x71: {  	[tilespmem:s14+$0xA0] =	vst v6  }
0x72: {  	[tilespmem:s14+$0x90] =	vst v6  }
0x73: {  	[tilespmem:s14+$0x80] =	vst v6  }
0x74: {  	[tilespmem:s14+$0x70] =	vst v6  }
0x75: {  	[tilespmem:s14+$0x60] =	vst v6  }
0x76: {  	[tilespmem:s14+$0x50] =	vst v6  }
0x77: {  	[tilespmem:s14+$0x40] =	vst v6  }
0x78: {  	[tilespmem:s14+$0x30] =	vst v6  }
0x79: {  	[tilespmem:s14+$0x20] =	vst v6  }
0x7a: {  	[tilespmem:s14+$0x10] =	vst v6  }
0x7b: {  	[tilespmem:s14+$0x0] =	vst v6  }
0x7c: {  	[tilespmem:s14+$0xFFFFFFF0] =	vst v6  }
0x7d: {  	[tilespmem:s14+$0xFFFFFFE0] =	vst v6  }
0x7e: {  	[tilespmem:s14+$0xFFFFFFD0] =	vst v6  }
0x7f: {  	[tilespmem:s14+$0xFFFFFFC0] =	vst v6  }
0x80: {  	[tilespmem:s14+$0xFFFFFFB0] =	vst v6  }
0x81: {  	[tilespmem:s14+$0xFFFFFFA0] =	vst v6  }
0x82: {  	[tilespmem:s14+$0xFFFFFF90] =	vst v6  }
0x83: {  	[tilespmem:s14+$0xFFFFFF80] =	vst v6  }
0x84: {  	[tilespmem:s14+$0xFFFFFF70] =	vst v6  }
0x85: {  	[tilespmem:s14+$0xFFFFFF60] =	vst v6  }
0x86: {  	[tilespmem:s14+$0xFFFFFF50] =	vst v6  }
0x87: {  	[tilespmem:s14+$0xFFFFFF40] =	vst v6  }
0x88: {  	[tilespmem:s14+$0xFFFFFF30] =	vst v6  }
0x89: {  	[tilespmem:s14+$0xFFFFFF20] =	vst v6  }
0x8a: {  	[tilespmem:s14+$0xFFFFFF10] =	vst v6  }
0x8b: {  	[tilespmem:s14+$0xFFFFFF00] =	vst v6  }
0x8c: {  	[tilespmem:s14+$0xFFFFFEF0] =	vst v6  }
0x8d: {  	[tilespmem:s14+$0xFFFFFEE0] =	vst v6  }
0x8e: {  	[tilespmem:s14+$0xFFFFFED0] =	vst v6  }
0x8f: {  	[tilespmem:s14+$0xFFFFFEC0] =	vst v6  }
0x90: {  	[tilespmem:s14+$0xFFFFFEB0] =	vst v6  }
0x91: {  	[tilespmem:s14+$0xFFFFFEA0] =	vst v6  }
0x92: {  	[tilespmem:s14+$0xFFFFFE90] =	vst v6  }
0x93: {  	[tilespmem:s14+$0xFFFFFE80] =	vst v6  }
0x94: {  	[tilespmem:s14+$0xFFFFFE70] =	vst v6  }
.Ltmp2:
0x95: {  	[tilespmem:s14+$0xFFFFFE60] =	vst v6;
	(pc) =	sbr.rel @p0 .LBB2_2-.Ltmp2, $4  }
0x96: {  	[tilespmem:s14+$0xFFFFFE50] =	vst v6  }
0x97: {  	[tilespmem:s14+$0xFFFFFE40] =	vst v6  }
0x98: {  	[tilespmem:s14+$0xFFFFFE30] =	vst v6  }
0x99: {  	[tilespmem:s14+$0xFFFFFE20] =	vst v6  }
0x9a: {  	v27 =	vnsel vm0, $0x0, v27  }
0x9b: {  	(xrf0) =	vadd.scan.msk.s32 $0xffff, v27;
	_ =	sdelay $0x5  }
0x9c: {  	v26 =	vnsel vm0, $0x0, v26;
	v27, _, _ =	vpop (xrf0)  }
0x9d: {  	(xrf0) =	vadd.scan.msk.s32 $0xffff, v26;
	(v2sf) =	vpush v27, $0xF;
	_ =	sdelay $0x5  }
0x9e: {  	v28, _, _ =	vpop (xrf0)  }
0x9f: {  	(v2sf) =	vpush v28, $0xF;
	_ =	sdelay $0x7  }
0xa0: {  	s0 =	spop (v2sf)  }
0xa1: {  	s3 =	sand.u32 $0x7, s0  }
0xa2: {  	s15 =	sshra.s32 s0, $0x1F;
	p0 =	slt.s32 s0, $0x1;
	p1 =	sne.s32 s3, $0x0  }
0xa3: {  	s28 =	sshrl.u32 s15, $0x1D;
	p0 =	por !p0, !p1  }
0xa4: {  	s3 =	simm.s32 $0x1;
	s0 =	sadd.s32 s28, s0;
	p0 =	por !p0, !p0  }
0xa5: {  	s0 =	sshra.s32 s0, $0x3;
	s3 =	simm.s32 @!p0 $0x0  }
0xa6: {  	s15 =	ssub.s32 s0, s3  }
0xa7: {  	s29 =	spop (v2sf);
	s0 =	sshll.u32 s15, $0x3  }
0xa8: {  	s3 =	ssub.s32 s29, s0  }
0xa9: {  	s16 =	sadd.s32 $0x5F, s3  }
0xaa: {  	s17 =	smulhi.u32 $0x2AAAAAAB, s16;
	s18 =	sshra.s32 s16, $0x1F  }
0xab: {  	s18 =	smul.u32 $0x2AAAAAAB, s18;
	_ =	sdelay $0x1  }
0xac: {  	s17 =	sadd.s32 s18, s17  }
0xad: {  	s18 =	sshrl.u32 s17, $0x1F;
	s17 =	sshra.s32 s17, $0x4  }
0xae: {  	s17 =	sadd.s32 s18, s17  }
0xaf: {  	s18 =	smul.u32 $0xFFFFFFA0, s17  }
0xb0: {  	s3 =	ssub.s32 $0xFFFFFFA1, s3  }
0xb1: {  	p5 =	slt.s32 s16, $0x1;
	p6 =	sne.s32 s18, s3  }
0xb2: {  	p0 =	por !p5, !p6  }
0xb3: {  	s3 =	simm.s32 $0x1;
	p0 =	por !p0, !p0  }
0xb4: {  	s3 =	simm.s32 @!p0 $0x0  }
0xb5: {  	s3 =	ssub.s32 s17, s3  }
0xb6: {  	p0 =	slt.s32 s3, $0x1  }
.Ltmp3:
0xb7: {  	_ = 	snop;
	(pc) =	sbr.rel @p0 .LBB2_10-.Ltmp3, $2  }
0xb8: {  	_ =	sdelay $0x2  }
0xb9: {  	[tilespmem:s14+$0xFFFFFE10] =	vst v6  }
0xba: {  	s14 =	sand.u32 $0x1FFFFFFF, s15  }
0xbb: {  	s7 =	simm.s32 $0x80;
	s15 =	sadd.s32 s4, s14  }
0xbc: {  	[tilespmem:s7], [sflag:$0x3] =	stream.linear.gather [hbm4b:s15+s2], $0x60, $0x38;
	[tilespmem:$0x1CC80] =	vst v63  }
0xbd: {  	_ =	swait.ge [sflag:s11], $0x60  }
0xbe: {  	[sflag:s11] =	ssyncset.done $0x0  }
0xbf: {  	s8 =	simm.s32 $0x180;
	s7 =	sadd.s32 s5, s14;
	[sflag:s11] =	ssyncadd.s32 $0xFFFFFFA0  }
0xc0: {  	[tilespmem:s8], [sflag:$0x3] =	stream.linear.gather [hbm4b:s7+s2], $0x60, $0x38;
	[tilespmem:$0x1CC80] =	vst v63  }
0xc1: {  	_ =	swait.ge [sflag:s11], $0x60  }
0xc2: {  	[sflag:s11] =	ssyncset.done $0x0  }
0xc3: {  	s16 =	simm.s32 $0x280;
	s14 =	sadd.s32 s6, s14;
	[sflag:s11] =	ssyncadd.s32 $0xFFFFFFA0  }
0xc4: {  	[tilespmem:s16], [sflag:$0x3] =	stream.linear.gather [hbm4b:s14+s2], $0x60, $0x38;
	[tilespmem:$0x1CC80] =	vst v63  }
0xc5: {  	_ =	swait.ge [sflag:s11], $0x60  }
0xc6: {  	[sflag:s11] =	ssyncset.done $0x0  }
0xc7: {  	[sflag:s11] =	ssyncadd.s32 $0xFFFFFFA0  }
0xc8: {  	v26 =	vld [tilespmem:$0x80];
	_ =	sdelay $0x4  }
0xc9: {  	v29 =	vshll.u32 v26, $0x1  }
0xca: {  	v26 =	vand.u32 $0x7, v26;
	v29 =	vand.u32 $0xFFFFFFF0, v29  }
0xcb: {  	v26 =	vor.u32 v26, v29  }
0xcc: {  	v29 =	vperm.xlane v26, v8;
	_ =	sdelay $0x1  }
0xcd: {  	v26 =	vperm.xlane v26, v10;
	v29 =	vadd.s32 v9, v29;
	_ =	sdelay $0x1  }
0xce: {  	v26 =	vadd.s32 v9, v26;
	_ =	sdelay $0x1  }
0xcf: {  	s17 =	simm.s32 $0x480  }
0xd0: {  	[tilespmem:s17], [sflag:$0x1] =	stream.indirect_vreg.gather [hbm4b:s1+s2], $0x80, v29, vm1, $0xb8;
	[tilespmem:$0x1CC80] =	vst v63  }
0xd1: {  	s18 =	simm.s32 $0xC80  }
0xd2: {  	[tilespmem:s18], [sflag:$0x1] =	stream.indirect_vreg.gather [hbm4b:s1+s2], $0x80, v26, vm1, $0xb8;
	[tilespmem:$0x1CC80] =	vst v63  }
0xd3: {  	v26 =	vld [tilespmem:$0x90];
	_ =	sdelay $0x4  }
0xd4: {  	v29 =	vshll.u32 v26, $0x1  }
0xd5: {  	v26 =	vand.u32 $0x7, v26;
	v29 =	vand.u32 $0xFFFFFFF0, v29  }
0xd6: {  	v26 =	vor.u32 v26, v29  }
0xd7: {  	v29 =	vperm.xlane v26, v8;
	_ =	sdelay $0x1  }
0xd8: {  	v26 =	vperm.xlane v26, v10;
	v29 =	vadd.s32 v9, v29;
	_ =	sdelay $0x1  }
0xd9: {  	v26 =	vadd.s32 v9, v26;
	_ =	sdelay $0x1  }
0xda: {  	s19 =	simm.s32 $0x1480  }
0xdb: {  	[tilespmem:s19], [sflag:$0x1] =	stream.indirect_vreg.gather [hbm4b:s1+s2], $0x80, v29, vm1, $0xb8;
	[tilespmem:$0x1CC80] =	vst v63  }
0xdc: {  	s20 =	simm.s32 $0x1C80  }
0xdd: {  	[tilespmem:s20], [sflag:$0x1] =	stream.indirect_vreg.gather [hbm4b:s1+s2], $0x80, v26, vm1, $0xb8;
	[tilespmem:$0x1CC80] =	vst v63  }
0xde: {  	v26 =	vld [tilespmem:$0xA0];
	_ =	sdelay $0x4  }
0xdf: {  	v29 =	vshll.u32 v26, $0x1  }
0xe0: {  	v26 =	vand.u32 $0x7, v26;
	v29 =	vand.u32 $0xFFFFFFF0, v29  }
0xe1: {  	v26 =	vor.u32 v26, v29  }
0xe2: {  	v29 =	vperm.xlane v26, v8;
	_ =	sdelay $0x1  }
0xe3: {  	v26 =	vperm.xlane v26, v10;
	v29 =	vadd.s32 v9, v29;
	_ =	sdelay $0x1  }
0xe4: {  	v26 =	vadd.s32 v9, v26;
	_ =	sdelay $0x1  }
0xe5: {  	s21 =	simm.s32 $0x2480  }
0xe6: {  	[tilespmem:s21], [sflag:$0x1] =	stream.indirect_vreg.gather [hbm4b:s1+s2], $0x80, v29, vm1, $0xb8;
	[tilespmem:$0x1CC80] =	vst v63  }
0xe7: {  	s22 =	simm.s32 $0x2C80  }
0xe8: {  	[tilespmem:s22], [sflag:$0x1] =	stream.indirect_vreg.gather [hbm4b:s1+s2], $0x80, v26, vm1, $0xb8;
	[tilespmem:$0x1CC80] =	vst v63  }
0xe9: {  	v26 =	vld [tilespmem:$0xB0];
	_ =	sdelay $0x4  }
0xea: {  	v29 =	vshll.u32 v26, $0x1  }
0xeb: {  	v26 =	vand.u32 $0x7, v26;
	v29 =	vand.u32 $0xFFFFFFF0, v29  }
0xec: {  	v26 =	vor.u32 v26, v29  }
0xed: {  	v29 =	vperm.xlane v26, v8;
	_ =	sdelay $0x1  }
0xee: {  	v26 =	vperm.xlane v26, v10;
	v29 =	vadd.s32 v9, v29;
	_ =	sdelay $0x1  }
0xef: {  	v26 =	vadd.s32 v9, v26;
	_ =	sdelay $0x1  }
0xf0: {  	s23 =	simm.s32 $0x3480  }
0xf1: {  	[tilespmem:s23], [sflag:$0x1] =	stream.indirect_vreg.gather [hbm4b:s1+s2], $0x80, v29, vm1, $0xb8;
	[tilespmem:$0x1CC80] =	vst v63  }
0xf2: {  	s24 =	simm.s32 $0x3C80  }
0xf3: {  	[tilespmem:s24], [sflag:$0x1] =	stream.indirect_vreg.gather [hbm4b:s1+s2], $0x80, v26, vm1, $0xb8;
	[tilespmem:$0x1CC80] =	vst v63  }
0xf4: {  	v26 =	vld [tilespmem:$0xC0];
	_ =	sdelay $0x4  }
0xf5: {  	v29 =	vshll.u32 v26, $0x1  }
0xf6: {  	v26 =	vand.u32 $0x7, v26;
	v29 =	vand.u32 $0xFFFFFFF0, v29  }
0xf7: {  	v26 =	vor.u32 v26, v29  }
0xf8: {  	v29 =	vperm.xlane v26, v8;
	_ =	sdelay $0x1  }
0xf9: {  	v26 =	vperm.xlane v26, v10;
	v29 =	vadd.s32 v9, v29;
	_ =	sdelay $0x1  }
0xfa: {  	v26 =	vadd.s32 v9, v26;
	_ =	sdelay $0x1  }
0xfb: {  	s25 =	simm.s32 $0x4480  }
0xfc: {  	[tilespmem:s25], [sflag:$0x1] =	stream.indirect_vreg.gather [hbm4b:s1+s2], $0x80, v29, vm1, $0xb8;
	[tilespmem:$0x1CC80] =	vst v63  }
0xfd: {  	s26 =	simm.s32 $0x4C80  }
0xfe: {  	[tilespmem:s26], [sflag:$0x1] =	stream.indirect_vreg.gather [hbm4b:s1+s2], $0x80, v26, vm1, $0xb8;
	[tilespmem:$0x1CC80] =	vst v63  }
0xff: {  	v26 =	vld [tilespmem:$0xD0];
	_ =	sdelay $0x4  }
0x100: {  	v29 =	vshll.u32 v26, $0x1  }
0x101: {  	v26 =	vand.u32 $0x7, v26;
	v29 =	vand.u32 $0xFFFFFFF0, v29  }
0x102: {  	v26 =	vor.u32 v26, v29  }
0x103: {  	v29 =	vperm.xlane v26, v8;
	_ =	sdelay $0x1  }
0x104: {  	v26 =	vperm.xlane v26, v10;
	v29 =	vadd.s32 v9, v29;
	_ =	sdelay $0x1  }
0x105: {  	v26 =	vadd.s32 v9, v26  }
0x106: {  	p0 =	seq.s32 s3, $0x1  }
0x107: {  	s28 =	simm.s32 $0x5480;
	s14 =	sadd.s32 @!p0 $0x60, s0  }
0x108: {  	[tilespmem:s28], [sflag:$0x1] =	stream.indirect_vreg.gather [hbm4b:s1+s2], $0x80, v29, vm1, $0xb8;
	[tilespmem:$0x1CC80] =	vst v63  }
0x109: {  	s29 =	simm.s32 $0x5C80;
	s14 =	sshrl.u32 @!p0 s14, $0x3  }
0x10a: {  	[tilespmem:s29], [sflag:$0x1] =	stream.indirect_vreg.gather [hbm4b:s1+s2], $0x80, v26, vm1, $0xb8;
	[tilespmem:$0x1CC80] =	vst v63  }
0x10b: {  	s16 =	simm.s32 @!p0 $0x0;
	s15 =	sadd.s32 @!p0 s4, s14;
	s17 =	simm.s32 @!p0 $0x100  }
0x10c: {  	[tilespmem:s17], [sflag:$0x2] =	stream.linear.gather @!p0 [hbm4b:s15+s16], $0x60, $0x38;
	[tilespmem:$0x1CC80] =	vst v63  }
0x10d: {  	s15 =	sadd.s32 @!p0 s5, s14;
	s17 =	simm.s32 @!p0 $0x200  }
0x10e: {  	[tilespmem:s17], [sflag:$0x2] =	stream.linear.gather @!p0 [hbm4b:s15+s16], $0x60, $0x38;
	[tilespmem:$0x1CC80] =	vst v63  }
0x10f: {  	s14 =	sadd.s32 @!p0 s6, s14;
	s15 =	simm.s32 @!p0 $0x300  }
0x110: {  	[tilespmem:s15], [sflag:$0x2] =	stream.linear.gather @!p0 [hbm4b:s14+s16], $0x60, $0x38;
	[tilespmem:$0x1CC80] =	vst v63  }
0x111: {  	v26 =	vbroadcast v27, $0xF;
	v27 =	vbroadcast v28, $0xF;
	s15 =	simm.s32 $0x0  }
.LBB2_5:
0x112: {  	s17 =	sand.u32 $0x1, s15  }
0x113: {  	s16 =	smul.u32 $0x60, s15;
	s14 =	sshll.u32 s17, $0x7  }
0x114: {  	v28 =	vld [tilespmem:s14+$0x180]  }
0x115: {  	s16 =	sadd.s32 s0, s16;
	v29 =	vld [tilespmem:s14+$0x190]  }
0x116: {  	v59 =	vld [tilespmem:s14+$0x1A0];
	v30 =	vadd.s32 s16, v7  }
0x117: {  	v32 =	vld [tilespmem:s14+$0x1B0];
	s18 =	sadd.s32 $0x10, s16;
	s26 =	sadd.s32 $0x20, s16;
	vm2 =	vge.s32 v30, v26  }
0x118: {  	s28 =	sadd.s32 $0x30, s16;
	s29 =	sadd.s32 $0x40, s16;
	vm3 =	vlt.s32 v30, v27;
	v31 =	vadd.s32 s18, v7;
	v60 =	vadd.s32 s26, v7  }
0x119: {  	v61 =	vadd.s32 s28, v7;
	v34 =	vadd.s32 s29, v7;
	vm2 =	vmand vm2, vm3  }
0x11a: {  	vm3 =	vlt.s32 v31, v27;
	vm4 =	vlt.s32 v61, v27;
	v28 =	vsub.s32 v28, v2  }
0x11b: {  	v29 =	vsub.s32 v29, v2;
	v30 =	vsub.s32 v59, v2;
	v28 =	vshll.u32 v28, $0x8  }
0x11c: {  	v62 =	vsub.s32 v32, v2;
	v28 =	vnsel vm2, $0x10000, v28;
	vm2 =	vge.s32 v31, v26  }
0x11d: {  	v33 =	vld [tilespmem:s14+$0x1C0];
	v29 =	vshll.u32 v29, $0x8;
	v30 =	vshll.u32 v30, $0x8;
	vm2 =	vmand vm2, vm3  }
0x11e: {  	v63 =	vld [tilespmem:s14+$0x1D0];
	vm3 =	vlt.s32 v60, v27;
	v29 =	vnsel vm2, $0x10000, v29;
	vm2 =	vge.s32 v60, v26  }
0x11f: {  	s16 =	sadd.s32 $0x50, s16;
	v31 =	vshll.u32 v62, $0x8;
	vm2 =	vmand vm2, vm3;
	vm3 =	vge.s32 v61, v26  }
0x120: {  	[tilespmem:s14+$0x380] =	vst v28;
	v28 =	vadd.s32 s16, v7;
	vm3 =	vmand vm3, vm4;
	v30 =	vnsel vm2, $0x10000, v30  }
0x121: {  	vm2 =	vge.s32 v34, v26;
	v31 =	vnsel vm3, $0x10000, v31;
	vm3 =	vlt.s32 v34, v27  }
0x122: {  	vm15 =	vlt.s32 v28, v27;
	[tilespmem:s14+$0x390] =	vst v29;
	v29 =	vsub.s32 v33, v2;
	vm2 =	vmand vm2, vm3  }
0x123: {  	s16 =	sadd.s32 $0x1, s15;
	[tilespmem:s14+$0x3A0] =	vst v30;
	vm3 =	vge.s32 v28, v26;
	v28 =	vshll.u32 v29, $0x8;
	v29 =	vsub.s32 v63, v2  }
0x124: {  	p0 =	sle.s32 s3, s16;
	[tilespmem:s14+$0x3B0] =	vst v31;
	v28 =	vnsel vm2, $0x10000, v28;
	vm2 =	vmand vm3, vm15;
	v29 =	vshll.u32 v29, $0x8  }
.Ltmp4:
0x125: {  	[tilespmem:s14+$0x3C0] =	vst v28;
	v28 =	vnsel vm2, $0x10000, v29;
	(pc) =	sbr.rel @p0 .LBB2_7-.Ltmp4, $4  }
0x126: {  	[tilespmem:s14+$0x3D0] =	vst v28  }
0x127: {  	_ =	swait.ge [sflag:s12], $0x6000  }
0x128: {  	[sflag:s12] =	ssyncset.done $0x0  }
0x129: {  	[sflag:s12] =	ssyncadd.s32 $0xFFFFA000  }
0x12a: {  	_ =	swait.ge [sflag:s30], $0x60  }
0x12b: {  	[sflag:s30] =	ssyncset.done $0x0  }
0x12c: {  	[sflag:s30] =	ssyncadd.s32 $0xFFFFFFA0  }
0x12d: {  	_ =	swait.ge [sflag:s30], $0x60  }
0x12e: {  	[sflag:s30] =	ssyncset.done $0x0  }
0x12f: {  	[sflag:s30] =	ssyncadd.s32 $0xFFFFFFA0  }
0x130: {  	_ =	swait.ge [sflag:s30], $0x60  }
0x131: {  	s19 =	sxor.u32 $0x1, s17;
	[sflag:s30] =	ssyncset.done $0x0  }
0x132: {  	s18 =	sshll.u32 s19, $0x7;
	[sflag:s30] =	ssyncadd.s32 $0xFFFFFFA0  }
0x133: {  	v28 =	vld [tilespmem:s18+$0x80];
	_ =	sdelay $0x4  }
0x134: {  	v29 =	vshll.u32 v28, $0x1  }
0x135: {  	v28 =	vand.u32 $0x7, v28;
	v29 =	vand.u32 $0xFFFFFFF0, v29  }
0x136: {  	v28 =	vor.u32 v28, v29  }
0x137: {  	v29 =	vperm.xlane v28, v8;
	_ =	sdelay $0x1  }
0x138: {  	v28 =	vperm.xlane v28, v10;
	v29 =	vadd.s32 v9, v29  }
0x139: {  	s19 =	smul.u32 $0x18000, s19  }
0x13a: {  	v28 =	vadd.s32 v9, v28  }
0x13b: {  	s19 =	sshrl.u32 s19, $0x2  }
0x13c: {  	s20 =	sor.u32 $0x480, s19  }
0x13d: {  	[tilespmem:s20], [sflag:$0x1] =	stream.indirect_vreg.gather [hbm4b:s1+s2], $0x80, v29, vm1, $0xb8;
	[tilespmem:$0x1CC80] =	vst v63  }
0x13e: {  	s29 =	sor.u32 $0xC80, s19  }
0x13f: {  	[tilespmem:s29], [sflag:$0x1] =	stream.indirect_vreg.gather [hbm4b:s1+s2], $0x80, v28, vm1, $0xb8;
	[tilespmem:$0x1CC80] =	vst v63  }
0x140: {  	v28 =	vld [tilespmem:s18+$0x90];
	_ =	sdelay $0x4  }
0x141: {  	v29 =	vshll.u32 v28, $0x1  }
0x142: {  	v28 =	vand.u32 $0x7, v28;
	v29 =	vand.u32 $0xFFFFFFF0, v29  }
0x143: {  	v28 =	vor.u32 v28, v29  }
0x144: {  	v29 =	vperm.xlane v28, v8;
	_ =	sdelay $0x1  }
0x145: {  	v28 =	vperm.xlane v28, v10;
	v29 =	vadd.s32 v9, v29;
	_ =	sdelay $0x1  }
0x146: {  	v28 =	vadd.s32 v9, v28;
	_ =	sdelay $0x1  }
0x147: {  	s7 =	sor.u32 $0x1480, s19  }
0x148: {  	[tilespmem:s7], [sflag:$0x1] =	stream.indirect_vreg.gather [hbm4b:s1+s2], $0x80, v29, vm1, $0xb8;
	[tilespmem:$0x1CC80] =	vst v63  }
0x149: {  	s8 =	sor.u32 $0x1C80, s19  }
0x14a: {  	[tilespmem:s8], [sflag:$0x1] =	stream.indirect_vreg.gather [hbm4b:s1+s2], $0x80, v28, vm1, $0xb8;
	[tilespmem:$0x1CC80] =	vst v63  }
0x14b: {  	v28 =	vld [tilespmem:s18+$0xA0];
	_ =	sdelay $0x4  }
0x14c: {  	v29 =	vshll.u32 v28, $0x1  }
0x14d: {  	v28 =	vand.u32 $0x7, v28;
	v29 =	vand.u32 $0xFFFFFFF0, v29  }
0x14e: {  	v28 =	vor.u32 v28, v29  }
0x14f: {  	v29 =	vperm.xlane v28, v8;
	_ =	sdelay $0x1  }
0x150: {  	v28 =	vperm.xlane v28, v10;
	v29 =	vadd.s32 v9, v29;
	_ =	sdelay $0x1  }
0x151: {  	v28 =	vadd.s32 v9, v28;
	_ =	sdelay $0x1  }
0x152: {  	s21 =	sadd.s32 $0x2480, s19  }
0x153: {  	[tilespmem:s21], [sflag:$0x1] =	stream.indirect_vreg.gather [hbm4b:s1+s2], $0x80, v29, vm1, $0xb8;
	[tilespmem:$0x1CC80] =	vst v63  }
0x154: {  	s22 =	sadd.s32 $0x2C80, s19  }
0x155: {  	[tilespmem:s22], [sflag:$0x1] =	stream.indirect_vreg.gather [hbm4b:s1+s2], $0x80, v28, vm1, $0xb8;
	[tilespmem:$0x1CC80] =	vst v63  }
0x156: {  	v28 =	vld [tilespmem:s18+$0xB0];
	_ =	sdelay $0x4  }
0x157: {  	v29 =	vshll.u32 v28, $0x1  }
0x158: {  	v28 =	vand.u32 $0x7, v28;
	v29 =	vand.u32 $0xFFFFFFF0, v29  }
0x159: {  	v28 =	vor.u32 v28, v29  }
0x15a: {  	v29 =	vperm.xlane v28, v8;
	_ =	sdelay $0x1  }
0x15b: {  	v28 =	vperm.xlane v28, v10;
	v29 =	vadd.s32 v9, v29;
	_ =	sdelay $0x1  }
0x15c: {  	v28 =	vadd.s32 v9, v28;
	_ =	sdelay $0x1  }
0x15d: {  	s23 =	sadd.s32 $0x3480, s19  }
0x15e: {  	[tilespmem:s23], [sflag:$0x1] =	stream.indirect_vreg.gather [hbm4b:s1+s2], $0x80, v29, vm1, $0xb8;
	[tilespmem:$0x1CC80] =	vst v63  }
0x15f: {  	s24 =	sadd.s32 $0x3C80, s19  }
0x160: {  	[tilespmem:s24], [sflag:$0x1] =	stream.indirect_vreg.gather [hbm4b:s1+s2], $0x80, v28, vm1, $0xb8;
	[tilespmem:$0x1CC80] =	vst v63  }
0x161: {  	v28 =	vld [tilespmem:s18+$0xC0];
	_ =	sdelay $0x4  }
0x162: {  	v29 =	vshll.u32 v28, $0x1  }
0x163: {  	v28 =	vand.u32 $0x7, v28;
	v29 =	vand.u32 $0xFFFFFFF0, v29  }
0x164: {  	v28 =	vor.u32 v28, v29  }
0x165: {  	v29 =	vperm.xlane v28, v8;
	_ =	sdelay $0x1  }
0x166: {  	v28 =	vperm.xlane v28, v10;
	v29 =	vadd.s32 v9, v29;
	_ =	sdelay $0x1  }
0x167: {  	v28 =	vadd.s32 v9, v28;
	_ =	sdelay $0x1  }
0x168: {  	s25 =	sadd.s32 $0x4480, s19  }
0x169: {  	[tilespmem:s25], [sflag:$0x1] =	stream.indirect_vreg.gather [hbm4b:s1+s2], $0x80, v29, vm1, $0xb8;
	[tilespmem:$0x1CC80] =	vst v63  }
0x16a: {  	s26 =	sadd.s32 $0x4C80, s19  }
0x16b: {  	[tilespmem:s26], [sflag:$0x1] =	stream.indirect_vreg.gather [hbm4b:s1+s2], $0x80, v28, vm1, $0xb8;
	[tilespmem:$0x1CC80] =	vst v63  }
0x16c: {  	v28 =	vld [tilespmem:s18+$0xD0];
	_ =	sdelay $0x4  }
0x16d: {  	v29 =	vshll.u32 v28, $0x1  }
0x16e: {  	v28 =	vand.u32 $0x7, v28;
	v29 =	vand.u32 $0xFFFFFFF0, v29  }
0x16f: {  	v28 =	vor.u32 v28, v29  }
0x170: {  	v29 =	vperm.xlane v28, v8;
	_ =	sdelay $0x1  }
0x171: {  	v28 =	vperm.xlane v28, v10;
	v29 =	vadd.s32 v9, v29;
	_ =	sdelay $0x1  }
0x172: {  	v28 =	vadd.s32 v9, v28;
	_ =	sdelay $0x1  }
0x173: {  	s28 =	sadd.s32 $0x5480, s19  }
0x174: {  	[tilespmem:s28], [sflag:$0x1] =	stream.indirect_vreg.gather [hbm4b:s1+s2], $0x80, v29, vm1, $0xb8;
	[tilespmem:$0x1CC80] =	vst v63  }
0x175: {  	s29 =	sadd.s32 $0x5C80, s19  }
0x176: {  	[tilespmem:s29], [sflag:$0x1] =	stream.indirect_vreg.gather [hbm4b:s1+s2], $0x80, v28, vm1, $0xb8;
	[tilespmem:$0x1CC80] =	vst v63  }
.LBB2_7:
0x177: {  	s18 =	simm.s32 $0x2  }
0x178: {  	s20 =	simm.s32 $0x0;
	v28 =	vmov s18  }
0x179: {  	s25 =	smul.u32 $0x18000, s17;
	v29 =	vmov s20;
	v28 =	vand.u32 $0xFFFFFFFE, v28  }
0x17a: {  	v29 =	vand.u32 $0xFFFFFFFC, v29;
	v30 =	vbroadcast v28, $0x0  }
0x17b: {  	s24 =	simm.s32 $0x1;
	s18 =	sshrl.u32 s25, $0x2;
	v29 =	vbroadcast v29, $0x0  }
0x17c: {  	s19 =	simm.s32 $0x100;
	s26 =	sand.u32 $0x7800, s20;
	s22 =	sor.u32 $0x480, s18  }
0x17d: {  	s19 =	sand.u32 $0x300, s19;
	v28 =	vmov s24;
	s18 =	sadd.s32 s26, s22  }
0x17e: {  	v28 =	vand.u32 $0xFFFFFFFD, v28;
	s19 =	sadd.s32 s19, s18  }
0x17f: {  	s23 =	sadd.s32 $0x380, s14;
	v32 =	vbroadcast v28, $0x0;
	v33 =	vld [tilespmem:s19+$0x0]  }
0x180: {  	s17 =	sadd.s32 $0x280, s14;
	v40 =	vld.idx.msk [tilespmem:v30+s23+$0x0], $0xffff  }
0x181: {  	s21 =	simm.s32 $0x3;
	s29 =	simm.s32 $0x80;
	v28 =	vld.idx.msk [tilespmem:v29+s17+$0x0], $0xffff  }
0x182: {  	v34 =	vmov s21;
	s21 =	sand.u32 $0x280, s29;
	s24 =	simm.s32 $0x0;
	v38 =	vld.idx.msk [tilespmem:v30+s17+$0x0], $0xffff  }
0x183: {  	s25 =	sand.u32 $0x200, s24;
	s24 =	sadd.s32 s21, s18;
	v29 =	vld.idx.msk [tilespmem:v29+s23+$0x0], $0xffff  }
0x184: {  	v36 =	vld [tilespmem:s24+$0x0]  }
0x185: {  	s21 =	sadd.s32 s25, s18;
	v31 =	vld.idx.msk [tilespmem:v32+s23+$0x0], $0xffff  }
0x186: {  	s25 =	simm.s32 $0x180;
	v37 =	vld [tilespmem:s21+$0x0];
	v35 =	vadd.s32 v7, v40  }
0x187: {  	s26 =	sand.u32 $0x380, s25;
	v44 =	vmul.f32 v33, v38;
	v33 =	vld.idx.msk [tilespmem:v34+s23+$0x0], $0xffff  }
0x188: {  	s18 =	sadd.s32 s26, s18;
	v30 =	vld.idx.msk [tilespmem:v32+s17+$0x0], $0xffff;
	v41 =	vadd.s32 v7, v29  }
0x189: {  	v46 =	vld [tilespmem:s18+$0x0]  }
0x18a: {  	v32 =	vld.idx.msk [tilespmem:v34+s17+$0x0], $0xffff;
	v39 =	vadd.s32 v7, v31  }
0x18b: {  	v37 =	vmul.f32 v37, v28;
	[tilespmem:v35+s13+$0x0] =	vst.idx.add.f32.msk $0xffff, v44  }
0x18c: {  	v47 =	vadd.s32 v7, v33;
	v35 =	vld [tilespmem:s19+$0x10]  }
0x18d: {  	v45 =	vmul.f32 v36, v30;
	[tilespmem:v41+s13+$0x0] =	vst.idx.add.f32.msk $0xffff, v37  }
0x18e: {  	v42 =	vadd.s32 v11, v40;
	v49 =	vld [tilespmem:s21+$0x10]  }
0x18f: {  	v36 =	vmul.f32 v46, v32;
	[tilespmem:v39+s13+$0x0] =	vst.idx.add.f32.msk $0xffff, v45  }
0x190: {  	v51 =	vadd.s32 v11, v29;
	v48 =	vld [tilespmem:s24+$0x10]  }
0x191: {  	[tilespmem:v47+s13+$0x0] =	vst.idx.add.f32.msk $0xffff, v36;
	v35 =	vmul.f32 v35, v38  }
0x192: {  	v50 =	vadd.s32 v11, v31;
	v34 =	vld [tilespmem:s18+$0x10]  }
0x193: {  	v39 =	vmul.f32 v49, v28;
	[tilespmem:v42+s13+$0x0] =	vst.idx.add.f32.msk $0xffff, v35  }
0x194: {  	s7 =	simm.s32 $0x7;
	v43 =	vadd.s32 v11, v33;
	v42 =	vld [tilespmem:s19+$0x20]  }
0x195: {  	v52 =	vmul.f32 v48, v30;
	[tilespmem:v51+s13+$0x0] =	vst.idx.add.f32.msk $0xffff, v39;
	v39 =	vmov s7  }
0x196: {  	v53 =	vadd.s32 v12, v40;
	v56 =	vld [tilespmem:s21+$0x20]  }
0x197: {  	[tilespmem:v50+s13+$0x0] =	vst.idx.add.f32.msk $0xffff, v52;
	v34 =	vmul.f32 v34, v32  }
0x198: {  	v36 =	vld [tilespmem:s24+$0x20]  }
0x199: {  	[tilespmem:v43+s13+$0x0] =	vst.idx.add.f32.msk $0xffff, v34;
	v54 =	vmul.f32 v42, v38  }
0x19a: {  	v44 =	vadd.s32 v12, v29;
	v34 =	vld.idx.msk [tilespmem:v39+s17+$0x0], $0xffff  }
0x19b: {  	[tilespmem:v53+s13+$0x0] =	vst.idx.add.f32.msk $0xffff, v54  }
0x19c: {  	v55 =	vadd.s32 v12, v31;
	v37 =	vld [tilespmem:s19+$0x30]  }
0x19d: {  	v35 =	vld.idx.msk [tilespmem:v39+s23+$0x0], $0xffff;
	v41 =	vmul.f32 v56, v28  }
0x19e: {  	v57 =	vadd.s32 v13, v40;
	v43 =	vld [tilespmem:s18+$0x20]  }
0x19f: {  	v36 =	vmul.f32 v36, v30;
	[tilespmem:v44+s13+$0x0] =	vst.idx.add.f32.msk $0xffff, v41  }
0x1a0: {  	v59 =	vadd.s32 v12, v33;
	v49 =	vld [tilespmem:s21+$0x30]  }
0x1a1: {  	[tilespmem:v55+s13+$0x0] =	vst.idx.add.f32.msk $0xffff, v36;
	v58 =	vmul.f32 v37, v38  }
0x1a2: {  	v52 =	vadd.s32 v13, v29;
	v60 =	vld [tilespmem:s24+$0x30]  }
0x1a3: {  	v61 =	vmul.f32 v43, v32;
	[tilespmem:v57+s13+$0x0] =	vst.idx.add.f32.msk $0xffff, v58  }
0x1a4: {  	v62 =	vadd.s32 v13, v31;
	v63 =	vld [tilespmem:s19+$0x40]  }
0x1a5: {  	[tilespmem:v59+s13+$0x0] =	vst.idx.add.f32.msk $0xffff, v61;
	v55 =	vmul.f32 v49, v28  }
0x1a6: {  	s8 =	simm.s32 $0x4;
	v48 =	vadd.s32 v14, v40;
	v51 =	vld [tilespmem:s18+$0x30]  }
0x1a7: {  	v45 =	vmov s8;
	v50 =	vmul.f32 v60, v30;
	[tilespmem:v52+s13+$0x0] =	vst.idx.add.f32.msk $0xffff, v55  }
0x1a8: {  	v54 =	vadd.s32 v13, v33;
	v58 =	vand.u32 $0xFFFFFFFC, v45;
	v61 =	vld [tilespmem:s21+$0x40]  }
0x1a9: {  	v60 =	vbroadcast v58, $0x0;
	[tilespmem:v62+s13+$0x0] =	vst.idx.add.f32.msk $0xffff, v50;
	v53 =	vmul.f32 v63, v38  }
0x1aa: {  	v42 =	vld [tilespmem:s24+$0x40]  }
0x1ab: {  	v37 =	vmul.f32 v51, v32;
	[tilespmem:v48+s13+$0x0] =	vst.idx.add.f32.msk $0xffff, v53  }
0x1ac: {  	v56 =	vadd.s32 v14, v31;
	v41 =	vld [tilespmem:s19+$0x50]  }
0x1ad: {  	[tilespmem:v54+s13+$0x0] =	vst.idx.add.f32.msk $0xffff, v37  }
0x1ae: {  	v57 =	vadd.s32 v15, v40;
	v62 =	vld [tilespmem:s18+$0x40]  }
0x1af: {  	v36 =	vld.idx.msk [tilespmem:v60+s17+$0x0], $0xffff;
	v59 =	vmul.f32 v42, v30  }
0x1b0: {  	v63 =	vadd.s32 v14, v29;
	v37 =	vld.idx.msk [tilespmem:v60+s23+$0x0], $0xffff  }
0x1b1: {  	[tilespmem:v56+s13+$0x0] =	vst.idx.add.f32.msk $0xffff, v59;
	v41 =	vmul.f32 v41, v38  }
0x1b2: {  	v48 =	vadd.s32 v14, v33;
	v51 =	vld [tilespmem:s24+$0x50]  }
0x1b3: {  	v50 =	vmul.f32 v61, v28;
	[tilespmem:v57+s13+$0x0] =	vst.idx.add.f32.msk $0xffff, v41  }
0x1b4: {  	v52 =	vadd.s32 v15, v31;
	v49 =	vld [tilespmem:s19+$0x60]  }
0x1b5: {  	v44 =	vmul.f32 v62, v32;
	[tilespmem:v63+s13+$0x0] =	vst.idx.add.f32.msk $0xffff, v50  }
0x1b6: {  	v46 =	vadd.s32 v16, v40;
	v53 =	vld [tilespmem:s21+$0x50]  }
0x1b7: {  	[tilespmem:v48+s13+$0x0] =	vst.idx.add.f32.msk $0xffff, v44;
	v43 =	vmul.f32 v51, v30  }
0x1b8: {  	v54 =	vadd.s32 v15, v29;
	v44 =	vld [tilespmem:s18+$0x50]  }
0x1b9: {  	[tilespmem:v52+s13+$0x0] =	vst.idx.add.f32.msk $0xffff, v43;
	v39 =	vmul.f32 v49, v38  }
0x1ba: {  	v55 =	vadd.s32 v15, v33;
	v43 =	vld [tilespmem:s24+$0x60]  }
0x1bb: {  	v56 =	vmul.f32 v53, v28;
	[tilespmem:v46+s13+$0x0] =	vst.idx.add.f32.msk $0xffff, v39  }
0x1bc: {  	v60 =	vadd.s32 v16, v31;
	v39 =	vld [tilespmem:s19+$0x70]  }
0x1bd: {  	v57 =	vmul.f32 v44, v32;
	[tilespmem:v54+s13+$0x0] =	vst.idx.add.f32.msk $0xffff, v56  }
0x1be: {  	v47 =	vadd.s32 v17, v40;
	v61 =	vld [tilespmem:s21+$0x60]  }
0x1bf: {  	[tilespmem:v55+s13+$0x0] =	vst.idx.add.f32.msk $0xffff, v57;
	v62 =	vmul.f32 v43, v30  }
0x1c0: {  	v63 =	vadd.s32 v16, v29;
	v46 =	vld [tilespmem:s18+$0x60]  }
0x1c1: {  	[tilespmem:v60+s13+$0x0] =	vst.idx.add.f32.msk $0xffff, v62;
	v39 =	vmul.f32 v39, v38  }
0x1c2: {  	v48 =	vadd.s32 v16, v33;
	v54 =	vld [tilespmem:s24+$0x70]  }
0x1c3: {  	v42 =	vmul.f32 v61, v28;
	[tilespmem:v47+s13+$0x0] =	vst.idx.add.f32.msk $0xffff, v39  }
0x1c4: {  	v56 =	vadd.s32 v17, v31;
	v52 =	vld [tilespmem:s19+$0x400]  }
0x1c5: {  	[tilespmem:v63+s13+$0x0] =	vst.idx.add.f32.msk $0xffff, v42;
	v46 =	vmul.f32 v46, v32  }
0x1c6: {  	v53 =	vadd.s32 v18, v40;
	v43 =	vld [tilespmem:s21+$0x70]  }
0x1c7: {  	s29 =	simm.s32 $0x5;
	[tilespmem:v48+s13+$0x0] =	vst.idx.add.f32.msk $0xffff, v46;
	v47 =	vmul.f32 v54, v30  }
0x1c8: {  	v58 =	vmov s29;
	v57 =	vadd.s32 v17, v29;
	v48 =	vld [tilespmem:s18+$0x70]  }
0x1c9: {  	v59 =	vand.u32 $0xFFFFFFFD, v58;
	[tilespmem:v56+s13+$0x0] =	vst.idx.add.f32.msk $0xffff, v47;
	v55 =	vmul.f32 v52, v38  }
0x1ca: {  	v41 =	vbroadcast v59, $0x0;
	v59 =	vadd.s32 v17, v33;
	v45 =	vld [tilespmem:s24+$0x400]  }
0x1cb: {  	v43 =	vmul.f32 v43, v28;
	[tilespmem:v53+s13+$0x0] =	vst.idx.add.f32.msk $0xffff, v55  }
0x1cc: {  	v61 =	vadd.s32 v18, v31;
	v44 =	vld [tilespmem:s19+$0x410]  }
0x1cd: {  	[tilespmem:v57+s13+$0x0] =	vst.idx.add.f32.msk $0xffff, v43;
	v62 =	vmul.f32 v48, v32  }
0x1ce: {  	v58 =	vadd.s32 v19, v40;
	v43 =	vld [tilespmem:s21+$0x400]  }
0x1cf: {  	[tilespmem:v59+s13+$0x0] =	vst.idx.add.f32.msk $0xffff, v62;
	v45 =	vmul.f32 v45, v30  }
0x1d0: {  	v63 =	vadd.s32 v18, v29;
	v47 =	vld [tilespmem:s18+$0x400]  }
0x1d1: {  	[tilespmem:v61+s13+$0x0] =	vst.idx.add.f32.msk $0xffff, v45;
	v60 =	vmul.f32 v44, v38  }
0x1d2: {  	v44 =	vld [tilespmem:s24+$0x410]  }
0x1d3: {  	v54 =	vadd.s32 v18, v33;
	v43 =	vmul.f32 v43, v28;
	[tilespmem:v58+s13+$0x0] =	vst.idx.add.f32.msk $0xffff, v60  }
0x1d4: {  	v52 =	vld [tilespmem:s19+$0x420]  }
0x1d5: {  	v56 =	vadd.s32 v19, v31;
	[tilespmem:v63+s13+$0x0] =	vst.idx.add.f32.msk $0xffff, v43  }
0x1d6: {  	v53 =	vadd.s32 v20, v40;
	v46 =	vld [tilespmem:s21+$0x410];
	v57 =	vmul.f32 v47, v32;
	_ =	sdelay $0x1  }
0x1d7: {  	[tilespmem:v54+s13+$0x0] =	vst.idx.add.f32.msk $0xffff, v57;
	v58 =	vadd.s32 v19, v29;
	v44 =	vmul.f32 v44, v30  }
0x1d8: {  	v45 =	vld [tilespmem:s18+$0x410];
	v55 =	vmul.f32 v52, v38  }
0x1d9: {  	[tilespmem:v56+s13+$0x0] =	vst.idx.add.f32.msk $0xffff, v44  }
0x1da: {  	v46 =	vmul.f32 v46, v28;
	[tilespmem:v53+s13+$0x0] =	vst.idx.add.f32.msk $0xffff, v55  }
0x1db: {  	v61 =	vadd.s32 v19, v33;
	v59 =	vld [tilespmem:s19+$0x430]  }
0x1dc: {  	[tilespmem:v58+s13+$0x0] =	vst.idx.add.f32.msk $0xffff, v46  }
0x1dd: {  	v60 =	vadd.s32 v21, v40;
	v44 =	vld [tilespmem:s24+$0x420]  }
0x1de: {  	v46 =	vld [tilespmem:s21+$0x420];
	v52 =	vmul.f32 v45, v32  }
0x1df: {  	v63 =	vadd.s32 v20, v31  }
0x1e0: {  	v53 =	vadd.s32 v20, v29;
	[tilespmem:v61+s13+$0x0] =	vst.idx.add.f32.msk $0xffff, v52;
	v62 =	vmul.f32 v59, v38  }
0x1e1: {  	v48 =	vld [tilespmem:s18+$0x420]  }
0x1e2: {  	v44 =	vmul.f32 v44, v30;
	[tilespmem:v60+s13+$0x0] =	vst.idx.add.f32.msk $0xffff, v62  }
0x1e3: {  	v56 =	vadd.s32 v20, v33;
	v46 =	vmul.f32 v46, v28;
	v54 =	vld [tilespmem:s19+$0x440]  }
0x1e4: {  	[tilespmem:v63+s13+$0x0] =	vst.idx.add.f32.msk $0xffff, v44  }
0x1e5: {  	v55 =	vadd.s32 v22, v40;
	[tilespmem:v53+s13+$0x0] =	vst.idx.add.f32.msk $0xffff, v46  }
0x1e6: {  	v44 =	vld [tilespmem:s24+$0x430];
	v60 =	vmul.f32 v48, v32  }
0x1e7: {  	v58 =	vld [tilespmem:s21+$0x430]  }
0x1e8: {  	v59 =	vadd.s32 v21, v31;
	[tilespmem:v56+s13+$0x0] =	vst.idx.add.f32.msk $0xffff, v60;
	v57 =	vmul.f32 v54, v38  }
0x1e9: {  	v47 =	vld [tilespmem:s18+$0x430]  }
0x1ea: {  	v61 =	vadd.s32 v21, v29;
	[tilespmem:v55+s13+$0x0] =	vst.idx.add.f32.msk $0xffff, v57  }
0x1eb: {  	v44 =	vmul.f32 v44, v30;
	v62 =	vld [tilespmem:s19+$0x450]  }
0x1ec: {  	v52 =	vadd.s32 v21, v33  }
0x1ed: {  	v63 =	vadd.s32 v23, v40;
	v45 =	vmul.f32 v58, v28;
	[tilespmem:v59+s13+$0x0] =	vst.idx.add.f32.msk $0xffff, v44  }
0x1ee: {  	v44 =	vld [tilespmem:s24+$0x440]  }
0x1ef: {  	[tilespmem:v61+s13+$0x0] =	vst.idx.add.f32.msk $0xffff, v45;
	v55 =	vmul.f32 v47, v32  }
0x1f0: {  	v45 =	vld [tilespmem:s21+$0x440];
	v54 =	vadd.s32 v22, v31;
	v53 =	vmul.f32 v62, v38  }
0x1f1: {  	[tilespmem:v52+s13+$0x0] =	vst.idx.add.f32.msk $0xffff, v55  }
0x1f2: {  	[tilespmem:v63+s13+$0x0] =	vst.idx.add.f32.msk $0xffff, v53  }
0x1f3: {  	v56 =	vadd.s32 v22, v29;
	v44 =	vmul.f32 v44, v30;
	v57 =	vld [tilespmem:s19+$0x460]  }
0x1f4: {  	v46 =	vld [tilespmem:s18+$0x440]  }
0x1f5: {  	v58 =	vadd.s32 v24, v40;
	[tilespmem:v54+s13+$0x0] =	vst.idx.add.f32.msk $0xffff, v44  }
0x1f6: {  	v45 =	vmul.f32 v45, v28;
	v44 =	vld [tilespmem:s24+$0x450]  }
0x1f7: {  	v39 =	vld.idx.msk [tilespmem:v41+s17+$0x0], $0xffff;
	v59 =	vadd.s32 v22, v33  }
0x1f8: {  	[tilespmem:v56+s13+$0x0] =	vst.idx.add.f32.msk $0xffff, v45;
	v60 =	vmul.f32 v57, v38  }
0x1f9: {  	v61 =	vadd.s32 v23, v31;
	v45 =	vld [tilespmem:s21+$0x450]  }
0x1fa: {  	v62 =	vmul.f32 v46, v32;
	[tilespmem:v58+s13+$0x0] =	vst.idx.add.f32.msk $0xffff, v60  }
0x1fb: {  	v63 =	vmul.f32 v44, v30;
	v44 =	vadd.s32 v23, v29;
	v43 =	vld [tilespmem:s19+$0x470]  }
0x1fc: {  	[tilespmem:v59+s13+$0x0] =	vst.idx.add.f32.msk $0xffff, v62  }
0x1fd: {  	v40 =	vadd.s32 v25, v40;
	v42 =	vld [tilespmem:s18+$0x450]  }
0x1fe: {  	s28 =	simm.s32 $0x6;
	s26 =	simm.s32 $0x8;
	v45 =	vmul.f32 v45, v28;
	[tilespmem:v61+s13+$0x0] =	vst.idx.add.f32.msk $0xffff, v63;
	s19 =	sadd.s32 $0x180, s14  }
.LBB2_8:
0x1ff: {  	p0 =	slt.u32 s26, $0x5C;
	v46 =	vmov s28;
	v47 =	vld [tilespmem:s24+$0x460];
	v48 =	vadd.s32 v23, v33  }
0x200: {  	v46 =	vand.u32 $0xFFFFFFFE, v46;
	[tilespmem:v44+s13+$0x0] =	vst.idx.add.f32.msk $0xffff, v45;
	v38 =	vmul.f32 v43, v38  }
0x201: {  	v45 =	vadd.s32 v24, v31;
	v43 =	vbroadcast v46, $0x0;
	v44 =	vld [tilespmem:s21+$0x460]  }
0x202: {  	[tilespmem:v40+s13+$0x0] =	vst.idx.add.f32.msk $0xffff, v38;
	v38 =	vmul.f32 v42, v32  }
0x203: {  	v42 =	vadd.s32 v24, v29;
	v41 =	vld.idx.msk [tilespmem:v41+s23+$0x0], $0xffff  }
0x204: {  	v40 =	vmul.f32 v47, v30;
	[tilespmem:v48+s13+$0x0] =	vst.idx.add.f32.msk $0xffff, v38  }
0x205: {  	v46 =	vld [tilespmem:s18+$0x460]  }
0x206: {  	v38 =	vmul.f32 v44, v28;
	[tilespmem:v45+s13+$0x0] =	vst.idx.add.f32.msk $0xffff, v40  }
0x207: {  	s25 =	sadd.s32 $0x200, s25;
	s20 =	sadd.s32 $0x400, s20;
	v40 =	vld.idx.msk [tilespmem:v43+s23+$0x0], $0xffff  }
0x208: {  	s28 =	sand.u32 $0x7800, s20;
	s29 =	sadd.s32 $0xFFFFFE80, s25;
	s7 =	sadd.s32 $0xFFFFFF80, s25;
	[tilespmem:v42+s13+$0x0] =	vst.idx.add.f32.msk $0xffff, v38  }
0x209: {  	s8 =	sadd.s32 s28, s22;
	s28 =	sadd.s32 $0xFFFFFF00, s25;
	s7 =	sand.u32 $0x300, s7;
	v42 =	vld [tilespmem:s24+$0x470]  }
0x20a: {  	s24 =	sand.u32 $0x200, s29;
	s29 =	sand.u32 $0x280, s28;
	s28 =	sadd.s32 s7, s8;
	v38 =	vld.idx.msk [tilespmem:v43+s17+$0x0], $0xffff;
	v43 =	vadd.s32 v24, v33;
	v44 =	vmul.f32 v46, v32  }
0x20b: {  	s7 =	sadd.s32 s24, s8;
	s24 =	sadd.s32 s29, s8;
	s29 =	sand.u32 $0x380, s25;
	v45 =	vld [tilespmem:s28+$0x0]  }
0x20c: {  	s8 =	sadd.s32 s29, s8;
	v46 =	vld [tilespmem:s7+$0x0]  }
0x20d: {  	v48 =	vadd.s32 v7, v40;
	v47 =	vld [tilespmem:s24+$0x0]  }
0x20e: {  	v49 =	vld [tilespmem:s8+$0x0];
	v42 =	vmul.f32 v42, v30;
	v30 =	vmov v39  }
0x20f: {  	v39 =	vadd.s32 v7, v41;
	[tilespmem:v43+s13+$0x0] =	vst.idx.add.f32.msk $0xffff, v44  }
0x210: {  	v43 =	vadd.s32 v7, v37;
	v44 =	vmul.f32 v45, v38;
	v45 =	vld [tilespmem:s21+$0x470];
	s21 =	smov.u32 s7  }
0x211: {  	v50 =	vadd.s32 v7, v35;
	v46 =	vmul.f32 v46, v36;
	v51 =	vld [tilespmem:s18+$0x470];
	s18 =	smov.u32 s8  }
0x212: {  	v47 =	vmul.f32 v47, v30;
	[tilespmem:v48+s13+$0x0] =	vst.idx.add.f32.msk $0xffff, v44  }
0x213: {  	v44 =	vld [tilespmem:s28+$0x10];
	v48 =	vmul.f32 v49, v34  }
0x214: {  	[tilespmem:v39+s13+$0x0] =	vst.idx.add.f32.msk $0xffff, v47  }
0x215: {  	v39 =	vadd.s32 v11, v40;
	[tilespmem:v43+s13+$0x0] =	vst.idx.add.f32.msk $0xffff, v46;
	v43 =	vmul.f32 v45, v28;
	v28 =	vmov v36  }
0x216: {  	[tilespmem:v50+s13+$0x0] =	vst.idx.add.f32.msk $0xffff, v48;
	v36 =	vmul.f32 v51, v32;
	v32 =	vmov v34  }
0x217: {  	v45 =	vadd.s32 v25, v31;
	v31 =	vmov v41;
	v34 =	vld [tilespmem:s24+$0x10]  }
0x218: {  	v46 =	vadd.s32 v25, v29;
	v29 =	vmov v37;
	v41 =	vld [tilespmem:s21+$0x10];
	v44 =	vmul.f32 v44, v38  }
0x219: {  	v37 =	vadd.s32 v11, v31;
	v47 =	vld [tilespmem:s18+$0x10]  }
0x21a: {  	v48 =	vadd.s32 v11, v29;
	[tilespmem:v39+s13+$0x0] =	vst.idx.add.f32.msk $0xffff, v44  }
0x21b: {  	v44 =	vadd.s32 v11, v35;
	v39 =	vld [tilespmem:s28+$0x20]  }
0x21c: {  	v34 =	vmul.f32 v34, v30;
	[tilespmem:v45+s13+$0x0] =	vst.idx.add.f32.msk $0xffff, v42  }
0x21d: {  	v42 =	vadd.s32 v12, v40;
	v41 =	vmul.f32 v41, v28;
	[tilespmem:v46+s13+$0x0] =	vst.idx.add.f32.msk $0xffff, v43  }
0x21e: {  	[tilespmem:v37+s13+$0x0] =	vst.idx.add.f32.msk $0xffff, v34;
	v34 =	vmul.f32 v47, v32  }
0x21f: {  	[tilespmem:v48+s13+$0x0] =	vst.idx.add.f32.msk $0xffff, v41  }
0x220: {  	v37 =	vmul.f32 v39, v38;
	[tilespmem:v44+s13+$0x0] =	vst.idx.add.f32.msk $0xffff, v34  }
0x221: {  	s7 =	sadd.s32 $0x3, s26;
	v39 =	vadd.s32 v25, v33;
	v33 =	vmov v35;
	v34 =	vld [tilespmem:s24+$0x20]  }
0x222: {  	v35 =	vmov s7;
	[tilespmem:v42+s13+$0x0] =	vst.idx.add.f32.msk $0xffff, v37  }
0x223: {  	v37 =	vadd.s32 v12, v31;
	v41 =	vld [tilespmem:s28+$0x30]  }
0x224: {  	v42 =	vld [tilespmem:s21+$0x20]  }
0x225: {  	v43 =	vadd.s32 v13, v40;
	v44 =	vld [tilespmem:s18+$0x20]  }
0x226: {  	v45 =	vmul.f32 v34, v30;
	[tilespmem:v39+s13+$0x0] =	vst.idx.add.f32.msk $0xffff, v36  }
0x227: {  	v36 =	vadd.s32 v12, v29;
	v34 =	vld.idx.msk [tilespmem:v35+s17+$0x0], $0xffff  }
0x228: {  	v39 =	vadd.s32 v12, v33;
	[tilespmem:v37+s13+$0x0] =	vst.idx.add.f32.msk $0xffff, v45;
	v37 =	vmul.f32 v41, v38  }
0x229: {  	v41 =	vmul.f32 v42, v28;
	v42 =	vld [tilespmem:s24+$0x30]  }
0x22a: {  	[tilespmem:v43+s13+$0x0] =	vst.idx.add.f32.msk $0xffff, v37;
	v37 =	vmul.f32 v44, v32  }
0x22b: {  	v43 =	vadd.s32 v13, v31;
	v44 =	vld [tilespmem:s28+$0x40]  }
0x22c: {  	[tilespmem:v36+s13+$0x0] =	vst.idx.add.f32.msk $0xffff, v41  }
0x22d: {  	v36 =	vadd.s32 v14, v40;
	[tilespmem:v39+s13+$0x0] =	vst.idx.add.f32.msk $0xffff, v37  }
0x22e: {  	v37 =	vld [tilespmem:s21+$0x30];
	v39 =	vmul.f32 v42, v30  }
0x22f: {  	v41 =	vld [tilespmem:s18+$0x30]  }
0x230: {  	v42 =	vadd.s32 v13, v29;
	[tilespmem:v43+s13+$0x0] =	vst.idx.add.f32.msk $0xffff, v39;
	v39 =	vmul.f32 v44, v38  }
0x231: {  	v44 =	vadd.s32 v13, v33;
	v43 =	vld [tilespmem:s24+$0x40]  }
0x232: {  	[tilespmem:v36+s13+$0x0] =	vst.idx.add.f32.msk $0xffff, v39  }
0x233: {  	v36 =	vmul.f32 v37, v28;
	v37 =	vld [tilespmem:s28+$0x50]  }
0x234: {  	v39 =	vadd.s32 v14, v31;
	v35 =	vld.idx.msk [tilespmem:v35+s23+$0x0], $0xffff;
	v41 =	vmul.f32 v41, v32  }
0x235: {  	v45 =	vmov s26;
	[tilespmem:v42+s13+$0x0] =	vst.idx.add.f32.msk $0xffff, v36;
	v36 =	vadd.s32 v15, v40  }
0x236: {  	v42 =	vand.u32 $0xFFFFFFFC, v45;
	v43 =	vmul.f32 v43, v30;
	[tilespmem:v44+s13+$0x0] =	vst.idx.add.f32.msk $0xffff, v41  }
0x237: {  	v41 =	vbroadcast v42, $0x0;
	v42 =	vld [tilespmem:s21+$0x40]  }
0x238: {  	v37 =	vmul.f32 v37, v38;
	v44 =	vld [tilespmem:s18+$0x40]  }
0x239: {  	v45 =	vadd.s32 v14, v29;
	[tilespmem:v39+s13+$0x0] =	vst.idx.add.f32.msk $0xffff, v43  }
0x23a: {  	[tilespmem:v36+s13+$0x0] =	vst.idx.add.f32.msk $0xffff, v37;
	v37 =	vadd.s32 v14, v33  }
0x23b: {  	v39 =	vld [tilespmem:s28+$0x60]  }
0x23c: {  	v42 =	vmul.f32 v42, v28;
	v43 =	vld [tilespmem:s24+$0x50]  }
0x23d: {  	v46 =	vadd.s32 v16, v40;
	v36 =	vld.idx.msk [tilespmem:v41+s17+$0x0], $0xffff;
	v44 =	vmul.f32 v44, v32  }
0x23e: {  	[tilespmem:v45+s13+$0x0] =	vst.idx.add.f32.msk $0xffff, v42  }
0x23f: {  	v42 =	vadd.s32 v15, v31;
	[tilespmem:v37+s13+$0x0] =	vst.idx.add.f32.msk $0xffff, v44  }
0x240: {  	v37 =	vld [tilespmem:s21+$0x50];
	v39 =	vmul.f32 v39, v38  }
0x241: {  	v43 =	vmul.f32 v43, v30;
	v44 =	vld [tilespmem:s18+$0x50]  }
0x242: {  	v45 =	vadd.s32 v15, v29;
	[tilespmem:v46+s13+$0x0] =	vst.idx.add.f32.msk $0xffff, v39  }
0x243: {  	v46 =	vadd.s32 v15, v33;
	v39 =	vld [tilespmem:s28+$0x70]  }
0x244: {  	[tilespmem:v42+s13+$0x0] =	vst.idx.add.f32.msk $0xffff, v43  }
0x245: {  	v47 =	vadd.s32 v17, v40;
	v42 =	vmul.f32 v37, v28;
	v43 =	vld [tilespmem:s24+$0x60]  }
0x246: {  	s7 =	sadd.s32 $0x1, s26;
	v37 =	vld.idx.msk [tilespmem:v41+s23+$0x0], $0xffff;
	v41 =	vmul.f32 v44, v32  }
0x247: {  	v44 =	vmov s7;
	[tilespmem:v45+s13+$0x0] =	vst.idx.add.f32.msk $0xffff, v42  }
0x248: {  	v42 =	vand.u32 $0xFFFFFFFD, v44;
	v44 =	vadd.s32 v16, v31;
	v39 =	vmul.f32 v39, v38;
	[tilespmem:v46+s13+$0x0] =	vst.idx.add.f32.msk $0xffff, v41  }
0x249: {  	v41 =	vbroadcast v42, $0x0;
	v42 =	vld [tilespmem:s21+$0x60]  }
0x24a: {  	v43 =	vmul.f32 v43, v30;
	[tilespmem:v47+s13+$0x0] =	vst.idx.add.f32.msk $0xffff, v39  }
0x24b: {  	v45 =	vadd.s32 v16, v29;
	v46 =	vld [tilespmem:s28+$0x400]  }
0x24c: {  	v47 =	vld [tilespmem:s18+$0x60]  }
0x24d: {  	[tilespmem:v44+s13+$0x0] =	vst.idx.add.f32.msk $0xffff, v43;
	v43 =	vadd.s32 v18, v40  }
0x24e: {  	v42 =	vmul.f32 v42, v28;
	v44 =	vld [tilespmem:s24+$0x70]  }
0x24f: {  	v48 =	vadd.s32 v16, v33;
	v39 =	vld.idx.msk [tilespmem:v41+s17+$0x0], $0xffff  }
0x250: {  	[tilespmem:v45+s13+$0x0] =	vst.idx.add.f32.msk $0xffff, v42;
	v42 =	vmul.f32 v46, v38  }
0x251: {  	v46 =	vadd.s32 v17, v31;
	v45 =	vld [tilespmem:s21+$0x70];
	v47 =	vmul.f32 v47, v32  }
0x252: {  	[tilespmem:v43+s13+$0x0] =	vst.idx.add.f32.msk $0xffff, v42  }
0x253: {  	v42 =	vadd.s32 v17, v29;
	v43 =	vmul.f32 v44, v30;
	v44 =	vld [tilespmem:s28+$0x410]  }
0x254: {  	[tilespmem:v48+s13+$0x0] =	vst.idx.add.f32.msk $0xffff, v47  }
0x255: {  	v47 =	vadd.s32 v19, v40;
	v48 =	vld [tilespmem:s18+$0x70]  }
0x256: {  	v45 =	vmul.f32 v45, v28;
	[tilespmem:v46+s13+$0x0] =	vst.idx.add.f32.msk $0xffff, v43  }
0x257: {  	v46 =	vadd.s32 v17, v33;
	v43 =	vld [tilespmem:s24+$0x400]  }
0x258: {  	[tilespmem:v42+s13+$0x0] =	vst.idx.add.f32.msk $0xffff, v45;
	v42 =	vmul.f32 v44, v38  }
0x259: {  	v45 =	vadd.s32 v18, v31;
	v44 =	vld [tilespmem:s21+$0x400]  }
0x25a: {  	[tilespmem:v47+s13+$0x0] =	vst.idx.add.f32.msk $0xffff, v42;
	v42 =	vmul.f32 v48, v32  }
0x25b: {  	v47 =	vadd.s32 v18, v29;
	v48 =	vld [tilespmem:s28+$0x420]  }
0x25c: {  	v43 =	vmul.f32 v43, v30;
	[tilespmem:v46+s13+$0x0] =	vst.idx.add.f32.msk $0xffff, v42  }
0x25d: {  	v42 =	vadd.s32 v20, v40;
	v46 =	vld [tilespmem:s18+$0x400]  }
0x25e: {  	v44 =	vmul.f32 v44, v28;
	[tilespmem:v45+s13+$0x0] =	vst.idx.add.f32.msk $0xffff, v43  }
0x25f: {  	v45 =	vadd.s32 v18, v33;
	v43 =	vld [tilespmem:s24+$0x410]  }
0x260: {  	[tilespmem:v47+s13+$0x0] =	vst.idx.add.f32.msk $0xffff, v44;
	v44 =	vmul.f32 v48, v38  }
0x261: {  	v48 =	vadd.s32 v19, v31;
	v47 =	vld [tilespmem:s21+$0x410]  }
0x262: {  	[tilespmem:v42+s13+$0x0] =	vst.idx.add.f32.msk $0xffff, v44;
	v42 =	vmul.f32 v46, v32  }
0x263: {  	v44 =	vadd.s32 v19, v29;
	v46 =	vld [tilespmem:s28+$0x430]  }
0x264: {  	v43 =	vmul.f32 v43, v30;
	[tilespmem:v45+s13+$0x0] =	vst.idx.add.f32.msk $0xffff, v42  }
0x265: {  	v42 =	vadd.s32 v21, v40;
	v45 =	vld [tilespmem:s18+$0x410]  }
0x266: {  	v47 =	vmul.f32 v47, v28;
	[tilespmem:v48+s13+$0x0] =	vst.idx.add.f32.msk $0xffff, v43  }
0x267: {  	v48 =	vadd.s32 v19, v33;
	v43 =	vld [tilespmem:s24+$0x420]  }
0x268: {  	[tilespmem:v44+s13+$0x0] =	vst.idx.add.f32.msk $0xffff, v47;
	v44 =	vmul.f32 v46, v38  }
0x269: {  	v47 =	vadd.s32 v20, v31;
	v46 =	vld [tilespmem:s21+$0x420]  }
0x26a: {  	[tilespmem:v42+s13+$0x0] =	vst.idx.add.f32.msk $0xffff, v44;
	v42 =	vmul.f32 v45, v32  }
0x26b: {  	v44 =	vadd.s32 v20, v29;
	v45 =	vld [tilespmem:s28+$0x440]  }
0x26c: {  	v43 =	vmul.f32 v43, v30;
	[tilespmem:v48+s13+$0x0] =	vst.idx.add.f32.msk $0xffff, v42  }
0x26d: {  	v42 =	vadd.s32 v22, v40;
	v48 =	vld [tilespmem:s18+$0x420]  }
0x26e: {  	v46 =	vmul.f32 v46, v28;
	[tilespmem:v47+s13+$0x0] =	vst.idx.add.f32.msk $0xffff, v43  }
0x26f: {  	v47 =	vadd.s32 v20, v33;
	v43 =	vld [tilespmem:s24+$0x430]  }
0x270: {  	[tilespmem:v44+s13+$0x0] =	vst.idx.add.f32.msk $0xffff, v46;
	v44 =	vmul.f32 v45, v38  }
0x271: {  	v46 =	vadd.s32 v21, v31;
	v45 =	vld [tilespmem:s21+$0x430]  }
0x272: {  	[tilespmem:v42+s13+$0x0] =	vst.idx.add.f32.msk $0xffff, v44;
	v42 =	vmul.f32 v48, v32  }
0x273: {  	v44 =	vadd.s32 v21, v29;
	v48 =	vld [tilespmem:s28+$0x450]  }
0x274: {  	v43 =	vmul.f32 v43, v30;
	[tilespmem:v47+s13+$0x0] =	vst.idx.add.f32.msk $0xffff, v42  }
0x275: {  	v42 =	vadd.s32 v23, v40;
	v47 =	vld [tilespmem:s18+$0x430]  }
0x276: {  	v45 =	vmul.f32 v45, v28;
	[tilespmem:v46+s13+$0x0] =	vst.idx.add.f32.msk $0xffff, v43  }
0x277: {  	v46 =	vadd.s32 v21, v33;
	v43 =	vld [tilespmem:s24+$0x440]  }
0x278: {  	[tilespmem:v44+s13+$0x0] =	vst.idx.add.f32.msk $0xffff, v45;
	v44 =	vmul.f32 v48, v38  }
0x279: {  	v48 =	vadd.s32 v22, v31;
	v45 =	vld [tilespmem:s21+$0x440]  }
0x27a: {  	[tilespmem:v42+s13+$0x0] =	vst.idx.add.f32.msk $0xffff, v44;
	v42 =	vmul.f32 v47, v32  }
0x27b: {  	v44 =	vadd.s32 v22, v29;
	v47 =	vld [tilespmem:s28+$0x460]  }
0x27c: {  	v43 =	vmul.f32 v43, v30;
	[tilespmem:v46+s13+$0x0] =	vst.idx.add.f32.msk $0xffff, v42  }
0x27d: {  	v42 =	vadd.s32 v24, v40;
	v46 =	vld [tilespmem:s18+$0x440]  }
0x27e: {  	v45 =	vmul.f32 v45, v28;
	[tilespmem:v48+s13+$0x0] =	vst.idx.add.f32.msk $0xffff, v43  }
0x27f: {  	v49 =	vadd.s32 v22, v33;
	v48 =	vld [tilespmem:s24+$0x450]  }
0x280: {  	[tilespmem:v44+s13+$0x0] =	vst.idx.add.f32.msk $0xffff, v45;
	v43 =	vmul.f32 v47, v38  }
0x281: {  	v47 =	vadd.s32 v23, v31;
	v45 =	vld [tilespmem:s21+$0x450]  }
.Ltmp5:
0x282: {  	[tilespmem:v42+s13+$0x0] =	vst.idx.add.f32.msk $0xffff, v43;
	v42 =	vmul.f32 v46, v32;
	(pc) =	sbr.rel @p0 .LBB2_8-.Ltmp5, $4  }
0x283: {  	v44 =	vadd.s32 v23, v29;
	v43 =	vld [tilespmem:s28+$0x470]  }
0x284: {  	v46 =	vmul.f32 v48, v30;
	[tilespmem:v49+s13+$0x0] =	vst.idx.add.f32.msk $0xffff, v42  }
0x285: {  	v40 =	vadd.s32 v25, v40;
	v42 =	vld [tilespmem:s18+$0x450]  }
0x286: {  	s28 =	sadd.s32 $0x2, s26;
	s26 =	sadd.s32 $0x4, s26;
	v45 =	vmul.f32 v45, v28;
	[tilespmem:v47+s13+$0x0] =	vst.idx.add.f32.msk $0xffff, v46  }
0x287: {  	_ =	sdelay $0x2  }
0x288: {  	v47 =	vld [tilespmem:s24+$0x460]  }
0x289: {  	v46 =	vmov s28;
	v48 =	vadd.s32 v23, v33;
	s7 =	sadd.s32 $0x200, s25;
	s8 =	sadd.s32 $0x400, s20;
	[tilespmem:v44+s13+$0x0] =	vst.idx.add.f32.msk $0xffff, v45;
	v38 =	vmul.f32 v43, v38  }
0x28a: {  	v46 =	vand.u32 $0xFFFFFFFE, v46;
	s8 =	sand.u32 $0x7800, s8;
	s25 =	sadd.s32 $0xFFFFFF80, s7;
	v44 =	vld [tilespmem:s21+$0x460]  }
0x28b: {  	v56 =	vbroadcast v46, $0x0;
	s8 =	sadd.s32 s8, s22;
	s20 =	sand.u32 $0x300, s25;
	[tilespmem:v40+s13+$0x0] =	vst.idx.add.f32.msk $0xffff, v38  }
0x28c: {  	s28 =	sadd.s32 $0xFFFFFE80, s7;
	v58 =	vmul.f32 v42, v32;
	v38 =	vld.idx.msk [tilespmem:v41+s23+$0x0], $0xffff;
	s22 =	sadd.s32 s20, s8  }
0x28d: {  	s20 =	sand.u32 $0x200, s28;
	v52 =	vld [tilespmem:s22+$0x0]  }
0x28e: {  	s20 =	sadd.s32 s20, s8;
	[tilespmem:v48+s13+$0x0] =	vst.idx.add.f32.msk $0xffff, v58  }
0x28f: {  	v55 =	vld [tilespmem:s20+$0x0]  }
0x290: {  	v57 =	vadd.s32 v24, v31;
	s26 =	sadd.s32 $0xFFFFFF00, s7;
	v61 =	vld [tilespmem:s18+$0x460]  }
0x291: {  	v59 =	vadd.s32 v24, v29;
	v41 =	vld.idx.msk [tilespmem:v56+s23+$0x0], $0xffff;
	s23 =	sand.u32 $0x280, s26  }
0x292: {  	v63 =	vadd.s32 v24, v33;
	s7 =	sand.u32 $0x380, s7;
	v40 =	vld.idx.msk [tilespmem:v56+s17+$0x0], $0xffff;
	s23 =	sadd.s32 s23, s8  }
0x293: {  	s29 =	sadd.s32 s7, s8;
	v60 =	vmul.f32 v47, v30;
	v56 =	vadd.s32 v7, v37;
	v53 =	vld [tilespmem:s23+$0x0]  }
0x294: {  	v49 =	vld [tilespmem:s29+$0x0];
	v62 =	vmul.f32 v44, v28  }
0x295: {  	[tilespmem:v57+s13+$0x0] =	vst.idx.add.f32.msk $0xffff, v60;
	v50 =	vadd.s32 v7, v38;
	v46 =	vmul.f32 v61, v32  }
0x296: {  	[tilespmem:v59+s13+$0x0] =	vst.idx.add.f32.msk $0xffff, v62;
	v48 =	vmul.f32 v55, v36;
	v54 =	vadd.s32 v7, v41  }
0x297: {  	[tilespmem:v63+s13+$0x0] =	vst.idx.add.f32.msk $0xffff, v46  }
0x298: {  	[tilespmem:v56+s13+$0x0] =	vst.idx.add.f32.msk $0xffff, v48;
	v45 =	vmul.f32 v53, v39  }
0x299: {  	v44 =	vmul.f32 v52, v40;
	v46 =	vld [tilespmem:s20+$0x10]  }
0x29a: {  	v57 =	vadd.s32 v7, v35;
	[tilespmem:v50+s13+$0x0] =	vst.idx.add.f32.msk $0xffff, v45  }
0x29b: {  	[tilespmem:v54+s13+$0x0] =	vst.idx.add.f32.msk $0xffff, v44  }
0x29c: {  	v62 =	vadd.s32 v11, v37;
	v50 =	vld [tilespmem:s23+$0x10]  }
0x29d: {  	v49 =	vmul.f32 v49, v34;
	v47 =	vld [tilespmem:s22+$0x10]  }
0x29e: {  	v59 =	vadd.s32 v11, v38  }
0x29f: {  	[tilespmem:v57+s13+$0x0] =	vst.idx.add.f32.msk $0xffff, v49;
	v58 =	vadd.s32 v11, v41;
	v46 =	vmul.f32 v46, v36  }
0x2a0: {  	v61 =	vld [tilespmem:s29+$0x10]  }
0x2a1: {  	[tilespmem:v62+s13+$0x0] =	vst.idx.add.f32.msk $0xffff, v46;
	v63 =	vmul.f32 v50, v39  }
0x2a2: {  	v49 =	vld [tilespmem:s20+$0x20];
	v60 =	vmul.f32 v47, v40  }
0x2a3: {  	v52 =	vadd.s32 v11, v35;
	[tilespmem:v59+s13+$0x0] =	vst.idx.add.f32.msk $0xffff, v63  }
0x2a4: {  	[tilespmem:v58+s13+$0x0] =	vst.idx.add.f32.msk $0xffff, v60  }
0x2a5: {  	v55 =	vadd.s32 v12, v37;
	v48 =	vld [tilespmem:s23+$0x20]  }
0x2a6: {  	v47 =	vmul.f32 v61, v34;
	v45 =	vld [tilespmem:s22+$0x20]  }
0x2a7: {  	v54 =	vadd.s32 v12, v38  }
0x2a8: {  	v53 =	vadd.s32 v12, v41;
	[tilespmem:v52+s13+$0x0] =	vst.idx.add.f32.msk $0xffff, v47;
	v58 =	vmul.f32 v49, v36  }
0x2a9: {  	v47 =	vld [tilespmem:s29+$0x20]  }
0x2aa: {  	[tilespmem:v55+s13+$0x0] =	vst.idx.add.f32.msk $0xffff, v58;
	v56 =	vmul.f32 v48, v39  }
0x2ab: {  	v50 =	vld [tilespmem:s20+$0x30];
	v45 =	vmul.f32 v45, v40  }
0x2ac: {  	v57 =	vadd.s32 v12, v35;
	[tilespmem:v54+s13+$0x0] =	vst.idx.add.f32.msk $0xffff, v56  }
0x2ad: {  	[tilespmem:v53+s13+$0x0] =	vst.idx.add.f32.msk $0xffff, v45  }
0x2ae: {  	v62 =	vadd.s32 v13, v37;
	v60 =	vld [tilespmem:s23+$0x30]  }
0x2af: {  	v47 =	vmul.f32 v47, v34;
	v45 =	vld [tilespmem:s22+$0x30]  }
0x2b0: {  	v61 =	vadd.s32 v13, v38  }
0x2b1: {  	v59 =	vadd.s32 v13, v41;
	[tilespmem:v57+s13+$0x0] =	vst.idx.add.f32.msk $0xffff, v47;
	v53 =	vmul.f32 v50, v36  }
0x2b2: {  	v47 =	vld [tilespmem:s29+$0x30]  }
0x2b3: {  	[tilespmem:v62+s13+$0x0] =	vst.idx.add.f32.msk $0xffff, v53;
	v63 =	vmul.f32 v60, v39  }
0x2b4: {  	v48 =	vld [tilespmem:s20+$0x40];
	v45 =	vmul.f32 v45, v40  }
0x2b5: {  	v52 =	vadd.s32 v13, v35;
	[tilespmem:v61+s13+$0x0] =	vst.idx.add.f32.msk $0xffff, v63  }
0x2b6: {  	[tilespmem:v59+s13+$0x0] =	vst.idx.add.f32.msk $0xffff, v45  }
0x2b7: {  	v57 =	vadd.s32 v14, v37;
	v55 =	vld [tilespmem:s23+$0x40]  }
0x2b8: {  	v47 =	vmul.f32 v47, v34;
	v46 =	vld [tilespmem:s22+$0x40]  }
0x2b9: {  	v56 =	vadd.s32 v14, v38  }
0x2ba: {  	v54 =	vadd.s32 v14, v41;
	[tilespmem:v52+s13+$0x0] =	vst.idx.add.f32.msk $0xffff, v47;
	v60 =	vmul.f32 v48, v36  }
0x2bb: {  	v47 =	vld [tilespmem:s29+$0x40]  }
0x2bc: {  	[tilespmem:v57+s13+$0x0] =	vst.idx.add.f32.msk $0xffff, v60;
	v58 =	vmul.f32 v55, v39  }
0x2bd: {  	v49 =	vld [tilespmem:s20+$0x50];
	v46 =	vmul.f32 v46, v40  }
0x2be: {  	v59 =	vadd.s32 v14, v35;
	[tilespmem:v56+s13+$0x0] =	vst.idx.add.f32.msk $0xffff, v58  }
0x2bf: {  	[tilespmem:v54+s13+$0x0] =	vst.idx.add.f32.msk $0xffff, v46  }
0x2c0: {  	v52 =	vadd.s32 v15, v37;
	v62 =	vld [tilespmem:s23+$0x50]  }
0x2c1: {  	v47 =	vmul.f32 v47, v34;
	v46 =	vld [tilespmem:s22+$0x50]  }
0x2c2: {  	v63 =	vadd.s32 v15, v38  }
0x2c3: {  	v61 =	vadd.s32 v15, v41;
	[tilespmem:v59+s13+$0x0] =	vst.idx.add.f32.msk $0xffff, v47;
	v55 =	vmul.f32 v49, v36  }
0x2c4: {  	v47 =	vld [tilespmem:s29+$0x50]  }
0x2c5: {  	[tilespmem:v52+s13+$0x0] =	vst.idx.add.f32.msk $0xffff, v55;
	v53 =	vmul.f32 v62, v39  }
0x2c6: {  	v50 =	vld [tilespmem:s20+$0x60];
	v46 =	vmul.f32 v46, v40  }
0x2c7: {  	v54 =	vadd.s32 v15, v35;
	[tilespmem:v63+s13+$0x0] =	vst.idx.add.f32.msk $0xffff, v53  }
0x2c8: {  	[tilespmem:v61+s13+$0x0] =	vst.idx.add.f32.msk $0xffff, v46  }
0x2c9: {  	v59 =	vadd.s32 v16, v37;
	v57 =	vld [tilespmem:s23+$0x60]  }
0x2ca: {  	v47 =	vmul.f32 v47, v34;
	v46 =	vld [tilespmem:s22+$0x60]  }
0x2cb: {  	v58 =	vadd.s32 v16, v38  }
0x2cc: {  	v56 =	vadd.s32 v16, v41;
	[tilespmem:v54+s13+$0x0] =	vst.idx.add.f32.msk $0xffff, v47;
	v62 =	vmul.f32 v50, v36  }
0x2cd: {  	v48 =	vld [tilespmem:s29+$0x60]  }
0x2ce: {  	[tilespmem:v59+s13+$0x0] =	vst.idx.add.f32.msk $0xffff, v62;
	v60 =	vmul.f32 v57, v39  }
0x2cf: {  	v47 =	vld [tilespmem:s20+$0x70];
	v46 =	vmul.f32 v46, v40  }
0x2d0: {  	v61 =	vadd.s32 v16, v35;
	[tilespmem:v58+s13+$0x0] =	vst.idx.add.f32.msk $0xffff, v60  }
0x2d1: {  	[tilespmem:v56+s13+$0x0] =	vst.idx.add.f32.msk $0xffff, v46  }
0x2d2: {  	v55 =	vadd.s32 v17, v37;
	v52 =	vld [tilespmem:s23+$0x70]  }
0x2d3: {  	v53 =	vmul.f32 v48, v34;
	v46 =	vld [tilespmem:s22+$0x70]  }
0x2d4: {  	v54 =	vadd.s32 v17, v38  }
0x2d5: {  	v63 =	vadd.s32 v17, v41;
	[tilespmem:v61+s13+$0x0] =	vst.idx.add.f32.msk $0xffff, v53;
	v47 =	vmul.f32 v47, v36  }
0x2d6: {  	v49 =	vld [tilespmem:s29+$0x70]  }
0x2d7: {  	[tilespmem:v55+s13+$0x0] =	vst.idx.add.f32.msk $0xffff, v47;
	v56 =	vmul.f32 v52, v39  }
0x2d8: {  	v47 =	vld [tilespmem:s20+$0x400];
	v46 =	vmul.f32 v46, v40  }
0x2d9: {  	v57 =	vadd.s32 v17, v35;
	[tilespmem:v54+s13+$0x0] =	vst.idx.add.f32.msk $0xffff, v56  }
0x2da: {  	[tilespmem:v63+s13+$0x0] =	vst.idx.add.f32.msk $0xffff, v46  }
0x2db: {  	v61 =	vadd.s32 v18, v37;
	v48 =	vld [tilespmem:s23+$0x400]  }
0x2dc: {  	v59 =	vmul.f32 v49, v34;
	v46 =	vld [tilespmem:s22+$0x400]  }
0x2dd: {  	v60 =	vadd.s32 v18, v38  }
0x2de: {  	v58 =	vadd.s32 v18, v41;
	[tilespmem:v57+s13+$0x0] =	vst.idx.add.f32.msk $0xffff, v59;
	v47 =	vmul.f32 v47, v36  }
0x2df: {  	v50 =	vld [tilespmem:s29+$0x400]  }
0x2e0: {  	[tilespmem:v61+s13+$0x0] =	vst.idx.add.f32.msk $0xffff, v47;
	v62 =	vmul.f32 v48, v39  }
0x2e1: {  	v47 =	vld [tilespmem:s20+$0x410];
	v46 =	vmul.f32 v46, v40  }
0x2e2: {  	v63 =	vadd.s32 v18, v35;
	[tilespmem:v60+s13+$0x0] =	vst.idx.add.f32.msk $0xffff, v62  }
0x2e3: {  	[tilespmem:v58+s13+$0x0] =	vst.idx.add.f32.msk $0xffff, v46  }
0x2e4: {  	v55 =	vadd.s32 v19, v37;
	v49 =	vld [tilespmem:s23+$0x410]  }
0x2e5: {  	v53 =	vmul.f32 v50, v34;
	v46 =	vld [tilespmem:s22+$0x410]  }
0x2e6: {  	v54 =	vadd.s32 v19, v38  }
0x2e7: {  	v52 =	vadd.s32 v19, v41;
	[tilespmem:v63+s13+$0x0] =	vst.idx.add.f32.msk $0xffff, v53;
	v47 =	vmul.f32 v47, v36  }
0x2e8: {  	v48 =	vld [tilespmem:s29+$0x410]  }
0x2e9: {  	[tilespmem:v55+s13+$0x0] =	vst.idx.add.f32.msk $0xffff, v47;
	v56 =	vmul.f32 v49, v39  }
0x2ea: {  	v47 =	vld [tilespmem:s20+$0x420];
	v46 =	vmul.f32 v46, v40  }
0x2eb: {  	v57 =	vadd.s32 v19, v35;
	[tilespmem:v54+s13+$0x0] =	vst.idx.add.f32.msk $0xffff, v56  }
0x2ec: {  	[tilespmem:v52+s13+$0x0] =	vst.idx.add.f32.msk $0xffff, v46  }
0x2ed: {  	v61 =	vadd.s32 v20, v37;
	v50 =	vld [tilespmem:s23+$0x420]  }
0x2ee: {  	v59 =	vmul.f32 v48, v34;
	v46 =	vld [tilespmem:s22+$0x420]  }
0x2ef: {  	v60 =	vadd.s32 v20, v38  }
0x2f0: {  	v58 =	vadd.s32 v20, v41;
	[tilespmem:v57+s13+$0x0] =	vst.idx.add.f32.msk $0xffff, v59;
	v47 =	vmul.f32 v47, v36  }
0x2f1: {  	v49 =	vld [tilespmem:s29+$0x420]  }
0x2f2: {  	[tilespmem:v61+s13+$0x0] =	vst.idx.add.f32.msk $0xffff, v47;
	v62 =	vmul.f32 v50, v39  }
0x2f3: {  	v47 =	vld [tilespmem:s20+$0x430];
	v46 =	vmul.f32 v46, v40  }
0x2f4: {  	v63 =	vadd.s32 v20, v35;
	[tilespmem:v60+s13+$0x0] =	vst.idx.add.f32.msk $0xffff, v62  }
0x2f5: {  	[tilespmem:v58+s13+$0x0] =	vst.idx.add.f32.msk $0xffff, v46  }
0x2f6: {  	v55 =	vadd.s32 v21, v37;
	v48 =	vld [tilespmem:s23+$0x430]  }
0x2f7: {  	v53 =	vmul.f32 v49, v34;
	v46 =	vld [tilespmem:s22+$0x430]  }
0x2f8: {  	v54 =	vadd.s32 v21, v38  }
0x2f9: {  	v52 =	vadd.s32 v21, v41;
	[tilespmem:v63+s13+$0x0] =	vst.idx.add.f32.msk $0xffff, v53;
	v47 =	vmul.f32 v47, v36  }
0x2fa: {  	v50 =	vld [tilespmem:s29+$0x430]  }
0x2fb: {  	[tilespmem:v55+s13+$0x0] =	vst.idx.add.f32.msk $0xffff, v47;
	v56 =	vmul.f32 v48, v39  }
0x2fc: {  	v47 =	vld [tilespmem:s20+$0x440];
	v46 =	vmul.f32 v46, v40  }
0x2fd: {  	v57 =	vadd.s32 v21, v35;
	[tilespmem:v54+s13+$0x0] =	vst.idx.add.f32.msk $0xffff, v56  }
0x2fe: {  	[tilespmem:v52+s13+$0x0] =	vst.idx.add.f32.msk $0xffff, v46  }
0x2ff: {  	v61 =	vadd.s32 v22, v37;
	v49 =	vld [tilespmem:s23+$0x440]  }
0x300: {  	v59 =	vmul.f32 v50, v34;
	v46 =	vld [tilespmem:s22+$0x440]  }
0x301: {  	v60 =	vadd.s32 v22, v38  }
0x302: {  	v58 =	vadd.s32 v22, v41;
	[tilespmem:v57+s13+$0x0] =	vst.idx.add.f32.msk $0xffff, v59;
	v47 =	vmul.f32 v47, v36  }
0x303: {  	v48 =	vld [tilespmem:s29+$0x440]  }
0x304: {  	[tilespmem:v61+s13+$0x0] =	vst.idx.add.f32.msk $0xffff, v47;
	v62 =	vmul.f32 v49, v39  }
0x305: {  	v47 =	vld [tilespmem:s20+$0x450];
	v46 =	vmul.f32 v46, v40  }
0x306: {  	v63 =	vadd.s32 v22, v35;
	[tilespmem:v60+s13+$0x0] =	vst.idx.add.f32.msk $0xffff, v62  }
0x307: {  	[tilespmem:v58+s13+$0x0] =	vst.idx.add.f32.msk $0xffff, v46  }
0x308: {  	v55 =	vadd.s32 v23, v37;
	v50 =	vld [tilespmem:s23+$0x450]  }
0x309: {  	v53 =	vmul.f32 v48, v34;
	v46 =	vld [tilespmem:s22+$0x450]  }
0x30a: {  	v42 =	vld [tilespmem:s24+$0x470];
	v54 =	vadd.s32 v23, v38  }
0x30b: {  	v52 =	vadd.s32 v23, v41;
	[tilespmem:v63+s13+$0x0] =	vst.idx.add.f32.msk $0xffff, v53;
	v47 =	vmul.f32 v47, v36  }
0x30c: {  	v49 =	vld [tilespmem:s29+$0x450]  }
0x30d: {  	[tilespmem:v55+s13+$0x0] =	vst.idx.add.f32.msk $0xffff, v47;
	v56 =	vmul.f32 v50, v39  }
0x30e: {  	v57 =	vadd.s32 v23, v35;
	v47 =	vld [tilespmem:s20+$0x460];
	v46 =	vmul.f32 v46, v40  }
0x30f: {  	[tilespmem:v54+s13+$0x0] =	vst.idx.add.f32.msk $0xffff, v56  }
0x310: {  	[tilespmem:v52+s13+$0x0] =	vst.idx.add.f32.msk $0xffff, v46  }
0x311: {  	v59 =	vmul.f32 v49, v34;
	v45 =	vld [tilespmem:s23+$0x460]  }
0x312: {  	v62 =	vadd.s32 v24, v37;
	v46 =	vld [tilespmem:s22+$0x460]  }
0x313: {  	v60 =	vadd.s32 v24, v38;
	[tilespmem:v57+s13+$0x0] =	vst.idx.add.f32.msk $0xffff, v59  }
0x314: {  	v58 =	vadd.s32 v24, v41;
	v50 =	vld [tilespmem:s29+$0x460]  }
0x315: {  	v43 =	vld [tilespmem:s21+$0x470];
	v47 =	vmul.f32 v47, v36  }
0x316: {  	v51 =	vld [tilespmem:s18+$0x470];
	v52 =	vadd.s32 v24, v35;
	v63 =	vmul.f32 v45, v39  }
0x317: {  	[tilespmem:v62+s13+$0x0] =	vst.idx.add.f32.msk $0xffff, v47;
	v61 =	vmul.f32 v46, v40  }
0x318: {  	[tilespmem:v60+s13+$0x0] =	vst.idx.add.f32.msk $0xffff, v63  }
0x319: {  	v54 =	vmul.f32 v50, v34;
	[tilespmem:v58+s13+$0x0] =	vst.idx.add.f32.msk $0xffff, v61  }
0x31a: {  	v29 =	vadd.s32 v25, v29;
	v55 =	vld [tilespmem:s23+$0x470]  }
0x31b: {  	v53 =	vadd.s32 v25, v31;
	[tilespmem:v52+s13+$0x0] =	vst.idx.add.f32.msk $0xffff, v54  }
0x31c: {  	v56 =	vadd.s32 v25, v33;
	v48 =	vld [tilespmem:s22+$0x470]  }
0x31d: {  	v28 =	vmul.f32 v43, v28;
	v38 =	vadd.s32 v25, v38;
	v59 =	vld [tilespmem:s29+$0x470]  }
0x31e: {  	v41 =	vadd.s32 v25, v41;
	v57 =	vmul.f32 v42, v30;
	v58 =	vld [tilespmem:s20+$0x470]  }
0x31f: {  	s7 =	sadd.s32 $0x2, s15;
	[tilespmem:v29+s13+$0x0] =	vst.idx.add.f32.msk $0xffff, v28;
	v29 =	vadd.s32 v25, v35;
	v60 =	vmul.f32 v51, v32  }
0x320: {  	p0 =	sle.s32 s3, s7;
	[tilespmem:v53+s13+$0x0] =	vst.idx.add.f32.msk $0xffff, v57;
	v61 =	vadd.s32 v25, v37;
	v62 =	vmul.f32 v55, v39  }
0x321: {  	s7 =	smul.u32 @!p0 $0x60, s7;
	[tilespmem:v56+s13+$0x0] =	vst.idx.add.f32.msk $0xffff, v60;
	v28 =	vmul.f32 v48, v40  }
0x322: {  	v63 =	vmul.f32 v59, v34;
	[tilespmem:v38+s13+$0x0] =	vst.idx.add.f32.msk $0xffff, v62  }
0x323: {  	s7 =	sadd.s32 @!p0 s0, s7;
	[tilespmem:v41+s13+$0x0] =	vst.idx.add.f32.msk $0xffff, v28;
	v28 =	vmul.f32 v58, v36  }
0x324: {  	s7 =	sshrl.u32 @!p0 s7, $0x3;
	[tilespmem:v29+s13+$0x0] =	vst.idx.add.f32.msk $0xffff, v63  }
0x325: {  	s15 =	simm.s32 @!p0 $0x0;
	s8 =	sadd.s32 @!p0 $0x80, s14;
	s14 =	sadd.s32 @!p0 s4, s7;
	[tilespmem:v61+s13+$0x0] =	vst.idx.add.f32.msk $0xffff, v28  }
0x326: {  	[tilespmem:s8], [sflag:$0x2] =	stream.linear.gather @!p0 [hbm4b:s14+s15], $0x60, $0x38;
	[tilespmem:$0x1CC80] =	vst v63  }
0x327: {  	s8 =	sadd.s32 @!p0 s5, s7  }
0x328: {  	[tilespmem:s19], [sflag:$0x2] =	stream.linear.gather @!p0 [hbm4b:s8+s15], $0x60, $0x38;
	[tilespmem:$0x1CC80] =	vst v63  }
0x329: {  	s7 =	sadd.s32 @!p0 s6, s7  }
0x32a: {  	[tilespmem:s17], [sflag:$0x2] =	stream.linear.gather @!p0 [hbm4b:s7+s15], $0x60, $0x38;
	[tilespmem:$0x1CC80] =	vst v63  }
0x32b: {  	p0 =	sne.s32 s16, s3  }
.Ltmp6:
0x32c: {  	_ = 	snop;
	(pc) =	sbr.rel @p0 .LBB2_5-.Ltmp6, $2  }
0x32d: {  	_ =	sdelay $0x2  }
0x32e: {  	s15 =	smov.u32 s16  }
.LBB2_10:
0x32f: {  	s0 =	rddreg [dreg:$0x4]  }
0x330: {  	[hbm4b:s0+s2] =	stream.linear.scatter [tilespmem:s13], [sflag:$0x3], $0x10000, $0x38;
	[tilespmem:$0x1CC80] =	vst v63  }
0x331: {  	_ =	swait.ge [sflag:s11], $0x10000  }
0x332: {  	[sflag:s11] =	ssyncset.done $0x0  }
0x333: {  	[sflag:s11] =	ssyncadd.s32 $0xFFFF0000  }
0x334: {  	s14 =	simm.s32 $0xC680;
	v27 =	vld.idx.msk [tilespmem:v3+s2+$0x0], $0xffff  }
0x335: {  	v26 =	vld.idx.msk [tilespmem:v4+s2+$0x0], $0xffff;
	[tilespmem:s14+$0xFFFFFE00] =	vst v6  }
0x336: {  	[tilespmem:s14+$0x1F0] =	vst v6  }
0x337: {  	[tilespmem:s14+$0x1E0] =	vst v6  }
0x338: {  	[tilespmem:s14+$0x1D0] =	vst v6  }
0x339: {  	[tilespmem:s14+$0x1C0] =	vst v6  }
0x33a: {  	[tilespmem:s14+$0x1B0] =	vst v6  }
0x33b: {  	[tilespmem:s14+$0x1A0] =	vst v6  }
0x33c: {  	[tilespmem:s14+$0x190] =	vst v6  }
0x33d: {  	[tilespmem:s14+$0x180] =	vst v6  }
0x33e: {  	[tilespmem:s14+$0x170] =	vst v6  }
0x33f: {  	[tilespmem:s14+$0x160] =	vst v6  }
0x340: {  	[tilespmem:s14+$0x150] =	vst v6  }
0x341: {  	[tilespmem:s14+$0x140] =	vst v6  }
0x342: {  	[tilespmem:s14+$0x130] =	vst v6  }
0x343: {  	[tilespmem:s14+$0x120] =	vst v6  }
0x344: {  	[tilespmem:s14+$0x110] =	vst v6  }
0x345: {  	[tilespmem:s14+$0x100] =	vst v6  }
0x346: {  	[tilespmem:s14+$0xF0] =	vst v6  }
0x347: {  	[tilespmem:s14+$0xE0] =	vst v6  }
0x348: {  	[tilespmem:s14+$0xD0] =	vst v6  }
0x349: {  	[tilespmem:s14+$0xC0] =	vst v6  }
0x34a: {  	[tilespmem:s14+$0xB0] =	vst v6  }
0x34b: {  	[tilespmem:s14+$0xA0] =	vst v6  }
0x34c: {  	[tilespmem:s14+$0x90] =	vst v6  }
0x34d: {  	[tilespmem:s14+$0x80] =	vst v6  }
0x34e: {  	[tilespmem:s14+$0x70] =	vst v6  }
0x34f: {  	[tilespmem:s14+$0x60] =	vst v6  }
0x350: {  	[tilespmem:s14+$0x50] =	vst v6  }
0x351: {  	[tilespmem:s14+$0x40] =	vst v6  }
0x352: {  	[tilespmem:s14+$0x30] =	vst v6  }
0x353: {  	[tilespmem:s14+$0x20] =	vst v6  }
0x354: {  	[tilespmem:s14+$0x10] =	vst v6  }
0x355: {  	[tilespmem:s14+$0x0] =	vst v6  }
0x356: {  	[tilespmem:s14+$0xFFFFFFF0] =	vst v6  }
0x357: {  	[tilespmem:s14+$0xFFFFFFE0] =	vst v6  }
0x358: {  	[tilespmem:s14+$0xFFFFFFD0] =	vst v6  }
0x359: {  	[tilespmem:s14+$0xFFFFFFC0] =	vst v6  }
0x35a: {  	[tilespmem:s14+$0xFFFFFFB0] =	vst v6  }
0x35b: {  	[tilespmem:s14+$0xFFFFFFA0] =	vst v6  }
0x35c: {  	[tilespmem:s14+$0xFFFFFF90] =	vst v6  }
0x35d: {  	[tilespmem:s14+$0xFFFFFF80] =	vst v6  }
0x35e: {  	[tilespmem:s14+$0xFFFFFF70] =	vst v6  }
0x35f: {  	[tilespmem:s14+$0xFFFFFF60] =	vst v6  }
0x360: {  	[tilespmem:s14+$0xFFFFFF50] =	vst v6  }
0x361: {  	[tilespmem:s14+$0xFFFFFF40] =	vst v6  }
0x362: {  	[tilespmem:s14+$0xFFFFFF30] =	vst v6  }
0x363: {  	[tilespmem:s14+$0xFFFFFF20] =	vst v6  }
0x364: {  	[tilespmem:s14+$0xFFFFFF10] =	vst v6  }
0x365: {  	[tilespmem:s14+$0xFFFFFF00] =	vst v6  }
0x366: {  	[tilespmem:s14+$0xFFFFFEF0] =	vst v6  }
0x367: {  	[tilespmem:s14+$0xFFFFFEE0] =	vst v6  }
0x368: {  	[tilespmem:s14+$0xFFFFFED0] =	vst v6  }
0x369: {  	[tilespmem:s14+$0xFFFFFEC0] =	vst v6  }
0x36a: {  	[tilespmem:s14+$0xFFFFFEB0] =	vst v6  }
0x36b: {  	[tilespmem:s14+$0xFFFFFEA0] =	vst v6  }
0x36c: {  	[tilespmem:s14+$0xFFFFFE90] =	vst v6  }
0x36d: {  	[tilespmem:s14+$0xFFFFFE80] =	vst v6  }
0x36e: {  	[tilespmem:s14+$0xFFFFFE70] =	vst v6  }
0x36f: {  	[tilespmem:s14+$0xFFFFFE60] =	vst v6  }
0x370: {  	[tilespmem:s14+$0xFFFFFE50] =	vst v6  }
0x371: {  	[tilespmem:s14+$0xFFFFFE40] =	vst v6  }
0x372: {  	[tilespmem:s14+$0xFFFFFE30] =	vst v6  }
0x373: {  	s0 =	simm.s32 $0x0;
	[tilespmem:s14+$0xFFFFFE20] =	vst v6  }
.LBB2_11:
0x374: {  	s0 =	sadd.s32 $0x4, s0;
	[tilespmem:s14+$0xFFFFFE10] =	vst v6;
	s14 =	sadd.s32 $0x400, s14  }
0x375: {  	[tilespmem:s14+$0xFFFFFE00] =	vst v6;
	p0 =	slt.u32 s0, $0x104  }
0x376: {  	[tilespmem:s14+$0x1F0] =	vst v6  }
0x377: {  	[tilespmem:s14+$0x1E0] =	vst v6  }
0x378: {  	[tilespmem:s14+$0x1D0] =	vst v6  }
0x379: {  	[tilespmem:s14+$0x1C0] =	vst v6  }
0x37a: {  	[tilespmem:s14+$0x1B0] =	vst v6  }
0x37b: {  	[tilespmem:s14+$0x1A0] =	vst v6  }
0x37c: {  	[tilespmem:s14+$0x190] =	vst v6  }
0x37d: {  	[tilespmem:s14+$0x180] =	vst v6  }
0x37e: {  	[tilespmem:s14+$0x170] =	vst v6  }
0x37f: {  	[tilespmem:s14+$0x160] =	vst v6  }
0x380: {  	[tilespmem:s14+$0x150] =	vst v6  }
0x381: {  	[tilespmem:s14+$0x140] =	vst v6  }
0x382: {  	[tilespmem:s14+$0x130] =	vst v6  }
0x383: {  	[tilespmem:s14+$0x120] =	vst v6  }
0x384: {  	[tilespmem:s14+$0x110] =	vst v6  }
0x385: {  	[tilespmem:s14+$0x100] =	vst v6  }
0x386: {  	[tilespmem:s14+$0xF0] =	vst v6  }
0x387: {  	[tilespmem:s14+$0xE0] =	vst v6  }
0x388: {  	[tilespmem:s14+$0xD0] =	vst v6  }
0x389: {  	[tilespmem:s14+$0xC0] =	vst v6  }
0x38a: {  	[tilespmem:s14+$0xB0] =	vst v6  }
0x38b: {  	[tilespmem:s14+$0xA0] =	vst v6  }
0x38c: {  	[tilespmem:s14+$0x90] =	vst v6  }
0x38d: {  	[tilespmem:s14+$0x80] =	vst v6  }
0x38e: {  	[tilespmem:s14+$0x70] =	vst v6  }
0x38f: {  	[tilespmem:s14+$0x60] =	vst v6  }
0x390: {  	[tilespmem:s14+$0x50] =	vst v6  }
0x391: {  	[tilespmem:s14+$0x40] =	vst v6  }
0x392: {  	[tilespmem:s14+$0x30] =	vst v6  }
0x393: {  	[tilespmem:s14+$0x20] =	vst v6  }
0x394: {  	[tilespmem:s14+$0x10] =	vst v6  }
0x395: {  	[tilespmem:s14+$0x0] =	vst v6  }
0x396: {  	[tilespmem:s14+$0xFFFFFFF0] =	vst v6  }
0x397: {  	[tilespmem:s14+$0xFFFFFFE0] =	vst v6  }
0x398: {  	[tilespmem:s14+$0xFFFFFFD0] =	vst v6  }
0x399: {  	[tilespmem:s14+$0xFFFFFFC0] =	vst v6  }
0x39a: {  	[tilespmem:s14+$0xFFFFFFB0] =	vst v6  }
0x39b: {  	[tilespmem:s14+$0xFFFFFFA0] =	vst v6  }
0x39c: {  	[tilespmem:s14+$0xFFFFFF90] =	vst v6  }
0x39d: {  	[tilespmem:s14+$0xFFFFFF80] =	vst v6  }
0x39e: {  	[tilespmem:s14+$0xFFFFFF70] =	vst v6  }
0x39f: {  	[tilespmem:s14+$0xFFFFFF60] =	vst v6  }
0x3a0: {  	[tilespmem:s14+$0xFFFFFF50] =	vst v6  }
0x3a1: {  	[tilespmem:s14+$0xFFFFFF40] =	vst v6  }
0x3a2: {  	[tilespmem:s14+$0xFFFFFF30] =	vst v6  }
0x3a3: {  	[tilespmem:s14+$0xFFFFFF20] =	vst v6  }
0x3a4: {  	[tilespmem:s14+$0xFFFFFF10] =	vst v6  }
0x3a5: {  	[tilespmem:s14+$0xFFFFFF00] =	vst v6  }
0x3a6: {  	[tilespmem:s14+$0xFFFFFEF0] =	vst v6  }
0x3a7: {  	[tilespmem:s14+$0xFFFFFEE0] =	vst v6  }
0x3a8: {  	[tilespmem:s14+$0xFFFFFED0] =	vst v6  }
0x3a9: {  	[tilespmem:s14+$0xFFFFFEC0] =	vst v6  }
0x3aa: {  	[tilespmem:s14+$0xFFFFFEB0] =	vst v6  }
0x3ab: {  	[tilespmem:s14+$0xFFFFFEA0] =	vst v6  }
0x3ac: {  	[tilespmem:s14+$0xFFFFFE90] =	vst v6  }
0x3ad: {  	[tilespmem:s14+$0xFFFFFE80] =	vst v6  }
0x3ae: {  	[tilespmem:s14+$0xFFFFFE70] =	vst v6  }
.Ltmp7:
0x3af: {  	[tilespmem:s14+$0xFFFFFE60] =	vst v6;
	(pc) =	sbr.rel @p0 .LBB2_11-.Ltmp7, $4  }
0x3b0: {  	[tilespmem:s14+$0xFFFFFE50] =	vst v6  }
0x3b1: {  	[tilespmem:s14+$0xFFFFFE40] =	vst v6  }
0x3b2: {  	[tilespmem:s14+$0xFFFFFE30] =	vst v6  }
0x3b3: {  	[tilespmem:s14+$0xFFFFFE20] =	vst v6  }
0x3b4: {  	v27 =	vnsel vm0, $0x0, v27  }
0x3b5: {  	(xrf0) =	vadd.scan.msk.s32 $0xffff, v27;
	_ =	sdelay $0x5  }
0x3b6: {  	v26 =	vnsel vm0, $0x0, v26;
	v27, _, _ =	vpop (xrf0)  }
0x3b7: {  	(xrf0) =	vadd.scan.msk.s32 $0xffff, v26;
	(v2sf) =	vpush v27, $0xF;
	_ =	sdelay $0x5  }
0x3b8: {  	v28, _, _ =	vpop (xrf0)  }
0x3b9: {  	(v2sf) =	vpush v28, $0xF;
	_ =	sdelay $0x7  }
0x3ba: {  	s0 =	spop (v2sf)  }
0x3bb: {  	s3 =	sand.u32 $0x7, s0  }
0x3bc: {  	s7 =	sshra.s32 s0, $0x1F;
	p0 =	slt.s32 s0, $0x1;
	p1 =	sne.s32 s3, $0x0  }
0x3bd: {  	s26 =	sshrl.u32 s7, $0x1D;
	p0 =	por !p0, !p1  }
0x3be: {  	s3 =	simm.s32 $0x1;
	s0 =	sadd.s32 s26, s0;
	p0 =	por !p0, !p0  }
0x3bf: {  	s0 =	sshra.s32 s0, $0x3;
	s3 =	simm.s32 @!p0 $0x0  }
0x3c0: {  	s15 =	ssub.s32 s0, s3  }
0x3c1: {  	s28 =	spop (v2sf);
	s0 =	sshll.u32 s15, $0x3  }
0x3c2: {  	s3 =	ssub.s32 s28, s0  }
0x3c3: {  	s29 =	sadd.s32 $0x5F, s3  }
0x3c4: {  	s8 =	smulhi.u32 $0x2AAAAAAB, s29;
	s16 =	sshra.s32 s29, $0x1F  }
0x3c5: {  	s16 =	smul.u32 $0x2AAAAAAB, s16;
	_ =	sdelay $0x1  }
0x3c6: {  	s8 =	sadd.s32 s16, s8  }
0x3c7: {  	s16 =	sshrl.u32 s8, $0x1F;
	s8 =	sshra.s32 s8, $0x4  }
0x3c8: {  	s8 =	sadd.s32 s16, s8  }
0x3c9: {  	s16 =	smul.u32 $0xFFFFFFA0, s8  }
0x3ca: {  	s3 =	ssub.s32 $0xFFFFFFA1, s3  }
0x3cb: {  	p5 =	slt.s32 s29, $0x1;
	p6 =	sne.s32 s16, s3  }
0x3cc: {  	p0 =	por !p5, !p6  }
0x3cd: {  	s3 =	simm.s32 $0x1;
	p0 =	por !p0, !p0  }
0x3ce: {  	s3 =	simm.s32 @!p0 $0x0  }
0x3cf: {  	s3 =	ssub.s32 s8, s3  }
0x3d0: {  	p0 =	slt.s32 s3, $0x1  }
.Ltmp8:
0x3d1: {  	_ = 	snop;
	(pc) =	sbr.rel @p0 .LBB2_19-.Ltmp8, $2  }
0x3d2: {  	_ =	sdelay $0x2  }
0x3d3: {  	[tilespmem:s14+$0xFFFFFE10] =	vst v6  }
0x3d4: {  	s7 =	sand.u32 $0x1FFFFFFF, s15  }
0x3d5: {  	s14 =	simm.s32 $0x80;
	s8 =	sadd.s32 s4, s7  }
0x3d6: {  	[tilespmem:s14], [sflag:$0x3] =	stream.linear.gather [hbm4b:s8+s2], $0x60, $0x38;
	[tilespmem:$0x1CC80] =	vst v63  }
0x3d7: {  	_ =	swait.ge [sflag:s11], $0x60  }
0x3d8: {  	[sflag:s11] =	ssyncset.done $0x0  }
0x3d9: {  	s15 =	simm.s32 $0x180;
	s14 =	sadd.s32 s5, s7;
	[sflag:s11] =	ssyncadd.s32 $0xFFFFFFA0  }
0x3da: {  	[tilespmem:s15], [sflag:$0x3] =	stream.linear.gather [hbm4b:s14+s2], $0x60, $0x38;
	[tilespmem:$0x1CC80] =	vst v63  }
0x3db: {  	_ =	swait.ge [sflag:s11], $0x60  }
0x3dc: {  	[sflag:s11] =	ssyncset.done $0x0  }
0x3dd: {  	s16 =	simm.s32 $0x280;
	s7 =	sadd.s32 s6, s7;
	[sflag:s11] =	ssyncadd.s32 $0xFFFFFFA0  }
0x3de: {  	[tilespmem:s16], [sflag:$0x3] =	stream.linear.gather [hbm4b:s7+s2], $0x60, $0x38;
	[tilespmem:$0x1CC80] =	vst v63  }
0x3df: {  	_ =	swait.ge [sflag:s11], $0x60  }
0x3e0: {  	[sflag:s11] =	ssyncset.done $0x0  }
0x3e1: {  	[sflag:s11] =	ssyncadd.s32 $0xFFFFFFA0  }
0x3e2: {  	v26 =	vld [tilespmem:$0x80];
	_ =	sdelay $0x4  }
0x3e3: {  	v29 =	vshll.u32 v26, $0x1  }
0x3e4: {  	v26 =	vand.u32 $0x7, v26;
	v29 =	vand.u32 $0xFFFFFFF0, v29  }
0x3e5: {  	v26 =	vor.u32 v26, v29  }
0x3e6: {  	v29 =	vperm.xlane v26, v8;
	_ =	sdelay $0x1  }
0x3e7: {  	v26 =	vperm.xlane v26, v10;
	v29 =	vadd.s32 v9, v29;
	_ =	sdelay $0x1  }
0x3e8: {  	v26 =	vadd.s32 v9, v26;
	_ =	sdelay $0x1  }
0x3e9: {  	s17 =	simm.s32 $0x480  }
0x3ea: {  	[tilespmem:s17], [sflag:$0x1] =	stream.indirect_vreg.gather [hbm4b:s1+s2], $0x80, v29, vm1, $0xb8;
	[tilespmem:$0x1CC80] =	vst v63  }
0x3eb: {  	s18 =	simm.s32 $0xC80  }
0x3ec: {  	[tilespmem:s18], [sflag:$0x1] =	stream.indirect_vreg.gather [hbm4b:s1+s2], $0x80, v26, vm1, $0xb8;
	[tilespmem:$0x1CC80] =	vst v63  }
0x3ed: {  	v26 =	vld [tilespmem:$0x90];
	_ =	sdelay $0x4  }
0x3ee: {  	v29 =	vshll.u32 v26, $0x1  }
0x3ef: {  	v26 =	vand.u32 $0x7, v26;
	v29 =	vand.u32 $0xFFFFFFF0, v29  }
0x3f0: {  	v26 =	vor.u32 v26, v29  }
0x3f1: {  	v29 =	vperm.xlane v26, v8;
	_ =	sdelay $0x1  }
0x3f2: {  	v26 =	vperm.xlane v26, v10;
	v29 =	vadd.s32 v9, v29;
	_ =	sdelay $0x1  }
0x3f3: {  	v26 =	vadd.s32 v9, v26;
	_ =	sdelay $0x1  }
0x3f4: {  	s19 =	simm.s32 $0x1480  }
0x3f5: {  	[tilespmem:s19], [sflag:$0x1] =	stream.indirect_vreg.gather [hbm4b:s1+s2], $0x80, v29, vm1, $0xb8;
	[tilespmem:$0x1CC80] =	vst v63  }
0x3f6: {  	s20 =	simm.s32 $0x1C80  }
0x3f7: {  	[tilespmem:s20], [sflag:$0x1] =	stream.indirect_vreg.gather [hbm4b:s1+s2], $0x80, v26, vm1, $0xb8;
	[tilespmem:$0x1CC80] =	vst v63  }
0x3f8: {  	v26 =	vld [tilespmem:$0xA0];
	_ =	sdelay $0x4  }
0x3f9: {  	v29 =	vshll.u32 v26, $0x1  }
0x3fa: {  	v26 =	vand.u32 $0x7, v26;
	v29 =	vand.u32 $0xFFFFFFF0, v29  }
0x3fb: {  	v26 =	vor.u32 v26, v29  }
0x3fc: {  	v29 =	vperm.xlane v26, v8;
	_ =	sdelay $0x1  }
0x3fd: {  	v26 =	vperm.xlane v26, v10;
	v29 =	vadd.s32 v9, v29;
	_ =	sdelay $0x1  }
0x3fe: {  	v26 =	vadd.s32 v9, v26;
	_ =	sdelay $0x1  }
0x3ff: {  	s21 =	simm.s32 $0x2480  }
0x400: {  	[tilespmem:s21], [sflag:$0x1] =	stream.indirect_vreg.gather [hbm4b:s1+s2], $0x80, v29, vm1, $0xb8;
	[tilespmem:$0x1CC80] =	vst v63  }
0x401: {  	s22 =	simm.s32 $0x2C80  }
0x402: {  	[tilespmem:s22], [sflag:$0x1] =	stream.indirect_vreg.gather [hbm4b:s1+s2], $0x80, v26, vm1, $0xb8;
	[tilespmem:$0x1CC80] =	vst v63  }
0x403: {  	v26 =	vld [tilespmem:$0xB0];
	_ =	sdelay $0x4  }
0x404: {  	v29 =	vshll.u32 v26, $0x1  }
0x405: {  	v26 =	vand.u32 $0x7, v26;
	v29 =	vand.u32 $0xFFFFFFF0, v29  }
0x406: {  	v26 =	vor.u32 v26, v29  }
0x407: {  	v29 =	vperm.xlane v26, v8;
	_ =	sdelay $0x1  }
0x408: {  	v26 =	vperm.xlane v26, v10;
	v29 =	vadd.s32 v9, v29;
	_ =	sdelay $0x1  }
0x409: {  	v26 =	vadd.s32 v9, v26;
	_ =	sdelay $0x1  }
0x40a: {  	s23 =	simm.s32 $0x3480  }
0x40b: {  	[tilespmem:s23], [sflag:$0x1] =	stream.indirect_vreg.gather [hbm4b:s1+s2], $0x80, v29, vm1, $0xb8;
	[tilespmem:$0x1CC80] =	vst v63  }
0x40c: {  	s24 =	simm.s32 $0x3C80  }
0x40d: {  	[tilespmem:s24], [sflag:$0x1] =	stream.indirect_vreg.gather [hbm4b:s1+s2], $0x80, v26, vm1, $0xb8;
	[tilespmem:$0x1CC80] =	vst v63  }
0x40e: {  	v26 =	vld [tilespmem:$0xC0];
	_ =	sdelay $0x4  }
0x40f: {  	v29 =	vshll.u32 v26, $0x1  }
0x410: {  	v26 =	vand.u32 $0x7, v26;
	v29 =	vand.u32 $0xFFFFFFF0, v29  }
0x411: {  	v26 =	vor.u32 v26, v29  }
0x412: {  	v29 =	vperm.xlane v26, v8;
	_ =	sdelay $0x1  }
0x413: {  	v26 =	vperm.xlane v26, v10;
	v29 =	vadd.s32 v9, v29;
	_ =	sdelay $0x1  }
0x414: {  	v26 =	vadd.s32 v9, v26;
	_ =	sdelay $0x1  }
0x415: {  	s25 =	simm.s32 $0x4480  }
0x416: {  	[tilespmem:s25], [sflag:$0x1] =	stream.indirect_vreg.gather [hbm4b:s1+s2], $0x80, v29, vm1, $0xb8;
	[tilespmem:$0x1CC80] =	vst v63  }
0x417: {  	s26 =	simm.s32 $0x4C80  }
0x418: {  	[tilespmem:s26], [sflag:$0x1] =	stream.indirect_vreg.gather [hbm4b:s1+s2], $0x80, v26, vm1, $0xb8;
	[tilespmem:$0x1CC80] =	vst v63  }
0x419: {  	v26 =	vld [tilespmem:$0xD0];
	_ =	sdelay $0x4  }
0x41a: {  	v29 =	vshll.u32 v26, $0x1  }
0x41b: {  	v26 =	vand.u32 $0x7, v26;
	v29 =	vand.u32 $0xFFFFFFF0, v29  }
0x41c: {  	v26 =	vor.u32 v26, v29  }
0x41d: {  	v29 =	vperm.xlane v26, v8;
	_ =	sdelay $0x1  }
0x41e: {  	v26 =	vperm.xlane v26, v10;
	v29 =	vadd.s32 v9, v29;
	_ =	sdelay $0x1  }
0x41f: {  	v26 =	vadd.s32 v9, v26  }
0x420: {  	p0 =	seq.s32 s3, $0x1  }
0x421: {  	s28 =	simm.s32 $0x5480;
	s7 =	sadd.s32 @!p0 $0x60, s0  }
0x422: {  	[tilespmem:s28], [sflag:$0x1] =	stream.indirect_vreg.gather [hbm4b:s1+s2], $0x80, v29, vm1, $0xb8;
	[tilespmem:$0x1CC80] =	vst v63  }
0x423: {  	s29 =	simm.s32 $0x5C80;
	s7 =	sshrl.u32 @!p0 s7, $0x3  }
0x424: {  	[tilespmem:s29], [sflag:$0x1] =	stream.indirect_vreg.gather [hbm4b:s1+s2], $0x80, v26, vm1, $0xb8;
	[tilespmem:$0x1CC80] =	vst v63  }
0x425: {  	s14 =	simm.s32 @!p0 $0x0;
	s15 =	simm.s32 @!p0 $0x100;
	s8 =	sadd.s32 @!p0 s4, s7  }
0x426: {  	[tilespmem:s15], [sflag:$0x2] =	stream.linear.gather @!p0 [hbm4b:s8+s14], $0x60, $0x38;
	[tilespmem:$0x1CC80] =	vst v63  }
0x427: {  	s8 =	sadd.s32 @!p0 s5, s7;
	s15 =	simm.s32 @!p0 $0x200  }
0x428: {  	[tilespmem:s15], [sflag:$0x2] =	stream.linear.gather @!p0 [hbm4b:s8+s14], $0x60, $0x38;
	[tilespmem:$0x1CC80] =	vst v63  }
0x429: {  	s7 =	sadd.s32 @!p0 s6, s7;
	s8 =	simm.s32 @!p0 $0x300;
	s15 =	simm.s32 $0x0  }
0x42a: {  	v26 =	vbroadcast v27, $0xF;
	v27 =	vbroadcast v28, $0xF;
	[tilespmem:s8], [sflag:$0x2] =	stream.linear.gather @!p0 [hbm4b:s7+s14], $0x60, $0x38;
	[tilespmem:$0x1CC80] =	vst v63  }
.LBB2_14:
0x42b: {  	s17 =	sand.u32 $0x1, s15  }
0x42c: {  	s7 =	smul.u32 $0x60, s15;
	s14 =	sshll.u32 s17, $0x7  }
0x42d: {  	v28 =	vld [tilespmem:s14+$0x180]  }
0x42e: {  	s7 =	sadd.s32 s0, s7;
	v29 =	vld [tilespmem:s14+$0x190]  }
0x42f: {  	v59 =	vld [tilespmem:s14+$0x1A0];
	v30 =	vadd.s32 s7, v7  }
0x430: {  	v32 =	vld [tilespmem:s14+$0x1B0];
	s8 =	sadd.s32 $0x10, s7;
	s26 =	sadd.s32 $0x20, s7;
	vm2 =	vge.s32 v30, v26  }
0x431: {  	s28 =	sadd.s32 $0x30, s7;
	s29 =	sadd.s32 $0x40, s7;
	vm3 =	vlt.s32 v30, v27;
	v31 =	vadd.s32 s8, v7;
	v60 =	vadd.s32 s26, v7  }
0x432: {  	v61 =	vadd.s32 s28, v7;
	v34 =	vadd.s32 s29, v7;
	vm2 =	vmand vm2, vm3  }
0x433: {  	vm3 =	vlt.s32 v31, v27;
	vm4 =	vlt.s32 v61, v27;
	v28 =	vsub.s32 v28, v5  }
0x434: {  	v29 =	vsub.s32 v29, v5;
	v30 =	vsub.s32 v59, v5;
	v28 =	vshll.u32 v28, $0x8  }
0x435: {  	v62 =	vsub.s32 v32, v5;
	v28 =	vnsel vm2, $0x10000, v28;
	vm2 =	vge.s32 v31, v26  }
0x436: {  	v33 =	vld [tilespmem:s14+$0x1C0];
	v29 =	vshll.u32 v29, $0x8;
	v30 =	vshll.u32 v30, $0x8;
	vm2 =	vmand vm2, vm3  }
0x437: {  	v63 =	vld [tilespmem:s14+$0x1D0];
	vm3 =	vlt.s32 v60, v27;
	v29 =	vnsel vm2, $0x10000, v29;
	vm2 =	vge.s32 v60, v26  }
0x438: {  	s7 =	sadd.s32 $0x50, s7;
	v31 =	vshll.u32 v62, $0x8;
	vm2 =	vmand vm2, vm3;
	vm3 =	vge.s32 v61, v26  }
0x439: {  	[tilespmem:s14+$0x380] =	vst v28;
	v28 =	vadd.s32 s7, v7;
	vm3 =	vmand vm3, vm4;
	v30 =	vnsel vm2, $0x10000, v30  }
0x43a: {  	vm2 =	vge.s32 v34, v26;
	v31 =	vnsel vm3, $0x10000, v31;
	vm3 =	vlt.s32 v34, v27  }
0x43b: {  	vm15 =	vlt.s32 v28, v27;
	[tilespmem:s14+$0x390] =	vst v29;
	v29 =	vsub.s32 v33, v5;
	vm2 =	vmand vm2, vm3  }
0x43c: {  	s16 =	sadd.s32 $0x1, s15;
	[tilespmem:s14+$0x3A0] =	vst v30;
	vm3 =	vge.s32 v28, v26;
	v28 =	vshll.u32 v29, $0x8;
	v29 =	vsub.s32 v63, v5  }
0x43d: {  	p0 =	sle.s32 s3, s16;
	[tilespmem:s14+$0x3B0] =	vst v31;
	v28 =	vnsel vm2, $0x10000, v28;
	vm2 =	vmand vm3, vm15;
	v29 =	vshll.u32 v29, $0x8  }
.Ltmp9:
0x43e: {  	[tilespmem:s14+$0x3C0] =	vst v28;
	v28 =	vnsel vm2, $0x10000, v29;
	(pc) =	sbr.rel @p0 .LBB2_16-.Ltmp9, $4  }
0x43f: {  	[tilespmem:s14+$0x3D0] =	vst v28  }
0x440: {  	_ =	swait.ge [sflag:s12], $0x6000  }
0x441: {  	[sflag:s12] =	ssyncset.done $0x0  }
0x442: {  	[sflag:s12] =	ssyncadd.s32 $0xFFFFA000  }
0x443: {  	_ =	swait.ge [sflag:s30], $0x60  }
0x444: {  	[sflag:s30] =	ssyncset.done $0x0  }
0x445: {  	[sflag:s30] =	ssyncadd.s32 $0xFFFFFFA0  }
0x446: {  	_ =	swait.ge [sflag:s30], $0x60  }
0x447: {  	[sflag:s30] =	ssyncset.done $0x0  }
0x448: {  	[sflag:s30] =	ssyncadd.s32 $0xFFFFFFA0  }
0x449: {  	_ =	swait.ge [sflag:s30], $0x60  }
0x44a: {  	s7 =	sxor.u32 $0x1, s17;
	[sflag:s30] =	ssyncset.done $0x0  }
0x44b: {  	s18 =	sshll.u32 s7, $0x7;
	[sflag:s30] =	ssyncadd.s32 $0xFFFFFFA0  }
0x44c: {  	v28 =	vld [tilespmem:s18+$0x80];
	_ =	sdelay $0x4  }
0x44d: {  	v29 =	vshll.u32 v28, $0x1  }
0x44e: {  	v28 =	vand.u32 $0x7, v28;
	v29 =	vand.u32 $0xFFFFFFF0, v29  }
0x44f: {  	v28 =	vor.u32 v28, v29  }
0x450: {  	v29 =	vperm.xlane v28, v8;
	_ =	sdelay $0x1  }
0x451: {  	v28 =	vperm.xlane v28, v10;
	v29 =	vadd.s32 v9, v29  }
0x452: {  	s7 =	smul.u32 $0x18000, s7  }
0x453: {  	v28 =	vadd.s32 v9, v28  }
0x454: {  	s19 =	sshrl.u32 s7, $0x2  }
0x455: {  	s7 =	sor.u32 $0x480, s19  }
0x456: {  	[tilespmem:s7], [sflag:$0x1] =	stream.indirect_vreg.gather [hbm4b:s1+s2], $0x80, v29, vm1, $0xb8;
	[tilespmem:$0x1CC80] =	vst v63  }
0x457: {  	s29 =	sor.u32 $0xC80, s19  }
0x458: {  	[tilespmem:s29], [sflag:$0x1] =	stream.indirect_vreg.gather [hbm4b:s1+s2], $0x80, v28, vm1, $0xb8;
	[tilespmem:$0x1CC80] =	vst v63  }
0x459: {  	v28 =	vld [tilespmem:s18+$0x90];
	_ =	sdelay $0x4  }
0x45a: {  	v29 =	vshll.u32 v28, $0x1  }
0x45b: {  	v28 =	vand.u32 $0x7, v28;
	v29 =	vand.u32 $0xFFFFFFF0, v29  }
0x45c: {  	v28 =	vor.u32 v28, v29  }
0x45d: {  	v29 =	vperm.xlane v28, v8;
	_ =	sdelay $0x1  }
0x45e: {  	v28 =	vperm.xlane v28, v10;
	v29 =	vadd.s32 v9, v29;
	_ =	sdelay $0x1  }
0x45f: {  	v28 =	vadd.s32 v9, v28;
	_ =	sdelay $0x1  }
0x460: {  	s8 =	sor.u32 $0x1480, s19  }
0x461: {  	[tilespmem:s8], [sflag:$0x1] =	stream.indirect_vreg.gather [hbm4b:s1+s2], $0x80, v29, vm1, $0xb8;
	[tilespmem:$0x1CC80] =	vst v63  }
0x462: {  	s20 =	sor.u32 $0x1C80, s19  }
0x463: {  	[tilespmem:s20], [sflag:$0x1] =	stream.indirect_vreg.gather [hbm4b:s1+s2], $0x80, v28, vm1, $0xb8;
	[tilespmem:$0x1CC80] =	vst v63  }
0x464: {  	v28 =	vld [tilespmem:s18+$0xA0];
	_ =	sdelay $0x4  }
0x465: {  	v29 =	vshll.u32 v28, $0x1  }
0x466: {  	v28 =	vand.u32 $0x7, v28;
	v29 =	vand.u32 $0xFFFFFFF0, v29  }
0x467: {  	v28 =	vor.u32 v28, v29  }
0x468: {  	v29 =	vperm.xlane v28, v8;
	_ =	sdelay $0x1  }
0x469: {  	v28 =	vperm.xlane v28, v10;
	v29 =	vadd.s32 v9, v29;
	_ =	sdelay $0x1  }
0x46a: {  	v28 =	vadd.s32 v9, v28;
	_ =	sdelay $0x1  }
0x46b: {  	s21 =	sadd.s32 $0x2480, s19  }
0x46c: {  	[tilespmem:s21], [sflag:$0x1] =	stream.indirect_vreg.gather [hbm4b:s1+s2], $0x80, v29, vm1, $0xb8;
	[tilespmem:$0x1CC80] =	vst v63  }
0x46d: {  	s22 =	sadd.s32 $0x2C80, s19  }
0x46e: {  	[tilespmem:s22], [sflag:$0x1] =	stream.indirect_vreg.gather [hbm4b:s1+s2], $0x80, v28, vm1, $0xb8;
	[tilespmem:$0x1CC80] =	vst v63  }
0x46f: {  	v28 =	vld [tilespmem:s18+$0xB0];
	_ =	sdelay $0x4  }
0x470: {  	v29 =	vshll.u32 v28, $0x1  }
0x471: {  	v28 =	vand.u32 $0x7, v28;
	v29 =	vand.u32 $0xFFFFFFF0, v29  }
0x472: {  	v28 =	vor.u32 v28, v29  }
0x473: {  	v29 =	vperm.xlane v28, v8;
	_ =	sdelay $0x1  }
0x474: {  	v28 =	vperm.xlane v28, v10;
	v29 =	vadd.s32 v9, v29;
	_ =	sdelay $0x1  }
0x475: {  	v28 =	vadd.s32 v9, v28;
	_ =	sdelay $0x1  }
0x476: {  	s23 =	sadd.s32 $0x3480, s19  }
0x477: {  	[tilespmem:s23], [sflag:$0x1] =	stream.indirect_vreg.gather [hbm4b:s1+s2], $0x80, v29, vm1, $0xb8;
	[tilespmem:$0x1CC80] =	vst v63  }
0x478: {  	s24 =	sadd.s32 $0x3C80, s19  }
0x479: {  	[tilespmem:s24], [sflag:$0x1] =	stream.indirect_vreg.gather [hbm4b:s1+s2], $0x80, v28, vm1, $0xb8;
	[tilespmem:$0x1CC80] =	vst v63  }
0x47a: {  	v28 =	vld [tilespmem:s18+$0xC0];
	_ =	sdelay $0x4  }
0x47b: {  	v29 =	vshll.u32 v28, $0x1  }
0x47c: {  	v28 =	vand.u32 $0x7, v28;
	v29 =	vand.u32 $0xFFFFFFF0, v29  }
0x47d: {  	v28 =	vor.u32 v28, v29  }
0x47e: {  	v29 =	vperm.xlane v28, v8;
	_ =	sdelay $0x1  }
0x47f: {  	v28 =	vperm.xlane v28, v10;
	v29 =	vadd.s32 v9, v29;
	_ =	sdelay $0x1  }
0x480: {  	v28 =	vadd.s32 v9, v28;
	_ =	sdelay $0x1  }
0x481: {  	s25 =	sadd.s32 $0x4480, s19  }
0x482: {  	[tilespmem:s25], [sflag:$0x1] =	stream.indirect_vreg.gather [hbm4b:s1+s2], $0x80, v29, vm1, $0xb8;
	[tilespmem:$0x1CC80] =	vst v63  }
0x483: {  	s26 =	sadd.s32 $0x4C80, s19  }
0x484: {  	[tilespmem:s26], [sflag:$0x1] =	stream.indirect_vreg.gather [hbm4b:s1+s2], $0x80, v28, vm1, $0xb8;
	[tilespmem:$0x1CC80] =	vst v63  }
0x485: {  	v28 =	vld [tilespmem:s18+$0xD0];
	_ =	sdelay $0x4  }
0x486: {  	v29 =	vshll.u32 v28, $0x1  }
0x487: {  	v28 =	vand.u32 $0x7, v28;
	v29 =	vand.u32 $0xFFFFFFF0, v29  }
0x488: {  	v28 =	vor.u32 v28, v29  }
0x489: {  	v29 =	vperm.xlane v28, v8;
	_ =	sdelay $0x1  }
0x48a: {  	v28 =	vperm.xlane v28, v10;
	v29 =	vadd.s32 v9, v29;
	_ =	sdelay $0x1  }
0x48b: {  	v28 =	vadd.s32 v9, v28;
	_ =	sdelay $0x1  }
0x48c: {  	s28 =	sadd.s32 $0x5480, s19  }
0x48d: {  	[tilespmem:s28], [sflag:$0x1] =	stream.indirect_vreg.gather [hbm4b:s1+s2], $0x80, v29, vm1, $0xb8;
	[tilespmem:$0x1CC80] =	vst v63  }
0x48e: {  	s29 =	sadd.s32 $0x5C80, s19  }
0x48f: {  	[tilespmem:s29], [sflag:$0x1] =	stream.indirect_vreg.gather [hbm4b:s1+s2], $0x80, v28, vm1, $0xb8;
	[tilespmem:$0x1CC80] =	vst v63  }
.LBB2_16:
0x490: {  	s7 =	simm.s32 $0x2  }
0x491: {  	s20 =	simm.s32 $0x0;
	v28 =	vmov s7  }
0x492: {  	s22 =	smul.u32 $0x18000, s17;
	v29 =	vmov s20;
	v28 =	vand.u32 $0xFFFFFFFE, v28  }
0x493: {  	v29 =	vand.u32 $0xFFFFFFFC, v29;
	v30 =	vbroadcast v28, $0x0  }
0x494: {  	s21 =	simm.s32 $0x1;
	s7 =	sshrl.u32 s22, $0x2;
	v29 =	vbroadcast v29, $0x0  }
0x495: {  	s8 =	simm.s32 $0x100;
	s24 =	sand.u32 $0x7800, s20;
	s22 =	sor.u32 $0x480, s7  }
0x496: {  	s8 =	sand.u32 $0x300, s8;
	v28 =	vmov s21;
	s7 =	sadd.s32 s24, s22  }
0x497: {  	v28 =	vand.u32 $0xFFFFFFFD, v28;
	s19 =	sadd.s32 s8, s7  }
0x498: {  	s23 =	sadd.s32 $0x380, s14;
	v32 =	vbroadcast v28, $0x0;
	v33 =	vld [tilespmem:s19+$0x0]  }
0x499: {  	s17 =	sadd.s32 $0x280, s14;
	v40 =	vld.idx.msk [tilespmem:v30+s23+$0x0], $0xffff  }
0x49a: {  	s25 =	simm.s32 $0x3;
	s18 =	simm.s32 $0x0;
	v28 =	vld.idx.msk [tilespmem:v29+s17+$0x0], $0xffff  }
0x49b: {  	v34 =	vmov s25;
	s18 =	sand.u32 $0x200, s18;
	v38 =	vld.idx.msk [tilespmem:v30+s17+$0x0], $0xffff  }
0x49c: {  	s26 =	simm.s32 $0x80;
	s21 =	sadd.s32 s18, s7;
	v29 =	vld.idx.msk [tilespmem:v29+s23+$0x0], $0xffff  }
0x49d: {  	s8 =	sand.u32 $0x280, s26;
	v37 =	vld [tilespmem:s21+$0x0]  }
0x49e: {  	s24 =	sadd.s32 s8, s7;
	v31 =	vld.idx.msk [tilespmem:v32+s23+$0x0], $0xffff  }
0x49f: {  	s25 =	simm.s32 $0x180;
	v36 =	vld [tilespmem:s24+$0x0];
	v35 =	vadd.s32 v7, v40  }
0x4a0: {  	s29 =	sand.u32 $0x380, s25;
	v44 =	vmul.f32 v33, v38;
	v33 =	vld.idx.msk [tilespmem:v34+s23+$0x0], $0xffff  }
0x4a1: {  	s18 =	sadd.s32 s29, s7;
	v30 =	vld.idx.msk [tilespmem:v32+s17+$0x0], $0xffff;
	v41 =	vadd.s32 v7, v29  }
0x4a2: {  	v46 =	vld [tilespmem:s18+$0x0]  }
0x4a3: {  	v32 =	vld.idx.msk [tilespmem:v34+s17+$0x0], $0xffff;
	v39 =	vadd.s32 v7, v31  }
0x4a4: {  	v37 =	vmul.f32 v37, v28;
	[tilespmem:v35+s13+$0x0] =	vst.idx.add.f32.msk $0xffff, v44  }
0x4a5: {  	v47 =	vadd.s32 v7, v33;
	v35 =	vld [tilespmem:s19+$0x10]  }
0x4a6: {  	v45 =	vmul.f32 v36, v30;
	[tilespmem:v41+s13+$0x0] =	vst.idx.add.f32.msk $0xffff, v37  }
0x4a7: {  	v42 =	vadd.s32 v11, v40;
	v49 =	vld [tilespmem:s21+$0x10]  }
0x4a8: {  	v36 =	vmul.f32 v46, v32;
	[tilespmem:v39+s13+$0x0] =	vst.idx.add.f32.msk $0xffff, v45  }
0x4a9: {  	v51 =	vadd.s32 v11, v29;
	v48 =	vld [tilespmem:s24+$0x10]  }
0x4aa: {  	[tilespmem:v47+s13+$0x0] =	vst.idx.add.f32.msk $0xffff, v36;
	v35 =	vmul.f32 v35, v38  }
0x4ab: {  	v50 =	vadd.s32 v11, v31;
	v34 =	vld [tilespmem:s18+$0x10]  }
0x4ac: {  	v39 =	vmul.f32 v49, v28;
	[tilespmem:v42+s13+$0x0] =	vst.idx.add.f32.msk $0xffff, v35  }
0x4ad: {  	s8 =	simm.s32 $0x7;
	v43 =	vadd.s32 v11, v33;
	v42 =	vld [tilespmem:s19+$0x20]  }
0x4ae: {  	v52 =	vmul.f32 v48, v30;
	[tilespmem:v51+s13+$0x0] =	vst.idx.add.f32.msk $0xffff, v39;
	v39 =	vmov s8  }
0x4af: {  	v53 =	vadd.s32 v12, v40;
	v56 =	vld [tilespmem:s21+$0x20]  }
0x4b0: {  	[tilespmem:v50+s13+$0x0] =	vst.idx.add.f32.msk $0xffff, v52;
	v34 =	vmul.f32 v34, v32  }
0x4b1: {  	v36 =	vld [tilespmem:s24+$0x20]  }
0x4b2: {  	[tilespmem:v43+s13+$0x0] =	vst.idx.add.f32.msk $0xffff, v34;
	v54 =	vmul.f32 v42, v38  }
0x4b3: {  	v44 =	vadd.s32 v12, v29;
	v34 =	vld.idx.msk [tilespmem:v39+s17+$0x0], $0xffff  }
0x4b4: {  	[tilespmem:v53+s13+$0x0] =	vst.idx.add.f32.msk $0xffff, v54  }
0x4b5: {  	v55 =	vadd.s32 v12, v31;
	v37 =	vld [tilespmem:s19+$0x30]  }
0x4b6: {  	v35 =	vld.idx.msk [tilespmem:v39+s23+$0x0], $0xffff;
	v41 =	vmul.f32 v56, v28  }
0x4b7: {  	v57 =	vadd.s32 v13, v40;
	v43 =	vld [tilespmem:s18+$0x20]  }
0x4b8: {  	v36 =	vmul.f32 v36, v30;
	[tilespmem:v44+s13+$0x0] =	vst.idx.add.f32.msk $0xffff, v41  }
0x4b9: {  	v59 =	vadd.s32 v12, v33;
	v49 =	vld [tilespmem:s21+$0x30]  }
0x4ba: {  	[tilespmem:v55+s13+$0x0] =	vst.idx.add.f32.msk $0xffff, v36;
	v58 =	vmul.f32 v37, v38  }
0x4bb: {  	v52 =	vadd.s32 v13, v29;
	v60 =	vld [tilespmem:s24+$0x30]  }
0x4bc: {  	v61 =	vmul.f32 v43, v32;
	[tilespmem:v57+s13+$0x0] =	vst.idx.add.f32.msk $0xffff, v58  }
0x4bd: {  	v62 =	vadd.s32 v13, v31;
	v63 =	vld [tilespmem:s19+$0x40]  }
0x4be: {  	[tilespmem:v59+s13+$0x0] =	vst.idx.add.f32.msk $0xffff, v61;
	v55 =	vmul.f32 v49, v28  }
0x4bf: {  	s26 =	simm.s32 $0x4;
	v48 =	vadd.s32 v14, v40;
	v51 =	vld [tilespmem:s18+$0x30]  }
0x4c0: {  	v45 =	vmov s26;
	v50 =	vmul.f32 v60, v30;
	[tilespmem:v52+s13+$0x0] =	vst.idx.add.f32.msk $0xffff, v55  }
0x4c1: {  	v54 =	vadd.s32 v13, v33;
	v58 =	vand.u32 $0xFFFFFFFC, v45;
	v61 =	vld [tilespmem:s21+$0x40]  }
0x4c2: {  	v60 =	vbroadcast v58, $0x0;
	[tilespmem:v62+s13+$0x0] =	vst.idx.add.f32.msk $0xffff, v50;
	v53 =	vmul.f32 v63, v38  }
0x4c3: {  	v42 =	vld [tilespmem:s24+$0x40]  }
0x4c4: {  	v37 =	vmul.f32 v51, v32;
	[tilespmem:v48+s13+$0x0] =	vst.idx.add.f32.msk $0xffff, v53  }
0x4c5: {  	v56 =	vadd.s32 v14, v31;
	v41 =	vld [tilespmem:s19+$0x50]  }
0x4c6: {  	[tilespmem:v54+s13+$0x0] =	vst.idx.add.f32.msk $0xffff, v37  }
0x4c7: {  	v57 =	vadd.s32 v15, v40;
	v62 =	vld [tilespmem:s18+$0x40]  }
0x4c8: {  	v36 =	vld.idx.msk [tilespmem:v60+s17+$0x0], $0xffff;
	v59 =	vmul.f32 v42, v30  }
0x4c9: {  	v63 =	vadd.s32 v14, v29;
	v37 =	vld.idx.msk [tilespmem:v60+s23+$0x0], $0xffff  }
0x4ca: {  	[tilespmem:v56+s13+$0x0] =	vst.idx.add.f32.msk $0xffff, v59;
	v41 =	vmul.f32 v41, v38  }
0x4cb: {  	v48 =	vadd.s32 v14, v33;
	v51 =	vld [tilespmem:s24+$0x50]  }
0x4cc: {  	v50 =	vmul.f32 v61, v28;
	[tilespmem:v57+s13+$0x0] =	vst.idx.add.f32.msk $0xffff, v41  }
0x4cd: {  	v52 =	vadd.s32 v15, v31;
	v49 =	vld [tilespmem:s19+$0x60]  }
0x4ce: {  	v44 =	vmul.f32 v62, v32;
	[tilespmem:v63+s13+$0x0] =	vst.idx.add.f32.msk $0xffff, v50  }
0x4cf: {  	v46 =	vadd.s32 v16, v40;
	v53 =	vld [tilespmem:s21+$0x50]  }
0x4d0: {  	[tilespmem:v48+s13+$0x0] =	vst.idx.add.f32.msk $0xffff, v44;
	v43 =	vmul.f32 v51, v30  }
0x4d1: {  	v54 =	vadd.s32 v15, v29;
	v44 =	vld [tilespmem:s18+$0x50]  }
0x4d2: {  	[tilespmem:v52+s13+$0x0] =	vst.idx.add.f32.msk $0xffff, v43;
	v39 =	vmul.f32 v49, v38  }
0x4d3: {  	v55 =	vadd.s32 v15, v33;
	v43 =	vld [tilespmem:s24+$0x60]  }
0x4d4: {  	v56 =	vmul.f32 v53, v28;
	[tilespmem:v46+s13+$0x0] =	vst.idx.add.f32.msk $0xffff, v39  }
0x4d5: {  	v60 =	vadd.s32 v16, v31;
	v39 =	vld [tilespmem:s19+$0x70]  }
0x4d6: {  	v57 =	vmul.f32 v44, v32;
	[tilespmem:v54+s13+$0x0] =	vst.idx.add.f32.msk $0xffff, v56  }
0x4d7: {  	v47 =	vadd.s32 v17, v40;
	v61 =	vld [tilespmem:s21+$0x60]  }
0x4d8: {  	[tilespmem:v55+s13+$0x0] =	vst.idx.add.f32.msk $0xffff, v57;
	v62 =	vmul.f32 v43, v30  }
0x4d9: {  	v63 =	vadd.s32 v16, v29;
	v46 =	vld [tilespmem:s18+$0x60]  }
0x4da: {  	[tilespmem:v60+s13+$0x0] =	vst.idx.add.f32.msk $0xffff, v62;
	v39 =	vmul.f32 v39, v38  }
0x4db: {  	v48 =	vadd.s32 v16, v33;
	v54 =	vld [tilespmem:s24+$0x70]  }
0x4dc: {  	v42 =	vmul.f32 v61, v28;
	[tilespmem:v47+s13+$0x0] =	vst.idx.add.f32.msk $0xffff, v39  }
0x4dd: {  	v56 =	vadd.s32 v17, v31;
	v52 =	vld [tilespmem:s19+$0x400]  }
0x4de: {  	[tilespmem:v63+s13+$0x0] =	vst.idx.add.f32.msk $0xffff, v42;
	v46 =	vmul.f32 v46, v32  }
0x4df: {  	v53 =	vadd.s32 v18, v40;
	v43 =	vld [tilespmem:s21+$0x70]  }
0x4e0: {  	s29 =	simm.s32 $0x5;
	[tilespmem:v48+s13+$0x0] =	vst.idx.add.f32.msk $0xffff, v46;
	v47 =	vmul.f32 v54, v30  }
0x4e1: {  	v58 =	vmov s29;
	v57 =	vadd.s32 v17, v29;
	v48 =	vld [tilespmem:s18+$0x70]  }
0x4e2: {  	v59 =	vand.u32 $0xFFFFFFFD, v58;
	[tilespmem:v56+s13+$0x0] =	vst.idx.add.f32.msk $0xffff, v47;
	v55 =	vmul.f32 v52, v38  }
0x4e3: {  	v41 =	vbroadcast v59, $0x0;
	v59 =	vadd.s32 v17, v33;
	v45 =	vld [tilespmem:s24+$0x400]  }
0x4e4: {  	v43 =	vmul.f32 v43, v28;
	[tilespmem:v53+s13+$0x0] =	vst.idx.add.f32.msk $0xffff, v55  }
0x4e5: {  	v61 =	vadd.s32 v18, v31;
	v44 =	vld [tilespmem:s19+$0x410]  }
0x4e6: {  	[tilespmem:v57+s13+$0x0] =	vst.idx.add.f32.msk $0xffff, v43;
	v62 =	vmul.f32 v48, v32  }
0x4e7: {  	v58 =	vadd.s32 v19, v40;
	v43 =	vld [tilespmem:s21+$0x400]  }
0x4e8: {  	[tilespmem:v59+s13+$0x0] =	vst.idx.add.f32.msk $0xffff, v62;
	v45 =	vmul.f32 v45, v30  }
0x4e9: {  	v63 =	vadd.s32 v18, v29;
	v47 =	vld [tilespmem:s18+$0x400]  }
0x4ea: {  	[tilespmem:v61+s13+$0x0] =	vst.idx.add.f32.msk $0xffff, v45;
	v60 =	vmul.f32 v44, v38  }
0x4eb: {  	v44 =	vld [tilespmem:s24+$0x410]  }
0x4ec: {  	v54 =	vadd.s32 v18, v33;
	v43 =	vmul.f32 v43, v28;
	[tilespmem:v58+s13+$0x0] =	vst.idx.add.f32.msk $0xffff, v60  }
0x4ed: {  	v52 =	vld [tilespmem:s19+$0x420]  }
0x4ee: {  	v56 =	vadd.s32 v19, v31;
	[tilespmem:v63+s13+$0x0] =	vst.idx.add.f32.msk $0xffff, v43  }
0x4ef: {  	v53 =	vadd.s32 v20, v40;
	v46 =	vld [tilespmem:s21+$0x410];
	v57 =	vmul.f32 v47, v32;
	_ =	sdelay $0x1  }
0x4f0: {  	[tilespmem:v54+s13+$0x0] =	vst.idx.add.f32.msk $0xffff, v57;
	v58 =	vadd.s32 v19, v29;
	v44 =	vmul.f32 v44, v30  }
0x4f1: {  	v45 =	vld [tilespmem:s18+$0x410];
	v55 =	vmul.f32 v52, v38  }
0x4f2: {  	[tilespmem:v56+s13+$0x0] =	vst.idx.add.f32.msk $0xffff, v44  }
0x4f3: {  	v46 =	vmul.f32 v46, v28;
	[tilespmem:v53+s13+$0x0] =	vst.idx.add.f32.msk $0xffff, v55  }
0x4f4: {  	v61 =	vadd.s32 v19, v33;
	v59 =	vld [tilespmem:s19+$0x430]  }
0x4f5: {  	[tilespmem:v58+s13+$0x0] =	vst.idx.add.f32.msk $0xffff, v46  }
0x4f6: {  	v60 =	vadd.s32 v21, v40;
	v44 =	vld [tilespmem:s24+$0x420]  }
0x4f7: {  	v46 =	vld [tilespmem:s21+$0x420];
	v52 =	vmul.f32 v45, v32  }
0x4f8: {  	v63 =	vadd.s32 v20, v31  }
0x4f9: {  	v53 =	vadd.s32 v20, v29;
	[tilespmem:v61+s13+$0x0] =	vst.idx.add.f32.msk $0xffff, v52;
	v62 =	vmul.f32 v59, v38  }
0x4fa: {  	v48 =	vld [tilespmem:s18+$0x420]  }
0x4fb: {  	v44 =	vmul.f32 v44, v30;
	[tilespmem:v60+s13+$0x0] =	vst.idx.add.f32.msk $0xffff, v62  }
0x4fc: {  	v56 =	vadd.s32 v20, v33;
	v46 =	vmul.f32 v46, v28;
	v54 =	vld [tilespmem:s19+$0x440]  }
0x4fd: {  	[tilespmem:v63+s13+$0x0] =	vst.idx.add.f32.msk $0xffff, v44  }
0x4fe: {  	v55 =	vadd.s32 v22, v40;
	[tilespmem:v53+s13+$0x0] =	vst.idx.add.f32.msk $0xffff, v46  }
0x4ff: {  	v44 =	vld [tilespmem:s24+$0x430];
	v60 =	vmul.f32 v48, v32  }
0x500: {  	v58 =	vld [tilespmem:s21+$0x430]  }
0x501: {  	v59 =	vadd.s32 v21, v31;
	[tilespmem:v56+s13+$0x0] =	vst.idx.add.f32.msk $0xffff, v60;
	v57 =	vmul.f32 v54, v38  }
0x502: {  	v47 =	vld [tilespmem:s18+$0x430]  }
0x503: {  	v61 =	vadd.s32 v21, v29;
	[tilespmem:v55+s13+$0x0] =	vst.idx.add.f32.msk $0xffff, v57  }
0x504: {  	v44 =	vmul.f32 v44, v30;
	v62 =	vld [tilespmem:s19+$0x450]  }
0x505: {  	v52 =	vadd.s32 v21, v33  }
0x506: {  	v63 =	vadd.s32 v23, v40;
	v45 =	vmul.f32 v58, v28;
	[tilespmem:v59+s13+$0x0] =	vst.idx.add.f32.msk $0xffff, v44  }
0x507: {  	v44 =	vld [tilespmem:s24+$0x440]  }
0x508: {  	[tilespmem:v61+s13+$0x0] =	vst.idx.add.f32.msk $0xffff, v45;
	v55 =	vmul.f32 v47, v32  }
0x509: {  	v45 =	vld [tilespmem:s21+$0x440];
	v54 =	vadd.s32 v22, v31;
	v53 =	vmul.f32 v62, v38  }
0x50a: {  	[tilespmem:v52+s13+$0x0] =	vst.idx.add.f32.msk $0xffff, v55  }
0x50b: {  	[tilespmem:v63+s13+$0x0] =	vst.idx.add.f32.msk $0xffff, v53  }
0x50c: {  	v56 =	vadd.s32 v22, v29;
	v44 =	vmul.f32 v44, v30;
	v57 =	vld [tilespmem:s19+$0x460]  }
0x50d: {  	v46 =	vld [tilespmem:s18+$0x440]  }
0x50e: {  	v58 =	vadd.s32 v24, v40;
	[tilespmem:v54+s13+$0x0] =	vst.idx.add.f32.msk $0xffff, v44  }
0x50f: {  	v45 =	vmul.f32 v45, v28;
	v44 =	vld [tilespmem:s24+$0x450]  }
0x510: {  	v39 =	vld.idx.msk [tilespmem:v41+s17+$0x0], $0xffff;
	v59 =	vadd.s32 v22, v33  }
0x511: {  	[tilespmem:v56+s13+$0x0] =	vst.idx.add.f32.msk $0xffff, v45;
	v60 =	vmul.f32 v57, v38  }
0x512: {  	v61 =	vadd.s32 v23, v31;
	v45 =	vld [tilespmem:s21+$0x450]  }
0x513: {  	v62 =	vmul.f32 v46, v32;
	[tilespmem:v58+s13+$0x0] =	vst.idx.add.f32.msk $0xffff, v60  }
0x514: {  	v63 =	vmul.f32 v44, v30;
	v44 =	vadd.s32 v23, v29;
	v43 =	vld [tilespmem:s19+$0x470]  }
0x515: {  	[tilespmem:v59+s13+$0x0] =	vst.idx.add.f32.msk $0xffff, v62  }
0x516: {  	v40 =	vadd.s32 v25, v40;
	v42 =	vld [tilespmem:s18+$0x450]  }
0x517: {  	s28 =	simm.s32 $0x6;
	s26 =	simm.s32 $0x8;
	v45 =	vmul.f32 v45, v28;
	[tilespmem:v61+s13+$0x0] =	vst.idx.add.f32.msk $0xffff, v63;
	s19 =	sadd.s32 $0x180, s14  }
.LBB2_17:
0x518: {  	p0 =	slt.u32 s26, $0x5C;
	v46 =	vmov s28;
	v47 =	vld [tilespmem:s24+$0x460];
	v48 =	vadd.s32 v23, v33  }
0x519: {  	v46 =	vand.u32 $0xFFFFFFFE, v46;
	[tilespmem:v44+s13+$0x0] =	vst.idx.add.f32.msk $0xffff, v45;
	v38 =	vmul.f32 v43, v38  }
0x51a: {  	v45 =	vadd.s32 v24, v31;
	v43 =	vbroadcast v46, $0x0;
	v44 =	vld [tilespmem:s21+$0x460]  }
0x51b: {  	[tilespmem:v40+s13+$0x0] =	vst.idx.add.f32.msk $0xffff, v38;
	v38 =	vmul.f32 v42, v32  }
0x51c: {  	v42 =	vadd.s32 v24, v29;
	v41 =	vld.idx.msk [tilespmem:v41+s23+$0x0], $0xffff  }
0x51d: {  	v40 =	vmul.f32 v47, v30;
	[tilespmem:v48+s13+$0x0] =	vst.idx.add.f32.msk $0xffff, v38  }
0x51e: {  	v46 =	vld [tilespmem:s18+$0x460]  }
0x51f: {  	v38 =	vmul.f32 v44, v28;
	[tilespmem:v45+s13+$0x0] =	vst.idx.add.f32.msk $0xffff, v40  }
0x520: {  	s25 =	sadd.s32 $0x200, s25;
	s20 =	sadd.s32 $0x400, s20;
	v40 =	vld.idx.msk [tilespmem:v43+s23+$0x0], $0xffff  }
0x521: {  	s7 =	sand.u32 $0x7800, s20;
	s8 =	sadd.s32 $0xFFFFFE80, s25;
	s28 =	sadd.s32 $0xFFFFFF80, s25;
	[tilespmem:v42+s13+$0x0] =	vst.idx.add.f32.msk $0xffff, v38  }
0x522: {  	s29 =	sadd.s32 $0xFFFFFF00, s25;
	s7 =	sadd.s32 s7, s22;
	s28 =	sand.u32 $0x300, s28;
	v42 =	vld [tilespmem:s24+$0x470]  }
0x523: {  	s8 =	sand.u32 $0x200, s8;
	s28 =	sadd.s32 s28, s7;
	s24 =	sand.u32 $0x280, s29;
	v38 =	vld.idx.msk [tilespmem:v43+s17+$0x0], $0xffff;
	v43 =	vadd.s32 v24, v33;
	v44 =	vmul.f32 v46, v32  }
0x524: {  	s8 =	sadd.s32 s8, s7;
	s29 =	sand.u32 $0x380, s25;
	s24 =	sadd.s32 s24, s7;
	v45 =	vld [tilespmem:s28+$0x0]  }
0x525: {  	s7 =	sadd.s32 s29, s7;
	v46 =	vld [tilespmem:s8+$0x0]  }
0x526: {  	v48 =	vadd.s32 v7, v40;
	v47 =	vld [tilespmem:s24+$0x0]  }
0x527: {  	v49 =	vld [tilespmem:s7+$0x0];
	v42 =	vmul.f32 v42, v30;
	v30 =	vmov v39  }
0x528: {  	v39 =	vadd.s32 v7, v41;
	[tilespmem:v43+s13+$0x0] =	vst.idx.add.f32.msk $0xffff, v44  }
0x529: {  	v43 =	vadd.s32 v7, v37;
	v44 =	vmul.f32 v45, v38;
	v45 =	vld [tilespmem:s21+$0x470];
	s21 =	smov.u32 s8  }
0x52a: {  	v50 =	vadd.s32 v7, v35;
	v46 =	vmul.f32 v46, v36;
	v51 =	vld [tilespmem:s18+$0x470];
	s18 =	smov.u32 s7  }
0x52b: {  	v47 =	vmul.f32 v47, v30;
	[tilespmem:v48+s13+$0x0] =	vst.idx.add.f32.msk $0xffff, v44  }
0x52c: {  	v44 =	vld [tilespmem:s28+$0x10];
	v48 =	vmul.f32 v49, v34  }
0x52d: {  	[tilespmem:v39+s13+$0x0] =	vst.idx.add.f32.msk $0xffff, v47  }
0x52e: {  	v39 =	vadd.s32 v11, v40;
	[tilespmem:v43+s13+$0x0] =	vst.idx.add.f32.msk $0xffff, v46;
	v43 =	vmul.f32 v45, v28;
	v28 =	vmov v36  }
0x52f: {  	[tilespmem:v50+s13+$0x0] =	vst.idx.add.f32.msk $0xffff, v48;
	v36 =	vmul.f32 v51, v32;
	v32 =	vmov v34  }
0x530: {  	v45 =	vadd.s32 v25, v31;
	v31 =	vmov v41;
	v34 =	vld [tilespmem:s24+$0x10]  }
0x531: {  	v46 =	vadd.s32 v25, v29;
	v29 =	vmov v37;
	v41 =	vld [tilespmem:s21+$0x10];
	v44 =	vmul.f32 v44, v38  }
0x532: {  	v37 =	vadd.s32 v11, v31;
	v47 =	vld [tilespmem:s18+$0x10]  }
0x533: {  	v48 =	vadd.s32 v11, v29;
	[tilespmem:v39+s13+$0x0] =	vst.idx.add.f32.msk $0xffff, v44  }
0x534: {  	v44 =	vadd.s32 v11, v35;
	v39 =	vld [tilespmem:s28+$0x20]  }
0x535: {  	v34 =	vmul.f32 v34, v30;
	[tilespmem:v45+s13+$0x0] =	vst.idx.add.f32.msk $0xffff, v42  }
0x536: {  	v42 =	vadd.s32 v12, v40;
	v41 =	vmul.f32 v41, v28;
	[tilespmem:v46+s13+$0x0] =	vst.idx.add.f32.msk $0xffff, v43  }
0x537: {  	[tilespmem:v37+s13+$0x0] =	vst.idx.add.f32.msk $0xffff, v34;
	v34 =	vmul.f32 v47, v32  }
0x538: {  	[tilespmem:v48+s13+$0x0] =	vst.idx.add.f32.msk $0xffff, v41  }
0x539: {  	v37 =	vmul.f32 v39, v38;
	[tilespmem:v44+s13+$0x0] =	vst.idx.add.f32.msk $0xffff, v34  }
0x53a: {  	s7 =	sadd.s32 $0x3, s26;
	v39 =	vadd.s32 v25, v33;
	v33 =	vmov v35;
	v34 =	vld [tilespmem:s24+$0x20]  }
0x53b: {  	v35 =	vmov s7;
	[tilespmem:v42+s13+$0x0] =	vst.idx.add.f32.msk $0xffff, v37  }
0x53c: {  	v37 =	vadd.s32 v12, v31;
	v41 =	vld [tilespmem:s28+$0x30]  }
0x53d: {  	v42 =	vld [tilespmem:s21+$0x20]  }
0x53e: {  	v43 =	vadd.s32 v13, v40;
	v44 =	vld [tilespmem:s18+$0x20]  }
0x53f: {  	v45 =	vmul.f32 v34, v30;
	[tilespmem:v39+s13+$0x0] =	vst.idx.add.f32.msk $0xffff, v36  }
0x540: {  	v36 =	vadd.s32 v12, v29;
	v34 =	vld.idx.msk [tilespmem:v35+s17+$0x0], $0xffff  }
0x541: {  	v39 =	vadd.s32 v12, v33;
	[tilespmem:v37+s13+$0x0] =	vst.idx.add.f32.msk $0xffff, v45;
	v37 =	vmul.f32 v41, v38  }
0x542: {  	v41 =	vmul.f32 v42, v28;
	v42 =	vld [tilespmem:s24+$0x30]  }
0x543: {  	[tilespmem:v43+s13+$0x0] =	vst.idx.add.f32.msk $0xffff, v37;
	v37 =	vmul.f32 v44, v32  }
0x544: {  	v43 =	vadd.s32 v13, v31;
	v44 =	vld [tilespmem:s28+$0x40]  }
0x545: {  	[tilespmem:v36+s13+$0x0] =	vst.idx.add.f32.msk $0xffff, v41  }
0x546: {  	v36 =	vadd.s32 v14, v40;
	[tilespmem:v39+s13+$0x0] =	vst.idx.add.f32.msk $0xffff, v37  }
0x547: {  	v37 =	vld [tilespmem:s21+$0x30];
	v39 =	vmul.f32 v42, v30  }
0x548: {  	v41 =	vld [tilespmem:s18+$0x30]  }
0x549: {  	v42 =	vadd.s32 v13, v29;
	[tilespmem:v43+s13+$0x0] =	vst.idx.add.f32.msk $0xffff, v39;
	v39 =	vmul.f32 v44, v38  }
0x54a: {  	v44 =	vadd.s32 v13, v33;
	v43 =	vld [tilespmem:s24+$0x40]  }
0x54b: {  	[tilespmem:v36+s13+$0x0] =	vst.idx.add.f32.msk $0xffff, v39  }
0x54c: {  	v36 =	vmul.f32 v37, v28;
	v37 =	vld [tilespmem:s28+$0x50]  }
0x54d: {  	v39 =	vadd.s32 v14, v31;
	v35 =	vld.idx.msk [tilespmem:v35+s23+$0x0], $0xffff;
	v41 =	vmul.f32 v41, v32  }
0x54e: {  	v45 =	vmov s26;
	[tilespmem:v42+s13+$0x0] =	vst.idx.add.f32.msk $0xffff, v36;
	v36 =	vadd.s32 v15, v40  }
0x54f: {  	v42 =	vand.u32 $0xFFFFFFFC, v45;
	v43 =	vmul.f32 v43, v30;
	[tilespmem:v44+s13+$0x0] =	vst.idx.add.f32.msk $0xffff, v41  }
0x550: {  	v41 =	vbroadcast v42, $0x0;
	v42 =	vld [tilespmem:s21+$0x40]  }
0x551: {  	v37 =	vmul.f32 v37, v38;
	v44 =	vld [tilespmem:s18+$0x40]  }
0x552: {  	v45 =	vadd.s32 v14, v29;
	[tilespmem:v39+s13+$0x0] =	vst.idx.add.f32.msk $0xffff, v43  }
0x553: {  	[tilespmem:v36+s13+$0x0] =	vst.idx.add.f32.msk $0xffff, v37;
	v37 =	vadd.s32 v14, v33  }
0x554: {  	v39 =	vld [tilespmem:s28+$0x60]  }
0x555: {  	v42 =	vmul.f32 v42, v28;
	v43 =	vld [tilespmem:s24+$0x50]  }
0x556: {  	v46 =	vadd.s32 v16, v40;
	v36 =	vld.idx.msk [tilespmem:v41+s17+$0x0], $0xffff;
	v44 =	vmul.f32 v44, v32  }
0x557: {  	[tilespmem:v45+s13+$0x0] =	vst.idx.add.f32.msk $0xffff, v42  }
0x558: {  	v42 =	vadd.s32 v15, v31;
	[tilespmem:v37+s13+$0x0] =	vst.idx.add.f32.msk $0xffff, v44  }
0x559: {  	v37 =	vld [tilespmem:s21+$0x50];
	v39 =	vmul.f32 v39, v38  }
0x55a: {  	v43 =	vmul.f32 v43, v30;
	v44 =	vld [tilespmem:s18+$0x50]  }
0x55b: {  	v45 =	vadd.s32 v15, v29;
	[tilespmem:v46+s13+$0x0] =	vst.idx.add.f32.msk $0xffff, v39  }
0x55c: {  	v46 =	vadd.s32 v15, v33;
	v39 =	vld [tilespmem:s28+$0x70]  }
0x55d: {  	[tilespmem:v42+s13+$0x0] =	vst.idx.add.f32.msk $0xffff, v43  }
0x55e: {  	v47 =	vadd.s32 v17, v40;
	v42 =	vmul.f32 v37, v28;
	v43 =	vld [tilespmem:s24+$0x60]  }
0x55f: {  	s7 =	sadd.s32 $0x1, s26;
	v37 =	vld.idx.msk [tilespmem:v41+s23+$0x0], $0xffff;
	v41 =	vmul.f32 v44, v32  }
0x560: {  	v44 =	vmov s7;
	[tilespmem:v45+s13+$0x0] =	vst.idx.add.f32.msk $0xffff, v42  }
0x561: {  	v42 =	vand.u32 $0xFFFFFFFD, v44;
	v44 =	vadd.s32 v16, v31;
	v39 =	vmul.f32 v39, v38;
	[tilespmem:v46+s13+$0x0] =	vst.idx.add.f32.msk $0xffff, v41  }
0x562: {  	v41 =	vbroadcast v42, $0x0;
	v42 =	vld [tilespmem:s21+$0x60]  }
0x563: {  	v43 =	vmul.f32 v43, v30;
	[tilespmem:v47+s13+$0x0] =	vst.idx.add.f32.msk $0xffff, v39  }
0x564: {  	v45 =	vadd.s32 v16, v29;
	v46 =	vld [tilespmem:s28+$0x400]  }
0x565: {  	v47 =	vld [tilespmem:s18+$0x60]  }
0x566: {  	[tilespmem:v44+s13+$0x0] =	vst.idx.add.f32.msk $0xffff, v43;
	v43 =	vadd.s32 v18, v40  }
0x567: {  	v42 =	vmul.f32 v42, v28;
	v44 =	vld [tilespmem:s24+$0x70]  }
0x568: {  	v48 =	vadd.s32 v16, v33;
	v39 =	vld.idx.msk [tilespmem:v41+s17+$0x0], $0xffff  }
0x569: {  	[tilespmem:v45+s13+$0x0] =	vst.idx.add.f32.msk $0xffff, v42;
	v42 =	vmul.f32 v46, v38  }
0x56a: {  	v46 =	vadd.s32 v17, v31;
	v45 =	vld [tilespmem:s21+$0x70];
	v47 =	vmul.f32 v47, v32  }
0x56b: {  	[tilespmem:v43+s13+$0x0] =	vst.idx.add.f32.msk $0xffff, v42  }
0x56c: {  	v42 =	vadd.s32 v17, v29;
	v43 =	vmul.f32 v44, v30;
	v44 =	vld [tilespmem:s28+$0x410]  }
0x56d: {  	[tilespmem:v48+s13+$0x0] =	vst.idx.add.f32.msk $0xffff, v47  }
0x56e: {  	v47 =	vadd.s32 v19, v40;
	v48 =	vld [tilespmem:s18+$0x70]  }
0x56f: {  	v45 =	vmul.f32 v45, v28;
	[tilespmem:v46+s13+$0x0] =	vst.idx.add.f32.msk $0xffff, v43  }
0x570: {  	v46 =	vadd.s32 v17, v33;
	v43 =	vld [tilespmem:s24+$0x400]  }
0x571: {  	[tilespmem:v42+s13+$0x0] =	vst.idx.add.f32.msk $0xffff, v45;
	v42 =	vmul.f32 v44, v38  }
0x572: {  	v45 =	vadd.s32 v18, v31;
	v44 =	vld [tilespmem:s21+$0x400]  }
0x573: {  	[tilespmem:v47+s13+$0x0] =	vst.idx.add.f32.msk $0xffff, v42;
	v42 =	vmul.f32 v48, v32  }
0x574: {  	v47 =	vadd.s32 v18, v29;
	v48 =	vld [tilespmem:s28+$0x420]  }
0x575: {  	v43 =	vmul.f32 v43, v30;
	[tilespmem:v46+s13+$0x0] =	vst.idx.add.f32.msk $0xffff, v42  }
0x576: {  	v42 =	vadd.s32 v20, v40;
	v46 =	vld [tilespmem:s18+$0x400]  }
0x577: {  	v44 =	vmul.f32 v44, v28;
	[tilespmem:v45+s13+$0x0] =	vst.idx.add.f32.msk $0xffff, v43  }
0x578: {  	v45 =	vadd.s32 v18, v33;
	v43 =	vld [tilespmem:s24+$0x410]  }
0x579: {  	[tilespmem:v47+s13+$0x0] =	vst.idx.add.f32.msk $0xffff, v44;
	v44 =	vmul.f32 v48, v38  }
0x57a: {  	v48 =	vadd.s32 v19, v31;
	v47 =	vld [tilespmem:s21+$0x410]  }
0x57b: {  	[tilespmem:v42+s13+$0x0] =	vst.idx.add.f32.msk $0xffff, v44;
	v42 =	vmul.f32 v46, v32  }
0x57c: {  	v44 =	vadd.s32 v19, v29;
	v46 =	vld [tilespmem:s28+$0x430]  }
0x57d: {  	v43 =	vmul.f32 v43, v30;
	[tilespmem:v45+s13+$0x0] =	vst.idx.add.f32.msk $0xffff, v42  }
0x57e: {  	v42 =	vadd.s32 v21, v40;
	v45 =	vld [tilespmem:s18+$0x410]  }
0x57f: {  	v47 =	vmul.f32 v47, v28;
	[tilespmem:v48+s13+$0x0] =	vst.idx.add.f32.msk $0xffff, v43  }
0x580: {  	v48 =	vadd.s32 v19, v33;
	v43 =	vld [tilespmem:s24+$0x420]  }
0x581: {  	[tilespmem:v44+s13+$0x0] =	vst.idx.add.f32.msk $0xffff, v47;
	v44 =	vmul.f32 v46, v38  }
0x582: {  	v47 =	vadd.s32 v20, v31;
	v46 =	vld [tilespmem:s21+$0x420]  }
0x583: {  	[tilespmem:v42+s13+$0x0] =	vst.idx.add.f32.msk $0xffff, v44;
	v42 =	vmul.f32 v45, v32  }
0x584: {  	v44 =	vadd.s32 v20, v29;
	v45 =	vld [tilespmem:s28+$0x440]  }
0x585: {  	v43 =	vmul.f32 v43, v30;
	[tilespmem:v48+s13+$0x0] =	vst.idx.add.f32.msk $0xffff, v42  }
0x586: {  	v42 =	vadd.s32 v22, v40;
	v48 =	vld [tilespmem:s18+$0x420]  }
0x587: {  	v46 =	vmul.f32 v46, v28;
	[tilespmem:v47+s13+$0x0] =	vst.idx.add.f32.msk $0xffff, v43  }
0x588: {  	v47 =	vadd.s32 v20, v33;
	v43 =	vld [tilespmem:s24+$0x430]  }
0x589: {  	[tilespmem:v44+s13+$0x0] =	vst.idx.add.f32.msk $0xffff, v46;
	v44 =	vmul.f32 v45, v38  }
0x58a: {  	v46 =	vadd.s32 v21, v31;
	v45 =	vld [tilespmem:s21+$0x430]  }
0x58b: {  	[tilespmem:v42+s13+$0x0] =	vst.idx.add.f32.msk $0xffff, v44;
	v42 =	vmul.f32 v48, v32  }
0x58c: {  	v44 =	vadd.s32 v21, v29;
	v48 =	vld [tilespmem:s28+$0x450]  }
0x58d: {  	v43 =	vmul.f32 v43, v30;
	[tilespmem:v47+s13+$0x0] =	vst.idx.add.f32.msk $0xffff, v42  }
0x58e: {  	v42 =	vadd.s32 v23, v40;
	v47 =	vld [tilespmem:s18+$0x430]  }
0x58f: {  	v45 =	vmul.f32 v45, v28;
	[tilespmem:v46+s13+$0x0] =	vst.idx.add.f32.msk $0xffff, v43  }
0x590: {  	v46 =	vadd.s32 v21, v33;
	v43 =	vld [tilespmem:s24+$0x440]  }
0x591: {  	[tilespmem:v44+s13+$0x0] =	vst.idx.add.f32.msk $0xffff, v45;
	v44 =	vmul.f32 v48, v38  }
0x592: {  	v48 =	vadd.s32 v22, v31;
	v45 =	vld [tilespmem:s21+$0x440]  }
0x593: {  	[tilespmem:v42+s13+$0x0] =	vst.idx.add.f32.msk $0xffff, v44;
	v42 =	vmul.f32 v47, v32  }
0x594: {  	v44 =	vadd.s32 v22, v29;
	v47 =	vld [tilespmem:s28+$0x460]  }
0x595: {  	v43 =	vmul.f32 v43, v30;
	[tilespmem:v46+s13+$0x0] =	vst.idx.add.f32.msk $0xffff, v42  }
0x596: {  	v42 =	vadd.s32 v24, v40;
	v46 =	vld [tilespmem:s18+$0x440]  }
0x597: {  	v45 =	vmul.f32 v45, v28;
	[tilespmem:v48+s13+$0x0] =	vst.idx.add.f32.msk $0xffff, v43  }
0x598: {  	v49 =	vadd.s32 v22, v33;
	v48 =	vld [tilespmem:s24+$0x450]  }
0x599: {  	[tilespmem:v44+s13+$0x0] =	vst.idx.add.f32.msk $0xffff, v45;
	v43 =	vmul.f32 v47, v38  }
0x59a: {  	v47 =	vadd.s32 v23, v31;
	v45 =	vld [tilespmem:s21+$0x450]  }
.Ltmp10:
0x59b: {  	[tilespmem:v42+s13+$0x0] =	vst.idx.add.f32.msk $0xffff, v43;
	v42 =	vmul.f32 v46, v32;
	(pc) =	sbr.rel @p0 .LBB2_17-.Ltmp10, $4  }
0x59c: {  	v44 =	vadd.s32 v23, v29;
	v43 =	vld [tilespmem:s28+$0x470]  }
0x59d: {  	v46 =	vmul.f32 v48, v30;
	[tilespmem:v49+s13+$0x0] =	vst.idx.add.f32.msk $0xffff, v42  }
0x59e: {  	v40 =	vadd.s32 v25, v40;
	v42 =	vld [tilespmem:s18+$0x450]  }
0x59f: {  	s28 =	sadd.s32 $0x2, s26;
	s26 =	sadd.s32 $0x4, s26;
	v45 =	vmul.f32 v45, v28;
	[tilespmem:v47+s13+$0x0] =	vst.idx.add.f32.msk $0xffff, v46  }
0x5a0: {  	_ =	sdelay $0x2  }
0x5a1: {  	v47 =	vld [tilespmem:s24+$0x460]  }
0x5a2: {  	v46 =	vmov s28;
	v48 =	vadd.s32 v23, v33;
	s7 =	sadd.s32 $0x200, s25;
	s8 =	sadd.s32 $0x400, s20;
	[tilespmem:v44+s13+$0x0] =	vst.idx.add.f32.msk $0xffff, v45;
	v38 =	vmul.f32 v43, v38  }
0x5a3: {  	v46 =	vand.u32 $0xFFFFFFFE, v46;
	s8 =	sand.u32 $0x7800, s8;
	s25 =	sadd.s32 $0xFFFFFF80, s7;
	v44 =	vld [tilespmem:s21+$0x460]  }
0x5a4: {  	v56 =	vbroadcast v46, $0x0;
	s8 =	sadd.s32 s8, s22;
	s20 =	sand.u32 $0x300, s25;
	[tilespmem:v40+s13+$0x0] =	vst.idx.add.f32.msk $0xffff, v38  }
0x5a5: {  	s28 =	sadd.s32 $0xFFFFFE80, s7;
	v58 =	vmul.f32 v42, v32;
	v38 =	vld.idx.msk [tilespmem:v41+s23+$0x0], $0xffff;
	s22 =	sadd.s32 s20, s8  }
0x5a6: {  	s20 =	sand.u32 $0x200, s28;
	v52 =	vld [tilespmem:s22+$0x0]  }
0x5a7: {  	s20 =	sadd.s32 s20, s8;
	[tilespmem:v48+s13+$0x0] =	vst.idx.add.f32.msk $0xffff, v58  }
0x5a8: {  	v55 =	vld [tilespmem:s20+$0x0]  }
0x5a9: {  	v57 =	vadd.s32 v24, v31;
	s26 =	sadd.s32 $0xFFFFFF00, s7;
	v61 =	vld [tilespmem:s18+$0x460]  }
0x5aa: {  	v59 =	vadd.s32 v24, v29;
	v41 =	vld.idx.msk [tilespmem:v56+s23+$0x0], $0xffff;
	s23 =	sand.u32 $0x280, s26  }
0x5ab: {  	v63 =	vadd.s32 v24, v33;
	s7 =	sand.u32 $0x380, s7;
	v40 =	vld.idx.msk [tilespmem:v56+s17+$0x0], $0xffff;
	s23 =	sadd.s32 s23, s8  }
0x5ac: {  	s29 =	sadd.s32 s7, s8;
	v60 =	vmul.f32 v47, v30;
	v56 =	vadd.s32 v7, v37;
	v53 =	vld [tilespmem:s23+$0x0]  }
0x5ad: {  	v49 =	vld [tilespmem:s29+$0x0];
	v62 =	vmul.f32 v44, v28  }
0x5ae: {  	[tilespmem:v57+s13+$0x0] =	vst.idx.add.f32.msk $0xffff, v60;
	v50 =	vadd.s32 v7, v38;
	v46 =	vmul.f32 v61, v32  }
0x5af: {  	[tilespmem:v59+s13+$0x0] =	vst.idx.add.f32.msk $0xffff, v62;
	v48 =	vmul.f32 v55, v36;
	v54 =	vadd.s32 v7, v41  }
0x5b0: {  	[tilespmem:v63+s13+$0x0] =	vst.idx.add.f32.msk $0xffff, v46  }
0x5b1: {  	[tilespmem:v56+s13+$0x0] =	vst.idx.add.f32.msk $0xffff, v48;
	v45 =	vmul.f32 v53, v39  }
0x5b2: {  	v44 =	vmul.f32 v52, v40;
	v46 =	vld [tilespmem:s20+$0x10]  }
0x5b3: {  	v57 =	vadd.s32 v7, v35;
	[tilespmem:v50+s13+$0x0] =	vst.idx.add.f32.msk $0xffff, v45  }
0x5b4: {  	[tilespmem:v54+s13+$0x0] =	vst.idx.add.f32.msk $0xffff, v44  }
0x5b5: {  	v62 =	vadd.s32 v11, v37;
	v50 =	vld [tilespmem:s23+$0x10]  }
0x5b6: {  	v49 =	vmul.f32 v49, v34;
	v47 =	vld [tilespmem:s22+$0x10]  }
0x5b7: {  	v59 =	vadd.s32 v11, v38  }
0x5b8: {  	[tilespmem:v57+s13+$0x0] =	vst.idx.add.f32.msk $0xffff, v49;
	v58 =	vadd.s32 v11, v41;
	v46 =	vmul.f32 v46, v36  }
0x5b9: {  	v61 =	vld [tilespmem:s29+$0x10]  }
0x5ba: {  	[tilespmem:v62+s13+$0x0] =	vst.idx.add.f32.msk $0xffff, v46;
	v63 =	vmul.f32 v50, v39  }
0x5bb: {  	v49 =	vld [tilespmem:s20+$0x20];
	v60 =	vmul.f32 v47, v40  }
0x5bc: {  	v52 =	vadd.s32 v11, v35;
	[tilespmem:v59+s13+$0x0] =	vst.idx.add.f32.msk $0xffff, v63  }
0x5bd: {  	[tilespmem:v58+s13+$0x0] =	vst.idx.add.f32.msk $0xffff, v60  }
0x5be: {  	v55 =	vadd.s32 v12, v37;
	v48 =	vld [tilespmem:s23+$0x20]  }
0x5bf: {  	v47 =	vmul.f32 v61, v34;
	v45 =	vld [tilespmem:s22+$0x20]  }
0x5c0: {  	v54 =	vadd.s32 v12, v38  }
0x5c1: {  	v53 =	vadd.s32 v12, v41;
	[tilespmem:v52+s13+$0x0] =	vst.idx.add.f32.msk $0xffff, v47;
	v58 =	vmul.f32 v49, v36  }
0x5c2: {  	v47 =	vld [tilespmem:s29+$0x20]  }
0x5c3: {  	[tilespmem:v55+s13+$0x0] =	vst.idx.add.f32.msk $0xffff, v58;
	v56 =	vmul.f32 v48, v39  }
0x5c4: {  	v50 =	vld [tilespmem:s20+$0x30];
	v45 =	vmul.f32 v45, v40  }
0x5c5: {  	v57 =	vadd.s32 v12, v35;
	[tilespmem:v54+s13+$0x0] =	vst.idx.add.f32.msk $0xffff, v56  }
0x5c6: {  	[tilespmem:v53+s13+$0x0] =	vst.idx.add.f32.msk $0xffff, v45  }
0x5c7: {  	v62 =	vadd.s32 v13, v37;
	v60 =	vld [tilespmem:s23+$0x30]  }
0x5c8: {  	v47 =	vmul.f32 v47, v34;
	v45 =	vld [tilespmem:s22+$0x30]  }
0x5c9: {  	v61 =	vadd.s32 v13, v38  }
0x5ca: {  	v59 =	vadd.s32 v13, v41;
	[tilespmem:v57+s13+$0x0] =	vst.idx.add.f32.msk $0xffff, v47;
	v53 =	vmul.f32 v50, v36  }
0x5cb: {  	v47 =	vld [tilespmem:s29+$0x30]  }
0x5cc: {  	[tilespmem:v62+s13+$0x0] =	vst.idx.add.f32.msk $0xffff, v53;
	v63 =	vmul.f32 v60, v39  }
0x5cd: {  	v48 =	vld [tilespmem:s20+$0x40];
	v45 =	vmul.f32 v45, v40  }
0x5ce: {  	v52 =	vadd.s32 v13, v35;
	[tilespmem:v61+s13+$0x0] =	vst.idx.add.f32.msk $0xffff, v63  }
0x5cf: {  	[tilespmem:v59+s13+$0x0] =	vst.idx.add.f32.msk $0xffff, v45  }
0x5d0: {  	v57 =	vadd.s32 v14, v37;
	v55 =	vld [tilespmem:s23+$0x40]  }
0x5d1: {  	v47 =	vmul.f32 v47, v34;
	v46 =	vld [tilespmem:s22+$0x40]  }
0x5d2: {  	v56 =	vadd.s32 v14, v38  }
0x5d3: {  	v54 =	vadd.s32 v14, v41;
	[tilespmem:v52+s13+$0x0] =	vst.idx.add.f32.msk $0xffff, v47;
	v60 =	vmul.f32 v48, v36  }
0x5d4: {  	v47 =	vld [tilespmem:s29+$0x40]  }
0x5d5: {  	[tilespmem:v57+s13+$0x0] =	vst.idx.add.f32.msk $0xffff, v60;
	v58 =	vmul.f32 v55, v39  }
0x5d6: {  	v49 =	vld [tilespmem:s20+$0x50];
	v46 =	vmul.f32 v46, v40  }
0x5d7: {  	v59 =	vadd.s32 v14, v35;
	[tilespmem:v56+s13+$0x0] =	vst.idx.add.f32.msk $0xffff, v58  }
0x5d8: {  	[tilespmem:v54+s13+$0x0] =	vst.idx.add.f32.msk $0xffff, v46  }
0x5d9: {  	v52 =	vadd.s32 v15, v37;
	v62 =	vld [tilespmem:s23+$0x50]  }
0x5da: {  	v47 =	vmul.f32 v47, v34;
	v46 =	vld [tilespmem:s22+$0x50]  }
0x5db: {  	v63 =	vadd.s32 v15, v38  }
0x5dc: {  	v61 =	vadd.s32 v15, v41;
	[tilespmem:v59+s13+$0x0] =	vst.idx.add.f32.msk $0xffff, v47;
	v55 =	vmul.f32 v49, v36  }
0x5dd: {  	v47 =	vld [tilespmem:s29+$0x50]  }
0x5de: {  	[tilespmem:v52+s13+$0x0] =	vst.idx.add.f32.msk $0xffff, v55;
	v53 =	vmul.f32 v62, v39  }
0x5df: {  	v50 =	vld [tilespmem:s20+$0x60];
	v46 =	vmul.f32 v46, v40  }
0x5e0: {  	v54 =	vadd.s32 v15, v35;
	[tilespmem:v63+s13+$0x0] =	vst.idx.add.f32.msk $0xffff, v53  }
0x5e1: {  	[tilespmem:v61+s13+$0x0] =	vst.idx.add.f32.msk $0xffff, v46  }
0x5e2: {  	v59 =	vadd.s32 v16, v37;
	v57 =	vld [tilespmem:s23+$0x60]  }
0x5e3: {  	v47 =	vmul.f32 v47, v34;
	v46 =	vld [tilespmem:s22+$0x60]  }
0x5e4: {  	v58 =	vadd.s32 v16, v38  }
0x5e5: {  	v56 =	vadd.s32 v16, v41;
	[tilespmem:v54+s13+$0x0] =	vst.idx.add.f32.msk $0xffff, v47;
	v62 =	vmul.f32 v50, v36  }
0x5e6: {  	v48 =	vld [tilespmem:s29+$0x60]  }
0x5e7: {  	[tilespmem:v59+s13+$0x0] =	vst.idx.add.f32.msk $0xffff, v62;
	v60 =	vmul.f32 v57, v39  }
0x5e8: {  	v47 =	vld [tilespmem:s20+$0x70];
	v46 =	vmul.f32 v46, v40  }
0x5e9: {  	v61 =	vadd.s32 v16, v35;
	[tilespmem:v58+s13+$0x0] =	vst.idx.add.f32.msk $0xffff, v60  }
0x5ea: {  	[tilespmem:v56+s13+$0x0] =	vst.idx.add.f32.msk $0xffff, v46  }
0x5eb: {  	v55 =	vadd.s32 v17, v37;
	v52 =	vld [tilespmem:s23+$0x70]  }
0x5ec: {  	v53 =	vmul.f32 v48, v34;
	v46 =	vld [tilespmem:s22+$0x70]  }
0x5ed: {  	v54 =	vadd.s32 v17, v38  }
0x5ee: {  	v63 =	vadd.s32 v17, v41;
	[tilespmem:v61+s13+$0x0] =	vst.idx.add.f32.msk $0xffff, v53;
	v47 =	vmul.f32 v47, v36  }
0x5ef: {  	v49 =	vld [tilespmem:s29+$0x70]  }
0x5f0: {  	[tilespmem:v55+s13+$0x0] =	vst.idx.add.f32.msk $0xffff, v47;
	v56 =	vmul.f32 v52, v39  }
0x5f1: {  	v47 =	vld [tilespmem:s20+$0x400];
	v46 =	vmul.f32 v46, v40  }
0x5f2: {  	v57 =	vadd.s32 v17, v35;
	[tilespmem:v54+s13+$0x0] =	vst.idx.add.f32.msk $0xffff, v56  }
0x5f3: {  	[tilespmem:v63+s13+$0x0] =	vst.idx.add.f32.msk $0xffff, v46  }
0x5f4: {  	v61 =	vadd.s32 v18, v37;
	v48 =	vld [tilespmem:s23+$0x400]  }
0x5f5: {  	v59 =	vmul.f32 v49, v34;
	v46 =	vld [tilespmem:s22+$0x400]  }
0x5f6: {  	v60 =	vadd.s32 v18, v38  }
0x5f7: {  	v58 =	vadd.s32 v18, v41;
	[tilespmem:v57+s13+$0x0] =	vst.idx.add.f32.msk $0xffff, v59;
	v47 =	vmul.f32 v47, v36  }
0x5f8: {  	v50 =	vld [tilespmem:s29+$0x400]  }
0x5f9: {  	[tilespmem:v61+s13+$0x0] =	vst.idx.add.f32.msk $0xffff, v47;
	v62 =	vmul.f32 v48, v39  }
0x5fa: {  	v47 =	vld [tilespmem:s20+$0x410];
	v46 =	vmul.f32 v46, v40  }
0x5fb: {  	v63 =	vadd.s32 v18, v35;
	[tilespmem:v60+s13+$0x0] =	vst.idx.add.f32.msk $0xffff, v62  }
0x5fc: {  	[tilespmem:v58+s13+$0x0] =	vst.idx.add.f32.msk $0xffff, v46  }
0x5fd: {  	v55 =	vadd.s32 v19, v37;
	v49 =	vld [tilespmem:s23+$0x410]  }
0x5fe: {  	v53 =	vmul.f32 v50, v34;
	v46 =	vld [tilespmem:s22+$0x410]  }
0x5ff: {  	v54 =	vadd.s32 v19, v38  }
0x600: {  	v52 =	vadd.s32 v19, v41;
	[tilespmem:v63+s13+$0x0] =	vst.idx.add.f32.msk $0xffff, v53;
	v47 =	vmul.f32 v47, v36  }
0x601: {  	v48 =	vld [tilespmem:s29+$0x410]  }
0x602: {  	[tilespmem:v55+s13+$0x0] =	vst.idx.add.f32.msk $0xffff, v47;
	v56 =	vmul.f32 v49, v39  }
0x603: {  	v47 =	vld [tilespmem:s20+$0x420];
	v46 =	vmul.f32 v46, v40  }
0x604: {  	v57 =	vadd.s32 v19, v35;
	[tilespmem:v54+s13+$0x0] =	vst.idx.add.f32.msk $0xffff, v56  }
0x605: {  	[tilespmem:v52+s13+$0x0] =	vst.idx.add.f32.msk $0xffff, v46  }
0x606: {  	v61 =	vadd.s32 v20, v37;
	v50 =	vld [tilespmem:s23+$0x420]  }
0x607: {  	v59 =	vmul.f32 v48, v34;
	v46 =	vld [tilespmem:s22+$0x420]  }
0x608: {  	v60 =	vadd.s32 v20, v38  }
0x609: {  	v58 =	vadd.s32 v20, v41;
	[tilespmem:v57+s13+$0x0] =	vst.idx.add.f32.msk $0xffff, v59;
	v47 =	vmul.f32 v47, v36  }
0x60a: {  	v49 =	vld [tilespmem:s29+$0x420]  }
0x60b: {  	[tilespmem:v61+s13+$0x0] =	vst.idx.add.f32.msk $0xffff, v47;
	v62 =	vmul.f32 v50, v39  }
0x60c: {  	v47 =	vld [tilespmem:s20+$0x430];
	v46 =	vmul.f32 v46, v40  }
0x60d: {  	v63 =	vadd.s32 v20, v35;
	[tilespmem:v60+s13+$0x0] =	vst.idx.add.f32.msk $0xffff, v62  }
0x60e: {  	[tilespmem:v58+s13+$0x0] =	vst.idx.add.f32.msk $0xffff, v46  }
0x60f: {  	v55 =	vadd.s32 v21, v37;
	v48 =	vld [tilespmem:s23+$0x430]  }
0x610: {  	v53 =	vmul.f32 v49, v34;
	v46 =	vld [tilespmem:s22+$0x430]  }
0x611: {  	v54 =	vadd.s32 v21, v38  }
0x612: {  	v52 =	vadd.s32 v21, v41;
	[tilespmem:v63+s13+$0x0] =	vst.idx.add.f32.msk $0xffff, v53;
	v47 =	vmul.f32 v47, v36  }
0x613: {  	v50 =	vld [tilespmem:s29+$0x430]  }
0x614: {  	[tilespmem:v55+s13+$0x0] =	vst.idx.add.f32.msk $0xffff, v47;
	v56 =	vmul.f32 v48, v39  }
0x615: {  	v47 =	vld [tilespmem:s20+$0x440];
	v46 =	vmul.f32 v46, v40  }
0x616: {  	v57 =	vadd.s32 v21, v35;
	[tilespmem:v54+s13+$0x0] =	vst.idx.add.f32.msk $0xffff, v56  }
0x617: {  	[tilespmem:v52+s13+$0x0] =	vst.idx.add.f32.msk $0xffff, v46  }
0x618: {  	v61 =	vadd.s32 v22, v37;
	v49 =	vld [tilespmem:s23+$0x440]  }
0x619: {  	v59 =	vmul.f32 v50, v34;
	v46 =	vld [tilespmem:s22+$0x440]  }
0x61a: {  	v60 =	vadd.s32 v22, v38  }
0x61b: {  	v58 =	vadd.s32 v22, v41;
	[tilespmem:v57+s13+$0x0] =	vst.idx.add.f32.msk $0xffff, v59;
	v47 =	vmul.f32 v47, v36  }
0x61c: {  	v48 =	vld [tilespmem:s29+$0x440]  }
0x61d: {  	[tilespmem:v61+s13+$0x0] =	vst.idx.add.f32.msk $0xffff, v47;
	v62 =	vmul.f32 v49, v39  }
0x61e: {  	v47 =	vld [tilespmem:s20+$0x450];
	v46 =	vmul.f32 v46, v40  }
0x61f: {  	v63 =	vadd.s32 v22, v35;
	[tilespmem:v60+s13+$0x0] =	vst.idx.add.f32.msk $0xffff, v62  }
0x620: {  	[tilespmem:v58+s13+$0x0] =	vst.idx.add.f32.msk $0xffff, v46  }
0x621: {  	v55 =	vadd.s32 v23, v37;
	v50 =	vld [tilespmem:s23+$0x450]  }
0x622: {  	v53 =	vmul.f32 v48, v34;
	v46 =	vld [tilespmem:s22+$0x450]  }
0x623: {  	v42 =	vld [tilespmem:s24+$0x470];
	v54 =	vadd.s32 v23, v38  }
0x624: {  	v52 =	vadd.s32 v23, v41;
	[tilespmem:v63+s13+$0x0] =	vst.idx.add.f32.msk $0xffff, v53;
	v47 =	vmul.f32 v47, v36  }
0x625: {  	v49 =	vld [tilespmem:s29+$0x450]  }
0x626: {  	[tilespmem:v55+s13+$0x0] =	vst.idx.add.f32.msk $0xffff, v47;
	v56 =	vmul.f32 v50, v39  }
0x627: {  	v57 =	vadd.s32 v23, v35;
	v47 =	vld [tilespmem:s20+$0x460];
	v46 =	vmul.f32 v46, v40  }
0x628: {  	[tilespmem:v54+s13+$0x0] =	vst.idx.add.f32.msk $0xffff, v56  }
0x629: {  	[tilespmem:v52+s13+$0x0] =	vst.idx.add.f32.msk $0xffff, v46  }
0x62a: {  	v59 =	vmul.f32 v49, v34;
	v45 =	vld [tilespmem:s23+$0x460]  }
0x62b: {  	v62 =	vadd.s32 v24, v37;
	v46 =	vld [tilespmem:s22+$0x460]  }
0x62c: {  	v60 =	vadd.s32 v24, v38;
	[tilespmem:v57+s13+$0x0] =	vst.idx.add.f32.msk $0xffff, v59  }
0x62d: {  	v58 =	vadd.s32 v24, v41;
	v50 =	vld [tilespmem:s29+$0x460]  }
0x62e: {  	v43 =	vld [tilespmem:s21+$0x470];
	v47 =	vmul.f32 v47, v36  }
0x62f: {  	v51 =	vld [tilespmem:s18+$0x470];
	v52 =	vadd.s32 v24, v35;
	v63 =	vmul.f32 v45, v39  }
0x630: {  	[tilespmem:v62+s13+$0x0] =	vst.idx.add.f32.msk $0xffff, v47;
	v61 =	vmul.f32 v46, v40  }
0x631: {  	[tilespmem:v60+s13+$0x0] =	vst.idx.add.f32.msk $0xffff, v63  }
0x632: {  	v54 =	vmul.f32 v50, v34;
	[tilespmem:v58+s13+$0x0] =	vst.idx.add.f32.msk $0xffff, v61  }
0x633: {  	v29 =	vadd.s32 v25, v29;
	v55 =	vld [tilespmem:s23+$0x470]  }
0x634: {  	v53 =	vadd.s32 v25, v31;
	[tilespmem:v52+s13+$0x0] =	vst.idx.add.f32.msk $0xffff, v54  }
0x635: {  	v56 =	vadd.s32 v25, v33;
	v48 =	vld [tilespmem:s22+$0x470]  }
0x636: {  	v28 =	vmul.f32 v43, v28;
	v38 =	vadd.s32 v25, v38;
	v59 =	vld [tilespmem:s29+$0x470]  }
0x637: {  	v41 =	vadd.s32 v25, v41;
	v57 =	vmul.f32 v42, v30;
	v58 =	vld [tilespmem:s20+$0x470]  }
0x638: {  	s7 =	sadd.s32 $0x2, s15;
	[tilespmem:v29+s13+$0x0] =	vst.idx.add.f32.msk $0xffff, v28;
	v29 =	vadd.s32 v25, v35;
	v60 =	vmul.f32 v51, v32  }
0x639: {  	p0 =	sle.s32 s3, s7;
	[tilespmem:v53+s13+$0x0] =	vst.idx.add.f32.msk $0xffff, v57;
	v61 =	vadd.s32 v25, v37;
	v62 =	vmul.f32 v55, v39  }
0x63a: {  	s7 =	smul.u32 @!p0 $0x60, s7;
	[tilespmem:v56+s13+$0x0] =	vst.idx.add.f32.msk $0xffff, v60;
	v28 =	vmul.f32 v48, v40  }
0x63b: {  	v63 =	vmul.f32 v59, v34;
	[tilespmem:v38+s13+$0x0] =	vst.idx.add.f32.msk $0xffff, v62  }
0x63c: {  	s7 =	sadd.s32 @!p0 s0, s7;
	[tilespmem:v41+s13+$0x0] =	vst.idx.add.f32.msk $0xffff, v28;
	v28 =	vmul.f32 v58, v36  }
0x63d: {  	s7 =	sshrl.u32 @!p0 s7, $0x3;
	[tilespmem:v29+s13+$0x0] =	vst.idx.add.f32.msk $0xffff, v63  }
0x63e: {  	s15 =	simm.s32 @!p0 $0x0;
	s8 =	sadd.s32 @!p0 $0x80, s14;
	s14 =	sadd.s32 @!p0 s4, s7;
	[tilespmem:v61+s13+$0x0] =	vst.idx.add.f32.msk $0xffff, v28  }
0x63f: {  	[tilespmem:s8], [sflag:$0x2] =	stream.linear.gather @!p0 [hbm4b:s14+s15], $0x60, $0x38;
	[tilespmem:$0x1CC80] =	vst v63  }
0x640: {  	s8 =	sadd.s32 @!p0 s5, s7  }
0x641: {  	[tilespmem:s19], [sflag:$0x2] =	stream.linear.gather @!p0 [hbm4b:s8+s15], $0x60, $0x38;
	[tilespmem:$0x1CC80] =	vst v63  }
0x642: {  	s7 =	sadd.s32 @!p0 s6, s7  }
0x643: {  	[tilespmem:s17], [sflag:$0x2] =	stream.linear.gather @!p0 [hbm4b:s7+s15], $0x60, $0x38;
	[tilespmem:$0x1CC80] =	vst v63  }
0x644: {  	p0 =	sne.s32 s16, s3  }
.Ltmp11:
0x645: {  	_ = 	snop;
	(pc) =	sbr.rel @p0 .LBB2_14-.Ltmp11, $4  }
.Ltmp12:
0x646: {  	_ = 	snop;
	(pc) =	sbr.rel @!p0 .LBB2_19-.Ltmp12, $4  }
0x647: {  	_ = 	snop  }
0x648: {  	_ = 	snop  }
0x649: {  	s15 =	smov.u32 s16  }
0x64a: {  	_ = 	snop  }
.LBB2_20:
0x64b: {  	_ =	sfence.sel $0x180000  }
0x64c: {  	[bflag:$0x0] =	sbarrier.arrive $0xFFFF  }
0x64d: {  	_ =	strace $0x90000047  }
0x64e: {  	s0 =	stileid.u32;
	[bflag:$0x2] =	sbarrier.arrive $0xFFFF  }
0x64f: {  	p0 =	sne.s32 s0, $0x0;
	s0 =	rddreg [dreg:$0x2]  }
0x650: {  	s0 =	sadd.s32 @!p0 $0x100000, s0  }
0x651: {  	[sflag:s0] =	ssyncadd.tile.s32 @!p0 $0x1;
	_ =	shalt  }
.Lfunc_end2:
_tile_overlayer_lowered:
.L_overlay_start_2:
0x652: {  	(tag) =	ssettag $0x2  }
0x653: {  	s0 =	rddreg [dreg:$0x0];
	s2 =	stileid.u32  }
0x654: {  	s1 =	rddreg [dreg:$0x1];
	p0 =	sne.s32 s2, $0x0  }
0x655: {  	s3 =	rddreg [dreg:$0x2];
	[bflag:$0x3] =	sbarrier.arrive $0xFFFF;
	s2 =	simm.s32 @!p0 $0x1C03  }
0x656: {  	[timem:s3], [sflag:s2] =	dma.local @!p0 [hbm:s0], s1  }
0x657: {  	s0 =	simm.s32 @!p0 $0x3  }
0x658: {  	_ =	swait.ge @!p0 [sflag:s0], s1  }
0x659: {  	s1 =	ssub.s32 @!p0 $0x0, s1;
	[sflag:s0] =	ssyncset.done @!p0 $0x0  }
0x65a: {  	[sflag:s0] =	ssyncadd.s32 @!p0 s1  }
0x65b: {  	[bflag:$0x3] =	sbarrier.arrive $0xFFFF  }
0x65c: {  	_ =	shalt  }

</sc_bundles>
